<compile_context>
chip_gen: v7x
topology: tpu7x:2x2x1
jax: 0.10.2.dev20260603
libtpu: 0.0.44.dev20260713+nightly
codegen_flags: <defaults>
</compile_context>

<pallas_src>
import numpy as np

import jax
import jax.numpy as jnp
from jax import lax
from jax.experimental import pallas as pl
from jax.experimental.pallas import tpu as pltpu
from jax.experimental.pallas import tpu_sc as plsc

_N = 4
_P = 256
_L = 50176
_NW = 32
_NT = _L // _NW
_NV = _NT // 16
_K = 1024
_KV = _K // 16
_TW = (_N * _L) // _NW
_MS = (_N * _K) // 16 * 16 // 16
_LO = -1.0e9
_HI = 1.0e9


def _interp_matrix(out_len: int, in_len: int) -> jnp.ndarray:
    ys = np.linspace(np.float32(0.0), np.float32(in_len - 1.0), out_len,
                     dtype=np.float32)
    y0 = np.floor(ys).astype(np.int32)
    y1 = np.minimum(y0 + 1, in_len - 1)
    wy = (ys - y0.astype(np.float32)).astype(np.float32)
    rows = np.arange(out_len)
    m = np.zeros((out_len, in_len), np.float32)
    np.add.at(m, (rows, y0), np.float32(1.0) - wy)
    np.add.at(m, (rows, y1), wy)
    return jnp.asarray(m)


def _bidx(v):
    return jnp.clip((v * float(_K)).astype(jnp.int32), 0, _K - 1)


def _sc_body(tp_hbm, lo_hbm, hi_hbm, out_hbm,
             pts, lov, hiv, cen, occC, occP, mm, mtmp, tabs, outb,
             scanbuf, stage, mergedsh, scanres):
    cid = lax.axis_index("c")
    sid = lax.axis_index("s")
    wid = cid * 16 + sid

    pltpu.sync_copy(tp_hbm.at[pl.ds(wid * _TW, _TW)], pts)
    pltpu.sync_copy(lo_hbm, lov)
    pltpu.sync_copy(hi_hbm, hiv)

    def cen_mid(j, _):
        cen[pl.ds(j * 16, 16)] = 0.5 * (lov[pl.ds(j * 16, 16)]
                                        + hiv[pl.ds(j * 16, 16)])
        return 0
    lax.fori_loop(0, (_N * _P) // 16, cen_mid, 0, unroll=4)

    fill_lo = jnp.full((16,), _LO, jnp.float32)

    def init_step(i, _):
        occC[pl.ds(i * 16, 16)] = fill_lo
        occP[pl.ds(i * 16, 16)] = fill_lo
        return 0
    lax.fori_loop(0, (_N * _K) // 16, init_step, 0, unroll=8)

    for b in range(_N):
        def cscat(j, _):
            c16 = cen[pl.ds(b * _P + j * 16, 16)]
            plsc.store_scatter(occC, [_bidx(c16) + b * _K], c16)
            return 0
        lax.fori_loop(0, _P // 16, cscat, 0, unroll=4)

    bb2 = wid // 8
    pbase = bb2 * _K

    def pscat(j, _):
        t16 = pts[pl.ds(j * 16, 16)]
        plsc.store_scatter(occP, [_bidx(t16) + pbase], t16,
                           mask=t16 >= 0.001)
        return 0
    lax.fori_loop(0, _TW // 16, pscat, 0, unroll=7)

    pltpu.sync_copy(occP, stage.at[sid])
    plsc.subcore_barrier()
    slc = sid * _MS
    pltpu.sync_copy(stage.at[:, pl.ds(slc, _MS)], mm)

    def merge_u(u, _):
        acc = jnp.maximum(mm[0, pl.ds(u * 16, 16)], mm[1, pl.ds(u * 16, 16)])
        for src in range(2, 16):
            acc = jnp.maximum(acc, mm[src, pl.ds(u * 16, 16)])
        mtmp[pl.ds(u * 16, 16)] = acc
        return 0
    lax.fori_loop(0, _MS // 16, merge_u, 0, unroll=4)
    pltpu.sync_copy(mtmp, mergedsh.at[pl.ds(slc, _MS)])
    plsc.subcore_barrier()
    pltpu.sync_copy(mergedsh, occP)

    jb = (sid // 2) % 4
    base = jb * _K

    def run_pscan(occ):
        def pscan(i, cv):
            v = occ[pl.ds(base + i * 16, 16)]
            s2 = jnp.maximum(plsc.cummax(v), cv)
            scanbuf[pl.ds(i * 16, 16)] = s2
            return jnp.broadcast_to(s2[15], (16,))
        lax.fori_loop(0, _KV, pscan, fill_lo, unroll=4)

    def run_sscan(occ):
        def sscan(i, cv):
            blk = _KV - 1 - i
            v = occ[pl.ds(base + blk * 16, 16)]
            v = jnp.where(v < -1.0e8, _HI, v)
            sfx = -lax.rev(plsc.cummax(lax.rev(-v, (0,))), (0,))
            s2 = jnp.minimum(sfx, cv)
            scanbuf[pl.ds(blk * 16, 16)] = s2
            return jnp.broadcast_to(s2[0], (16,))
        lax.fori_loop(0, _KV, sscan, jnp.full((16,), _HI, jnp.float32),
                      unroll=4)

    @pl.when(jnp.logical_and(sid < 8, sid % 2 == 0))
    def _():
        run_pscan(occC)

    @pl.when(jnp.logical_and(sid < 8, sid % 2 == 1))
    def _():
        run_sscan(occC)

    @pl.when(jnp.logical_and(sid >= 8, sid % 2 == 0))
    def _():
        run_pscan(occP)

    @pl.when(jnp.logical_and(sid >= 8, sid % 2 == 1))
    def _():
        run_sscan(occP)

    pltpu.sync_copy(scanbuf, scanres.at[pl.ds(sid * _K, _K)])
    plsc.subcore_barrier()
    pltpu.sync_copy(scanres, tabs)

    zero16 = jnp.zeros((16,), jnp.float32)
    gbase = 2 * bb2 * _K

    def dyx(j, carry):
        syx, cnt = carry
        t16 = pts[pl.ds(j * 16, 16)]
        idx = _bidx(t16) + gbase
        p = plsc.load_gather(tabs, [idx])
        s = plsc.load_gather(tabs, [idx + _K])
        d1 = t16 - p
        d2 = s - t16
        dmin = jnp.minimum(d1 * d1, d2 * d2)
        ok = t16 >= 0.001
        return (syx + jnp.where(ok, dmin, 0.0),
                cnt + jnp.where(ok, 1.0, 0.0))
    syx, cnt = lax.fori_loop(0, _TW // 16, dyx, (zero16, zero16), unroll=7)
    for b in range(_N):
        inb = (bb2 == b).astype(jnp.float32)
        outb[b] = syx * inb
        outb[_N + b] = cnt * inb

    bb = sid // 4
    off = (sid % 4) * 64
    for v in range(4):
        c16 = cen[pl.ds(bb * _P + off + v * 16, 16)]
        idx = _bidx(c16) + (8 + 2 * bb) * _K
        p = plsc.load_gather(tabs, [idx])
        s = plsc.load_gather(tabs, [idx + _K])
        d1 = c16 - p
        d2 = s - c16
        outb[2 * _N + v] = jnp.minimum(d1 * d1, d2 * d2)

    pltpu.sync_copy(outb, out_hbm.at[wid])


def _sc_chamfer(tp32, lo_flat, hi_flat):
    mesh = plsc.VectorSubcoreMesh(core_axis_name="c", subcore_axis_name="s")
    return pl.kernel(
        _sc_body,
        out_type=jax.ShapeDtypeStruct((_NW, 12, 16), jnp.float32),
        mesh=mesh,
        compiler_params=pltpu.CompilerParams(needs_layout_passes=False),
        scratch_types=[
            pltpu.VMEM((_TW,), jnp.float32),
            pltpu.VMEM((_N * _P,), jnp.float32),
            pltpu.VMEM((_N * _P,), jnp.float32),
            pltpu.VMEM((_N * _P,), jnp.float32),
            pltpu.VMEM((_N * _K,), jnp.float32),
            pltpu.VMEM((_N * _K,), jnp.float32),
            pltpu.VMEM((16, _MS), jnp.float32),
            pltpu.VMEM((_MS,), jnp.float32),
            pltpu.VMEM((16 * _K,), jnp.float32),
            pltpu.VMEM((12, 16), jnp.float32),
            pltpu.VMEM((_K,), jnp.float32),
            pltpu.VMEM_SHARED((16, _N * _K), jnp.float32),
            pltpu.VMEM_SHARED((_N * _K,), jnp.float32),
            pltpu.VMEM_SHARED((16 * _K,), jnp.float32),
        ],
    )(tp32, lo_flat, hi_flat)


def _tc_silog(x_ref, t_ref, m_ref, wy_ref, wxt_ref, out_ref, g_ref):
    k_tot = 0.0
    sg_tot = 0.0
    for b in range(_N):
        up = jnp.dot(wy_ref[...], x_ref[b], preferred_element_type=jnp.float32)
        up = jnp.dot(up, wxt_ref[...], preferred_element_type=jnp.float32)
        g = jnp.log(up) - jnp.log(t_ref[b])
        g_ref[b] = g
        m = m_ref[b] > 0.0
        k_tot = k_tot + jnp.sum(m_ref[b])
        sg_tot = sg_tot + jnp.sum(jnp.where(m, g, 0.0))

    mean_g = sg_tot / k_tot
    sv_tot = 0.0
    for b in range(_N):
        dg = g_ref[b] - mean_g
        sv_tot = sv_tot + jnp.sum(jnp.where(m_ref[b] > 0.0, dg * dg, 0.0))
    var_g = sv_tot / (k_tot - 1.0)
    out_ref[0, 0] = 10.0 * jnp.sqrt(var_g + 0.5 * mean_g * mean_g)


def _tc_combine(l1_ref, sc_ref, out_ref):
    dall = jnp.minimum(sc_ref[0:16, 2 * _N:2 * _N + 4, :],
                       sc_ref[16:32, 2 * _N:2 * _N + 4, :])
    dall = jnp.minimum(dall, 1e10)
    loss2 = 0.0
    for b in range(_N):
        syx_b = jnp.sum(sc_ref[:, b, :])
        cnt_b = jnp.sum(sc_ref[:, _N + b, :])
        chx_b = jnp.sum(dall[4 * b:4 * (b + 1)]) / float(_P)
        loss2 = loss2 + chx_b + syx_b / cnt_b
    out_ref[0, 0] = l1_ref[0, 0] + 0.1 * (loss2 / float(_N))


@jax.jit
def kernel(bins, input, target, mask):
    n, _, h, w = input.shape
    H, W = target.shape[-2], target.shape[-1]
    wy = _interp_matrix(H, h)
    wxt = _interp_matrix(W, w).T
    x = input[:, 0]
    maskf = mask.astype(jnp.float32)

    tpf = target.reshape(n * _L)
    sc = _sc_chamfer(tpf, bins[:, :-1].reshape(-1),
                     bins[:, 1:].reshape(-1))

    l1 = pl.pallas_call(
        _tc_silog,
        out_shape=jax.ShapeDtypeStruct((1, 1), jnp.float32),
        out_specs=pl.BlockSpec(memory_space=pltpu.SMEM),
        scratch_shapes=[pltpu.VMEM((_N, H, W), jnp.float32)],
    )(x, target, maskf, wy, wxt)

    out = pl.pallas_call(
        _tc_combine,
        out_shape=jax.ShapeDtypeStruct((1, 1), jnp.float32),
        in_specs=[pl.BlockSpec(memory_space=pltpu.SMEM), pl.BlockSpec()],
        out_specs=pl.BlockSpec(memory_space=pltpu.SMEM),
    )(l1, sc)
    return out[0, 0]

# --- scband reference (transcript-rebuilt; emitter-appended) ---
"""Pipeline reference for scband-adabin-loss-49452253446199 (READ-ONLY COPY).

The authoritative reference and input builder live on the scoring server;
editing this copy changes nothing except your own understanding.
"""

import jax, jax.numpy as jnp
import numpy as np


def _bilinear_align_corners(x, out_h, out_w):
    # x: [N, C, H, W] -> [N, C, out_h, out_w], mode='bilinear', align_corners=True
    n, c, h, w = x.shape
    ys = jnp.linspace(0.0, h - 1.0, out_h)
    xs = jnp.linspace(0.0, w - 1.0, out_w)
    y0 = jnp.floor(ys).astype(jnp.int32)
    y1 = jnp.minimum(y0 + 1, h - 1)
    x0 = jnp.floor(xs).astype(jnp.int32)
    x1 = jnp.minimum(x0 + 1, w - 1)
    wy = (ys - y0.astype(ys.dtype))[None, None, :, None]
    wx = (xs - x0.astype(xs.dtype))[None, None, None, :]
    r0 = x[:, :, y0, :]
    r1 = x[:, :, y1, :]
    Ia = r0[:, :, :, x0]
    Ib = r0[:, :, :, x1]
    Ic = r1[:, :, :, x0]
    Id = r1[:, :, :, x1]
    return (Ia * (1.0 - wy) * (1.0 - wx) + Ib * (1.0 - wy) * wx
            + Ic * wy * (1.0 - wx) + Id * wy * wx)


def setup_inputs(seed: int = 0) -> dict:
    key = jax.random.key(seed)
    k1, k2, k3, k4 = jax.random.split(key, 4)
    bins = jax.random.uniform(k1, (4, 257), dtype=jnp.float32)
    inp = jax.random.uniform(k2, (4, 1, 112, 112), dtype=jnp.float32)
    target = jax.random.uniform(k3, (4, 224, 224), dtype=jnp.float32)
    mask = jax.random.randint(k4, (4, 224, 224), 0, 2).astype(jnp.bool_)
    return {"bins": bins, "input": inp, "target": target, "mask": mask}


def reference(bins, input, target, mask):
    # ---- SILogLoss_ada (interpolate=True, mask provided) ----
    H, W = target.shape[-2], target.shape[-1]
    up = _bilinear_align_corners(input, H, W)
    up = up[:, 0]  # squeeze channel dim -> [N, H, W]
    m = mask
    g = jnp.log(up) - jnp.log(target)
    k = jnp.sum(m).astype(jnp.float32)
    gm = jnp.where(m, g, 0.0)
    mean_g = jnp.sum(gm) / k
    # torch.var default is unbiased (correction=1)
    var_g = jnp.sum(jnp.where(m, (g - mean_g) ** 2, 0.0)) / (k - 1.0)
    Dg = var_g + 0.5 * mean_g ** 2
    loss1 = 10.0 * jnp.sqrt(Dg)

    # ---- BinsChamferLoss ----
    centers = 0.5 * (bins[:, 1:] + bins[:, :-1])  # [N, P]
    n = centers.shape[0]
    tp = target.reshape(n, -1)  # [N, L]
    valid = tp >= 0.001  # [N, L]
    d = (centers[:, :, None] - tp[:, None, :]) ** 2  # [N, P, L] squared L2 in 1-D
    # x -> y: for each bin center, nearest valid target point
    d_xy = jnp.min(jnp.where(valid[:, None, :], d, 1e10), axis=2)  # [N, P]
    cham_x = jnp.mean(d_xy, axis=1)  # mean over P (x_lengths = P)
    # y -> x: for each valid target point, nearest bin center
    d_yx = jnp.min(d, axis=1)  # [N, L]
    lens = jnp.sum(valid, axis=1).astype(jnp.float32)  # y_lengths
    cham_y = jnp.sum(jnp.where(valid, d_yx, 0.0), axis=1) / lens
    loss2 = jnp.mean(cham_x) + jnp.mean(cham_y)  # batch_reduction='mean'

    return loss1 + 0.1 * loss2

if __name__ == "__main__":
    import jax
    _d = setup_inputs()
    print(jax.jit(kernel)(*tuple(_d.values())))

</pallas_src>

<mosaic_0001>
#map = affine_map<(d0, d1) -> (0)>
#map1 = affine_map<(d0, d1) -> (0, 0, 0)>
module attributes {stable_mosaic.version = 14 : i64} {
  func.func @_sc_body(%arg0: i32, %arg1: i32, %arg2: memref<200704xf32, #tpu.memory_space<hbm>>, %arg3: memref<1024xf32, #tpu.memory_space<hbm>>, %arg4: memref<1024xf32, #tpu.memory_space<hbm>>, %arg5: memref<32x12x16xf32, #tpu.memory_space<hbm>>, %arg6: memref<6272xf32, #tpu.memory_space<vmem>>, %arg7: memref<1024xf32, #tpu.memory_space<vmem>>, %arg8: memref<1024xf32, #tpu.memory_space<vmem>>, %arg9: memref<1024xf32, #tpu.memory_space<vmem>>, %arg10: memref<4096xf32, #tpu.memory_space<vmem>>, %arg11: memref<4096xf32, #tpu.memory_space<vmem>>, %arg12: memref<16x256xf32, #tpu.memory_space<vmem>>, %arg13: memref<256xf32, #tpu.memory_space<vmem>>, %arg14: memref<16384xf32, #tpu.memory_space<vmem>>, %arg15: memref<12x16xf32, #tpu.memory_space<vmem>>, %arg16: memref<1024xf32, #tpu.memory_space<vmem>>, %arg17: memref<16x4096xf32, #tpu.memory_space<vmem_shared>>, %arg18: memref<4096xf32, #tpu.memory_space<vmem_shared>>, %arg19: memref<16384xf32, #tpu.memory_space<vmem_shared>>) attributes {dimension_semantics = [#tpu.dimension_semantics<core_parallel>, #tpu.dimension_semantics<subcore_parallel>], iteration_bounds = array<i64: 2, 16>, scalar_prefetch = 0 : i64, scratch_operands = 14 : i64, tpu.core_type = #tpu.core_type<sc_vector_subcore>, window_params = [{transform_indices = #map}, {transform_indices = #map}, {transform_indices = #map}, {transform_indices = #map1}]} {
    %mul3A = arith.constant 16 : i32
    %mul3A_0 = arith.muli %arg0, %mul3A : i32
    %add3A = arith.addi %mul3A_0, %arg1 : i32
    %mul3A_1 = arith.constant 6272 : i32
    %mul3A_2 = arith.muli %add3A, %mul3A_1 : i32
    "tpu.region"() ({
      %run_scoped3A = tpu.sem_alloc : memref<!tpu.dma_semaphore, #tpu.memory_space<semaphore_mem>>
      %dma_start3A = tpu.memref_slice %arg2[%mul3A_2] : memref<200704xf32, #tpu.memory_space<hbm>> -> memref<6272xf32, #tpu.memory_space<hbm>>
      %dma_start3A_485 = tpu.memref_slice %arg2[%mul3A_2] : memref<200704xf32, #tpu.memory_space<hbm>> -> memref<6272xf32, #tpu.memory_space<hbm>>
      tpu.enqueue_dma source(%dma_start3A_485 : memref<6272xf32, #tpu.memory_space<hbm>>) target(%arg6 : memref<6272xf32, #tpu.memory_space<vmem>>) target_semaphore(%run_scoped3A : memref<!tpu.dma_semaphore, #tpu.memory_space<semaphore_mem>>)
      %dma_wait3A = tpu.memref_slice %arg2[%mul3A_2] : memref<200704xf32, #tpu.memory_space<hbm>> -> memref<6272xf32, #tpu.memory_space<hbm>>
      %dma_wait3A_486 = tpu.memref_slice %arg2[%mul3A_2] : memref<200704xf32, #tpu.memory_space<hbm>> -> memref<6272xf32, #tpu.memory_space<hbm>>
      tpu.wait_dma2 semaphore(%run_scoped3A : memref<!tpu.dma_semaphore, #tpu.memory_space<semaphore_mem>>) src(%dma_wait3A_486 : memref<6272xf32, #tpu.memory_space<hbm>>) dst(%arg6 : memref<6272xf32, #tpu.memory_space<vmem>>)
      tpu.yield
    }) : () -> ()
    "tpu.region"() ({
      %run_scoped3A = tpu.sem_alloc : memref<!tpu.dma_semaphore, #tpu.memory_space<semaphore_mem>>
      tpu.enqueue_dma source(%arg3 : memref<1024xf32, #tpu.memory_space<hbm>>) target(%arg7 : memref<1024xf32, #tpu.memory_space<vmem>>) target_semaphore(%run_scoped3A : memref<!tpu.dma_semaphore, #tpu.memory_space<semaphore_mem>>)
      tpu.wait_dma2 semaphore(%run_scoped3A : memref<!tpu.dma_semaphore, #tpu.memory_space<semaphore_mem>>) src(%arg3 : memref<1024xf32, #tpu.memory_space<hbm>>) dst(%arg7 : memref<1024xf32, #tpu.memory_space<vmem>>)
      tpu.yield
    }) : () -> ()
    "tpu.region"() ({
      %run_scoped3A = tpu.sem_alloc : memref<!tpu.dma_semaphore, #tpu.memory_space<semaphore_mem>>
      tpu.enqueue_dma source(%arg4 : memref<1024xf32, #tpu.memory_space<hbm>>) target(%arg8 : memref<1024xf32, #tpu.memory_space<vmem>>) target_semaphore(%run_scoped3A : memref<!tpu.dma_semaphore, #tpu.memory_space<semaphore_mem>>)
      tpu.wait_dma2 semaphore(%run_scoped3A : memref<!tpu.dma_semaphore, #tpu.memory_space<semaphore_mem>>) src(%arg4 : memref<1024xf32, #tpu.memory_space<hbm>>) dst(%arg8 : memref<1024xf32, #tpu.memory_space<vmem>>)
      tpu.yield
    }) : () -> ()
    %scan3A = arith.constant 0 : i32
    %scan3A_3 = arith.constant 0 : i32
    %scan3A_4 = arith.constant 64 : i32
    %scan3A_5 = arith.addi %scan3A_3, %scan3A_4 : i32
    %scan3A_6 = arith.constant 4 : i32
    %scan3A_7 = scf.for %scan3A_485 = %scan3A_3 to %scan3A_5 step %scan3A_6 iter_args(%scan3A_486 = %scan3A) -> (i32)  : i32 {
      %mul3A_487 = arith.constant 16 : i32
      %mul3A_488 = arith.muli %scan3A_485, %mul3A_487 : i32
      %get3A_489 = arith.index_cast %mul3A_488 : i32 to index
      %get3A_490 = tpu.vector_load %arg7[%get3A_489] {strides = array<i32>} : memref<1024xf32, #tpu.memory_space<vmem>>, vector<16xf32>,
      %mul3A_491 = arith.constant 16 : i32
      %mul3A_492 = arith.muli %scan3A_485, %mul3A_491 : i32
      %get3A_493 = arith.index_cast %mul3A_492 : i32 to index
      %get3A_494 = tpu.vector_load %arg8[%get3A_493] {strides = array<i32>} : memref<1024xf32, #tpu.memory_space<vmem>>, vector<16xf32>,
      %add3A_495 = arith.addf %get3A_490, %get3A_494 : vector<16xf32>
      %mul3A_496 = arith.constant 5.000000e-01 : f32
      %mul3A_497 = vector.broadcast %mul3A_496 : f32 to vector<16xf32>
      %mul3A_498 = arith.mulf %mul3A_497, %add3A_495 : vector<16xf32>
      %mul3A_499 = arith.constant 16 : i32
      %mul3A_500 = arith.muli %scan3A_485, %mul3A_499 : i32
      %swap3A_501 = arith.index_cast %mul3A_500 : i32 to index
      %swap3A_502 = tpu.vector_load %arg9[%swap3A_501] {strides = array<i32>} : memref<1024xf32, #tpu.memory_space<vmem>>, vector<16xf32>,
      tpu.vector_store %arg9[%swap3A_501], %mul3A_498 {strides = array<i32>} : memref<1024xf32, #tpu.memory_space<vmem>>, vector<16xf32>,
      %scan3A_503 = arith.constant 0 : i32
      %scan3A_504 = arith.constant 1 : i32
      %scan3A_505 = arith.addi %scan3A_485, %scan3A_504 : i32
      %mul3A_506 = arith.constant 16 : i32
      %mul3A_507 = arith.muli %scan3A_505, %mul3A_506 : i32
      %get3A_508 = arith.index_cast %mul3A_507 : i32 to index
      %get3A_509 = tpu.vector_load %arg7[%get3A_508] {strides = array<i32>} : memref<1024xf32, #tpu.memory_space<vmem>>, vector<16xf32>,
      %mul3A_510 = arith.constant 16 : i32
      %mul3A_511 = arith.muli %scan3A_505, %mul3A_510 : i32
      %get3A_512 = arith.index_cast %mul3A_511 : i32 to index
      %get3A_513 = tpu.vector_load %arg8[%get3A_512] {strides = array<i32>} : memref<1024xf32, #tpu.memory_space<vmem>>, vector<16xf32>,
      %add3A_514 = arith.addf %get3A_509, %get3A_513 : vector<16xf32>
      %mul3A_515 = arith.constant 5.000000e-01 : f32
      %mul3A_516 = vector.broadcast %mul3A_515 : f32 to vector<16xf32>
      %mul3A_517 = arith.mulf %mul3A_516, %add3A_514 : vector<16xf32>
      %mul3A_518 = arith.constant 16 : i32
      %mul3A_519 = arith.muli %scan3A_505, %mul3A_518 : i32
      %swap3A_520 = arith.index_cast %mul3A_519 : i32 to index
      %swap3A_521 = tpu.vector_load %arg9[%swap3A_520] {strides = array<i32>} : memref<1024xf32, #tpu.memory_space<vmem>>, vector<16xf32>,
      tpu.vector_store %arg9[%swap3A_520], %mul3A_517 {strides = array<i32>} : memref<1024xf32, #tpu.memory_space<vmem>>, vector<16xf32>,
      %scan3A_522 = arith.constant 0 : i32
      %scan3A_523 = arith.constant 2 : i32
      %scan3A_524 = arith.addi %scan3A_485, %scan3A_523 : i32
      %mul3A_525 = arith.constant 16 : i32
      %mul3A_526 = arith.muli %scan3A_524, %mul3A_525 : i32
      %get3A_527 = arith.index_cast %mul3A_526 : i32 to index
      %get3A_528 = tpu.vector_load %arg7[%get3A_527] {strides = array<i32>} : memref<1024xf32, #tpu.memory_space<vmem>>, vector<16xf32>,
      %mul3A_529 = arith.constant 16 : i32
      %mul3A_530 = arith.muli %scan3A_524, %mul3A_529 : i32
      %get3A_531 = arith.index_cast %mul3A_530 : i32 to index
      %get3A_532 = tpu.vector_load %arg8[%get3A_531] {strides = array<i32>} : memref<1024xf32, #tpu.memory_space<vmem>>, vector<16xf32>,
      %add3A_533 = arith.addf %get3A_528, %get3A_532 : vector<16xf32>
      %mul3A_534 = arith.constant 5.000000e-01 : f32
      %mul3A_535 = vector.broadcast %mul3A_534 : f32 to vector<16xf32>
      %mul3A_536 = arith.mulf %mul3A_535, %add3A_533 : vector<16xf32>
      %mul3A_537 = arith.constant 16 : i32
      %mul3A_538 = arith.muli %scan3A_524, %mul3A_537 : i32
      %swap3A_539 = arith.index_cast %mul3A_538 : i32 to index
      %swap3A_540 = tpu.vector_load %arg9[%swap3A_539] {strides = array<i32>} : memref<1024xf32, #tpu.memory_space<vmem>>, vector<16xf32>,
      tpu.vector_store %arg9[%swap3A_539], %mul3A_536 {strides = array<i32>} : memref<1024xf32, #tpu.memory_space<vmem>>, vector<16xf32>,
      %scan3A_541 = arith.constant 0 : i32
      %scan3A_542 = arith.constant 3 : i32
      %scan3A_543 = arith.addi %scan3A_485, %scan3A_542 : i32
      %mul3A_544 = arith.constant 16 : i32
      %mul3A_545 = arith.muli %scan3A_543, %mul3A_544 : i32
      %get3A_546 = arith.index_cast %mul3A_545 : i32 to index
      %get3A_547 = tpu.vector_load %arg7[%get3A_546] {strides = array<i32>} : memref<1024xf32, #tpu.memory_space<vmem>>, vector<16xf32>,
      %mul3A_548 = arith.constant 16 : i32
      %mul3A_549 = arith.muli %scan3A_543, %mul3A_548 : i32
      %get3A_550 = arith.index_cast %mul3A_549 : i32 to index
      %get3A_551 = tpu.vector_load %arg8[%get3A_550] {strides = array<i32>} : memref<1024xf32, #tpu.memory_space<vmem>>, vector<16xf32>,
      %add3A_552 = arith.addf %get3A_547, %get3A_551 : vector<16xf32>
      %mul3A_553 = arith.constant 5.000000e-01 : f32
      %mul3A_554 = vector.broadcast %mul3A_553 : f32 to vector<16xf32>
      %mul3A_555 = arith.mulf %mul3A_554, %add3A_552 : vector<16xf32>
      %mul3A_556 = arith.constant 16 : i32
      %mul3A_557 = arith.muli %scan3A_543, %mul3A_556 : i32
      %swap3A_558 = arith.index_cast %mul3A_557 : i32 to index
      %swap3A_559 = tpu.vector_load %arg9[%swap3A_558] {strides = array<i32>} : memref<1024xf32, #tpu.memory_space<vmem>>, vector<16xf32>,
      tpu.vector_store %arg9[%swap3A_558], %mul3A_555 {strides = array<i32>} : memref<1024xf32, #tpu.memory_space<vmem>>, vector<16xf32>,
      %scan3A_560 = arith.constant 0 : i32
      scf.yield %scan3A_560 : i32
    }
    %scan3A_8 = arith.constant 64 : i32
    %broadcast_in_dim3A = arith.constant -1.000000e+09 : f32
    %broadcast_in_dim3A_9 = vector.broadcast %broadcast_in_dim3A : f32 to vector<16xf32>
    %scan3A_10 = arith.constant 0 : i32
    %scan3A_11 = arith.constant 0 : i32
    %scan3A_12 = arith.constant 256 : i32
    %scan3A_13 = arith.addi %scan3A_11, %scan3A_12 : i32
    %scan3A_14 = arith.constant 8 : i32
    %scan3A_15 = scf.for %scan3A_485 = %scan3A_11 to %scan3A_13 step %scan3A_14 iter_args(%scan3A_486 = %scan3A_10) -> (i32)  : i32 {
      %mul3A_487 = arith.constant 16 : i32
      %mul3A_488 = arith.muli %scan3A_485, %mul3A_487 : i32
      %swap3A_489 = arith.index_cast %mul3A_488 : i32 to index
      %swap3A_490 = tpu.vector_load %arg10[%swap3A_489] {strides = array<i32>} : memref<4096xf32, #tpu.memory_space<vmem>>, vector<16xf32>,
      tpu.vector_store %arg10[%swap3A_489], %broadcast_in_dim3A_9 {strides = array<i32>} : memref<4096xf32, #tpu.memory_space<vmem>>, vector<16xf32>,
      %mul3A_491 = arith.constant 16 : i32
      %mul3A_492 = arith.muli %scan3A_485, %mul3A_491 : i32
      %swap3A_493 = arith.index_cast %mul3A_492 : i32 to index
      %swap3A_494 = tpu.vector_load %arg11[%swap3A_493] {strides = array<i32>} : memref<4096xf32, #tpu.memory_space<vmem>>, vector<16xf32>,
      tpu.vector_store %arg11[%swap3A_493], %broadcast_in_dim3A_9 {strides = array<i32>} : memref<4096xf32, #tpu.memory_space<vmem>>, vector<16xf32>,
      %scan3A_495 = arith.constant 0 : i32
      %scan3A_496 = arith.constant 1 : i32
      %scan3A_497 = arith.addi %scan3A_485, %scan3A_496 : i32
      %mul3A_498 = arith.constant 16 : i32
      %mul3A_499 = arith.muli %scan3A_497, %mul3A_498 : i32
      %swap3A_500 = arith.index_cast %mul3A_499 : i32 to index
      %swap3A_501 = tpu.vector_load %arg10[%swap3A_500] {strides = array<i32>} : memref<4096xf32, #tpu.memory_space<vmem>>, vector<16xf32>,
      tpu.vector_store %arg10[%swap3A_500], %broadcast_in_dim3A_9 {strides = array<i32>} : memref<4096xf32, #tpu.memory_space<vmem>>, vector<16xf32>,
      %mul3A_502 = arith.constant 16 : i32
      %mul3A_503 = arith.muli %scan3A_497, %mul3A_502 : i32
      %swap3A_504 = arith.index_cast %mul3A_503 : i32 to index
      %swap3A_505 = tpu.vector_load %arg11[%swap3A_504] {strides = array<i32>} : memref<4096xf32, #tpu.memory_space<vmem>>, vector<16xf32>,
      tpu.vector_store %arg11[%swap3A_504], %broadcast_in_dim3A_9 {strides = array<i32>} : memref<4096xf32, #tpu.memory_space<vmem>>, vector<16xf32>,
      %scan3A_506 = arith.constant 0 : i32
      %scan3A_507 = arith.constant 2 : i32
      %scan3A_508 = arith.addi %scan3A_485, %scan3A_507 : i32
      %mul3A_509 = arith.constant 16 : i32
      %mul3A_510 = arith.muli %scan3A_508, %mul3A_509 : i32
      %swap3A_511 = arith.index_cast %mul3A_510 : i32 to index
      %swap3A_512 = tpu.vector_load %arg10[%swap3A_511] {strides = array<i32>} : memref<4096xf32, #tpu.memory_space<vmem>>, vector<16xf32>,
      tpu.vector_store %arg10[%swap3A_511], %broadcast_in_dim3A_9 {strides = array<i32>} : memref<4096xf32, #tpu.memory_space<vmem>>, vector<16xf32>,
      %mul3A_513 = arith.constant 16 : i32
      %mul3A_514 = arith.muli %scan3A_508, %mul3A_513 : i32
      %swap3A_515 = arith.index_cast %mul3A_514 : i32 to index
      %swap3A_516 = tpu.vector_load %arg11[%swap3A_515] {strides = array<i32>} : memref<4096xf32, #tpu.memory_space<vmem>>, vector<16xf32>,
      tpu.vector_store %arg11[%swap3A_515], %broadcast_in_dim3A_9 {strides = array<i32>} : memref<4096xf32, #tpu.memory_space<vmem>>, vector<16xf32>,
      %scan3A_517 = arith.constant 0 : i32
      %scan3A_518 = arith.constant 3 : i32
      %scan3A_519 = arith.addi %scan3A_485, %scan3A_518 : i32
      %mul3A_520 = arith.constant 16 : i32
      %mul3A_521 = arith.muli %scan3A_519, %mul3A_520 : i32
      %swap3A_522 = arith.index_cast %mul3A_521 : i32 to index
      %swap3A_523 = tpu.vector_load %arg10[%swap3A_522] {strides = array<i32>} : memref<4096xf32, #tpu.memory_space<vmem>>, vector<16xf32>,
      tpu.vector_store %arg10[%swap3A_522], %broadcast_in_dim3A_9 {strides = array<i32>} : memref<4096xf32, #tpu.memory_space<vmem>>, vector<16xf32>,
      %mul3A_524 = arith.constant 16 : i32
      %mul3A_525 = arith.muli %scan3A_519, %mul3A_524 : i32
      %swap3A_526 = arith.index_cast %mul3A_525 : i32 to index
      %swap3A_527 = tpu.vector_load %arg11[%swap3A_526] {strides = array<i32>} : memref<4096xf32, #tpu.memory_space<vmem>>, vector<16xf32>,
      tpu.vector_store %arg11[%swap3A_526], %broadcast_in_dim3A_9 {strides = array<i32>} : memref<4096xf32, #tpu.memory_space<vmem>>, vector<16xf32>,
      %scan3A_528 = arith.constant 0 : i32
      %scan3A_529 = arith.constant 4 : i32
      %scan3A_530 = arith.addi %scan3A_485, %scan3A_529 : i32
      %mul3A_531 = arith.constant 16 : i32
      %mul3A_532 = arith.muli %scan3A_530, %mul3A_531 : i32
      %swap3A_533 = arith.index_cast %mul3A_532 : i32 to index
      %swap3A_534 = tpu.vector_load %arg10[%swap3A_533] {strides = array<i32>} : memref<4096xf32, #tpu.memory_space<vmem>>, vector<16xf32>,
      tpu.vector_store %arg10[%swap3A_533], %broadcast_in_dim3A_9 {strides = array<i32>} : memref<4096xf32, #tpu.memory_space<vmem>>, vector<16xf32>,
      %mul3A_535 = arith.constant 16 : i32
      %mul3A_536 = arith.muli %scan3A_530, %mul3A_535 : i32
      %swap3A_537 = arith.index_cast %mul3A_536 : i32 to index
      %swap3A_538 = tpu.vector_load %arg11[%swap3A_537] {strides = array<i32>} : memref<4096xf32, #tpu.memory_space<vmem>>, vector<16xf32>,
      tpu.vector_store %arg11[%swap3A_537], %broadcast_in_dim3A_9 {strides = array<i32>} : memref<4096xf32, #tpu.memory_space<vmem>>, vector<16xf32>,
      %scan3A_539 = arith.constant 0 : i32
      %scan3A_540 = arith.constant 5 : i32
      %scan3A_541 = arith.addi %scan3A_485, %scan3A_540 : i32
      %mul3A_542 = arith.constant 16 : i32
      %mul3A_543 = arith.muli %scan3A_541, %mul3A_542 : i32
      %swap3A_544 = arith.index_cast %mul3A_543 : i32 to index
      %swap3A_545 = tpu.vector_load %arg10[%swap3A_544] {strides = array<i32>} : memref<4096xf32, #tpu.memory_space<vmem>>, vector<16xf32>,
      tpu.vector_store %arg10[%swap3A_544], %broadcast_in_dim3A_9 {strides = array<i32>} : memref<4096xf32, #tpu.memory_space<vmem>>, vector<16xf32>,
      %mul3A_546 = arith.constant 16 : i32
      %mul3A_547 = arith.muli %scan3A_541, %mul3A_546 : i32
      %swap3A_548 = arith.index_cast %mul3A_547 : i32 to index
      %swap3A_549 = tpu.vector_load %arg11[%swap3A_548] {strides = array<i32>} : memref<4096xf32, #tpu.memory_space<vmem>>, vector<16xf32>,
      tpu.vector_store %arg11[%swap3A_548], %broadcast_in_dim3A_9 {strides = array<i32>} : memref<4096xf32, #tpu.memory_space<vmem>>, vector<16xf32>,
      %scan3A_550 = arith.constant 0 : i32
      %scan3A_551 = arith.constant 6 : i32
      %scan3A_552 = arith.addi %scan3A_485, %scan3A_551 : i32
      %mul3A_553 = arith.constant 16 : i32
      %mul3A_554 = arith.muli %scan3A_552, %mul3A_553 : i32
      %swap3A_555 = arith.index_cast %mul3A_554 : i32 to index
      %swap3A_556 = tpu.vector_load %arg10[%swap3A_555] {strides = array<i32>} : memref<4096xf32, #tpu.memory_space<vmem>>, vector<16xf32>,
      tpu.vector_store %arg10[%swap3A_555], %broadcast_in_dim3A_9 {strides = array<i32>} : memref<4096xf32, #tpu.memory_space<vmem>>, vector<16xf32>,
      %mul3A_557 = arith.constant 16 : i32
      %mul3A_558 = arith.muli %scan3A_552, %mul3A_557 : i32
      %swap3A_559 = arith.index_cast %mul3A_558 : i32 to index
      %swap3A_560 = tpu.vector_load %arg11[%swap3A_559] {strides = array<i32>} : memref<4096xf32, #tpu.memory_space<vmem>>, vector<16xf32>,
      tpu.vector_store %arg11[%swap3A_559], %broadcast_in_dim3A_9 {strides = array<i32>} : memref<4096xf32, #tpu.memory_space<vmem>>, vector<16xf32>,
      %scan3A_561 = arith.constant 0 : i32
      %scan3A_562 = arith.constant 7 : i32
      %scan3A_563 = arith.addi %scan3A_485, %scan3A_562 : i32
      %mul3A_564 = arith.constant 16 : i32
      %mul3A_565 = arith.muli %scan3A_563, %mul3A_564 : i32
      %swap3A_566 = arith.index_cast %mul3A_565 : i32 to index
      %swap3A_567 = tpu.vector_load %arg10[%swap3A_566] {strides = array<i32>} : memref<4096xf32, #tpu.memory_space<vmem>>, vector<16xf32>,
      tpu.vector_store %arg10[%swap3A_566], %broadcast_in_dim3A_9 {strides = array<i32>} : memref<4096xf32, #tpu.memory_space<vmem>>, vector<16xf32>,
      %mul3A_568 = arith.constant 16 : i32
      %mul3A_569 = arith.muli %scan3A_563, %mul3A_568 : i32
      %swap3A_570 = arith.index_cast %mul3A_569 : i32 to index
      %swap3A_571 = tpu.vector_load %arg11[%swap3A_570] {strides = array<i32>} : memref<4096xf32, #tpu.memory_space<vmem>>, vector<16xf32>,
      tpu.vector_store %arg11[%swap3A_570], %broadcast_in_dim3A_9 {strides = array<i32>} : memref<4096xf32, #tpu.memory_space<vmem>>, vector<16xf32>,
      %scan3A_572 = arith.constant 0 : i32
      scf.yield %scan3A_572 : i32
    }
    %scan3A_16 = arith.constant 256 : i32
    %scan3A_17 = arith.constant 0 : i32
    %scan3A_18 = arith.constant 0 : i32
    %scan3A_19 = arith.constant 16 : i32
    %scan3A_20 = arith.addi %scan3A_18, %scan3A_19 : i32
    %scan3A_21 = arith.constant 4 : i32
    %scan3A_22 = scf.for %scan3A_485 = %scan3A_18 to %scan3A_20 step %scan3A_21 iter_args(%scan3A_486 = %scan3A_17) -> (i32)  : i32 {
      %mul3A_487 = arith.constant 16 : i32
      %mul3A_488 = arith.muli %scan3A_485, %mul3A_487 : i32
      %add3A_489 = arith.constant 0 : i32
      %add3A_490 = arith.addi %add3A_489, %mul3A_488 : i32
      %get3A_491 = arith.index_cast %add3A_490 : i32 to index
      %get3A_492 = tpu.vector_load %arg9[%get3A_491] {strides = array<i32>} : memref<1024xf32, #tpu.memory_space<vmem>>, vector<16xf32>,
      %mul3A_493 = arith.constant 1.024000e+03 : f32
      %mul3A_494 = vector.broadcast %mul3A_493 : f32 to vector<16xf32>
      %mul3A_495 = arith.mulf %get3A_492, %mul3A_494 : vector<16xf32>
      %convert_element_type3A_496 = arith.fptosi %mul3A_495 : vector<16xf32> to vector<16xi32>
      %jit3A_497 = arith.constant 0 : i32
      %jit3A_498 = arith.constant 1023 : i32
      %max3A_499 = vector.broadcast %jit3A_497 : i32 to vector<16xi32>
      %max3A_500 = arith.maxsi %max3A_499, %convert_element_type3A_496 : vector<16xi32>
      %min3A_501 = vector.broadcast %jit3A_498 : i32 to vector<16xi32>
      %min3A_502 = arith.minsi %min3A_501, %max3A_500 : vector<16xi32>
      %add3A_503 = arith.constant 0 : i32
      %add3A_504 = vector.broadcast %add3A_503 : i32 to vector<16xi32>
      %add3A_505 = arith.addi %min3A_502, %add3A_504 : vector<16xi32>
      tpu.vector_store_idx %arg10[%add3A_505], %get3A_492 : memref<4096xf32, #tpu.memory_space<vmem>>[vector<16xi32>], vector<16xf32>,
      %scan3A_506 = arith.constant 0 : i32
      %scan3A_507 = arith.constant 1 : i32
      %scan3A_508 = arith.addi %scan3A_485, %scan3A_507 : i32
      %mul3A_509 = arith.constant 16 : i32
      %mul3A_510 = arith.muli %scan3A_508, %mul3A_509 : i32
      %add3A_511 = arith.constant 0 : i32
      %add3A_512 = arith.addi %add3A_511, %mul3A_510 : i32
      %get3A_513 = arith.index_cast %add3A_512 : i32 to index
      %get3A_514 = tpu.vector_load %arg9[%get3A_513] {strides = array<i32>} : memref<1024xf32, #tpu.memory_space<vmem>>, vector<16xf32>,
      %mul3A_515 = arith.constant 1.024000e+03 : f32
      %mul3A_516 = vector.broadcast %mul3A_515 : f32 to vector<16xf32>
      %mul3A_517 = arith.mulf %get3A_514, %mul3A_516 : vector<16xf32>
      %convert_element_type3A_518 = arith.fptosi %mul3A_517 : vector<16xf32> to vector<16xi32>
      %jit3A_519 = arith.constant 0 : i32
      %jit3A_520 = arith.constant 1023 : i32
      %max3A_521 = vector.broadcast %jit3A_519 : i32 to vector<16xi32>
      %max3A_522 = arith.maxsi %max3A_521, %convert_element_type3A_518 : vector<16xi32>
      %min3A_523 = vector.broadcast %jit3A_520 : i32 to vector<16xi32>
      %min3A_524 = arith.minsi %min3A_523, %max3A_522 : vector<16xi32>
      %add3A_525 = arith.constant 0 : i32
      %add3A_526 = vector.broadcast %add3A_525 : i32 to vector<16xi32>
      %add3A_527 = arith.addi %min3A_524, %add3A_526 : vector<16xi32>
      tpu.vector_store_idx %arg10[%add3A_527], %get3A_514 : memref<4096xf32, #tpu.memory_space<vmem>>[vector<16xi32>], vector<16xf32>,
      %scan3A_528 = arith.constant 0 : i32
      %scan3A_529 = arith.constant 2 : i32
      %scan3A_530 = arith.addi %scan3A_485, %scan3A_529 : i32
      %mul3A_531 = arith.constant 16 : i32
      %mul3A_532 = arith.muli %scan3A_530, %mul3A_531 : i32
      %add3A_533 = arith.constant 0 : i32
      %add3A_534 = arith.addi %add3A_533, %mul3A_532 : i32
      %get3A_535 = arith.index_cast %add3A_534 : i32 to index
      %get3A_536 = tpu.vector_load %arg9[%get3A_535] {strides = array<i32>} : memref<1024xf32, #tpu.memory_space<vmem>>, vector<16xf32>,
      %mul3A_537 = arith.constant 1.024000e+03 : f32
      %mul3A_538 = vector.broadcast %mul3A_537 : f32 to vector<16xf32>
      %mul3A_539 = arith.mulf %get3A_536, %mul3A_538 : vector<16xf32>
      %convert_element_type3A_540 = arith.fptosi %mul3A_539 : vector<16xf32> to vector<16xi32>
      %jit3A_541 = arith.constant 0 : i32
      %jit3A_542 = arith.constant 1023 : i32
      %max3A_543 = vector.broadcast %jit3A_541 : i32 to vector<16xi32>
      %max3A_544 = arith.maxsi %max3A_543, %convert_element_type3A_540 : vector<16xi32>
      %min3A_545 = vector.broadcast %jit3A_542 : i32 to vector<16xi32>
      %min3A_546 = arith.minsi %min3A_545, %max3A_544 : vector<16xi32>
      %add3A_547 = arith.constant 0 : i32
      %add3A_548 = vector.broadcast %add3A_547 : i32 to vector<16xi32>
      %add3A_549 = arith.addi %min3A_546, %add3A_548 : vector<16xi32>
      tpu.vector_store_idx %arg10[%add3A_549], %get3A_536 : memref<4096xf32, #tpu.memory_space<vmem>>[vector<16xi32>], vector<16xf32>,
      %scan3A_550 = arith.constant 0 : i32
      %scan3A_551 = arith.constant 3 : i32
      %scan3A_552 = arith.addi %scan3A_485, %scan3A_551 : i32
      %mul3A_553 = arith.constant 16 : i32
      %mul3A_554 = arith.muli %scan3A_552, %mul3A_553 : i32
      %add3A_555 = arith.constant 0 : i32
      %add3A_556 = arith.addi %add3A_555, %mul3A_554 : i32
      %get3A_557 = arith.index_cast %add3A_556 : i32 to index
      %get3A_558 = tpu.vector_load %arg9[%get3A_557] {strides = array<i32>} : memref<1024xf32, #tpu.memory_space<vmem>>, vector<16xf32>,
      %mul3A_559 = arith.constant 1.024000e+03 : f32
      %mul3A_560 = vector.broadcast %mul3A_559 : f32 to vector<16xf32>
      %mul3A_561 = arith.mulf %get3A_558, %mul3A_560 : vector<16xf32>
      %convert_element_type3A_562 = arith.fptosi %mul3A_561 : vector<16xf32> to vector<16xi32>
      %jit3A_563 = arith.constant 0 : i32
      %jit3A_564 = arith.constant 1023 : i32
      %max3A_565 = vector.broadcast %jit3A_563 : i32 to vector<16xi32>
      %max3A_566 = arith.maxsi %max3A_565, %convert_element_type3A_562 : vector<16xi32>
      %min3A_567 = vector.broadcast %jit3A_564 : i32 to vector<16xi32>
      %min3A_568 = arith.minsi %min3A_567, %max3A_566 : vector<16xi32>
      %add3A_569 = arith.constant 0 : i32
      %add3A_570 = vector.broadcast %add3A_569 : i32 to vector<16xi32>
      %add3A_571 = arith.addi %min3A_568, %add3A_570 : vector<16xi32>
      tpu.vector_store_idx %arg10[%add3A_571], %get3A_558 : memref<4096xf32, #tpu.memory_space<vmem>>[vector<16xi32>], vector<16xf32>,
      %scan3A_572 = arith.constant 0 : i32
      scf.yield %scan3A_572 : i32
    }
    %scan3A_23 = arith.constant 16 : i32
    %scan3A_24 = arith.constant 0 : i32
    %scan3A_25 = arith.constant 0 : i32
    %scan3A_26 = arith.constant 16 : i32
    %scan3A_27 = arith.addi %scan3A_25, %scan3A_26 : i32
    %scan3A_28 = arith.constant 4 : i32
    %scan3A_29 = scf.for %scan3A_485 = %scan3A_25 to %scan3A_27 step %scan3A_28 iter_args(%scan3A_486 = %scan3A_24) -> (i32)  : i32 {
      %mul3A_487 = arith.constant 16 : i32
      %mul3A_488 = arith.muli %scan3A_485, %mul3A_487 : i32
      %add3A_489 = arith.constant 256 : i32
      %add3A_490 = arith.addi %add3A_489, %mul3A_488 : i32
      %get3A_491 = arith.index_cast %add3A_490 : i32 to index
      %get3A_492 = tpu.vector_load %arg9[%get3A_491] {strides = array<i32>} : memref<1024xf32, #tpu.memory_space<vmem>>, vector<16xf32>,
      %mul3A_493 = arith.constant 1.024000e+03 : f32
      %mul3A_494 = vector.broadcast %mul3A_493 : f32 to vector<16xf32>
      %mul3A_495 = arith.mulf %get3A_492, %mul3A_494 : vector<16xf32>
      %convert_element_type3A_496 = arith.fptosi %mul3A_495 : vector<16xf32> to vector<16xi32>
      %jit3A_497 = arith.constant 0 : i32
      %jit3A_498 = arith.constant 1023 : i32
      %max3A_499 = vector.broadcast %jit3A_497 : i32 to vector<16xi32>
      %max3A_500 = arith.maxsi %max3A_499, %convert_element_type3A_496 : vector<16xi32>
      %min3A_501 = vector.broadcast %jit3A_498 : i32 to vector<16xi32>
      %min3A_502 = arith.minsi %min3A_501, %max3A_500 : vector<16xi32>
      %add3A_503 = arith.constant 1024 : i32
      %add3A_504 = vector.broadcast %add3A_503 : i32 to vector<16xi32>
      %add3A_505 = arith.addi %min3A_502, %add3A_504 : vector<16xi32>
      tpu.vector_store_idx %arg10[%add3A_505], %get3A_492 : memref<4096xf32, #tpu.memory_space<vmem>>[vector<16xi32>], vector<16xf32>,
      %scan3A_506 = arith.constant 0 : i32
      %scan3A_507 = arith.constant 1 : i32
      %scan3A_508 = arith.addi %scan3A_485, %scan3A_507 : i32
      %mul3A_509 = arith.constant 16 : i32
      %mul3A_510 = arith.muli %scan3A_508, %mul3A_509 : i32
      %add3A_511 = arith.constant 256 : i32
      %add3A_512 = arith.addi %add3A_511, %mul3A_510 : i32
      %get3A_513 = arith.index_cast %add3A_512 : i32 to index
      %get3A_514 = tpu.vector_load %arg9[%get3A_513] {strides = array<i32>} : memref<1024xf32, #tpu.memory_space<vmem>>, vector<16xf32>,
      %mul3A_515 = arith.constant 1.024000e+03 : f32
      %mul3A_516 = vector.broadcast %mul3A_515 : f32 to vector<16xf32>
      %mul3A_517 = arith.mulf %get3A_514, %mul3A_516 : vector<16xf32>
      %convert_element_type3A_518 = arith.fptosi %mul3A_517 : vector<16xf32> to vector<16xi32>
      %jit3A_519 = arith.constant 0 : i32
      %jit3A_520 = arith.constant 1023 : i32
      %max3A_521 = vector.broadcast %jit3A_519 : i32 to vector<16xi32>
      %max3A_522 = arith.maxsi %max3A_521, %convert_element_type3A_518 : vector<16xi32>
      %min3A_523 = vector.broadcast %jit3A_520 : i32 to vector<16xi32>
      %min3A_524 = arith.minsi %min3A_523, %max3A_522 : vector<16xi32>
      %add3A_525 = arith.constant 1024 : i32
      %add3A_526 = vector.broadcast %add3A_525 : i32 to vector<16xi32>
      %add3A_527 = arith.addi %min3A_524, %add3A_526 : vector<16xi32>
      tpu.vector_store_idx %arg10[%add3A_527], %get3A_514 : memref<4096xf32, #tpu.memory_space<vmem>>[vector<16xi32>], vector<16xf32>,
      %scan3A_528 = arith.constant 0 : i32
      %scan3A_529 = arith.constant 2 : i32
      %scan3A_530 = arith.addi %scan3A_485, %scan3A_529 : i32
      %mul3A_531 = arith.constant 16 : i32
      %mul3A_532 = arith.muli %scan3A_530, %mul3A_531 : i32
      %add3A_533 = arith.constant 256 : i32
      %add3A_534 = arith.addi %add3A_533, %mul3A_532 : i32
      %get3A_535 = arith.index_cast %add3A_534 : i32 to index
      %get3A_536 = tpu.vector_load %arg9[%get3A_535] {strides = array<i32>} : memref<1024xf32, #tpu.memory_space<vmem>>, vector<16xf32>,
      %mul3A_537 = arith.constant 1.024000e+03 : f32
      %mul3A_538 = vector.broadcast %mul3A_537 : f32 to vector<16xf32>
      %mul3A_539 = arith.mulf %get3A_536, %mul3A_538 : vector<16xf32>
      %convert_element_type3A_540 = arith.fptosi %mul3A_539 : vector<16xf32> to vector<16xi32>
      %jit3A_541 = arith.constant 0 : i32
      %jit3A_542 = arith.constant 1023 : i32
      %max3A_543 = vector.broadcast %jit3A_541 : i32 to vector<16xi32>
      %max3A_544 = arith.maxsi %max3A_543, %convert_element_type3A_540 : vector<16xi32>
      %min3A_545 = vector.broadcast %jit3A_542 : i32 to vector<16xi32>
      %min3A_546 = arith.minsi %min3A_545, %max3A_544 : vector<16xi32>
      %add3A_547 = arith.constant 1024 : i32
      %add3A_548 = vector.broadcast %add3A_547 : i32 to vector<16xi32>
      %add3A_549 = arith.addi %min3A_546, %add3A_548 : vector<16xi32>
      tpu.vector_store_idx %arg10[%add3A_549], %get3A_536 : memref<4096xf32, #tpu.memory_space<vmem>>[vector<16xi32>], vector<16xf32>,
      %scan3A_550 = arith.constant 0 : i32
      %scan3A_551 = arith.constant 3 : i32
      %scan3A_552 = arith.addi %scan3A_485, %scan3A_551 : i32
      %mul3A_553 = arith.constant 16 : i32
      %mul3A_554 = arith.muli %scan3A_552, %mul3A_553 : i32
      %add3A_555 = arith.constant 256 : i32
      %add3A_556 = arith.addi %add3A_555, %mul3A_554 : i32
      %get3A_557 = arith.index_cast %add3A_556 : i32 to index
      %get3A_558 = tpu.vector_load %arg9[%get3A_557] {strides = array<i32>} : memref<1024xf32, #tpu.memory_space<vmem>>, vector<16xf32>,
      %mul3A_559 = arith.constant 1.024000e+03 : f32
      %mul3A_560 = vector.broadcast %mul3A_559 : f32 to vector<16xf32>
      %mul3A_561 = arith.mulf %get3A_558, %mul3A_560 : vector<16xf32>
      %convert_element_type3A_562 = arith.fptosi %mul3A_561 : vector<16xf32> to vector<16xi32>
      %jit3A_563 = arith.constant 0 : i32
      %jit3A_564 = arith.constant 1023 : i32
      %max3A_565 = vector.broadcast %jit3A_563 : i32 to vector<16xi32>
      %max3A_566 = arith.maxsi %max3A_565, %convert_element_type3A_562 : vector<16xi32>
      %min3A_567 = vector.broadcast %jit3A_564 : i32 to vector<16xi32>
      %min3A_568 = arith.minsi %min3A_567, %max3A_566 : vector<16xi32>
      %add3A_569 = arith.constant 1024 : i32
      %add3A_570 = vector.broadcast %add3A_569 : i32 to vector<16xi32>
      %add3A_571 = arith.addi %min3A_568, %add3A_570 : vector<16xi32>
      tpu.vector_store_idx %arg10[%add3A_571], %get3A_558 : memref<4096xf32, #tpu.memory_space<vmem>>[vector<16xi32>], vector<16xf32>,
      %scan3A_572 = arith.constant 0 : i32
      scf.yield %scan3A_572 : i32
    }
    %scan3A_30 = arith.constant 16 : i32
    %scan3A_31 = arith.constant 0 : i32
    %scan3A_32 = arith.constant 0 : i32
    %scan3A_33 = arith.constant 16 : i32
    %scan3A_34 = arith.addi %scan3A_32, %scan3A_33 : i32
    %scan3A_35 = arith.constant 4 : i32
    %scan3A_36 = scf.for %scan3A_485 = %scan3A_32 to %scan3A_34 step %scan3A_35 iter_args(%scan3A_486 = %scan3A_31) -> (i32)  : i32 {
      %mul3A_487 = arith.constant 16 : i32
      %mul3A_488 = arith.muli %scan3A_485, %mul3A_487 : i32
      %add3A_489 = arith.constant 512 : i32
      %add3A_490 = arith.addi %add3A_489, %mul3A_488 : i32
      %get3A_491 = arith.index_cast %add3A_490 : i32 to index
      %get3A_492 = tpu.vector_load %arg9[%get3A_491] {strides = array<i32>} : memref<1024xf32, #tpu.memory_space<vmem>>, vector<16xf32>,
      %mul3A_493 = arith.constant 1.024000e+03 : f32
      %mul3A_494 = vector.broadcast %mul3A_493 : f32 to vector<16xf32>
      %mul3A_495 = arith.mulf %get3A_492, %mul3A_494 : vector<16xf32>
      %convert_element_type3A_496 = arith.fptosi %mul3A_495 : vector<16xf32> to vector<16xi32>
      %jit3A_497 = arith.constant 0 : i32
      %jit3A_498 = arith.constant 1023 : i32
      %max3A_499 = vector.broadcast %jit3A_497 : i32 to vector<16xi32>
      %max3A_500 = arith.maxsi %max3A_499, %convert_element_type3A_496 : vector<16xi32>
      %min3A_501 = vector.broadcast %jit3A_498 : i32 to vector<16xi32>
      %min3A_502 = arith.minsi %min3A_501, %max3A_500 : vector<16xi32>
      %add3A_503 = arith.constant 2048 : i32
      %add3A_504 = vector.broadcast %add3A_503 : i32 to vector<16xi32>
      %add3A_505 = arith.addi %min3A_502, %add3A_504 : vector<16xi32>
      tpu.vector_store_idx %arg10[%add3A_505], %get3A_492 : memref<4096xf32, #tpu.memory_space<vmem>>[vector<16xi32>], vector<16xf32>,
      %scan3A_506 = arith.constant 0 : i32
      %scan3A_507 = arith.constant 1 : i32
      %scan3A_508 = arith.addi %scan3A_485, %scan3A_507 : i32
      %mul3A_509 = arith.constant 16 : i32
      %mul3A_510 = arith.muli %scan3A_508, %mul3A_509 : i32
      %add3A_511 = arith.constant 512 : i32
      %add3A_512 = arith.addi %add3A_511, %mul3A_510 : i32
      %get3A_513 = arith.index_cast %add3A_512 : i32 to index
      %get3A_514 = tpu.vector_load %arg9[%get3A_513] {strides = array<i32>} : memref<1024xf32, #tpu.memory_space<vmem>>, vector<16xf32>,
      %mul3A_515 = arith.constant 1.024000e+03 : f32
      %mul3A_516 = vector.broadcast %mul3A_515 : f32 to vector<16xf32>
      %mul3A_517 = arith.mulf %get3A_514, %mul3A_516 : vector<16xf32>
      %convert_element_type3A_518 = arith.fptosi %mul3A_517 : vector<16xf32> to vector<16xi32>
      %jit3A_519 = arith.constant 0 : i32
      %jit3A_520 = arith.constant 1023 : i32
      %max3A_521 = vector.broadcast %jit3A_519 : i32 to vector<16xi32>
      %max3A_522 = arith.maxsi %max3A_521, %convert_element_type3A_518 : vector<16xi32>
      %min3A_523 = vector.broadcast %jit3A_520 : i32 to vector<16xi32>
      %min3A_524 = arith.minsi %min3A_523, %max3A_522 : vector<16xi32>
      %add3A_525 = arith.constant 2048 : i32
      %add3A_526 = vector.broadcast %add3A_525 : i32 to vector<16xi32>
      %add3A_527 = arith.addi %min3A_524, %add3A_526 : vector<16xi32>
      tpu.vector_store_idx %arg10[%add3A_527], %get3A_514 : memref<4096xf32, #tpu.memory_space<vmem>>[vector<16xi32>], vector<16xf32>,
      %scan3A_528 = arith.constant 0 : i32
      %scan3A_529 = arith.constant 2 : i32
      %scan3A_530 = arith.addi %scan3A_485, %scan3A_529 : i32
      %mul3A_531 = arith.constant 16 : i32
      %mul3A_532 = arith.muli %scan3A_530, %mul3A_531 : i32
      %add3A_533 = arith.constant 512 : i32
      %add3A_534 = arith.addi %add3A_533, %mul3A_532 : i32
      %get3A_535 = arith.index_cast %add3A_534 : i32 to index
      %get3A_536 = tpu.vector_load %arg9[%get3A_535] {strides = array<i32>} : memref<1024xf32, #tpu.memory_space<vmem>>, vector<16xf32>,
      %mul3A_537 = arith.constant 1.024000e+03 : f32
      %mul3A_538 = vector.broadcast %mul3A_537 : f32 to vector<16xf32>
      %mul3A_539 = arith.mulf %get3A_536, %mul3A_538 : vector<16xf32>
      %convert_element_type3A_540 = arith.fptosi %mul3A_539 : vector<16xf32> to vector<16xi32>
      %jit3A_541 = arith.constant 0 : i32
      %jit3A_542 = arith.constant 1023 : i32
      %max3A_543 = vector.broadcast %jit3A_541 : i32 to vector<16xi32>
      %max3A_544 = arith.maxsi %max3A_543, %convert_element_type3A_540 : vector<16xi32>
      %min3A_545 = vector.broadcast %jit3A_542 : i32 to vector<16xi32>
      %min3A_546 = arith.minsi %min3A_545, %max3A_544 : vector<16xi32>
      %add3A_547 = arith.constant 2048 : i32
      %add3A_548 = vector.broadcast %add3A_547 : i32 to vector<16xi32>
      %add3A_549 = arith.addi %min3A_546, %add3A_548 : vector<16xi32>
      tpu.vector_store_idx %arg10[%add3A_549], %get3A_536 : memref<4096xf32, #tpu.memory_space<vmem>>[vector<16xi32>], vector<16xf32>,
      %scan3A_550 = arith.constant 0 : i32
      %scan3A_551 = arith.constant 3 : i32
      %scan3A_552 = arith.addi %scan3A_485, %scan3A_551 : i32
      %mul3A_553 = arith.constant 16 : i32
      %mul3A_554 = arith.muli %scan3A_552, %mul3A_553 : i32
      %add3A_555 = arith.constant 512 : i32
      %add3A_556 = arith.addi %add3A_555, %mul3A_554 : i32
      %get3A_557 = arith.index_cast %add3A_556 : i32 to index
      %get3A_558 = tpu.vector_load %arg9[%get3A_557] {strides = array<i32>} : memref<1024xf32, #tpu.memory_space<vmem>>, vector<16xf32>,
      %mul3A_559 = arith.constant 1.024000e+03 : f32
      %mul3A_560 = vector.broadcast %mul3A_559 : f32 to vector<16xf32>
      %mul3A_561 = arith.mulf %get3A_558, %mul3A_560 : vector<16xf32>
      %convert_element_type3A_562 = arith.fptosi %mul3A_561 : vector<16xf32> to vector<16xi32>
      %jit3A_563 = arith.constant 0 : i32
      %jit3A_564 = arith.constant 1023 : i32
      %max3A_565 = vector.broadcast %jit3A_563 : i32 to vector<16xi32>
      %max3A_566 = arith.maxsi %max3A_565, %convert_element_type3A_562 : vector<16xi32>
      %min3A_567 = vector.broadcast %jit3A_564 : i32 to vector<16xi32>
      %min3A_568 = arith.minsi %min3A_567, %max3A_566 : vector<16xi32>
      %add3A_569 = arith.constant 2048 : i32
      %add3A_570 = vector.broadcast %add3A_569 : i32 to vector<16xi32>
      %add3A_571 = arith.addi %min3A_568, %add3A_570 : vector<16xi32>
      tpu.vector_store_idx %arg10[%add3A_571], %get3A_558 : memref<4096xf32, #tpu.memory_space<vmem>>[vector<16xi32>], vector<16xf32>,
      %scan3A_572 = arith.constant 0 : i32
      scf.yield %scan3A_572 : i32
    }
    %scan3A_37 = arith.constant 16 : i32
    %scan3A_38 = arith.constant 0 : i32
    %scan3A_39 = arith.constant 0 : i32
    %scan3A_40 = arith.constant 16 : i32
    %scan3A_41 = arith.addi %scan3A_39, %scan3A_40 : i32
    %scan3A_42 = arith.constant 4 : i32
    %scan3A_43 = scf.for %scan3A_485 = %scan3A_39 to %scan3A_41 step %scan3A_42 iter_args(%scan3A_486 = %scan3A_38) -> (i32)  : i32 {
      %mul3A_487 = arith.constant 16 : i32
      %mul3A_488 = arith.muli %scan3A_485, %mul3A_487 : i32
      %add3A_489 = arith.constant 768 : i32
      %add3A_490 = arith.addi %add3A_489, %mul3A_488 : i32
      %get3A_491 = arith.index_cast %add3A_490 : i32 to index
      %get3A_492 = tpu.vector_load %arg9[%get3A_491] {strides = array<i32>} : memref<1024xf32, #tpu.memory_space<vmem>>, vector<16xf32>,
      %mul3A_493 = arith.constant 1.024000e+03 : f32
      %mul3A_494 = vector.broadcast %mul3A_493 : f32 to vector<16xf32>
      %mul3A_495 = arith.mulf %get3A_492, %mul3A_494 : vector<16xf32>
      %convert_element_type3A_496 = arith.fptosi %mul3A_495 : vector<16xf32> to vector<16xi32>
      %jit3A_497 = arith.constant 0 : i32
      %jit3A_498 = arith.constant 1023 : i32
      %max3A_499 = vector.broadcast %jit3A_497 : i32 to vector<16xi32>
      %max3A_500 = arith.maxsi %max3A_499, %convert_element_type3A_496 : vector<16xi32>
      %min3A_501 = vector.broadcast %jit3A_498 : i32 to vector<16xi32>
      %min3A_502 = arith.minsi %min3A_501, %max3A_500 : vector<16xi32>
      %add3A_503 = arith.constant 3072 : i32
      %add3A_504 = vector.broadcast %add3A_503 : i32 to vector<16xi32>
      %add3A_505 = arith.addi %min3A_502, %add3A_504 : vector<16xi32>
      tpu.vector_store_idx %arg10[%add3A_505], %get3A_492 : memref<4096xf32, #tpu.memory_space<vmem>>[vector<16xi32>], vector<16xf32>,
      %scan3A_506 = arith.constant 0 : i32
      %scan3A_507 = arith.constant 1 : i32
      %scan3A_508 = arith.addi %scan3A_485, %scan3A_507 : i32
      %mul3A_509 = arith.constant 16 : i32
      %mul3A_510 = arith.muli %scan3A_508, %mul3A_509 : i32
      %add3A_511 = arith.constant 768 : i32
      %add3A_512 = arith.addi %add3A_511, %mul3A_510 : i32
      %get3A_513 = arith.index_cast %add3A_512 : i32 to index
      %get3A_514 = tpu.vector_load %arg9[%get3A_513] {strides = array<i32>} : memref<1024xf32, #tpu.memory_space<vmem>>, vector<16xf32>,
      %mul3A_515 = arith.constant 1.024000e+03 : f32
      %mul3A_516 = vector.broadcast %mul3A_515 : f32 to vector<16xf32>
      %mul3A_517 = arith.mulf %get3A_514, %mul3A_516 : vector<16xf32>
      %convert_element_type3A_518 = arith.fptosi %mul3A_517 : vector<16xf32> to vector<16xi32>
      %jit3A_519 = arith.constant 0 : i32
      %jit3A_520 = arith.constant 1023 : i32
      %max3A_521 = vector.broadcast %jit3A_519 : i32 to vector<16xi32>
      %max3A_522 = arith.maxsi %max3A_521, %convert_element_type3A_518 : vector<16xi32>
      %min3A_523 = vector.broadcast %jit3A_520 : i32 to vector<16xi32>
      %min3A_524 = arith.minsi %min3A_523, %max3A_522 : vector<16xi32>
      %add3A_525 = arith.constant 3072 : i32
      %add3A_526 = vector.broadcast %add3A_525 : i32 to vector<16xi32>
      %add3A_527 = arith.addi %min3A_524, %add3A_526 : vector<16xi32>
      tpu.vector_store_idx %arg10[%add3A_527], %get3A_514 : memref<4096xf32, #tpu.memory_space<vmem>>[vector<16xi32>], vector<16xf32>,
      %scan3A_528 = arith.constant 0 : i32
      %scan3A_529 = arith.constant 2 : i32
      %scan3A_530 = arith.addi %scan3A_485, %scan3A_529 : i32
      %mul3A_531 = arith.constant 16 : i32
      %mul3A_532 = arith.muli %scan3A_530, %mul3A_531 : i32
      %add3A_533 = arith.constant 768 : i32
      %add3A_534 = arith.addi %add3A_533, %mul3A_532 : i32
      %get3A_535 = arith.index_cast %add3A_534 : i32 to index
      %get3A_536 = tpu.vector_load %arg9[%get3A_535] {strides = array<i32>} : memref<1024xf32, #tpu.memory_space<vmem>>, vector<16xf32>,
      %mul3A_537 = arith.constant 1.024000e+03 : f32
      %mul3A_538 = vector.broadcast %mul3A_537 : f32 to vector<16xf32>
      %mul3A_539 = arith.mulf %get3A_536, %mul3A_538 : vector<16xf32>
      %convert_element_type3A_540 = arith.fptosi %mul3A_539 : vector<16xf32> to vector<16xi32>
      %jit3A_541 = arith.constant 0 : i32
      %jit3A_542 = arith.constant 1023 : i32
      %max3A_543 = vector.broadcast %jit3A_541 : i32 to vector<16xi32>
      %max3A_544 = arith.maxsi %max3A_543, %convert_element_type3A_540 : vector<16xi32>
      %min3A_545 = vector.broadcast %jit3A_542 : i32 to vector<16xi32>
      %min3A_546 = arith.minsi %min3A_545, %max3A_544 : vector<16xi32>
      %add3A_547 = arith.constant 3072 : i32
      %add3A_548 = vector.broadcast %add3A_547 : i32 to vector<16xi32>
      %add3A_549 = arith.addi %min3A_546, %add3A_548 : vector<16xi32>
      tpu.vector_store_idx %arg10[%add3A_549], %get3A_536 : memref<4096xf32, #tpu.memory_space<vmem>>[vector<16xi32>], vector<16xf32>,
      %scan3A_550 = arith.constant 0 : i32
      %scan3A_551 = arith.constant 3 : i32
      %scan3A_552 = arith.addi %scan3A_485, %scan3A_551 : i32
      %mul3A_553 = arith.constant 16 : i32
      %mul3A_554 = arith.muli %scan3A_552, %mul3A_553 : i32
      %add3A_555 = arith.constant 768 : i32
      %add3A_556 = arith.addi %add3A_555, %mul3A_554 : i32
      %get3A_557 = arith.index_cast %add3A_556 : i32 to index
      %get3A_558 = tpu.vector_load %arg9[%get3A_557] {strides = array<i32>} : memref<1024xf32, #tpu.memory_space<vmem>>, vector<16xf32>,
      %mul3A_559 = arith.constant 1.024000e+03 : f32
      %mul3A_560 = vector.broadcast %mul3A_559 : f32 to vector<16xf32>
      %mul3A_561 = arith.mulf %get3A_558, %mul3A_560 : vector<16xf32>
      %convert_element_type3A_562 = arith.fptosi %mul3A_561 : vector<16xf32> to vector<16xi32>
      %jit3A_563 = arith.constant 0 : i32
      %jit3A_564 = arith.constant 1023 : i32
      %max3A_565 = vector.broadcast %jit3A_563 : i32 to vector<16xi32>
      %max3A_566 = arith.maxsi %max3A_565, %convert_element_type3A_562 : vector<16xi32>
      %min3A_567 = vector.broadcast %jit3A_564 : i32 to vector<16xi32>
      %min3A_568 = arith.minsi %min3A_567, %max3A_566 : vector<16xi32>
      %add3A_569 = arith.constant 3072 : i32
      %add3A_570 = vector.broadcast %add3A_569 : i32 to vector<16xi32>
      %add3A_571 = arith.addi %min3A_568, %add3A_570 : vector<16xi32>
      tpu.vector_store_idx %arg10[%add3A_571], %get3A_558 : memref<4096xf32, #tpu.memory_space<vmem>>[vector<16xi32>], vector<16xf32>,
      %scan3A_572 = arith.constant 0 : i32
      scf.yield %scan3A_572 : i32
    }
    %scan3A_44 = arith.constant 16 : i32
    %jit3A = arith.constant 8 : i32
    %div3A = arith.divsi %add3A, %jit3A : i32
    %sign3A = arith.constant 0 : i32
    %sign3A_45 = arith.cmpi sgt, %add3A, %sign3A : i32
    %sign3A_46 = arith.extui %sign3A_45 : i1 to i32
    %sign3A_47 = arith.constant 0 : i32
    %sign3A_48 = arith.cmpi slt, %add3A, %sign3A_47 : i32
    %sign3A_49 = arith.extui %sign3A_48 : i1 to i32
    %sign3A_50 = arith.subi %sign3A_46, %sign3A_49 : i32
    %sign3A_51 = arith.constant 0 : i32
    %sign3A_52 = arith.cmpi sgt, %jit3A, %sign3A_51 : i32
    %sign3A_53 = arith.extui %sign3A_52 : i1 to i32
    %sign3A_54 = arith.constant 0 : i32
    %sign3A_55 = arith.cmpi slt, %jit3A, %sign3A_54 : i32
    %sign3A_56 = arith.extui %sign3A_55 : i1 to i32
    %sign3A_57 = arith.subi %sign3A_53, %sign3A_56 : i32
    %ne3A = arith.cmpi ne, %sign3A_50, %sign3A_57 : i32
    %rem3A = arith.remsi %add3A, %jit3A : i32
    %ne3A_58 = arith.constant 0 : i32
    %ne3A_59 = arith.cmpi ne, %rem3A, %ne3A_58 : i32
    %and3A = arith.andi %ne3A, %ne3A_59 : i1
    %sub3A = arith.constant 1 : i32
    %sub3A_60 = arith.subi %div3A, %sub3A : i32
    %select_n3A = arith.select %and3A, %sub3A_60, %div3A : i32
    %mul3A_61 = arith.constant 1024 : i32
    %mul3A_62 = arith.muli %select_n3A, %mul3A_61 : i32
    %scan3A_63 = arith.constant 0 : i32
    %scan3A_64 = arith.constant 0 : i32
    %scan3A_65 = arith.constant 392 : i32
    %scan3A_66 = arith.addi %scan3A_64, %scan3A_65 : i32
    %scan3A_67 = arith.constant 7 : i32
    %scan3A_68 = scf.for %scan3A_485 = %scan3A_64 to %scan3A_66 step %scan3A_67 iter_args(%scan3A_486 = %scan3A_63) -> (i32)  : i32 {
      %mul3A_487 = arith.constant 16 : i32
      %mul3A_488 = arith.muli %scan3A_485, %mul3A_487 : i32
      %get3A_489 = arith.index_cast %mul3A_488 : i32 to index
      %get3A_490 = tpu.vector_load %arg6[%get3A_489] {strides = array<i32>} : memref<6272xf32, #tpu.memory_space<vmem>>, vector<16xf32>,
      %mul3A_491 = arith.constant 1.024000e+03 : f32
      %mul3A_492 = vector.broadcast %mul3A_491 : f32 to vector<16xf32>
      %mul3A_493 = arith.mulf %get3A_490, %mul3A_492 : vector<16xf32>
      %convert_element_type3A_494 = arith.fptosi %mul3A_493 : vector<16xf32> to vector<16xi32>
      %jit3A_495 = arith.constant 0 : i32
      %jit3A_496 = arith.constant 1023 : i32
      %max3A_497 = vector.broadcast %jit3A_495 : i32 to vector<16xi32>
      %max3A_498 = arith.maxsi %max3A_497, %convert_element_type3A_494 : vector<16xi32>
      %min3A_499 = vector.broadcast %jit3A_496 : i32 to vector<16xi32>
      %min3A_500 = arith.minsi %min3A_499, %max3A_498 : vector<16xi32>
      %add3A_501 = vector.broadcast %mul3A_62 : i32 to vector<16xi32>
      %add3A_502 = arith.addi %min3A_500, %add3A_501 : vector<16xi32>
      %ge3A_503 = arith.constant 1.000000e-03 : f32
      %ge3A_504 = vector.broadcast %ge3A_503 : f32 to vector<16xf32>
      %ge3A_505 = arith.cmpf oge, %get3A_490, %ge3A_504 : vector<16xf32>
      tpu.vector_store_idx %arg11[%add3A_502], %get3A_490 masked %ge3A_505 : memref<4096xf32, #tpu.memory_space<vmem>>[vector<16xi32>], vector<16xf32>, vector<16xi1>
      %scan3A_506 = arith.constant 0 : i32
      %scan3A_507 = arith.constant 1 : i32
      %scan3A_508 = arith.addi %scan3A_485, %scan3A_507 : i32
      %mul3A_509 = arith.constant 16 : i32
      %mul3A_510 = arith.muli %scan3A_508, %mul3A_509 : i32
      %get3A_511 = arith.index_cast %mul3A_510 : i32 to index
      %get3A_512 = tpu.vector_load %arg6[%get3A_511] {strides = array<i32>} : memref<6272xf32, #tpu.memory_space<vmem>>, vector<16xf32>,
      %mul3A_513 = arith.constant 1.024000e+03 : f32
      %mul3A_514 = vector.broadcast %mul3A_513 : f32 to vector<16xf32>
      %mul3A_515 = arith.mulf %get3A_512, %mul3A_514 : vector<16xf32>
      %convert_element_type3A_516 = arith.fptosi %mul3A_515 : vector<16xf32> to vector<16xi32>
      %jit3A_517 = arith.constant 0 : i32
      %jit3A_518 = arith.constant 1023 : i32
      %max3A_519 = vector.broadcast %jit3A_517 : i32 to vector<16xi32>
      %max3A_520 = arith.maxsi %max3A_519, %convert_element_type3A_516 : vector<16xi32>
      %min3A_521 = vector.broadcast %jit3A_518 : i32 to vector<16xi32>
      %min3A_522 = arith.minsi %min3A_521, %max3A_520 : vector<16xi32>
      %add3A_523 = vector.broadcast %mul3A_62 : i32 to vector<16xi32>
      %add3A_524 = arith.addi %min3A_522, %add3A_523 : vector<16xi32>
      %ge3A_525 = arith.constant 1.000000e-03 : f32
      %ge3A_526 = vector.broadcast %ge3A_525 : f32 to vector<16xf32>
      %ge3A_527 = arith.cmpf oge, %get3A_512, %ge3A_526 : vector<16xf32>
      tpu.vector_store_idx %arg11[%add3A_524], %get3A_512 masked %ge3A_527 : memref<4096xf32, #tpu.memory_space<vmem>>[vector<16xi32>], vector<16xf32>, vector<16xi1>
      %scan3A_528 = arith.constant 0 : i32
      %scan3A_529 = arith.constant 2 : i32
      %scan3A_530 = arith.addi %scan3A_485, %scan3A_529 : i32
      %mul3A_531 = arith.constant 16 : i32
      %mul3A_532 = arith.muli %scan3A_530, %mul3A_531 : i32
      %get3A_533 = arith.index_cast %mul3A_532 : i32 to index
      %get3A_534 = tpu.vector_load %arg6[%get3A_533] {strides = array<i32>} : memref<6272xf32, #tpu.memory_space<vmem>>, vector<16xf32>,
      %mul3A_535 = arith.constant 1.024000e+03 : f32
      %mul3A_536 = vector.broadcast %mul3A_535 : f32 to vector<16xf32>
      %mul3A_537 = arith.mulf %get3A_534, %mul3A_536 : vector<16xf32>
      %convert_element_type3A_538 = arith.fptosi %mul3A_537 : vector<16xf32> to vector<16xi32>
      %jit3A_539 = arith.constant 0 : i32
      %jit3A_540 = arith.constant 1023 : i32
      %max3A_541 = vector.broadcast %jit3A_539 : i32 to vector<16xi32>
      %max3A_542 = arith.maxsi %max3A_541, %convert_element_type3A_538 : vector<16xi32>
      %min3A_543 = vector.broadcast %jit3A_540 : i32 to vector<16xi32>
      %min3A_544 = arith.minsi %min3A_543, %max3A_542 : vector<16xi32>
      %add3A_545 = vector.broadcast %mul3A_62 : i32 to vector<16xi32>
      %add3A_546 = arith.addi %min3A_544, %add3A_545 : vector<16xi32>
      %ge3A_547 = arith.constant 1.000000e-03 : f32
      %ge3A_548 = vector.broadcast %ge3A_547 : f32 to vector<16xf32>
      %ge3A_549 = arith.cmpf oge, %get3A_534, %ge3A_548 : vector<16xf32>
      tpu.vector_store_idx %arg11[%add3A_546], %get3A_534 masked %ge3A_549 : memref<4096xf32, #tpu.memory_space<vmem>>[vector<16xi32>], vector<16xf32>, vector<16xi1>
      %scan3A_550 = arith.constant 0 : i32
      %scan3A_551 = arith.constant 3 : i32
      %scan3A_552 = arith.addi %scan3A_485, %scan3A_551 : i32
      %mul3A_553 = arith.constant 16 : i32
      %mul3A_554 = arith.muli %scan3A_552, %mul3A_553 : i32
      %get3A_555 = arith.index_cast %mul3A_554 : i32 to index
      %get3A_556 = tpu.vector_load %arg6[%get3A_555] {strides = array<i32>} : memref<6272xf32, #tpu.memory_space<vmem>>, vector<16xf32>,
      %mul3A_557 = arith.constant 1.024000e+03 : f32
      %mul3A_558 = vector.broadcast %mul3A_557 : f32 to vector<16xf32>
      %mul3A_559 = arith.mulf %get3A_556, %mul3A_558 : vector<16xf32>
      %convert_element_type3A_560 = arith.fptosi %mul3A_559 : vector<16xf32> to vector<16xi32>
      %jit3A_561 = arith.constant 0 : i32
      %jit3A_562 = arith.constant 1023 : i32
      %max3A_563 = vector.broadcast %jit3A_561 : i32 to vector<16xi32>
      %max3A_564 = arith.maxsi %max3A_563, %convert_element_type3A_560 : vector<16xi32>
      %min3A_565 = vector.broadcast %jit3A_562 : i32 to vector<16xi32>
      %min3A_566 = arith.minsi %min3A_565, %max3A_564 : vector<16xi32>
      %add3A_567 = vector.broadcast %mul3A_62 : i32 to vector<16xi32>
      %add3A_568 = arith.addi %min3A_566, %add3A_567 : vector<16xi32>
      %ge3A_569 = arith.constant 1.000000e-03 : f32
      %ge3A_570 = vector.broadcast %ge3A_569 : f32 to vector<16xf32>
      %ge3A_571 = arith.cmpf oge, %get3A_556, %ge3A_570 : vector<16xf32>
      tpu.vector_store_idx %arg11[%add3A_568], %get3A_556 masked %ge3A_571 : memref<4096xf32, #tpu.memory_space<vmem>>[vector<16xi32>], vector<16xf32>, vector<16xi1>
      %scan3A_572 = arith.constant 0 : i32
      %scan3A_573 = arith.constant 4 : i32
      %scan3A_574 = arith.addi %scan3A_485, %scan3A_573 : i32
      %mul3A_575 = arith.constant 16 : i32
      %mul3A_576 = arith.muli %scan3A_574, %mul3A_575 : i32
      %get3A_577 = arith.index_cast %mul3A_576 : i32 to index
      %get3A_578 = tpu.vector_load %arg6[%get3A_577] {strides = array<i32>} : memref<6272xf32, #tpu.memory_space<vmem>>, vector<16xf32>,
      %mul3A_579 = arith.constant 1.024000e+03 : f32
      %mul3A_580 = vector.broadcast %mul3A_579 : f32 to vector<16xf32>
      %mul3A_581 = arith.mulf %get3A_578, %mul3A_580 : vector<16xf32>
      %convert_element_type3A_582 = arith.fptosi %mul3A_581 : vector<16xf32> to vector<16xi32>
      %jit3A_583 = arith.constant 0 : i32
      %jit3A_584 = arith.constant 1023 : i32
      %max3A_585 = vector.broadcast %jit3A_583 : i32 to vector<16xi32>
      %max3A_586 = arith.maxsi %max3A_585, %convert_element_type3A_582 : vector<16xi32>
      %min3A_587 = vector.broadcast %jit3A_584 : i32 to vector<16xi32>
      %min3A_588 = arith.minsi %min3A_587, %max3A_586 : vector<16xi32>
      %add3A_589 = vector.broadcast %mul3A_62 : i32 to vector<16xi32>
      %add3A_590 = arith.addi %min3A_588, %add3A_589 : vector<16xi32>
      %ge3A_591 = arith.constant 1.000000e-03 : f32
      %ge3A_592 = vector.broadcast %ge3A_591 : f32 to vector<16xf32>
      %ge3A_593 = arith.cmpf oge, %get3A_578, %ge3A_592 : vector<16xf32>
      tpu.vector_store_idx %arg11[%add3A_590], %get3A_578 masked %ge3A_593 : memref<4096xf32, #tpu.memory_space<vmem>>[vector<16xi32>], vector<16xf32>, vector<16xi1>
      %scan3A_594 = arith.constant 0 : i32
      %scan3A_595 = arith.constant 5 : i32
      %scan3A_596 = arith.addi %scan3A_485, %scan3A_595 : i32
      %mul3A_597 = arith.constant 16 : i32
      %mul3A_598 = arith.muli %scan3A_596, %mul3A_597 : i32
      %get3A_599 = arith.index_cast %mul3A_598 : i32 to index
      %get3A_600 = tpu.vector_load %arg6[%get3A_599] {strides = array<i32>} : memref<6272xf32, #tpu.memory_space<vmem>>, vector<16xf32>,
      %mul3A_601 = arith.constant 1.024000e+03 : f32
      %mul3A_602 = vector.broadcast %mul3A_601 : f32 to vector<16xf32>
      %mul3A_603 = arith.mulf %get3A_600, %mul3A_602 : vector<16xf32>
      %convert_element_type3A_604 = arith.fptosi %mul3A_603 : vector<16xf32> to vector<16xi32>
      %jit3A_605 = arith.constant 0 : i32
      %jit3A_606 = arith.constant 1023 : i32
      %max3A_607 = vector.broadcast %jit3A_605 : i32 to vector<16xi32>
      %max3A_608 = arith.maxsi %max3A_607, %convert_element_type3A_604 : vector<16xi32>
      %min3A_609 = vector.broadcast %jit3A_606 : i32 to vector<16xi32>
      %min3A_610 = arith.minsi %min3A_609, %max3A_608 : vector<16xi32>
      %add3A_611 = vector.broadcast %mul3A_62 : i32 to vector<16xi32>
      %add3A_612 = arith.addi %min3A_610, %add3A_611 : vector<16xi32>
      %ge3A_613 = arith.constant 1.000000e-03 : f32
      %ge3A_614 = vector.broadcast %ge3A_613 : f32 to vector<16xf32>
      %ge3A_615 = arith.cmpf oge, %get3A_600, %ge3A_614 : vector<16xf32>
      tpu.vector_store_idx %arg11[%add3A_612], %get3A_600 masked %ge3A_615 : memref<4096xf32, #tpu.memory_space<vmem>>[vector<16xi32>], vector<16xf32>, vector<16xi1>
      %scan3A_616 = arith.constant 0 : i32
      %scan3A_617 = arith.constant 6 : i32
      %scan3A_618 = arith.addi %scan3A_485, %scan3A_617 : i32
      %mul3A_619 = arith.constant 16 : i32
      %mul3A_620 = arith.muli %scan3A_618, %mul3A_619 : i32
      %get3A_621 = arith.index_cast %mul3A_620 : i32 to index
      %get3A_622 = tpu.vector_load %arg6[%get3A_621] {strides = array<i32>} : memref<6272xf32, #tpu.memory_space<vmem>>, vector<16xf32>,
      %mul3A_623 = arith.constant 1.024000e+03 : f32
      %mul3A_624 = vector.broadcast %mul3A_623 : f32 to vector<16xf32>
      %mul3A_625 = arith.mulf %get3A_622, %mul3A_624 : vector<16xf32>
      %convert_element_type3A_626 = arith.fptosi %mul3A_625 : vector<16xf32> to vector<16xi32>
      %jit3A_627 = arith.constant 0 : i32
      %jit3A_628 = arith.constant 1023 : i32
      %max3A_629 = vector.broadcast %jit3A_627 : i32 to vector<16xi32>
      %max3A_630 = arith.maxsi %max3A_629, %convert_element_type3A_626 : vector<16xi32>
      %min3A_631 = vector.broadcast %jit3A_628 : i32 to vector<16xi32>
      %min3A_632 = arith.minsi %min3A_631, %max3A_630 : vector<16xi32>
      %add3A_633 = vector.broadcast %mul3A_62 : i32 to vector<16xi32>
      %add3A_634 = arith.addi %min3A_632, %add3A_633 : vector<16xi32>
      %ge3A_635 = arith.constant 1.000000e-03 : f32
      %ge3A_636 = vector.broadcast %ge3A_635 : f32 to vector<16xf32>
      %ge3A_637 = arith.cmpf oge, %get3A_622, %ge3A_636 : vector<16xf32>
      tpu.vector_store_idx %arg11[%add3A_634], %get3A_622 masked %ge3A_637 : memref<4096xf32, #tpu.memory_space<vmem>>[vector<16xi32>], vector<16xf32>, vector<16xi1>
      %scan3A_638 = arith.constant 0 : i32
      scf.yield %scan3A_638 : i32
    }
    %scan3A_69 = arith.constant 392 : i32
    "tpu.region"() ({
      %run_scoped3A = tpu.sem_alloc : memref<!tpu.dma_semaphore, #tpu.memory_space<semaphore_mem>>
      %dma_start3A = arith.constant 0 : i32
      %dma_start3A_485 = tpu.memref_slice %arg17[%arg1, %dma_start3A] : memref<16x4096xf32, #tpu.memory_space<vmem_shared>> -> memref<1x4096xf32, #tpu.memory_space<vmem_shared>>
      %dma_start3A_486 = tpu.memref_squeeze %dma_start3A_485 : memref<1x4096xf32, #tpu.memory_space<vmem_shared>> -> memref<4096xf32, #tpu.memory_space<vmem_shared>>
      %dma_start3A_487 = arith.constant 0 : i32
      %dma_start3A_488 = tpu.memref_slice %arg17[%arg1, %dma_start3A_487] : memref<16x4096xf32, #tpu.memory_space<vmem_shared>> -> memref<1x4096xf32, #tpu.memory_space<vmem_shared>>
      %dma_start3A_489 = tpu.memref_squeeze %dma_start3A_488 : memref<1x4096xf32, #tpu.memory_space<vmem_shared>> -> memref<4096xf32, #tpu.memory_space<vmem_shared>>
      tpu.enqueue_dma source(%arg11 : memref<4096xf32, #tpu.memory_space<vmem>>) target(%dma_start3A_489 : memref<4096xf32, #tpu.memory_space<vmem_shared>>) target_semaphore(%run_scoped3A : memref<!tpu.dma_semaphore, #tpu.memory_space<semaphore_mem>>)
      %dma_wait3A = arith.constant 0 : i32
      %dma_wait3A_490 = tpu.memref_slice %arg17[%arg1, %dma_wait3A] : memref<16x4096xf32, #tpu.memory_space<vmem_shared>> -> memref<1x4096xf32, #tpu.memory_space<vmem_shared>>
      %dma_wait3A_491 = tpu.memref_squeeze %dma_wait3A_490 : memref<1x4096xf32, #tpu.memory_space<vmem_shared>> -> memref<4096xf32, #tpu.memory_space<vmem_shared>>
      %dma_wait3A_492 = arith.constant 0 : i32
      %dma_wait3A_493 = tpu.memref_slice %arg17[%arg1, %dma_wait3A_492] : memref<16x4096xf32, #tpu.memory_space<vmem_shared>> -> memref<1x4096xf32, #tpu.memory_space<vmem_shared>>
      %dma_wait3A_494 = tpu.memref_squeeze %dma_wait3A_493 : memref<1x4096xf32, #tpu.memory_space<vmem_shared>> -> memref<4096xf32, #tpu.memory_space<vmem_shared>>
      tpu.wait_dma2 semaphore(%run_scoped3A : memref<!tpu.dma_semaphore, #tpu.memory_space<semaphore_mem>>) src(%arg11 : memref<4096xf32, #tpu.memory_space<vmem>>) dst(%dma_wait3A_494 : memref<4096xf32, #tpu.memory_space<vmem_shared>>)
      tpu.yield
    }) : () -> ()
    %barrier3A = arith.constant 0 : index
    tpu.barrier barrier_id(%barrier3A)
    %mul3A_70 = arith.constant 256 : i32
    %mul3A_71 = arith.muli %arg1, %mul3A_70 : i32
    "tpu.region"() ({
      %run_scoped3A = tpu.sem_alloc : memref<!tpu.dma_semaphore, #tpu.memory_space<semaphore_mem>>
      %dma_start3A = arith.constant 0 : i32
      %dma_start3A_485 = tpu.memref_slice %arg17[%dma_start3A, %mul3A_71] : memref<16x4096xf32, #tpu.memory_space<vmem_shared>> -> memref<16x256xf32, #tpu.memory_space<vmem_shared>>
      %dma_start3A_486 = arith.constant 0 : i32
      %dma_start3A_487 = tpu.memref_slice %arg17[%dma_start3A_486, %mul3A_71] : memref<16x4096xf32, #tpu.memory_space<vmem_shared>> -> memref<16x256xf32, #tpu.memory_space<vmem_shared>>
      tpu.enqueue_dma source(%dma_start3A_487 : memref<16x256xf32, #tpu.memory_space<vmem_shared>>) target(%arg12 : memref<16x256xf32, #tpu.memory_space<vmem>>) target_semaphore(%run_scoped3A : memref<!tpu.dma_semaphore, #tpu.memory_space<semaphore_mem>>)
      %dma_wait3A = arith.constant 0 : i32
      %dma_wait3A_488 = tpu.memref_slice %arg17[%dma_wait3A, %mul3A_71] : memref<16x4096xf32, #tpu.memory_space<vmem_shared>> -> memref<16x256xf32, #tpu.memory_space<vmem_shared>>
      %dma_wait3A_489 = arith.constant 0 : i32
      %dma_wait3A_490 = tpu.memref_slice %arg17[%dma_wait3A_489, %mul3A_71] : memref<16x4096xf32, #tpu.memory_space<vmem_shared>> -> memref<16x256xf32, #tpu.memory_space<vmem_shared>>
      tpu.wait_dma2 semaphore(%run_scoped3A : memref<!tpu.dma_semaphore, #tpu.memory_space<semaphore_mem>>) src(%dma_wait3A_490 : memref<16x256xf32, #tpu.memory_space<vmem_shared>>) dst(%arg12 : memref<16x256xf32, #tpu.memory_space<vmem>>)
      tpu.yield
    }) : () -> ()
    %scan3A_72 = arith.constant 0 : i32
    %scan3A_73 = arith.constant 0 : i32
    %scan3A_74 = arith.constant 16 : i32
    %scan3A_75 = arith.addi %scan3A_73, %scan3A_74 : i32
    %scan3A_76 = arith.constant 4 : i32
    %scan3A_77 = scf.for %scan3A_485 = %scan3A_73 to %scan3A_75 step %scan3A_76 iter_args(%scan3A_486 = %scan3A_72) -> (i32)  : i32 {
      %mul3A_487 = arith.constant 16 : i32
      %mul3A_488 = arith.muli %scan3A_485, %mul3A_487 : i32
      %get3A_489 = arith.constant 0 : i32
      %get3A_490 = arith.index_cast %get3A_489 : i32 to index
      %get3A_491 = arith.index_cast %mul3A_488 : i32 to index
      %get3A_492 = tpu.vector_load %arg12[%get3A_490, %get3A_491] {strides = array<i32>} : memref<16x256xf32, #tpu.memory_space<vmem>>, vector<16xf32>,
      %mul3A_493 = arith.constant 16 : i32
      %mul3A_494 = arith.muli %scan3A_485, %mul3A_493 : i32
      %get3A_495 = arith.constant 1 : i32
      %get3A_496 = arith.index_cast %get3A_495 : i32 to index
      %get3A_497 = arith.index_cast %mul3A_494 : i32 to index
      %get3A_498 = tpu.vector_load %arg12[%get3A_496, %get3A_497] {strides = array<i32>} : memref<16x256xf32, #tpu.memory_space<vmem>>, vector<16xf32>,
      %max3A_499 = arith.maximumf %get3A_492, %get3A_498 : vector<16xf32>
      %mul3A_500 = arith.constant 16 : i32
      %mul3A_501 = arith.muli %scan3A_485, %mul3A_500 : i32
      %get3A_502 = arith.constant 2 : i32
      %get3A_503 = arith.index_cast %get3A_502 : i32 to index
      %get3A_504 = arith.index_cast %mul3A_501 : i32 to index
      %get3A_505 = tpu.vector_load %arg12[%get3A_503, %get3A_504] {strides = array<i32>} : memref<16x256xf32, #tpu.memory_space<vmem>>, vector<16xf32>,
      %max3A_506 = arith.maximumf %max3A_499, %get3A_505 : vector<16xf32>
      %mul3A_507 = arith.constant 16 : i32
      %mul3A_508 = arith.muli %scan3A_485, %mul3A_507 : i32
      %get3A_509 = arith.constant 3 : i32
      %get3A_510 = arith.index_cast %get3A_509 : i32 to index
      %get3A_511 = arith.index_cast %mul3A_508 : i32 to index
      %get3A_512 = tpu.vector_load %arg12[%get3A_510, %get3A_511] {strides = array<i32>} : memref<16x256xf32, #tpu.memory_space<vmem>>, vector<16xf32>,
      %max3A_513 = arith.maximumf %max3A_506, %get3A_512 : vector<16xf32>
      %mul3A_514 = arith.constant 16 : i32
      %mul3A_515 = arith.muli %scan3A_485, %mul3A_514 : i32
      %get3A_516 = arith.constant 4 : i32
      %get3A_517 = arith.index_cast %get3A_516 : i32 to index
      %get3A_518 = arith.index_cast %mul3A_515 : i32 to index
      %get3A_519 = tpu.vector_load %arg12[%get3A_517, %get3A_518] {strides = array<i32>} : memref<16x256xf32, #tpu.memory_space<vmem>>, vector<16xf32>,
      %max3A_520 = arith.maximumf %max3A_513, %get3A_519 : vector<16xf32>
      %mul3A_521 = arith.constant 16 : i32
      %mul3A_522 = arith.muli %scan3A_485, %mul3A_521 : i32
      %get3A_523 = arith.constant 5 : i32
      %get3A_524 = arith.index_cast %get3A_523 : i32 to index
      %get3A_525 = arith.index_cast %mul3A_522 : i32 to index
      %get3A_526 = tpu.vector_load %arg12[%get3A_524, %get3A_525] {strides = array<i32>} : memref<16x256xf32, #tpu.memory_space<vmem>>, vector<16xf32>,
      %max3A_527 = arith.maximumf %max3A_520, %get3A_526 : vector<16xf32>
      %mul3A_528 = arith.constant 16 : i32
      %mul3A_529 = arith.muli %scan3A_485, %mul3A_528 : i32
      %get3A_530 = arith.constant 6 : i32
      %get3A_531 = arith.index_cast %get3A_530 : i32 to index
      %get3A_532 = arith.index_cast %mul3A_529 : i32 to index
      %get3A_533 = tpu.vector_load %arg12[%get3A_531, %get3A_532] {strides = array<i32>} : memref<16x256xf32, #tpu.memory_space<vmem>>, vector<16xf32>,
      %max3A_534 = arith.maximumf %max3A_527, %get3A_533 : vector<16xf32>
      %mul3A_535 = arith.constant 16 : i32
      %mul3A_536 = arith.muli %scan3A_485, %mul3A_535 : i32
      %get3A_537 = arith.constant 7 : i32
      %get3A_538 = arith.index_cast %get3A_537 : i32 to index
      %get3A_539 = arith.index_cast %mul3A_536 : i32 to index
      %get3A_540 = tpu.vector_load %arg12[%get3A_538, %get3A_539] {strides = array<i32>} : memref<16x256xf32, #tpu.memory_space<vmem>>, vector<16xf32>,
      %max3A_541 = arith.maximumf %max3A_534, %get3A_540 : vector<16xf32>
      %mul3A_542 = arith.constant 16 : i32
      %mul3A_543 = arith.muli %scan3A_485, %mul3A_542 : i32
      %get3A_544 = arith.constant 8 : i32
      %get3A_545 = arith.index_cast %get3A_544 : i32 to index
      %get3A_546 = arith.index_cast %mul3A_543 : i32 to index
      %get3A_547 = tpu.vector_load %arg12[%get3A_545, %get3A_546] {strides = array<i32>} : memref<16x256xf32, #tpu.memory_space<vmem>>, vector<16xf32>,
      %max3A_548 = arith.maximumf %max3A_541, %get3A_547 : vector<16xf32>
      %mul3A_549 = arith.constant 16 : i32
      %mul3A_550 = arith.muli %scan3A_485, %mul3A_549 : i32
      %get3A_551 = arith.constant 9 : i32
      %get3A_552 = arith.index_cast %get3A_551 : i32 to index
      %get3A_553 = arith.index_cast %mul3A_550 : i32 to index
      %get3A_554 = tpu.vector_load %arg12[%get3A_552, %get3A_553] {strides = array<i32>} : memref<16x256xf32, #tpu.memory_space<vmem>>, vector<16xf32>,
      %max3A_555 = arith.maximumf %max3A_548, %get3A_554 : vector<16xf32>
      %mul3A_556 = arith.constant 16 : i32
      %mul3A_557 = arith.muli %scan3A_485, %mul3A_556 : i32
      %get3A_558 = arith.constant 10 : i32
      %get3A_559 = arith.index_cast %get3A_558 : i32 to index
      %get3A_560 = arith.index_cast %mul3A_557 : i32 to index
      %get3A_561 = tpu.vector_load %arg12[%get3A_559, %get3A_560] {strides = array<i32>} : memref<16x256xf32, #tpu.memory_space<vmem>>, vector<16xf32>,
      %max3A_562 = arith.maximumf %max3A_555, %get3A_561 : vector<16xf32>
      %mul3A_563 = arith.constant 16 : i32
      %mul3A_564 = arith.muli %scan3A_485, %mul3A_563 : i32
      %get3A_565 = arith.constant 11 : i32
      %get3A_566 = arith.index_cast %get3A_565 : i32 to index
      %get3A_567 = arith.index_cast %mul3A_564 : i32 to index
      %get3A_568 = tpu.vector_load %arg12[%get3A_566, %get3A_567] {strides = array<i32>} : memref<16x256xf32, #tpu.memory_space<vmem>>, vector<16xf32>,
      %max3A_569 = arith.maximumf %max3A_562, %get3A_568 : vector<16xf32>
      %mul3A_570 = arith.constant 16 : i32
      %mul3A_571 = arith.muli %scan3A_485, %mul3A_570 : i32
      %get3A_572 = arith.constant 12 : i32
      %get3A_573 = arith.index_cast %get3A_572 : i32 to index
      %get3A_574 = arith.index_cast %mul3A_571 : i32 to index
      %get3A_575 = tpu.vector_load %arg12[%get3A_573, %get3A_574] {strides = array<i32>} : memref<16x256xf32, #tpu.memory_space<vmem>>, vector<16xf32>,
      %max3A_576 = arith.maximumf %max3A_569, %get3A_575 : vector<16xf32>
      %mul3A_577 = arith.constant 16 : i32
      %mul3A_578 = arith.muli %scan3A_485, %mul3A_577 : i32
      %get3A_579 = arith.constant 13 : i32
      %get3A_580 = arith.index_cast %get3A_579 : i32 to index
      %get3A_581 = arith.index_cast %mul3A_578 : i32 to index
      %get3A_582 = tpu.vector_load %arg12[%get3A_580, %get3A_581] {strides = array<i32>} : memref<16x256xf32, #tpu.memory_space<vmem>>, vector<16xf32>,
      %max3A_583 = arith.maximumf %max3A_576, %get3A_582 : vector<16xf32>
      %mul3A_584 = arith.constant 16 : i32
      %mul3A_585 = arith.muli %scan3A_485, %mul3A_584 : i32
      %get3A_586 = arith.constant 14 : i32
      %get3A_587 = arith.index_cast %get3A_586 : i32 to index
      %get3A_588 = arith.index_cast %mul3A_585 : i32 to index
      %get3A_589 = tpu.vector_load %arg12[%get3A_587, %get3A_588] {strides = array<i32>} : memref<16x256xf32, #tpu.memory_space<vmem>>, vector<16xf32>,
      %max3A_590 = arith.maximumf %max3A_583, %get3A_589 : vector<16xf32>
      %mul3A_591 = arith.constant 16 : i32
      %mul3A_592 = arith.muli %scan3A_485, %mul3A_591 : i32
      %get3A_593 = arith.constant 15 : i32
      %get3A_594 = arith.index_cast %get3A_593 : i32 to index
      %get3A_595 = arith.index_cast %mul3A_592 : i32 to index
      %get3A_596 = tpu.vector_load %arg12[%get3A_594, %get3A_595] {strides = array<i32>} : memref<16x256xf32, #tpu.memory_space<vmem>>, vector<16xf32>,
      %max3A_597 = arith.maximumf %max3A_590, %get3A_596 : vector<16xf32>
      %mul3A_598 = arith.constant 16 : i32
      %mul3A_599 = arith.muli %scan3A_485, %mul3A_598 : i32
      %swap3A_600 = arith.index_cast %mul3A_599 : i32 to index
      %swap3A_601 = tpu.vector_load %arg13[%swap3A_600] {strides = array<i32>} : memref<256xf32, #tpu.memory_space<vmem>>, vector<16xf32>,
      tpu.vector_store %arg13[%swap3A_600], %max3A_597 {strides = array<i32>} : memref<256xf32, #tpu.memory_space<vmem>>, vector<16xf32>,
      %scan3A_602 = arith.constant 0 : i32
      %scan3A_603 = arith.constant 1 : i32
      %scan3A_604 = arith.addi %scan3A_485, %scan3A_603 : i32
      %mul3A_605 = arith.constant 16 : i32
      %mul3A_606 = arith.muli %scan3A_604, %mul3A_605 : i32
      %get3A_607 = arith.constant 0 : i32
      %get3A_608 = arith.index_cast %get3A_607 : i32 to index
      %get3A_609 = arith.index_cast %mul3A_606 : i32 to index
      %get3A_610 = tpu.vector_load %arg12[%get3A_608, %get3A_609] {strides = array<i32>} : memref<16x256xf32, #tpu.memory_space<vmem>>, vector<16xf32>,
      %mul3A_611 = arith.constant 16 : i32
      %mul3A_612 = arith.muli %scan3A_604, %mul3A_611 : i32
      %get3A_613 = arith.constant 1 : i32
      %get3A_614 = arith.index_cast %get3A_613 : i32 to index
      %get3A_615 = arith.index_cast %mul3A_612 : i32 to index
      %get3A_616 = tpu.vector_load %arg12[%get3A_614, %get3A_615] {strides = array<i32>} : memref<16x256xf32, #tpu.memory_space<vmem>>, vector<16xf32>,
      %max3A_617 = arith.maximumf %get3A_610, %get3A_616 : vector<16xf32>
      %mul3A_618 = arith.constant 16 : i32
      %mul3A_619 = arith.muli %scan3A_604, %mul3A_618 : i32
      %get3A_620 = arith.constant 2 : i32
      %get3A_621 = arith.index_cast %get3A_620 : i32 to index
      %get3A_622 = arith.index_cast %mul3A_619 : i32 to index
      %get3A_623 = tpu.vector_load %arg12[%get3A_621, %get3A_622] {strides = array<i32>} : memref<16x256xf32, #tpu.memory_space<vmem>>, vector<16xf32>,
      %max3A_624 = arith.maximumf %max3A_617, %get3A_623 : vector<16xf32>
      %mul3A_625 = arith.constant 16 : i32
      %mul3A_626 = arith.muli %scan3A_604, %mul3A_625 : i32
      %get3A_627 = arith.constant 3 : i32
      %get3A_628 = arith.index_cast %get3A_627 : i32 to index
      %get3A_629 = arith.index_cast %mul3A_626 : i32 to index
      %get3A_630 = tpu.vector_load %arg12[%get3A_628, %get3A_629] {strides = array<i32>} : memref<16x256xf32, #tpu.memory_space<vmem>>, vector<16xf32>,
      %max3A_631 = arith.maximumf %max3A_624, %get3A_630 : vector<16xf32>
      %mul3A_632 = arith.constant 16 : i32
      %mul3A_633 = arith.muli %scan3A_604, %mul3A_632 : i32
      %get3A_634 = arith.constant 4 : i32
      %get3A_635 = arith.index_cast %get3A_634 : i32 to index
      %get3A_636 = arith.index_cast %mul3A_633 : i32 to index
      %get3A_637 = tpu.vector_load %arg12[%get3A_635, %get3A_636] {strides = array<i32>} : memref<16x256xf32, #tpu.memory_space<vmem>>, vector<16xf32>,
      %max3A_638 = arith.maximumf %max3A_631, %get3A_637 : vector<16xf32>
      %mul3A_639 = arith.constant 16 : i32
      %mul3A_640 = arith.muli %scan3A_604, %mul3A_639 : i32
      %get3A_641 = arith.constant 5 : i32
      %get3A_642 = arith.index_cast %get3A_641 : i32 to index
      %get3A_643 = arith.index_cast %mul3A_640 : i32 to index
      %get3A_644 = tpu.vector_load %arg12[%get3A_642, %get3A_643] {strides = array<i32>} : memref<16x256xf32, #tpu.memory_space<vmem>>, vector<16xf32>,
      %max3A_645 = arith.maximumf %max3A_638, %get3A_644 : vector<16xf32>
      %mul3A_646 = arith.constant 16 : i32
      %mul3A_647 = arith.muli %scan3A_604, %mul3A_646 : i32
      %get3A_648 = arith.constant 6 : i32
      %get3A_649 = arith.index_cast %get3A_648 : i32 to index
      %get3A_650 = arith.index_cast %mul3A_647 : i32 to index
      %get3A_651 = tpu.vector_load %arg12[%get3A_649, %get3A_650] {strides = array<i32>} : memref<16x256xf32, #tpu.memory_space<vmem>>, vector<16xf32>,
      %max3A_652 = arith.maximumf %max3A_645, %get3A_651 : vector<16xf32>
      %mul3A_653 = arith.constant 16 : i32
      %mul3A_654 = arith.muli %scan3A_604, %mul3A_653 : i32
      %get3A_655 = arith.constant 7 : i32
      %get3A_656 = arith.index_cast %get3A_655 : i32 to index
      %get3A_657 = arith.index_cast %mul3A_654 : i32 to index
      %get3A_658 = tpu.vector_load %arg12[%get3A_656, %get3A_657] {strides = array<i32>} : memref<16x256xf32, #tpu.memory_space<vmem>>, vector<16xf32>,
      %max3A_659 = arith.maximumf %max3A_652, %get3A_658 : vector<16xf32>
      %mul3A_660 = arith.constant 16 : i32
      %mul3A_661 = arith.muli %scan3A_604, %mul3A_660 : i32
      %get3A_662 = arith.constant 8 : i32
      %get3A_663 = arith.index_cast %get3A_662 : i32 to index
      %get3A_664 = arith.index_cast %mul3A_661 : i32 to index
      %get3A_665 = tpu.vector_load %arg12[%get3A_663, %get3A_664] {strides = array<i32>} : memref<16x256xf32, #tpu.memory_space<vmem>>, vector<16xf32>,
      %max3A_666 = arith.maximumf %max3A_659, %get3A_665 : vector<16xf32>
      %mul3A_667 = arith.constant 16 : i32
      %mul3A_668 = arith.muli %scan3A_604, %mul3A_667 : i32
      %get3A_669 = arith.constant 9 : i32
      %get3A_670 = arith.index_cast %get3A_669 : i32 to index
      %get3A_671 = arith.index_cast %mul3A_668 : i32 to index
      %get3A_672 = tpu.vector_load %arg12[%get3A_670, %get3A_671] {strides = array<i32>} : memref<16x256xf32, #tpu.memory_space<vmem>>, vector<16xf32>,
      %max3A_673 = arith.maximumf %max3A_666, %get3A_672 : vector<16xf32>
      %mul3A_674 = arith.constant 16 : i32
      %mul3A_675 = arith.muli %scan3A_604, %mul3A_674 : i32
      %get3A_676 = arith.constant 10 : i32
      %get3A_677 = arith.index_cast %get3A_676 : i32 to index
      %get3A_678 = arith.index_cast %mul3A_675 : i32 to index
      %get3A_679 = tpu.vector_load %arg12[%get3A_677, %get3A_678] {strides = array<i32>} : memref<16x256xf32, #tpu.memory_space<vmem>>, vector<16xf32>,
      %max3A_680 = arith.maximumf %max3A_673, %get3A_679 : vector<16xf32>
      %mul3A_681 = arith.constant 16 : i32
      %mul3A_682 = arith.muli %scan3A_604, %mul3A_681 : i32
      %get3A_683 = arith.constant 11 : i32
      %get3A_684 = arith.index_cast %get3A_683 : i32 to index
      %get3A_685 = arith.index_cast %mul3A_682 : i32 to index
      %get3A_686 = tpu.vector_load %arg12[%get3A_684, %get3A_685] {strides = array<i32>} : memref<16x256xf32, #tpu.memory_space<vmem>>, vector<16xf32>,
      %max3A_687 = arith.maximumf %max3A_680, %get3A_686 : vector<16xf32>
      %mul3A_688 = arith.constant 16 : i32
      %mul3A_689 = arith.muli %scan3A_604, %mul3A_688 : i32
      %get3A_690 = arith.constant 12 : i32
      %get3A_691 = arith.index_cast %get3A_690 : i32 to index
      %get3A_692 = arith.index_cast %mul3A_689 : i32 to index
      %get3A_693 = tpu.vector_load %arg12[%get3A_691, %get3A_692] {strides = array<i32>} : memref<16x256xf32, #tpu.memory_space<vmem>>, vector<16xf32>,
      %max3A_694 = arith.maximumf %max3A_687, %get3A_693 : vector<16xf32>
      %mul3A_695 = arith.constant 16 : i32
      %mul3A_696 = arith.muli %scan3A_604, %mul3A_695 : i32
      %get3A_697 = arith.constant 13 : i32
      %get3A_698 = arith.index_cast %get3A_697 : i32 to index
      %get3A_699 = arith.index_cast %mul3A_696 : i32 to index
      %get3A_700 = tpu.vector_load %arg12[%get3A_698, %get3A_699] {strides = array<i32>} : memref<16x256xf32, #tpu.memory_space<vmem>>, vector<16xf32>,
      %max3A_701 = arith.maximumf %max3A_694, %get3A_700 : vector<16xf32>
      %mul3A_702 = arith.constant 16 : i32
      %mul3A_703 = arith.muli %scan3A_604, %mul3A_702 : i32
      %get3A_704 = arith.constant 14 : i32
      %get3A_705 = arith.index_cast %get3A_704 : i32 to index
      %get3A_706 = arith.index_cast %mul3A_703 : i32 to index
      %get3A_707 = tpu.vector_load %arg12[%get3A_705, %get3A_706] {strides = array<i32>} : memref<16x256xf32, #tpu.memory_space<vmem>>, vector<16xf32>,
      %max3A_708 = arith.maximumf %max3A_701, %get3A_707 : vector<16xf32>
      %mul3A_709 = arith.constant 16 : i32
      %mul3A_710 = arith.muli %scan3A_604, %mul3A_709 : i32
      %get3A_711 = arith.constant 15 : i32
      %get3A_712 = arith.index_cast %get3A_711 : i32 to index
      %get3A_713 = arith.index_cast %mul3A_710 : i32 to index
      %get3A_714 = tpu.vector_load %arg12[%get3A_712, %get3A_713] {strides = array<i32>} : memref<16x256xf32, #tpu.memory_space<vmem>>, vector<16xf32>,
      %max3A_715 = arith.maximumf %max3A_708, %get3A_714 : vector<16xf32>
      %mul3A_716 = arith.constant 16 : i32
      %mul3A_717 = arith.muli %scan3A_604, %mul3A_716 : i32
      %swap3A_718 = arith.index_cast %mul3A_717 : i32 to index
      %swap3A_719 = tpu.vector_load %arg13[%swap3A_718] {strides = array<i32>} : memref<256xf32, #tpu.memory_space<vmem>>, vector<16xf32>,
      tpu.vector_store %arg13[%swap3A_718], %max3A_715 {strides = array<i32>} : memref<256xf32, #tpu.memory_space<vmem>>, vector<16xf32>,
      %scan3A_720 = arith.constant 0 : i32
      %scan3A_721 = arith.constant 2 : i32
      %scan3A_722 = arith.addi %scan3A_485, %scan3A_721 : i32
      %mul3A_723 = arith.constant 16 : i32
      %mul3A_724 = arith.muli %scan3A_722, %mul3A_723 : i32
      %get3A_725 = arith.constant 0 : i32
      %get3A_726 = arith.index_cast %get3A_725 : i32 to index
      %get3A_727 = arith.index_cast %mul3A_724 : i32 to index
      %get3A_728 = tpu.vector_load %arg12[%get3A_726, %get3A_727] {strides = array<i32>} : memref<16x256xf32, #tpu.memory_space<vmem>>, vector<16xf32>,
      %mul3A_729 = arith.constant 16 : i32
      %mul3A_730 = arith.muli %scan3A_722, %mul3A_729 : i32
      %get3A_731 = arith.constant 1 : i32
      %get3A_732 = arith.index_cast %get3A_731 : i32 to index
      %get3A_733 = arith.index_cast %mul3A_730 : i32 to index
      %get3A_734 = tpu.vector_load %arg12[%get3A_732, %get3A_733] {strides = array<i32>} : memref<16x256xf32, #tpu.memory_space<vmem>>, vector<16xf32>,
      %max3A_735 = arith.maximumf %get3A_728, %get3A_734 : vector<16xf32>
      %mul3A_736 = arith.constant 16 : i32
      %mul3A_737 = arith.muli %scan3A_722, %mul3A_736 : i32
      %get3A_738 = arith.constant 2 : i32
      %get3A_739 = arith.index_cast %get3A_738 : i32 to index
      %get3A_740 = arith.index_cast %mul3A_737 : i32 to index
      %get3A_741 = tpu.vector_load %arg12[%get3A_739, %get3A_740] {strides = array<i32>} : memref<16x256xf32, #tpu.memory_space<vmem>>, vector<16xf32>,
      %max3A_742 = arith.maximumf %max3A_735, %get3A_741 : vector<16xf32>
      %mul3A_743 = arith.constant 16 : i32
      %mul3A_744 = arith.muli %scan3A_722, %mul3A_743 : i32
      %get3A_745 = arith.constant 3 : i32
      %get3A_746 = arith.index_cast %get3A_745 : i32 to index
      %get3A_747 = arith.index_cast %mul3A_744 : i32 to index
      %get3A_748 = tpu.vector_load %arg12[%get3A_746, %get3A_747] {strides = array<i32>} : memref<16x256xf32, #tpu.memory_space<vmem>>, vector<16xf32>,
      %max3A_749 = arith.maximumf %max3A_742, %get3A_748 : vector<16xf32>
      %mul3A_750 = arith.constant 16 : i32
      %mul3A_751 = arith.muli %scan3A_722, %mul3A_750 : i32
      %get3A_752 = arith.constant 4 : i32
      %get3A_753 = arith.index_cast %get3A_752 : i32 to index
      %get3A_754 = arith.index_cast %mul3A_751 : i32 to index
      %get3A_755 = tpu.vector_load %arg12[%get3A_753, %get3A_754] {strides = array<i32>} : memref<16x256xf32, #tpu.memory_space<vmem>>, vector<16xf32>,
      %max3A_756 = arith.maximumf %max3A_749, %get3A_755 : vector<16xf32>
      %mul3A_757 = arith.constant 16 : i32
      %mul3A_758 = arith.muli %scan3A_722, %mul3A_757 : i32
      %get3A_759 = arith.constant 5 : i32
      %get3A_760 = arith.index_cast %get3A_759 : i32 to index
      %get3A_761 = arith.index_cast %mul3A_758 : i32 to index
      %get3A_762 = tpu.vector_load %arg12[%get3A_760, %get3A_761] {strides = array<i32>} : memref<16x256xf32, #tpu.memory_space<vmem>>, vector<16xf32>,
      %max3A_763 = arith.maximumf %max3A_756, %get3A_762 : vector<16xf32>
      %mul3A_764 = arith.constant 16 : i32
      %mul3A_765 = arith.muli %scan3A_722, %mul3A_764 : i32
      %get3A_766 = arith.constant 6 : i32
      %get3A_767 = arith.index_cast %get3A_766 : i32 to index
      %get3A_768 = arith.index_cast %mul3A_765 : i32 to index
      %get3A_769 = tpu.vector_load %arg12[%get3A_767, %get3A_768] {strides = array<i32>} : memref<16x256xf32, #tpu.memory_space<vmem>>, vector<16xf32>,
      %max3A_770 = arith.maximumf %max3A_763, %get3A_769 : vector<16xf32>
      %mul3A_771 = arith.constant 16 : i32
      %mul3A_772 = arith.muli %scan3A_722, %mul3A_771 : i32
      %get3A_773 = arith.constant 7 : i32
      %get3A_774 = arith.index_cast %get3A_773 : i32 to index
      %get3A_775 = arith.index_cast %mul3A_772 : i32 to index
      %get3A_776 = tpu.vector_load %arg12[%get3A_774, %get3A_775] {strides = array<i32>} : memref<16x256xf32, #tpu.memory_space<vmem>>, vector<16xf32>,
      %max3A_777 = arith.maximumf %max3A_770, %get3A_776 : vector<16xf32>
      %mul3A_778 = arith.constant 16 : i32
      %mul3A_779 = arith.muli %scan3A_722, %mul3A_778 : i32
      %get3A_780 = arith.constant 8 : i32
      %get3A_781 = arith.index_cast %get3A_780 : i32 to index
      %get3A_782 = arith.index_cast %mul3A_779 : i32 to index
      %get3A_783 = tpu.vector_load %arg12[%get3A_781, %get3A_782] {strides = array<i32>} : memref<16x256xf32, #tpu.memory_space<vmem>>, vector<16xf32>,
      %max3A_784 = arith.maximumf %max3A_777, %get3A_783 : vector<16xf32>
      %mul3A_785 = arith.constant 16 : i32
      %mul3A_786 = arith.muli %scan3A_722, %mul3A_785 : i32
      %get3A_787 = arith.constant 9 : i32
      %get3A_788 = arith.index_cast %get3A_787 : i32 to index
      %get3A_789 = arith.index_cast %mul3A_786 : i32 to index
      %get3A_790 = tpu.vector_load %arg12[%get3A_788, %get3A_789] {strides = array<i32>} : memref<16x256xf32, #tpu.memory_space<vmem>>, vector<16xf32>,
      %max3A_791 = arith.maximumf %max3A_784, %get3A_790 : vector<16xf32>
      %mul3A_792 = arith.constant 16 : i32
      %mul3A_793 = arith.muli %scan3A_722, %mul3A_792 : i32
      %get3A_794 = arith.constant 10 : i32
      %get3A_795 = arith.index_cast %get3A_794 : i32 to index
      %get3A_796 = arith.index_cast %mul3A_793 : i32 to index
      %get3A_797 = tpu.vector_load %arg12[%get3A_795, %get3A_796] {strides = array<i32>} : memref<16x256xf32, #tpu.memory_space<vmem>>, vector<16xf32>,
      %max3A_798 = arith.maximumf %max3A_791, %get3A_797 : vector<16xf32>
      %mul3A_799 = arith.constant 16 : i32
      %mul3A_800 = arith.muli %scan3A_722, %mul3A_799 : i32
      %get3A_801 = arith.constant 11 : i32
      %get3A_802 = arith.index_cast %get3A_801 : i32 to index
      %get3A_803 = arith.index_cast %mul3A_800 : i32 to index
      %get3A_804 = tpu.vector_load %arg12[%get3A_802, %get3A_803] {strides = array<i32>} : memref<16x256xf32, #tpu.memory_space<vmem>>, vector<16xf32>,
      %max3A_805 = arith.maximumf %max3A_798, %get3A_804 : vector<16xf32>
      %mul3A_806 = arith.constant 16 : i32
      %mul3A_807 = arith.muli %scan3A_722, %mul3A_806 : i32
      %get3A_808 = arith.constant 12 : i32
      %get3A_809 = arith.index_cast %get3A_808 : i32 to index
      %get3A_810 = arith.index_cast %mul3A_807 : i32 to index
      %get3A_811 = tpu.vector_load %arg12[%get3A_809, %get3A_810] {strides = array<i32>} : memref<16x256xf32, #tpu.memory_space<vmem>>, vector<16xf32>,
      %max3A_812 = arith.maximumf %max3A_805, %get3A_811 : vector<16xf32>
      %mul3A_813 = arith.constant 16 : i32
      %mul3A_814 = arith.muli %scan3A_722, %mul3A_813 : i32
      %get3A_815 = arith.constant 13 : i32
      %get3A_816 = arith.index_cast %get3A_815 : i32 to index
      %get3A_817 = arith.index_cast %mul3A_814 : i32 to index
      %get3A_818 = tpu.vector_load %arg12[%get3A_816, %get3A_817] {strides = array<i32>} : memref<16x256xf32, #tpu.memory_space<vmem>>, vector<16xf32>,
      %max3A_819 = arith.maximumf %max3A_812, %get3A_818 : vector<16xf32>
      %mul3A_820 = arith.constant 16 : i32
      %mul3A_821 = arith.muli %scan3A_722, %mul3A_820 : i32
      %get3A_822 = arith.constant 14 : i32
      %get3A_823 = arith.index_cast %get3A_822 : i32 to index
      %get3A_824 = arith.index_cast %mul3A_821 : i32 to index
      %get3A_825 = tpu.vector_load %arg12[%get3A_823, %get3A_824] {strides = array<i32>} : memref<16x256xf32, #tpu.memory_space<vmem>>, vector<16xf32>,
      %max3A_826 = arith.maximumf %max3A_819, %get3A_825 : vector<16xf32>
      %mul3A_827 = arith.constant 16 : i32
      %mul3A_828 = arith.muli %scan3A_722, %mul3A_827 : i32
      %get3A_829 = arith.constant 15 : i32
      %get3A_830 = arith.index_cast %get3A_829 : i32 to index
      %get3A_831 = arith.index_cast %mul3A_828 : i32 to index
      %get3A_832 = tpu.vector_load %arg12[%get3A_830, %get3A_831] {strides = array<i32>} : memref<16x256xf32, #tpu.memory_space<vmem>>, vector<16xf32>,
      %max3A_833 = arith.maximumf %max3A_826, %get3A_832 : vector<16xf32>
      %mul3A_834 = arith.constant 16 : i32
      %mul3A_835 = arith.muli %scan3A_722, %mul3A_834 : i32
      %swap3A_836 = arith.index_cast %mul3A_835 : i32 to index
      %swap3A_837 = tpu.vector_load %arg13[%swap3A_836] {strides = array<i32>} : memref<256xf32, #tpu.memory_space<vmem>>, vector<16xf32>,
      tpu.vector_store %arg13[%swap3A_836], %max3A_833 {strides = array<i32>} : memref<256xf32, #tpu.memory_space<vmem>>, vector<16xf32>,
      %scan3A_838 = arith.constant 0 : i32
      %scan3A_839 = arith.constant 3 : i32
      %scan3A_840 = arith.addi %scan3A_485, %scan3A_839 : i32
      %mul3A_841 = arith.constant 16 : i32
      %mul3A_842 = arith.muli %scan3A_840, %mul3A_841 : i32
      %get3A_843 = arith.constant 0 : i32
      %get3A_844 = arith.index_cast %get3A_843 : i32 to index
      %get3A_845 = arith.index_cast %mul3A_842 : i32 to index
      %get3A_846 = tpu.vector_load %arg12[%get3A_844, %get3A_845] {strides = array<i32>} : memref<16x256xf32, #tpu.memory_space<vmem>>, vector<16xf32>,
      %mul3A_847 = arith.constant 16 : i32
      %mul3A_848 = arith.muli %scan3A_840, %mul3A_847 : i32
      %get3A_849 = arith.constant 1 : i32
      %get3A_850 = arith.index_cast %get3A_849 : i32 to index
      %get3A_851 = arith.index_cast %mul3A_848 : i32 to index
      %get3A_852 = tpu.vector_load %arg12[%get3A_850, %get3A_851] {strides = array<i32>} : memref<16x256xf32, #tpu.memory_space<vmem>>, vector<16xf32>,
      %max3A_853 = arith.maximumf %get3A_846, %get3A_852 : vector<16xf32>
      %mul3A_854 = arith.constant 16 : i32
      %mul3A_855 = arith.muli %scan3A_840, %mul3A_854 : i32
      %get3A_856 = arith.constant 2 : i32
      %get3A_857 = arith.index_cast %get3A_856 : i32 to index
      %get3A_858 = arith.index_cast %mul3A_855 : i32 to index
      %get3A_859 = tpu.vector_load %arg12[%get3A_857, %get3A_858] {strides = array<i32>} : memref<16x256xf32, #tpu.memory_space<vmem>>, vector<16xf32>,
      %max3A_860 = arith.maximumf %max3A_853, %get3A_859 : vector<16xf32>
      %mul3A_861 = arith.constant 16 : i32
      %mul3A_862 = arith.muli %scan3A_840, %mul3A_861 : i32
      %get3A_863 = arith.constant 3 : i32
      %get3A_864 = arith.index_cast %get3A_863 : i32 to index
      %get3A_865 = arith.index_cast %mul3A_862 : i32 to index
      %get3A_866 = tpu.vector_load %arg12[%get3A_864, %get3A_865] {strides = array<i32>} : memref<16x256xf32, #tpu.memory_space<vmem>>, vector<16xf32>,
      %max3A_867 = arith.maximumf %max3A_860, %get3A_866 : vector<16xf32>
      %mul3A_868 = arith.constant 16 : i32
      %mul3A_869 = arith.muli %scan3A_840, %mul3A_868 : i32
      %get3A_870 = arith.constant 4 : i32
      %get3A_871 = arith.index_cast %get3A_870 : i32 to index
      %get3A_872 = arith.index_cast %mul3A_869 : i32 to index
      %get3A_873 = tpu.vector_load %arg12[%get3A_871, %get3A_872] {strides = array<i32>} : memref<16x256xf32, #tpu.memory_space<vmem>>, vector<16xf32>,
      %max3A_874 = arith.maximumf %max3A_867, %get3A_873 : vector<16xf32>
      %mul3A_875 = arith.constant 16 : i32
      %mul3A_876 = arith.muli %scan3A_840, %mul3A_875 : i32
      %get3A_877 = arith.constant 5 : i32
      %get3A_878 = arith.index_cast %get3A_877 : i32 to index
      %get3A_879 = arith.index_cast %mul3A_876 : i32 to index
      %get3A_880 = tpu.vector_load %arg12[%get3A_878, %get3A_879] {strides = array<i32>} : memref<16x256xf32, #tpu.memory_space<vmem>>, vector<16xf32>,
      %max3A_881 = arith.maximumf %max3A_874, %get3A_880 : vector<16xf32>
      %mul3A_882 = arith.constant 16 : i32
      %mul3A_883 = arith.muli %scan3A_840, %mul3A_882 : i32
      %get3A_884 = arith.constant 6 : i32
      %get3A_885 = arith.index_cast %get3A_884 : i32 to index
      %get3A_886 = arith.index_cast %mul3A_883 : i32 to index
      %get3A_887 = tpu.vector_load %arg12[%get3A_885, %get3A_886] {strides = array<i32>} : memref<16x256xf32, #tpu.memory_space<vmem>>, vector<16xf32>,
      %max3A_888 = arith.maximumf %max3A_881, %get3A_887 : vector<16xf32>
      %mul3A_889 = arith.constant 16 : i32
      %mul3A_890 = arith.muli %scan3A_840, %mul3A_889 : i32
      %get3A_891 = arith.constant 7 : i32
      %get3A_892 = arith.index_cast %get3A_891 : i32 to index
      %get3A_893 = arith.index_cast %mul3A_890 : i32 to index
      %get3A_894 = tpu.vector_load %arg12[%get3A_892, %get3A_893] {strides = array<i32>} : memref<16x256xf32, #tpu.memory_space<vmem>>, vector<16xf32>,
      %max3A_895 = arith.maximumf %max3A_888, %get3A_894 : vector<16xf32>
      %mul3A_896 = arith.constant 16 : i32
      %mul3A_897 = arith.muli %scan3A_840, %mul3A_896 : i32
      %get3A_898 = arith.constant 8 : i32
      %get3A_899 = arith.index_cast %get3A_898 : i32 to index
      %get3A_900 = arith.index_cast %mul3A_897 : i32 to index
      %get3A_901 = tpu.vector_load %arg12[%get3A_899, %get3A_900] {strides = array<i32>} : memref<16x256xf32, #tpu.memory_space<vmem>>, vector<16xf32>,
      %max3A_902 = arith.maximumf %max3A_895, %get3A_901 : vector<16xf32>
      %mul3A_903 = arith.constant 16 : i32
      %mul3A_904 = arith.muli %scan3A_840, %mul3A_903 : i32
      %get3A_905 = arith.constant 9 : i32
      %get3A_906 = arith.index_cast %get3A_905 : i32 to index
      %get3A_907 = arith.index_cast %mul3A_904 : i32 to index
      %get3A_908 = tpu.vector_load %arg12[%get3A_906, %get3A_907] {strides = array<i32>} : memref<16x256xf32, #tpu.memory_space<vmem>>, vector<16xf32>,
      %max3A_909 = arith.maximumf %max3A_902, %get3A_908 : vector<16xf32>
      %mul3A_910 = arith.constant 16 : i32
      %mul3A_911 = arith.muli %scan3A_840, %mul3A_910 : i32
      %get3A_912 = arith.constant 10 : i32
      %get3A_913 = arith.index_cast %get3A_912 : i32 to index
      %get3A_914 = arith.index_cast %mul3A_911 : i32 to index
      %get3A_915 = tpu.vector_load %arg12[%get3A_913, %get3A_914] {strides = array<i32>} : memref<16x256xf32, #tpu.memory_space<vmem>>, vector<16xf32>,
      %max3A_916 = arith.maximumf %max3A_909, %get3A_915 : vector<16xf32>
      %mul3A_917 = arith.constant 16 : i32
      %mul3A_918 = arith.muli %scan3A_840, %mul3A_917 : i32
      %get3A_919 = arith.constant 11 : i32
      %get3A_920 = arith.index_cast %get3A_919 : i32 to index
      %get3A_921 = arith.index_cast %mul3A_918 : i32 to index
      %get3A_922 = tpu.vector_load %arg12[%get3A_920, %get3A_921] {strides = array<i32>} : memref<16x256xf32, #tpu.memory_space<vmem>>, vector<16xf32>,
      %max3A_923 = arith.maximumf %max3A_916, %get3A_922 : vector<16xf32>
      %mul3A_924 = arith.constant 16 : i32
      %mul3A_925 = arith.muli %scan3A_840, %mul3A_924 : i32
      %get3A_926 = arith.constant 12 : i32
      %get3A_927 = arith.index_cast %get3A_926 : i32 to index
      %get3A_928 = arith.index_cast %mul3A_925 : i32 to index
      %get3A_929 = tpu.vector_load %arg12[%get3A_927, %get3A_928] {strides = array<i32>} : memref<16x256xf32, #tpu.memory_space<vmem>>, vector<16xf32>,
      %max3A_930 = arith.maximumf %max3A_923, %get3A_929 : vector<16xf32>
      %mul3A_931 = arith.constant 16 : i32
      %mul3A_932 = arith.muli %scan3A_840, %mul3A_931 : i32
      %get3A_933 = arith.constant 13 : i32
      %get3A_934 = arith.index_cast %get3A_933 : i32 to index
      %get3A_935 = arith.index_cast %mul3A_932 : i32 to index
      %get3A_936 = tpu.vector_load %arg12[%get3A_934, %get3A_935] {strides = array<i32>} : memref<16x256xf32, #tpu.memory_space<vmem>>, vector<16xf32>,
      %max3A_937 = arith.maximumf %max3A_930, %get3A_936 : vector<16xf32>
      %mul3A_938 = arith.constant 16 : i32
      %mul3A_939 = arith.muli %scan3A_840, %mul3A_938 : i32
      %get3A_940 = arith.constant 14 : i32
      %get3A_941 = arith.index_cast %get3A_940 : i32 to index
      %get3A_942 = arith.index_cast %mul3A_939 : i32 to index
      %get3A_943 = tpu.vector_load %arg12[%get3A_941, %get3A_942] {strides = array<i32>} : memref<16x256xf32, #tpu.memory_space<vmem>>, vector<16xf32>,
      %max3A_944 = arith.maximumf %max3A_937, %get3A_943 : vector<16xf32>
      %mul3A_945 = arith.constant 16 : i32
      %mul3A_946 = arith.muli %scan3A_840, %mul3A_945 : i32
      %get3A_947 = arith.constant 15 : i32
      %get3A_948 = arith.index_cast %get3A_947 : i32 to index
      %get3A_949 = arith.index_cast %mul3A_946 : i32 to index
      %get3A_950 = tpu.vector_load %arg12[%get3A_948, %get3A_949] {strides = array<i32>} : memref<16x256xf32, #tpu.memory_space<vmem>>, vector<16xf32>,
      %max3A_951 = arith.maximumf %max3A_944, %get3A_950 : vector<16xf32>
      %mul3A_952 = arith.constant 16 : i32
      %mul3A_953 = arith.muli %scan3A_840, %mul3A_952 : i32
      %swap3A_954 = arith.index_cast %mul3A_953 : i32 to index
      %swap3A_955 = tpu.vector_load %arg13[%swap3A_954] {strides = array<i32>} : memref<256xf32, #tpu.memory_space<vmem>>, vector<16xf32>,
      tpu.vector_store %arg13[%swap3A_954], %max3A_951 {strides = array<i32>} : memref<256xf32, #tpu.memory_space<vmem>>, vector<16xf32>,
      %scan3A_956 = arith.constant 0 : i32
      scf.yield %scan3A_956 : i32
    }
    %scan3A_78 = arith.constant 16 : i32
    "tpu.region"() ({
      %run_scoped3A = tpu.sem_alloc : memref<!tpu.dma_semaphore, #tpu.memory_space<semaphore_mem>>
      %dma_start3A = tpu.memref_slice %arg18[%mul3A_71] : memref<4096xf32, #tpu.memory_space<vmem_shared>> -> memref<256xf32, #tpu.memory_space<vmem_shared>>
      %dma_start3A_485 = tpu.memref_slice %arg18[%mul3A_71] : memref<4096xf32, #tpu.memory_space<vmem_shared>> -> memref<256xf32, #tpu.memory_space<vmem_shared>>
      tpu.enqueue_dma source(%arg13 : memref<256xf32, #tpu.memory_space<vmem>>) target(%dma_start3A_485 : memref<256xf32, #tpu.memory_space<vmem_shared>>) target_semaphore(%run_scoped3A : memref<!tpu.dma_semaphore, #tpu.memory_space<semaphore_mem>>)
      %dma_wait3A = tpu.memref_slice %arg18[%mul3A_71] : memref<4096xf32, #tpu.memory_space<vmem_shared>> -> memref<256xf32, #tpu.memory_space<vmem_shared>>
      %dma_wait3A_486 = tpu.memref_slice %arg18[%mul3A_71] : memref<4096xf32, #tpu.memory_space<vmem_shared>> -> memref<256xf32, #tpu.memory_space<vmem_shared>>
      tpu.wait_dma2 semaphore(%run_scoped3A : memref<!tpu.dma_semaphore, #tpu.memory_space<semaphore_mem>>) src(%arg13 : memref<256xf32, #tpu.memory_space<vmem>>) dst(%dma_wait3A_486 : memref<256xf32, #tpu.memory_space<vmem_shared>>)
      tpu.yield
    }) : () -> ()
    %barrier3A_79 = arith.constant 0 : index
    tpu.barrier barrier_id(%barrier3A_79)
    "tpu.region"() ({
      %run_scoped3A = tpu.sem_alloc : memref<!tpu.dma_semaphore, #tpu.memory_space<semaphore_mem>>
      tpu.enqueue_dma source(%arg18 : memref<4096xf32, #tpu.memory_space<vmem_shared>>) target(%arg11 : memref<4096xf32, #tpu.memory_space<vmem>>) target_semaphore(%run_scoped3A : memref<!tpu.dma_semaphore, #tpu.memory_space<semaphore_mem>>)
      tpu.wait_dma2 semaphore(%run_scoped3A : memref<!tpu.dma_semaphore, #tpu.memory_space<semaphore_mem>>) src(%arg18 : memref<4096xf32, #tpu.memory_space<vmem_shared>>) dst(%arg11 : memref<4096xf32, #tpu.memory_space<vmem>>)
      tpu.yield
    }) : () -> ()
    %jit3A_80 = arith.constant 2 : i32
    %div3A_81 = arith.divsi %arg1, %jit3A_80 : i32
    %sign3A_82 = arith.constant 0 : i32
    %sign3A_83 = arith.cmpi sgt, %arg1, %sign3A_82 : i32
    %sign3A_84 = arith.extui %sign3A_83 : i1 to i32
    %sign3A_85 = arith.constant 0 : i32
    %sign3A_86 = arith.cmpi slt, %arg1, %sign3A_85 : i32
    %sign3A_87 = arith.extui %sign3A_86 : i1 to i32
    %sign3A_88 = arith.subi %sign3A_84, %sign3A_87 : i32
    %sign3A_89 = arith.constant 0 : i32
    %sign3A_90 = arith.cmpi sgt, %jit3A_80, %sign3A_89 : i32
    %sign3A_91 = arith.extui %sign3A_90 : i1 to i32
    %sign3A_92 = arith.constant 0 : i32
    %sign3A_93 = arith.cmpi slt, %jit3A_80, %sign3A_92 : i32
    %sign3A_94 = arith.extui %sign3A_93 : i1 to i32
    %sign3A_95 = arith.subi %sign3A_91, %sign3A_94 : i32
    %ne3A_96 = arith.cmpi ne, %sign3A_88, %sign3A_95 : i32
    %rem3A_97 = arith.remsi %arg1, %jit3A_80 : i32
    %ne3A_98 = arith.constant 0 : i32
    %ne3A_99 = arith.cmpi ne, %rem3A_97, %ne3A_98 : i32
    %and3A_100 = arith.andi %ne3A_96, %ne3A_99 : i1
    %sub3A_101 = arith.constant 1 : i32
    %sub3A_102 = arith.subi %div3A_81, %sub3A_101 : i32
    %select_n3A_103 = arith.select %and3A_100, %sub3A_102, %div3A_81 : i32
    %jit3A_104 = arith.constant 4 : i32
    %eq3A = arith.constant 0 : i32
    %eq3A_105 = arith.cmpi eq, %jit3A_104, %eq3A : i32
    %jit3A_106 = arith.constant 1 : i32
    %select_n3A_107 = arith.select %eq3A_105, %jit3A_106, %jit3A_104 : i32
    %rem3A_108 = arith.remsi %select_n3A_103, %select_n3A_107 : i32
    %ne3A_109 = arith.constant 0 : i32
    %ne3A_110 = arith.cmpi ne, %rem3A_108, %ne3A_109 : i32
    %lt3A = arith.constant 0 : i32
    %lt3A_111 = arith.cmpi slt, %rem3A_108, %lt3A : i32
    %lt3A_112 = arith.constant 0 : i32
    %lt3A_113 = arith.cmpi slt, %select_n3A_107, %lt3A_112 : i32
    %ne3A_114 = arith.xori %lt3A_111, %lt3A_113 : i1
    %and3A_115 = arith.andi %ne3A_114, %ne3A_110 : i1
    %add3A_116 = arith.addi %rem3A_108, %select_n3A_107 : i32
    %select_n3A_117 = arith.select %and3A_115, %add3A_116, %rem3A_108 : i32
    %mul3A_118 = arith.constant 1024 : i32
    %mul3A_119 = arith.muli %select_n3A_117, %mul3A_118 : i32
    %lt3A_120 = arith.constant 8 : i32
    %lt3A_121 = arith.cmpi slt, %arg1, %lt3A_120 : i32
    %jit3A_122 = arith.constant 2 : i32
    %eq3A_123 = arith.constant 0 : i32
    %eq3A_124 = arith.cmpi eq, %jit3A_122, %eq3A_123 : i32
    %jit3A_125 = arith.constant 1 : i32
    %select_n3A_126 = arith.select %eq3A_124, %jit3A_125, %jit3A_122 : i32
    %rem3A_127 = arith.remsi %arg1, %select_n3A_126 : i32
    %ne3A_128 = arith.constant 0 : i32
    %ne3A_129 = arith.cmpi ne, %rem3A_127, %ne3A_128 : i32
    %lt3A_130 = arith.constant 0 : i32
    %lt3A_131 = arith.cmpi slt, %rem3A_127, %lt3A_130 : i32
    %lt3A_132 = arith.constant 0 : i32
    %lt3A_133 = arith.cmpi slt, %select_n3A_126, %lt3A_132 : i32
    %ne3A_134 = arith.xori %lt3A_131, %lt3A_133 : i1
    %and3A_135 = arith.andi %ne3A_134, %ne3A_129 : i1
    %add3A_136 = arith.addi %rem3A_127, %select_n3A_126 : i32
    %select_n3A_137 = arith.select %and3A_135, %add3A_136, %rem3A_127 : i32
    %eq3A_138 = arith.constant 0 : i32
    %eq3A_139 = arith.cmpi eq, %select_n3A_137, %eq3A_138 : i32
    %and3A_140 = arith.andi %lt3A_121, %eq3A_139 : i1
    %convert_element_type3A = arith.extui %and3A_140 : i1 to i32
    %cond3A = arith.constant 0 : i32
    %cond3A_141 = arith.cmpi ne, %convert_element_type3A, %cond3A : i32
    scf.if %cond3A_141 {
      %scan3A_485 = arith.constant 0 : i32
      %scan3A_486 = arith.constant 64 : i32
      %scan3A_487 = arith.addi %scan3A_485, %scan3A_486 : i32
      %scan3A_488 = arith.constant 4 : i32
      %scan3A_489 = scf.for %scan3A_491 = %scan3A_485 to %scan3A_487 step %scan3A_488 iter_args(%scan3A_492 = %broadcast_in_dim3A_9) -> (vector<16xf32>)  : i32 {
        %mul3A_493 = arith.constant 16 : i32
        %mul3A_494 = arith.muli %scan3A_491, %mul3A_493 : i32
        %add3A_495 = arith.addi %mul3A_119, %mul3A_494 : i32
        %get3A_496 = arith.index_cast %add3A_495 : i32 to index
        %get3A_497 = tpu.vector_load %arg10[%get3A_496] {strides = array<i32>} : memref<4096xf32, #tpu.memory_space<vmem>>, vector<16xf32>,
        %broadcast_in_dim3A_498 = arith.constant true
        %broadcast_in_dim3A_499 = vector.broadcast %broadcast_in_dim3A_498 : i1 to vector<16xi1>
        %masked_cummax3A = tpu.scan <max>, %get3A_497 masked %broadcast_in_dim3A_499 : vector<16xf32>, vector<16xi1> -> vector<16xf32>
        %max3A_500 = arith.maximumf %masked_cummax3A, %scan3A_492 : vector<16xf32>
        %mul3A_501 = arith.constant 16 : i32
        %mul3A_502 = arith.muli %scan3A_491, %mul3A_501 : i32
        %swap3A_503 = arith.index_cast %mul3A_502 : i32 to index
        %swap3A_504 = tpu.vector_load %arg16[%swap3A_503] {strides = array<i32>} : memref<1024xf32, #tpu.memory_space<vmem>>, vector<16xf32>,
        tpu.vector_store %arg16[%swap3A_503], %max3A_500 {strides = array<i32>} : memref<1024xf32, #tpu.memory_space<vmem>>, vector<16xf32>,
        %slice3A = vector.extract_strided_slice %max3A_500 {offsets = [15], sizes = [1], strides = [1]} : vector<16xf32> to vector<1xf32>
        %squeeze3A = vector.extract %slice3A[0] : f32 from vector<1xf32>
        %broadcast_in_dim3A_505 = vector.broadcast %squeeze3A : f32 to vector<16xf32>
        %scan3A_506 = arith.constant 1 : i32
        %scan3A_507 = arith.addi %scan3A_491, %scan3A_506 : i32
        %mul3A_508 = arith.constant 16 : i32
        %mul3A_509 = arith.muli %scan3A_507, %mul3A_508 : i32
        %add3A_510 = arith.addi %mul3A_119, %mul3A_509 : i32
        %get3A_511 = arith.index_cast %add3A_510 : i32 to index
        %get3A_512 = tpu.vector_load %arg10[%get3A_511] {strides = array<i32>} : memref<4096xf32, #tpu.memory_space<vmem>>, vector<16xf32>,
        %broadcast_in_dim3A_513 = arith.constant true
        %broadcast_in_dim3A_514 = vector.broadcast %broadcast_in_dim3A_513 : i1 to vector<16xi1>
        %masked_cummax3A_515 = tpu.scan <max>, %get3A_512 masked %broadcast_in_dim3A_514 : vector<16xf32>, vector<16xi1> -> vector<16xf32>
        %max3A_516 = arith.maximumf %masked_cummax3A_515, %broadcast_in_dim3A_505 : vector<16xf32>
        %mul3A_517 = arith.constant 16 : i32
        %mul3A_518 = arith.muli %scan3A_507, %mul3A_517 : i32
        %swap3A_519 = arith.index_cast %mul3A_518 : i32 to index
        %swap3A_520 = tpu.vector_load %arg16[%swap3A_519] {strides = array<i32>} : memref<1024xf32, #tpu.memory_space<vmem>>, vector<16xf32>,
        tpu.vector_store %arg16[%swap3A_519], %max3A_516 {strides = array<i32>} : memref<1024xf32, #tpu.memory_space<vmem>>, vector<16xf32>,
        %slice3A_521 = vector.extract_strided_slice %max3A_516 {offsets = [15], sizes = [1], strides = [1]} : vector<16xf32> to vector<1xf32>
        %squeeze3A_522 = vector.extract %slice3A_521[0] : f32 from vector<1xf32>
        %broadcast_in_dim3A_523 = vector.broadcast %squeeze3A_522 : f32 to vector<16xf32>
        %scan3A_524 = arith.constant 2 : i32
        %scan3A_525 = arith.addi %scan3A_491, %scan3A_524 : i32
        %mul3A_526 = arith.constant 16 : i32
        %mul3A_527 = arith.muli %scan3A_525, %mul3A_526 : i32
        %add3A_528 = arith.addi %mul3A_119, %mul3A_527 : i32
        %get3A_529 = arith.index_cast %add3A_528 : i32 to index
        %get3A_530 = tpu.vector_load %arg10[%get3A_529] {strides = array<i32>} : memref<4096xf32, #tpu.memory_space<vmem>>, vector<16xf32>,
        %broadcast_in_dim3A_531 = arith.constant true
        %broadcast_in_dim3A_532 = vector.broadcast %broadcast_in_dim3A_531 : i1 to vector<16xi1>
        %masked_cummax3A_533 = tpu.scan <max>, %get3A_530 masked %broadcast_in_dim3A_532 : vector<16xf32>, vector<16xi1> -> vector<16xf32>
        %max3A_534 = arith.maximumf %masked_cummax3A_533, %broadcast_in_dim3A_523 : vector<16xf32>
        %mul3A_535 = arith.constant 16 : i32
        %mul3A_536 = arith.muli %scan3A_525, %mul3A_535 : i32
        %swap3A_537 = arith.index_cast %mul3A_536 : i32 to index
        %swap3A_538 = tpu.vector_load %arg16[%swap3A_537] {strides = array<i32>} : memref<1024xf32, #tpu.memory_space<vmem>>, vector<16xf32>,
        tpu.vector_store %arg16[%swap3A_537], %max3A_534 {strides = array<i32>} : memref<1024xf32, #tpu.memory_space<vmem>>, vector<16xf32>,
        %slice3A_539 = vector.extract_strided_slice %max3A_534 {offsets = [15], sizes = [1], strides = [1]} : vector<16xf32> to vector<1xf32>
        %squeeze3A_540 = vector.extract %slice3A_539[0] : f32 from vector<1xf32>
        %broadcast_in_dim3A_541 = vector.broadcast %squeeze3A_540 : f32 to vector<16xf32>
        %scan3A_542 = arith.constant 3 : i32
        %scan3A_543 = arith.addi %scan3A_491, %scan3A_542 : i32
        %mul3A_544 = arith.constant 16 : i32
        %mul3A_545 = arith.muli %scan3A_543, %mul3A_544 : i32
        %add3A_546 = arith.addi %mul3A_119, %mul3A_545 : i32
        %get3A_547 = arith.index_cast %add3A_546 : i32 to index
        %get3A_548 = tpu.vector_load %arg10[%get3A_547] {strides = array<i32>} : memref<4096xf32, #tpu.memory_space<vmem>>, vector<16xf32>,
        %broadcast_in_dim3A_549 = arith.constant true
        %broadcast_in_dim3A_550 = vector.broadcast %broadcast_in_dim3A_549 : i1 to vector<16xi1>
        %masked_cummax3A_551 = tpu.scan <max>, %get3A_548 masked %broadcast_in_dim3A_550 : vector<16xf32>, vector<16xi1> -> vector<16xf32>
        %max3A_552 = arith.maximumf %masked_cummax3A_551, %broadcast_in_dim3A_541 : vector<16xf32>
        %mul3A_553 = arith.constant 16 : i32
        %mul3A_554 = arith.muli %scan3A_543, %mul3A_553 : i32
        %swap3A_555 = arith.index_cast %mul3A_554 : i32 to index
        %swap3A_556 = tpu.vector_load %arg16[%swap3A_555] {strides = array<i32>} : memref<1024xf32, #tpu.memory_space<vmem>>, vector<16xf32>,
        tpu.vector_store %arg16[%swap3A_555], %max3A_552 {strides = array<i32>} : memref<1024xf32, #tpu.memory_space<vmem>>, vector<16xf32>,
        %slice3A_557 = vector.extract_strided_slice %max3A_552 {offsets = [15], sizes = [1], strides = [1]} : vector<16xf32> to vector<1xf32>
        %squeeze3A_558 = vector.extract %slice3A_557[0] : f32 from vector<1xf32>
        %broadcast_in_dim3A_559 = vector.broadcast %squeeze3A_558 : f32 to vector<16xf32>
        scf.yield %broadcast_in_dim3A_559 : vector<16xf32>
      }
      %scan3A_490 = arith.constant 64 : i32
    } else {
    }
    %lt3A_142 = arith.constant 8 : i32
    %lt3A_143 = arith.cmpi slt, %arg1, %lt3A_142 : i32
    %jit3A_144 = arith.constant 2 : i32
    %eq3A_145 = arith.constant 0 : i32
    %eq3A_146 = arith.cmpi eq, %jit3A_144, %eq3A_145 : i32
    %jit3A_147 = arith.constant 1 : i32
    %select_n3A_148 = arith.select %eq3A_146, %jit3A_147, %jit3A_144 : i32
    %rem3A_149 = arith.remsi %arg1, %select_n3A_148 : i32
    %ne3A_150 = arith.constant 0 : i32
    %ne3A_151 = arith.cmpi ne, %rem3A_149, %ne3A_150 : i32
    %lt3A_152 = arith.constant 0 : i32
    %lt3A_153 = arith.cmpi slt, %rem3A_149, %lt3A_152 : i32
    %lt3A_154 = arith.constant 0 : i32
    %lt3A_155 = arith.cmpi slt, %select_n3A_148, %lt3A_154 : i32
    %ne3A_156 = arith.xori %lt3A_153, %lt3A_155 : i1
    %and3A_157 = arith.andi %ne3A_156, %ne3A_151 : i1
    %add3A_158 = arith.addi %rem3A_149, %select_n3A_148 : i32
    %select_n3A_159 = arith.select %and3A_157, %add3A_158, %rem3A_149 : i32
    %eq3A_160 = arith.constant 1 : i32
    %eq3A_161 = arith.cmpi eq, %select_n3A_159, %eq3A_160 : i32
    %and3A_162 = arith.andi %lt3A_143, %eq3A_161 : i1
    %convert_element_type3A_163 = arith.extui %and3A_162 : i1 to i32
    %cond3A_164 = arith.constant 0 : i32
    %cond3A_165 = arith.cmpi ne, %convert_element_type3A_163, %cond3A_164 : i32
    scf.if %cond3A_165 {
      %broadcast_in_dim3A_485 = arith.constant 1.000000e+09 : f32
      %broadcast_in_dim3A_486 = vector.broadcast %broadcast_in_dim3A_485 : f32 to vector<16xf32>
      %scan3A_487 = arith.constant 0 : i32
      %scan3A_488 = arith.constant 64 : i32
      %scan3A_489 = arith.addi %scan3A_487, %scan3A_488 : i32
      %scan3A_490 = arith.constant 4 : i32
      %scan3A_491 = scf.for %scan3A_493 = %scan3A_487 to %scan3A_489 step %scan3A_490 iter_args(%scan3A_494 = %broadcast_in_dim3A_486) -> (vector<16xf32>)  : i32 {
        %sub3A_495 = arith.constant 63 : i32
        %sub3A_496 = arith.subi %sub3A_495, %scan3A_493 : i32
        %mul3A_497 = arith.constant 16 : i32
        %mul3A_498 = arith.muli %sub3A_496, %mul3A_497 : i32
        %add3A_499 = arith.addi %mul3A_119, %mul3A_498 : i32
        %get3A_500 = arith.index_cast %add3A_499 : i32 to index
        %get3A_501 = tpu.vector_load %arg10[%get3A_500] {strides = array<i32>} : memref<4096xf32, #tpu.memory_space<vmem>>, vector<16xf32>,
        %lt3A_502 = arith.constant -1.000000e+08 : f32
        %lt3A_503 = vector.broadcast %lt3A_502 : f32 to vector<16xf32>
        %lt3A_504 = arith.cmpf olt, %get3A_501, %lt3A_503 : vector<16xf32>
        %jit3A_505 = arith.constant 1.000000e+09 : f32
        %broadcast_in_dim3A_506 = vector.broadcast %jit3A_505 : f32 to vector<16xf32>
        %select_n3A_507 = arith.select %lt3A_504, %broadcast_in_dim3A_506, %get3A_501 : vector<16xi1>, vector<16xf32>
        %neg3A = arith.constant 0.000000e+00 : f32
        %neg3A_508 = vector.broadcast %neg3A : f32 to vector<16xf32>
        %neg3A_509 = arith.subf %neg3A_508, %select_n3A_507 : vector<16xf32>
        %rev3A = arith.constant 15 : i32
        %rev3A_510 = vector.broadcast %rev3A : i32 to vector<16xi32>
        %rev3A_511 = tpu.iota {dimensions = array<i32: 0>} : vector<16xi32>
        %rev3A_512 = arith.subi %rev3A_510, %rev3A_511 : vector<16xi32>
        %rev3A_513 = tpu.dynamic_gather %neg3A_509[%rev3A_512] in [0] : vector<16xf32>, vector<16xi32> -> vector<16xf32>
        %broadcast_in_dim3A_514 = arith.constant true
        %broadcast_in_dim3A_515 = vector.broadcast %broadcast_in_dim3A_514 : i1 to vector<16xi1>
        %masked_cummax3A = tpu.scan <max>, %rev3A_513 masked %broadcast_in_dim3A_515 : vector<16xf32>, vector<16xi1> -> vector<16xf32>
        %rev3A_516 = arith.constant 15 : i32
        %rev3A_517 = vector.broadcast %rev3A_516 : i32 to vector<16xi32>
        %rev3A_518 = tpu.iota {dimensions = array<i32: 0>} : vector<16xi32>
        %rev3A_519 = arith.subi %rev3A_517, %rev3A_518 : vector<16xi32>
        %rev3A_520 = tpu.dynamic_gather %masked_cummax3A[%rev3A_519] in [0] : vector<16xf32>, vector<16xi32> -> vector<16xf32>
        %neg3A_521 = arith.constant 0.000000e+00 : f32
        %neg3A_522 = vector.broadcast %neg3A_521 : f32 to vector<16xf32>
        %neg3A_523 = arith.subf %neg3A_522, %rev3A_520 : vector<16xf32>
        %min3A_524 = arith.minimumf %neg3A_523, %scan3A_494 : vector<16xf32>
        %mul3A_525 = arith.constant 16 : i32
        %mul3A_526 = arith.muli %sub3A_496, %mul3A_525 : i32
        %swap3A_527 = arith.index_cast %mul3A_526 : i32 to index
        %swap3A_528 = tpu.vector_load %arg16[%swap3A_527] {strides = array<i32>} : memref<1024xf32, #tpu.memory_space<vmem>>, vector<16xf32>,
        tpu.vector_store %arg16[%swap3A_527], %min3A_524 {strides = array<i32>} : memref<1024xf32, #tpu.memory_space<vmem>>, vector<16xf32>,
        %slice3A = vector.extract_strided_slice %min3A_524 {offsets = [0], sizes = [1], strides = [1]} : vector<16xf32> to vector<1xf32>
        %squeeze3A = vector.extract %slice3A[0] : f32 from vector<1xf32>
        %broadcast_in_dim3A_529 = vector.broadcast %squeeze3A : f32 to vector<16xf32>
        %scan3A_530 = arith.constant 1 : i32
        %scan3A_531 = arith.addi %scan3A_493, %scan3A_530 : i32
        %sub3A_532 = arith.constant 63 : i32
        %sub3A_533 = arith.subi %sub3A_532, %scan3A_531 : i32
        %mul3A_534 = arith.constant 16 : i32
        %mul3A_535 = arith.muli %sub3A_533, %mul3A_534 : i32
        %add3A_536 = arith.addi %mul3A_119, %mul3A_535 : i32
        %get3A_537 = arith.index_cast %add3A_536 : i32 to index
        %get3A_538 = tpu.vector_load %arg10[%get3A_537] {strides = array<i32>} : memref<4096xf32, #tpu.memory_space<vmem>>, vector<16xf32>,
        %lt3A_539 = arith.constant -1.000000e+08 : f32
        %lt3A_540 = vector.broadcast %lt3A_539 : f32 to vector<16xf32>
        %lt3A_541 = arith.cmpf olt, %get3A_538, %lt3A_540 : vector<16xf32>
        %jit3A_542 = arith.constant 1.000000e+09 : f32
        %broadcast_in_dim3A_543 = vector.broadcast %jit3A_542 : f32 to vector<16xf32>
        %select_n3A_544 = arith.select %lt3A_541, %broadcast_in_dim3A_543, %get3A_538 : vector<16xi1>, vector<16xf32>
        %neg3A_545 = arith.constant 0.000000e+00 : f32
        %neg3A_546 = vector.broadcast %neg3A_545 : f32 to vector<16xf32>
        %neg3A_547 = arith.subf %neg3A_546, %select_n3A_544 : vector<16xf32>
        %rev3A_548 = arith.constant 15 : i32
        %rev3A_549 = vector.broadcast %rev3A_548 : i32 to vector<16xi32>
        %rev3A_550 = tpu.iota {dimensions = array<i32: 0>} : vector<16xi32>
        %rev3A_551 = arith.subi %rev3A_549, %rev3A_550 : vector<16xi32>
        %rev3A_552 = tpu.dynamic_gather %neg3A_547[%rev3A_551] in [0] : vector<16xf32>, vector<16xi32> -> vector<16xf32>
        %broadcast_in_dim3A_553 = arith.constant true
        %broadcast_in_dim3A_554 = vector.broadcast %broadcast_in_dim3A_553 : i1 to vector<16xi1>
        %masked_cummax3A_555 = tpu.scan <max>, %rev3A_552 masked %broadcast_in_dim3A_554 : vector<16xf32>, vector<16xi1> -> vector<16xf32>
        %rev3A_556 = arith.constant 15 : i32
        %rev3A_557 = vector.broadcast %rev3A_556 : i32 to vector<16xi32>
        %rev3A_558 = tpu.iota {dimensions = array<i32: 0>} : vector<16xi32>
        %rev3A_559 = arith.subi %rev3A_557, %rev3A_558 : vector<16xi32>
        %rev3A_560 = tpu.dynamic_gather %masked_cummax3A_555[%rev3A_559] in [0] : vector<16xf32>, vector<16xi32> -> vector<16xf32>
        %neg3A_561 = arith.constant 0.000000e+00 : f32
        %neg3A_562 = vector.broadcast %neg3A_561 : f32 to vector<16xf32>
        %neg3A_563 = arith.subf %neg3A_562, %rev3A_560 : vector<16xf32>
        %min3A_564 = arith.minimumf %neg3A_563, %broadcast_in_dim3A_529 : vector<16xf32>
        %mul3A_565 = arith.constant 16 : i32
        %mul3A_566 = arith.muli %sub3A_533, %mul3A_565 : i32
        %swap3A_567 = arith.index_cast %mul3A_566 : i32 to index
        %swap3A_568 = tpu.vector_load %arg16[%swap3A_567] {strides = array<i32>} : memref<1024xf32, #tpu.memory_space<vmem>>, vector<16xf32>,
        tpu.vector_store %arg16[%swap3A_567], %min3A_564 {strides = array<i32>} : memref<1024xf32, #tpu.memory_space<vmem>>, vector<16xf32>,
        %slice3A_569 = vector.extract_strided_slice %min3A_564 {offsets = [0], sizes = [1], strides = [1]} : vector<16xf32> to vector<1xf32>
        %squeeze3A_570 = vector.extract %slice3A_569[0] : f32 from vector<1xf32>
        %broadcast_in_dim3A_571 = vector.broadcast %squeeze3A_570 : f32 to vector<16xf32>
        %scan3A_572 = arith.constant 2 : i32
        %scan3A_573 = arith.addi %scan3A_493, %scan3A_572 : i32
        %sub3A_574 = arith.constant 63 : i32
        %sub3A_575 = arith.subi %sub3A_574, %scan3A_573 : i32
        %mul3A_576 = arith.constant 16 : i32
        %mul3A_577 = arith.muli %sub3A_575, %mul3A_576 : i32
        %add3A_578 = arith.addi %mul3A_119, %mul3A_577 : i32
        %get3A_579 = arith.index_cast %add3A_578 : i32 to index
        %get3A_580 = tpu.vector_load %arg10[%get3A_579] {strides = array<i32>} : memref<4096xf32, #tpu.memory_space<vmem>>, vector<16xf32>,
        %lt3A_581 = arith.constant -1.000000e+08 : f32
        %lt3A_582 = vector.broadcast %lt3A_581 : f32 to vector<16xf32>
        %lt3A_583 = arith.cmpf olt, %get3A_580, %lt3A_582 : vector<16xf32>
        %jit3A_584 = arith.constant 1.000000e+09 : f32
        %broadcast_in_dim3A_585 = vector.broadcast %jit3A_584 : f32 to vector<16xf32>
        %select_n3A_586 = arith.select %lt3A_583, %broadcast_in_dim3A_585, %get3A_580 : vector<16xi1>, vector<16xf32>
        %neg3A_587 = arith.constant 0.000000e+00 : f32
        %neg3A_588 = vector.broadcast %neg3A_587 : f32 to vector<16xf32>
        %neg3A_589 = arith.subf %neg3A_588, %select_n3A_586 : vector<16xf32>
        %rev3A_590 = arith.constant 15 : i32
        %rev3A_591 = vector.broadcast %rev3A_590 : i32 to vector<16xi32>
        %rev3A_592 = tpu.iota {dimensions = array<i32: 0>} : vector<16xi32>
        %rev3A_593 = arith.subi %rev3A_591, %rev3A_592 : vector<16xi32>
        %rev3A_594 = tpu.dynamic_gather %neg3A_589[%rev3A_593] in [0] : vector<16xf32>, vector<16xi32> -> vector<16xf32>
        %broadcast_in_dim3A_595 = arith.constant true
        %broadcast_in_dim3A_596 = vector.broadcast %broadcast_in_dim3A_595 : i1 to vector<16xi1>
        %masked_cummax3A_597 = tpu.scan <max>, %rev3A_594 masked %broadcast_in_dim3A_596 : vector<16xf32>, vector<16xi1> -> vector<16xf32>
        %rev3A_598 = arith.constant 15 : i32
        %rev3A_599 = vector.broadcast %rev3A_598 : i32 to vector<16xi32>
        %rev3A_600 = tpu.iota {dimensions = array<i32: 0>} : vector<16xi32>
        %rev3A_601 = arith.subi %rev3A_599, %rev3A_600 : vector<16xi32>
        %rev3A_602 = tpu.dynamic_gather %masked_cummax3A_597[%rev3A_601] in [0] : vector<16xf32>, vector<16xi32> -> vector<16xf32>
        %neg3A_603 = arith.constant 0.000000e+00 : f32
        %neg3A_604 = vector.broadcast %neg3A_603 : f32 to vector<16xf32>
        %neg3A_605 = arith.subf %neg3A_604, %rev3A_602 : vector<16xf32>
        %min3A_606 = arith.minimumf %neg3A_605, %broadcast_in_dim3A_571 : vector<16xf32>
        %mul3A_607 = arith.constant 16 : i32
        %mul3A_608 = arith.muli %sub3A_575, %mul3A_607 : i32
        %swap3A_609 = arith.index_cast %mul3A_608 : i32 to index
        %swap3A_610 = tpu.vector_load %arg16[%swap3A_609] {strides = array<i32>} : memref<1024xf32, #tpu.memory_space<vmem>>, vector<16xf32>,
        tpu.vector_store %arg16[%swap3A_609], %min3A_606 {strides = array<i32>} : memref<1024xf32, #tpu.memory_space<vmem>>, vector<16xf32>,
        %slice3A_611 = vector.extract_strided_slice %min3A_606 {offsets = [0], sizes = [1], strides = [1]} : vector<16xf32> to vector<1xf32>
        %squeeze3A_612 = vector.extract %slice3A_611[0] : f32 from vector<1xf32>
        %broadcast_in_dim3A_613 = vector.broadcast %squeeze3A_612 : f32 to vector<16xf32>
        %scan3A_614 = arith.constant 3 : i32
        %scan3A_615 = arith.addi %scan3A_493, %scan3A_614 : i32
        %sub3A_616 = arith.constant 63 : i32
        %sub3A_617 = arith.subi %sub3A_616, %scan3A_615 : i32
        %mul3A_618 = arith.constant 16 : i32
        %mul3A_619 = arith.muli %sub3A_617, %mul3A_618 : i32
        %add3A_620 = arith.addi %mul3A_119, %mul3A_619 : i32
        %get3A_621 = arith.index_cast %add3A_620 : i32 to index
        %get3A_622 = tpu.vector_load %arg10[%get3A_621] {strides = array<i32>} : memref<4096xf32, #tpu.memory_space<vmem>>, vector<16xf32>,
        %lt3A_623 = arith.constant -1.000000e+08 : f32
        %lt3A_624 = vector.broadcast %lt3A_623 : f32 to vector<16xf32>
        %lt3A_625 = arith.cmpf olt, %get3A_622, %lt3A_624 : vector<16xf32>
        %jit3A_626 = arith.constant 1.000000e+09 : f32
        %broadcast_in_dim3A_627 = vector.broadcast %jit3A_626 : f32 to vector<16xf32>
        %select_n3A_628 = arith.select %lt3A_625, %broadcast_in_dim3A_627, %get3A_622 : vector<16xi1>, vector<16xf32>
        %neg3A_629 = arith.constant 0.000000e+00 : f32
        %neg3A_630 = vector.broadcast %neg3A_629 : f32 to vector<16xf32>
        %neg3A_631 = arith.subf %neg3A_630, %select_n3A_628 : vector<16xf32>
        %rev3A_632 = arith.constant 15 : i32
        %rev3A_633 = vector.broadcast %rev3A_632 : i32 to vector<16xi32>
        %rev3A_634 = tpu.iota {dimensions = array<i32: 0>} : vector<16xi32>
        %rev3A_635 = arith.subi %rev3A_633, %rev3A_634 : vector<16xi32>
        %rev3A_636 = tpu.dynamic_gather %neg3A_631[%rev3A_635] in [0] : vector<16xf32>, vector<16xi32> -> vector<16xf32>
        %broadcast_in_dim3A_637 = arith.constant true
        %broadcast_in_dim3A_638 = vector.broadcast %broadcast_in_dim3A_637 : i1 to vector<16xi1>
        %masked_cummax3A_639 = tpu.scan <max>, %rev3A_636 masked %broadcast_in_dim3A_638 : vector<16xf32>, vector<16xi1> -> vector<16xf32>
        %rev3A_640 = arith.constant 15 : i32
        %rev3A_641 = vector.broadcast %rev3A_640 : i32 to vector<16xi32>
        %rev3A_642 = tpu.iota {dimensions = array<i32: 0>} : vector<16xi32>
        %rev3A_643 = arith.subi %rev3A_641, %rev3A_642 : vector<16xi32>
        %rev3A_644 = tpu.dynamic_gather %masked_cummax3A_639[%rev3A_643] in [0] : vector<16xf32>, vector<16xi32> -> vector<16xf32>
        %neg3A_645 = arith.constant 0.000000e+00 : f32
        %neg3A_646 = vector.broadcast %neg3A_645 : f32 to vector<16xf32>
        %neg3A_647 = arith.subf %neg3A_646, %rev3A_644 : vector<16xf32>
        %min3A_648 = arith.minimumf %neg3A_647, %broadcast_in_dim3A_613 : vector<16xf32>
        %mul3A_649 = arith.constant 16 : i32
        %mul3A_650 = arith.muli %sub3A_617, %mul3A_649 : i32
        %swap3A_651 = arith.index_cast %mul3A_650 : i32 to index
        %swap3A_652 = tpu.vector_load %arg16[%swap3A_651] {strides = array<i32>} : memref<1024xf32, #tpu.memory_space<vmem>>, vector<16xf32>,
        tpu.vector_store %arg16[%swap3A_651], %min3A_648 {strides = array<i32>} : memref<1024xf32, #tpu.memory_space<vmem>>, vector<16xf32>,
        %slice3A_653 = vector.extract_strided_slice %min3A_648 {offsets = [0], sizes = [1], strides = [1]} : vector<16xf32> to vector<1xf32>
        %squeeze3A_654 = vector.extract %slice3A_653[0] : f32 from vector<1xf32>
        %broadcast_in_dim3A_655 = vector.broadcast %squeeze3A_654 : f32 to vector<16xf32>
        scf.yield %broadcast_in_dim3A_655 : vector<16xf32>
      }
      %scan3A_492 = arith.constant 64 : i32
    } else {
    }
    %ge3A = arith.constant 8 : i32
    %ge3A_166 = arith.cmpi sge, %arg1, %ge3A : i32
    %jit3A_167 = arith.constant 2 : i32
    %eq3A_168 = arith.constant 0 : i32
    %eq3A_169 = arith.cmpi eq, %jit3A_167, %eq3A_168 : i32
    %jit3A_170 = arith.constant 1 : i32
    %select_n3A_171 = arith.select %eq3A_169, %jit3A_170, %jit3A_167 : i32
    %rem3A_172 = arith.remsi %arg1, %select_n3A_171 : i32
    %ne3A_173 = arith.constant 0 : i32
    %ne3A_174 = arith.cmpi ne, %rem3A_172, %ne3A_173 : i32
    %lt3A_175 = arith.constant 0 : i32
    %lt3A_176 = arith.cmpi slt, %rem3A_172, %lt3A_175 : i32
    %lt3A_177 = arith.constant 0 : i32
    %lt3A_178 = arith.cmpi slt, %select_n3A_171, %lt3A_177 : i32
    %ne3A_179 = arith.xori %lt3A_176, %lt3A_178 : i1
    %and3A_180 = arith.andi %ne3A_179, %ne3A_174 : i1
    %add3A_181 = arith.addi %rem3A_172, %select_n3A_171 : i32
    %select_n3A_182 = arith.select %and3A_180, %add3A_181, %rem3A_172 : i32
    %eq3A_183 = arith.constant 0 : i32
    %eq3A_184 = arith.cmpi eq, %select_n3A_182, %eq3A_183 : i32
    %and3A_185 = arith.andi %ge3A_166, %eq3A_184 : i1
    %convert_element_type3A_186 = arith.extui %and3A_185 : i1 to i32
    %cond3A_187 = arith.constant 0 : i32
    %cond3A_188 = arith.cmpi ne, %convert_element_type3A_186, %cond3A_187 : i32
    scf.if %cond3A_188 {
      %scan3A_485 = arith.constant 0 : i32
      %scan3A_486 = arith.constant 64 : i32
      %scan3A_487 = arith.addi %scan3A_485, %scan3A_486 : i32
      %scan3A_488 = arith.constant 4 : i32
      %scan3A_489 = scf.for %scan3A_491 = %scan3A_485 to %scan3A_487 step %scan3A_488 iter_args(%scan3A_492 = %broadcast_in_dim3A_9) -> (vector<16xf32>)  : i32 {
        %mul3A_493 = arith.constant 16 : i32
        %mul3A_494 = arith.muli %scan3A_491, %mul3A_493 : i32
        %add3A_495 = arith.addi %mul3A_119, %mul3A_494 : i32
        %get3A_496 = arith.index_cast %add3A_495 : i32 to index
        %get3A_497 = tpu.vector_load %arg11[%get3A_496] {strides = array<i32>} : memref<4096xf32, #tpu.memory_space<vmem>>, vector<16xf32>,
        %broadcast_in_dim3A_498 = arith.constant true
        %broadcast_in_dim3A_499 = vector.broadcast %broadcast_in_dim3A_498 : i1 to vector<16xi1>
        %masked_cummax3A = tpu.scan <max>, %get3A_497 masked %broadcast_in_dim3A_499 : vector<16xf32>, vector<16xi1> -> vector<16xf32>
        %max3A_500 = arith.maximumf %masked_cummax3A, %scan3A_492 : vector<16xf32>
        %mul3A_501 = arith.constant 16 : i32
        %mul3A_502 = arith.muli %scan3A_491, %mul3A_501 : i32
        %swap3A_503 = arith.index_cast %mul3A_502 : i32 to index
        %swap3A_504 = tpu.vector_load %arg16[%swap3A_503] {strides = array<i32>} : memref<1024xf32, #tpu.memory_space<vmem>>, vector<16xf32>,
        tpu.vector_store %arg16[%swap3A_503], %max3A_500 {strides = array<i32>} : memref<1024xf32, #tpu.memory_space<vmem>>, vector<16xf32>,
        %slice3A = vector.extract_strided_slice %max3A_500 {offsets = [15], sizes = [1], strides = [1]} : vector<16xf32> to vector<1xf32>
        %squeeze3A = vector.extract %slice3A[0] : f32 from vector<1xf32>
        %broadcast_in_dim3A_505 = vector.broadcast %squeeze3A : f32 to vector<16xf32>
        %scan3A_506 = arith.constant 1 : i32
        %scan3A_507 = arith.addi %scan3A_491, %scan3A_506 : i32
        %mul3A_508 = arith.constant 16 : i32
        %mul3A_509 = arith.muli %scan3A_507, %mul3A_508 : i32
        %add3A_510 = arith.addi %mul3A_119, %mul3A_509 : i32
        %get3A_511 = arith.index_cast %add3A_510 : i32 to index
        %get3A_512 = tpu.vector_load %arg11[%get3A_511] {strides = array<i32>} : memref<4096xf32, #tpu.memory_space<vmem>>, vector<16xf32>,
        %broadcast_in_dim3A_513 = arith.constant true
        %broadcast_in_dim3A_514 = vector.broadcast %broadcast_in_dim3A_513 : i1 to vector<16xi1>
        %masked_cummax3A_515 = tpu.scan <max>, %get3A_512 masked %broadcast_in_dim3A_514 : vector<16xf32>, vector<16xi1> -> vector<16xf32>
        %max3A_516 = arith.maximumf %masked_cummax3A_515, %broadcast_in_dim3A_505 : vector<16xf32>
        %mul3A_517 = arith.constant 16 : i32
        %mul3A_518 = arith.muli %scan3A_507, %mul3A_517 : i32
        %swap3A_519 = arith.index_cast %mul3A_518 : i32 to index
        %swap3A_520 = tpu.vector_load %arg16[%swap3A_519] {strides = array<i32>} : memref<1024xf32, #tpu.memory_space<vmem>>, vector<16xf32>,
        tpu.vector_store %arg16[%swap3A_519], %max3A_516 {strides = array<i32>} : memref<1024xf32, #tpu.memory_space<vmem>>, vector<16xf32>,
        %slice3A_521 = vector.extract_strided_slice %max3A_516 {offsets = [15], sizes = [1], strides = [1]} : vector<16xf32> to vector<1xf32>
        %squeeze3A_522 = vector.extract %slice3A_521[0] : f32 from vector<1xf32>
        %broadcast_in_dim3A_523 = vector.broadcast %squeeze3A_522 : f32 to vector<16xf32>
        %scan3A_524 = arith.constant 2 : i32
        %scan3A_525 = arith.addi %scan3A_491, %scan3A_524 : i32
        %mul3A_526 = arith.constant 16 : i32
        %mul3A_527 = arith.muli %scan3A_525, %mul3A_526 : i32
        %add3A_528 = arith.addi %mul3A_119, %mul3A_527 : i32
        %get3A_529 = arith.index_cast %add3A_528 : i32 to index
        %get3A_530 = tpu.vector_load %arg11[%get3A_529] {strides = array<i32>} : memref<4096xf32, #tpu.memory_space<vmem>>, vector<16xf32>,
        %broadcast_in_dim3A_531 = arith.constant true
        %broadcast_in_dim3A_532 = vector.broadcast %broadcast_in_dim3A_531 : i1 to vector<16xi1>
        %masked_cummax3A_533 = tpu.scan <max>, %get3A_530 masked %broadcast_in_dim3A_532 : vector<16xf32>, vector<16xi1> -> vector<16xf32>
        %max3A_534 = arith.maximumf %masked_cummax3A_533, %broadcast_in_dim3A_523 : vector<16xf32>
        %mul3A_535 = arith.constant 16 : i32
        %mul3A_536 = arith.muli %scan3A_525, %mul3A_535 : i32
        %swap3A_537 = arith.index_cast %mul3A_536 : i32 to index
        %swap3A_538 = tpu.vector_load %arg16[%swap3A_537] {strides = array<i32>} : memref<1024xf32, #tpu.memory_space<vmem>>, vector<16xf32>,
        tpu.vector_store %arg16[%swap3A_537], %max3A_534 {strides = array<i32>} : memref<1024xf32, #tpu.memory_space<vmem>>, vector<16xf32>,
        %slice3A_539 = vector.extract_strided_slice %max3A_534 {offsets = [15], sizes = [1], strides = [1]} : vector<16xf32> to vector<1xf32>
        %squeeze3A_540 = vector.extract %slice3A_539[0] : f32 from vector<1xf32>
        %broadcast_in_dim3A_541 = vector.broadcast %squeeze3A_540 : f32 to vector<16xf32>
        %scan3A_542 = arith.constant 3 : i32
        %scan3A_543 = arith.addi %scan3A_491, %scan3A_542 : i32
        %mul3A_544 = arith.constant 16 : i32
        %mul3A_545 = arith.muli %scan3A_543, %mul3A_544 : i32
        %add3A_546 = arith.addi %mul3A_119, %mul3A_545 : i32
        %get3A_547 = arith.index_cast %add3A_546 : i32 to index
        %get3A_548 = tpu.vector_load %arg11[%get3A_547] {strides = array<i32>} : memref<4096xf32, #tpu.memory_space<vmem>>, vector<16xf32>,
        %broadcast_in_dim3A_549 = arith.constant true
        %broadcast_in_dim3A_550 = vector.broadcast %broadcast_in_dim3A_549 : i1 to vector<16xi1>
        %masked_cummax3A_551 = tpu.scan <max>, %get3A_548 masked %broadcast_in_dim3A_550 : vector<16xf32>, vector<16xi1> -> vector<16xf32>
        %max3A_552 = arith.maximumf %masked_cummax3A_551, %broadcast_in_dim3A_541 : vector<16xf32>
        %mul3A_553 = arith.constant 16 : i32
        %mul3A_554 = arith.muli %scan3A_543, %mul3A_553 : i32
        %swap3A_555 = arith.index_cast %mul3A_554 : i32 to index
        %swap3A_556 = tpu.vector_load %arg16[%swap3A_555] {strides = array<i32>} : memref<1024xf32, #tpu.memory_space<vmem>>, vector<16xf32>,
        tpu.vector_store %arg16[%swap3A_555], %max3A_552 {strides = array<i32>} : memref<1024xf32, #tpu.memory_space<vmem>>, vector<16xf32>,
        %slice3A_557 = vector.extract_strided_slice %max3A_552 {offsets = [15], sizes = [1], strides = [1]} : vector<16xf32> to vector<1xf32>
        %squeeze3A_558 = vector.extract %slice3A_557[0] : f32 from vector<1xf32>
        %broadcast_in_dim3A_559 = vector.broadcast %squeeze3A_558 : f32 to vector<16xf32>
        scf.yield %broadcast_in_dim3A_559 : vector<16xf32>
      }
      %scan3A_490 = arith.constant 64 : i32
    } else {
    }
    %ge3A_189 = arith.constant 8 : i32
    %ge3A_190 = arith.cmpi sge, %arg1, %ge3A_189 : i32
    %jit3A_191 = arith.constant 2 : i32
    %eq3A_192 = arith.constant 0 : i32
    %eq3A_193 = arith.cmpi eq, %jit3A_191, %eq3A_192 : i32
    %jit3A_194 = arith.constant 1 : i32
    %select_n3A_195 = arith.select %eq3A_193, %jit3A_194, %jit3A_191 : i32
    %rem3A_196 = arith.remsi %arg1, %select_n3A_195 : i32
    %ne3A_197 = arith.constant 0 : i32
    %ne3A_198 = arith.cmpi ne, %rem3A_196, %ne3A_197 : i32
    %lt3A_199 = arith.constant 0 : i32
    %lt3A_200 = arith.cmpi slt, %rem3A_196, %lt3A_199 : i32
    %lt3A_201 = arith.constant 0 : i32
    %lt3A_202 = arith.cmpi slt, %select_n3A_195, %lt3A_201 : i32
    %ne3A_203 = arith.xori %lt3A_200, %lt3A_202 : i1
    %and3A_204 = arith.andi %ne3A_203, %ne3A_198 : i1
    %add3A_205 = arith.addi %rem3A_196, %select_n3A_195 : i32
    %select_n3A_206 = arith.select %and3A_204, %add3A_205, %rem3A_196 : i32
    %eq3A_207 = arith.constant 1 : i32
    %eq3A_208 = arith.cmpi eq, %select_n3A_206, %eq3A_207 : i32
    %and3A_209 = arith.andi %ge3A_190, %eq3A_208 : i1
    %convert_element_type3A_210 = arith.extui %and3A_209 : i1 to i32
    %cond3A_211 = arith.constant 0 : i32
    %cond3A_212 = arith.cmpi ne, %convert_element_type3A_210, %cond3A_211 : i32
    scf.if %cond3A_212 {
      %broadcast_in_dim3A_485 = arith.constant 1.000000e+09 : f32
      %broadcast_in_dim3A_486 = vector.broadcast %broadcast_in_dim3A_485 : f32 to vector<16xf32>
      %scan3A_487 = arith.constant 0 : i32
      %scan3A_488 = arith.constant 64 : i32
      %scan3A_489 = arith.addi %scan3A_487, %scan3A_488 : i32
      %scan3A_490 = arith.constant 4 : i32
      %scan3A_491 = scf.for %scan3A_493 = %scan3A_487 to %scan3A_489 step %scan3A_490 iter_args(%scan3A_494 = %broadcast_in_dim3A_486) -> (vector<16xf32>)  : i32 {
        %sub3A_495 = arith.constant 63 : i32
        %sub3A_496 = arith.subi %sub3A_495, %scan3A_493 : i32
        %mul3A_497 = arith.constant 16 : i32
        %mul3A_498 = arith.muli %sub3A_496, %mul3A_497 : i32
        %add3A_499 = arith.addi %mul3A_119, %mul3A_498 : i32
        %get3A_500 = arith.index_cast %add3A_499 : i32 to index
        %get3A_501 = tpu.vector_load %arg11[%get3A_500] {strides = array<i32>} : memref<4096xf32, #tpu.memory_space<vmem>>, vector<16xf32>,
        %lt3A_502 = arith.constant -1.000000e+08 : f32
        %lt3A_503 = vector.broadcast %lt3A_502 : f32 to vector<16xf32>
        %lt3A_504 = arith.cmpf olt, %get3A_501, %lt3A_503 : vector<16xf32>
        %jit3A_505 = arith.constant 1.000000e+09 : f32
        %broadcast_in_dim3A_506 = vector.broadcast %jit3A_505 : f32 to vector<16xf32>
        %select_n3A_507 = arith.select %lt3A_504, %broadcast_in_dim3A_506, %get3A_501 : vector<16xi1>, vector<16xf32>
        %neg3A = arith.constant 0.000000e+00 : f32
        %neg3A_508 = vector.broadcast %neg3A : f32 to vector<16xf32>
        %neg3A_509 = arith.subf %neg3A_508, %select_n3A_507 : vector<16xf32>
        %rev3A = arith.constant 15 : i32
        %rev3A_510 = vector.broadcast %rev3A : i32 to vector<16xi32>
        %rev3A_511 = tpu.iota {dimensions = array<i32: 0>} : vector<16xi32>
        %rev3A_512 = arith.subi %rev3A_510, %rev3A_511 : vector<16xi32>
        %rev3A_513 = tpu.dynamic_gather %neg3A_509[%rev3A_512] in [0] : vector<16xf32>, vector<16xi32> -> vector<16xf32>
        %broadcast_in_dim3A_514 = arith.constant true
        %broadcast_in_dim3A_515 = vector.broadcast %broadcast_in_dim3A_514 : i1 to vector<16xi1>
        %masked_cummax3A = tpu.scan <max>, %rev3A_513 masked %broadcast_in_dim3A_515 : vector<16xf32>, vector<16xi1> -> vector<16xf32>
        %rev3A_516 = arith.constant 15 : i32
        %rev3A_517 = vector.broadcast %rev3A_516 : i32 to vector<16xi32>
        %rev3A_518 = tpu.iota {dimensions = array<i32: 0>} : vector<16xi32>
        %rev3A_519 = arith.subi %rev3A_517, %rev3A_518 : vector<16xi32>
        %rev3A_520 = tpu.dynamic_gather %masked_cummax3A[%rev3A_519] in [0] : vector<16xf32>, vector<16xi32> -> vector<16xf32>
        %neg3A_521 = arith.constant 0.000000e+00 : f32
        %neg3A_522 = vector.broadcast %neg3A_521 : f32 to vector<16xf32>
        %neg3A_523 = arith.subf %neg3A_522, %rev3A_520 : vector<16xf32>
        %min3A_524 = arith.minimumf %neg3A_523, %scan3A_494 : vector<16xf32>
        %mul3A_525 = arith.constant 16 : i32
        %mul3A_526 = arith.muli %sub3A_496, %mul3A_525 : i32
        %swap3A_527 = arith.index_cast %mul3A_526 : i32 to index
        %swap3A_528 = tpu.vector_load %arg16[%swap3A_527] {strides = array<i32>} : memref<1024xf32, #tpu.memory_space<vmem>>, vector<16xf32>,
        tpu.vector_store %arg16[%swap3A_527], %min3A_524 {strides = array<i32>} : memref<1024xf32, #tpu.memory_space<vmem>>, vector<16xf32>,
        %slice3A = vector.extract_strided_slice %min3A_524 {offsets = [0], sizes = [1], strides = [1]} : vector<16xf32> to vector<1xf32>
        %squeeze3A = vector.extract %slice3A[0] : f32 from vector<1xf32>
        %broadcast_in_dim3A_529 = vector.broadcast %squeeze3A : f32 to vector<16xf32>
        %scan3A_530 = arith.constant 1 : i32
        %scan3A_531 = arith.addi %scan3A_493, %scan3A_530 : i32
        %sub3A_532 = arith.constant 63 : i32
        %sub3A_533 = arith.subi %sub3A_532, %scan3A_531 : i32
        %mul3A_534 = arith.constant 16 : i32
        %mul3A_535 = arith.muli %sub3A_533, %mul3A_534 : i32
        %add3A_536 = arith.addi %mul3A_119, %mul3A_535 : i32
        %get3A_537 = arith.index_cast %add3A_536 : i32 to index
        %get3A_538 = tpu.vector_load %arg11[%get3A_537] {strides = array<i32>} : memref<4096xf32, #tpu.memory_space<vmem>>, vector<16xf32>,
        %lt3A_539 = arith.constant -1.000000e+08 : f32
        %lt3A_540 = vector.broadcast %lt3A_539 : f32 to vector<16xf32>
        %lt3A_541 = arith.cmpf olt, %get3A_538, %lt3A_540 : vector<16xf32>
        %jit3A_542 = arith.constant 1.000000e+09 : f32
        %broadcast_in_dim3A_543 = vector.broadcast %jit3A_542 : f32 to vector<16xf32>
        %select_n3A_544 = arith.select %lt3A_541, %broadcast_in_dim3A_543, %get3A_538 : vector<16xi1>, vector<16xf32>
        %neg3A_545 = arith.constant 0.000000e+00 : f32
        %neg3A_546 = vector.broadcast %neg3A_545 : f32 to vector<16xf32>
        %neg3A_547 = arith.subf %neg3A_546, %select_n3A_544 : vector<16xf32>
        %rev3A_548 = arith.constant 15 : i32
        %rev3A_549 = vector.broadcast %rev3A_548 : i32 to vector<16xi32>
        %rev3A_550 = tpu.iota {dimensions = array<i32: 0>} : vector<16xi32>
        %rev3A_551 = arith.subi %rev3A_549, %rev3A_550 : vector<16xi32>
        %rev3A_552 = tpu.dynamic_gather %neg3A_547[%rev3A_551] in [0] : vector<16xf32>, vector<16xi32> -> vector<16xf32>
        %broadcast_in_dim3A_553 = arith.constant true
        %broadcast_in_dim3A_554 = vector.broadcast %broadcast_in_dim3A_553 : i1 to vector<16xi1>
        %masked_cummax3A_555 = tpu.scan <max>, %rev3A_552 masked %broadcast_in_dim3A_554 : vector<16xf32>, vector<16xi1> -> vector<16xf32>
        %rev3A_556 = arith.constant 15 : i32
        %rev3A_557 = vector.broadcast %rev3A_556 : i32 to vector<16xi32>
        %rev3A_558 = tpu.iota {dimensions = array<i32: 0>} : vector<16xi32>
        %rev3A_559 = arith.subi %rev3A_557, %rev3A_558 : vector<16xi32>
        %rev3A_560 = tpu.dynamic_gather %masked_cummax3A_555[%rev3A_559] in [0] : vector<16xf32>, vector<16xi32> -> vector<16xf32>
        %neg3A_561 = arith.constant 0.000000e+00 : f32
        %neg3A_562 = vector.broadcast %neg3A_561 : f32 to vector<16xf32>
        %neg3A_563 = arith.subf %neg3A_562, %rev3A_560 : vector<16xf32>
        %min3A_564 = arith.minimumf %neg3A_563, %broadcast_in_dim3A_529 : vector<16xf32>
        %mul3A_565 = arith.constant 16 : i32
        %mul3A_566 = arith.muli %sub3A_533, %mul3A_565 : i32
        %swap3A_567 = arith.index_cast %mul3A_566 : i32 to index
        %swap3A_568 = tpu.vector_load %arg16[%swap3A_567] {strides = array<i32>} : memref<1024xf32, #tpu.memory_space<vmem>>, vector<16xf32>,
        tpu.vector_store %arg16[%swap3A_567], %min3A_564 {strides = array<i32>} : memref<1024xf32, #tpu.memory_space<vmem>>, vector<16xf32>,
        %slice3A_569 = vector.extract_strided_slice %min3A_564 {offsets = [0], sizes = [1], strides = [1]} : vector<16xf32> to vector<1xf32>
        %squeeze3A_570 = vector.extract %slice3A_569[0] : f32 from vector<1xf32>
        %broadcast_in_dim3A_571 = vector.broadcast %squeeze3A_570 : f32 to vector<16xf32>
        %scan3A_572 = arith.constant 2 : i32
        %scan3A_573 = arith.addi %scan3A_493, %scan3A_572 : i32
        %sub3A_574 = arith.constant 63 : i32
        %sub3A_575 = arith.subi %sub3A_574, %scan3A_573 : i32
        %mul3A_576 = arith.constant 16 : i32
        %mul3A_577 = arith.muli %sub3A_575, %mul3A_576 : i32
        %add3A_578 = arith.addi %mul3A_119, %mul3A_577 : i32
        %get3A_579 = arith.index_cast %add3A_578 : i32 to index
        %get3A_580 = tpu.vector_load %arg11[%get3A_579] {strides = array<i32>} : memref<4096xf32, #tpu.memory_space<vmem>>, vector<16xf32>,
        %lt3A_581 = arith.constant -1.000000e+08 : f32
        %lt3A_582 = vector.broadcast %lt3A_581 : f32 to vector<16xf32>
        %lt3A_583 = arith.cmpf olt, %get3A_580, %lt3A_582 : vector<16xf32>
        %jit3A_584 = arith.constant 1.000000e+09 : f32
        %broadcast_in_dim3A_585 = vector.broadcast %jit3A_584 : f32 to vector<16xf32>
        %select_n3A_586 = arith.select %lt3A_583, %broadcast_in_dim3A_585, %get3A_580 : vector<16xi1>, vector<16xf32>
        %neg3A_587 = arith.constant 0.000000e+00 : f32
        %neg3A_588 = vector.broadcast %neg3A_587 : f32 to vector<16xf32>
        %neg3A_589 = arith.subf %neg3A_588, %select_n3A_586 : vector<16xf32>
        %rev3A_590 = arith.constant 15 : i32
        %rev3A_591 = vector.broadcast %rev3A_590 : i32 to vector<16xi32>
        %rev3A_592 = tpu.iota {dimensions = array<i32: 0>} : vector<16xi32>
        %rev3A_593 = arith.subi %rev3A_591, %rev3A_592 : vector<16xi32>
        %rev3A_594 = tpu.dynamic_gather %neg3A_589[%rev3A_593] in [0] : vector<16xf32>, vector<16xi32> -> vector<16xf32>
        %broadcast_in_dim3A_595 = arith.constant true
        %broadcast_in_dim3A_596 = vector.broadcast %broadcast_in_dim3A_595 : i1 to vector<16xi1>
        %masked_cummax3A_597 = tpu.scan <max>, %rev3A_594 masked %broadcast_in_dim3A_596 : vector<16xf32>, vector<16xi1> -> vector<16xf32>
        %rev3A_598 = arith.constant 15 : i32
        %rev3A_599 = vector.broadcast %rev3A_598 : i32 to vector<16xi32>
        %rev3A_600 = tpu.iota {dimensions = array<i32: 0>} : vector<16xi32>
        %rev3A_601 = arith.subi %rev3A_599, %rev3A_600 : vector<16xi32>
        %rev3A_602 = tpu.dynamic_gather %masked_cummax3A_597[%rev3A_601] in [0] : vector<16xf32>, vector<16xi32> -> vector<16xf32>
        %neg3A_603 = arith.constant 0.000000e+00 : f32
        %neg3A_604 = vector.broadcast %neg3A_603 : f32 to vector<16xf32>
        %neg3A_605 = arith.subf %neg3A_604, %rev3A_602 : vector<16xf32>
        %min3A_606 = arith.minimumf %neg3A_605, %broadcast_in_dim3A_571 : vector<16xf32>
        %mul3A_607 = arith.constant 16 : i32
        %mul3A_608 = arith.muli %sub3A_575, %mul3A_607 : i32
        %swap3A_609 = arith.index_cast %mul3A_608 : i32 to index
        %swap3A_610 = tpu.vector_load %arg16[%swap3A_609] {strides = array<i32>} : memref<1024xf32, #tpu.memory_space<vmem>>, vector<16xf32>,
        tpu.vector_store %arg16[%swap3A_609], %min3A_606 {strides = array<i32>} : memref<1024xf32, #tpu.memory_space<vmem>>, vector<16xf32>,
        %slice3A_611 = vector.extract_strided_slice %min3A_606 {offsets = [0], sizes = [1], strides = [1]} : vector<16xf32> to vector<1xf32>
        %squeeze3A_612 = vector.extract %slice3A_611[0] : f32 from vector<1xf32>
        %broadcast_in_dim3A_613 = vector.broadcast %squeeze3A_612 : f32 to vector<16xf32>
        %scan3A_614 = arith.constant 3 : i32
        %scan3A_615 = arith.addi %scan3A_493, %scan3A_614 : i32
        %sub3A_616 = arith.constant 63 : i32
        %sub3A_617 = arith.subi %sub3A_616, %scan3A_615 : i32
        %mul3A_618 = arith.constant 16 : i32
        %mul3A_619 = arith.muli %sub3A_617, %mul3A_618 : i32
        %add3A_620 = arith.addi %mul3A_119, %mul3A_619 : i32
        %get3A_621 = arith.index_cast %add3A_620 : i32 to index
        %get3A_622 = tpu.vector_load %arg11[%get3A_621] {strides = array<i32>} : memref<4096xf32, #tpu.memory_space<vmem>>, vector<16xf32>,
        %lt3A_623 = arith.constant -1.000000e+08 : f32
        %lt3A_624 = vector.broadcast %lt3A_623 : f32 to vector<16xf32>
        %lt3A_625 = arith.cmpf olt, %get3A_622, %lt3A_624 : vector<16xf32>
        %jit3A_626 = arith.constant 1.000000e+09 : f32
        %broadcast_in_dim3A_627 = vector.broadcast %jit3A_626 : f32 to vector<16xf32>
        %select_n3A_628 = arith.select %lt3A_625, %broadcast_in_dim3A_627, %get3A_622 : vector<16xi1>, vector<16xf32>
        %neg3A_629 = arith.constant 0.000000e+00 : f32
        %neg3A_630 = vector.broadcast %neg3A_629 : f32 to vector<16xf32>
        %neg3A_631 = arith.subf %neg3A_630, %select_n3A_628 : vector<16xf32>
        %rev3A_632 = arith.constant 15 : i32
        %rev3A_633 = vector.broadcast %rev3A_632 : i32 to vector<16xi32>
        %rev3A_634 = tpu.iota {dimensions = array<i32: 0>} : vector<16xi32>
        %rev3A_635 = arith.subi %rev3A_633, %rev3A_634 : vector<16xi32>
        %rev3A_636 = tpu.dynamic_gather %neg3A_631[%rev3A_635] in [0] : vector<16xf32>, vector<16xi32> -> vector<16xf32>
        %broadcast_in_dim3A_637 = arith.constant true
        %broadcast_in_dim3A_638 = vector.broadcast %broadcast_in_dim3A_637 : i1 to vector<16xi1>
        %masked_cummax3A_639 = tpu.scan <max>, %rev3A_636 masked %broadcast_in_dim3A_638 : vector<16xf32>, vector<16xi1> -> vector<16xf32>
        %rev3A_640 = arith.constant 15 : i32
        %rev3A_641 = vector.broadcast %rev3A_640 : i32 to vector<16xi32>
        %rev3A_642 = tpu.iota {dimensions = array<i32: 0>} : vector<16xi32>
        %rev3A_643 = arith.subi %rev3A_641, %rev3A_642 : vector<16xi32>
        %rev3A_644 = tpu.dynamic_gather %masked_cummax3A_639[%rev3A_643] in [0] : vector<16xf32>, vector<16xi32> -> vector<16xf32>
        %neg3A_645 = arith.constant 0.000000e+00 : f32
        %neg3A_646 = vector.broadcast %neg3A_645 : f32 to vector<16xf32>
        %neg3A_647 = arith.subf %neg3A_646, %rev3A_644 : vector<16xf32>
        %min3A_648 = arith.minimumf %neg3A_647, %broadcast_in_dim3A_613 : vector<16xf32>
        %mul3A_649 = arith.constant 16 : i32
        %mul3A_650 = arith.muli %sub3A_617, %mul3A_649 : i32
        %swap3A_651 = arith.index_cast %mul3A_650 : i32 to index
        %swap3A_652 = tpu.vector_load %arg16[%swap3A_651] {strides = array<i32>} : memref<1024xf32, #tpu.memory_space<vmem>>, vector<16xf32>,
        tpu.vector_store %arg16[%swap3A_651], %min3A_648 {strides = array<i32>} : memref<1024xf32, #tpu.memory_space<vmem>>, vector<16xf32>,
        %slice3A_653 = vector.extract_strided_slice %min3A_648 {offsets = [0], sizes = [1], strides = [1]} : vector<16xf32> to vector<1xf32>
        %squeeze3A_654 = vector.extract %slice3A_653[0] : f32 from vector<1xf32>
        %broadcast_in_dim3A_655 = vector.broadcast %squeeze3A_654 : f32 to vector<16xf32>
        scf.yield %broadcast_in_dim3A_655 : vector<16xf32>
      }
      %scan3A_492 = arith.constant 64 : i32
    } else {
    }
    %mul3A_213 = arith.constant 1024 : i32
    %mul3A_214 = arith.muli %arg1, %mul3A_213 : i32
    "tpu.region"() ({
      %run_scoped3A = tpu.sem_alloc : memref<!tpu.dma_semaphore, #tpu.memory_space<semaphore_mem>>
      %dma_start3A = tpu.memref_slice %arg19[%mul3A_214] : memref<16384xf32, #tpu.memory_space<vmem_shared>> -> memref<1024xf32, #tpu.memory_space<vmem_shared>>
      %dma_start3A_485 = tpu.memref_slice %arg19[%mul3A_214] : memref<16384xf32, #tpu.memory_space<vmem_shared>> -> memref<1024xf32, #tpu.memory_space<vmem_shared>>
      tpu.enqueue_dma source(%arg16 : memref<1024xf32, #tpu.memory_space<vmem>>) target(%dma_start3A_485 : memref<1024xf32, #tpu.memory_space<vmem_shared>>) target_semaphore(%run_scoped3A : memref<!tpu.dma_semaphore, #tpu.memory_space<semaphore_mem>>)
      %dma_wait3A = tpu.memref_slice %arg19[%mul3A_214] : memref<16384xf32, #tpu.memory_space<vmem_shared>> -> memref<1024xf32, #tpu.memory_space<vmem_shared>>
      %dma_wait3A_486 = tpu.memref_slice %arg19[%mul3A_214] : memref<16384xf32, #tpu.memory_space<vmem_shared>> -> memref<1024xf32, #tpu.memory_space<vmem_shared>>
      tpu.wait_dma2 semaphore(%run_scoped3A : memref<!tpu.dma_semaphore, #tpu.memory_space<semaphore_mem>>) src(%arg16 : memref<1024xf32, #tpu.memory_space<vmem>>) dst(%dma_wait3A_486 : memref<1024xf32, #tpu.memory_space<vmem_shared>>)
      tpu.yield
    }) : () -> ()
    %barrier3A_215 = arith.constant 0 : index
    tpu.barrier barrier_id(%barrier3A_215)
    "tpu.region"() ({
      %run_scoped3A = tpu.sem_alloc : memref<!tpu.dma_semaphore, #tpu.memory_space<semaphore_mem>>
      tpu.enqueue_dma source(%arg19 : memref<16384xf32, #tpu.memory_space<vmem_shared>>) target(%arg14 : memref<16384xf32, #tpu.memory_space<vmem>>) target_semaphore(%run_scoped3A : memref<!tpu.dma_semaphore, #tpu.memory_space<semaphore_mem>>)
      tpu.wait_dma2 semaphore(%run_scoped3A : memref<!tpu.dma_semaphore, #tpu.memory_space<semaphore_mem>>) src(%arg19 : memref<16384xf32, #tpu.memory_space<vmem_shared>>) dst(%arg14 : memref<16384xf32, #tpu.memory_space<vmem>>)
      tpu.yield
    }) : () -> ()
    %broadcast_in_dim3A_216 = arith.constant 0.000000e+00 : f32
    %broadcast_in_dim3A_217 = vector.broadcast %broadcast_in_dim3A_216 : f32 to vector<16xf32>
    %mul3A_218 = arith.constant 2 : i32
    %mul3A_219 = arith.muli %mul3A_218, %select_n3A : i32
    %mul3A_220 = arith.constant 1024 : i32
    %mul3A_221 = arith.muli %mul3A_219, %mul3A_220 : i32
    %scan3A_222 = arith.constant 0 : i32
    %scan3A_223 = arith.constant 392 : i32
    %scan3A_224 = arith.addi %scan3A_222, %scan3A_223 : i32
    %scan3A_225 = arith.constant 7 : i32
    %scan3A_226:2 = scf.for %scan3A_485 = %scan3A_222 to %scan3A_224 step %scan3A_225 iter_args(%scan3A_486 = %broadcast_in_dim3A_217, %scan3A_487 = %broadcast_in_dim3A_217) -> (vector<16xf32>, vector<16xf32>)  : i32 {
      %mul3A_488 = arith.constant 16 : i32
      %mul3A_489 = arith.muli %scan3A_485, %mul3A_488 : i32
      %get3A_490 = arith.index_cast %mul3A_489 : i32 to index
      %get3A_491 = tpu.vector_load %arg6[%get3A_490] {strides = array<i32>} : memref<6272xf32, #tpu.memory_space<vmem>>, vector<16xf32>,
      %mul3A_492 = arith.constant 1.024000e+03 : f32
      %mul3A_493 = vector.broadcast %mul3A_492 : f32 to vector<16xf32>
      %mul3A_494 = arith.mulf %get3A_491, %mul3A_493 : vector<16xf32>
      %convert_element_type3A_495 = arith.fptosi %mul3A_494 : vector<16xf32> to vector<16xi32>
      %jit3A_496 = arith.constant 0 : i32
      %jit3A_497 = arith.constant 1023 : i32
      %max3A_498 = vector.broadcast %jit3A_496 : i32 to vector<16xi32>
      %max3A_499 = arith.maxsi %max3A_498, %convert_element_type3A_495 : vector<16xi32>
      %min3A_500 = vector.broadcast %jit3A_497 : i32 to vector<16xi32>
      %min3A_501 = arith.minsi %min3A_500, %max3A_499 : vector<16xi32>
      %add3A_502 = vector.broadcast %mul3A_221 : i32 to vector<16xi32>
      %add3A_503 = arith.addi %min3A_501, %add3A_502 : vector<16xi32>
      %gather3A_504 = tpu.vector_load_idx %arg14[%add3A_503] : memref<16384xf32, #tpu.memory_space<vmem>>[vector<16xi32>], vector<16xf32>,
      %add3A_505 = arith.constant 1024 : i32
      %add3A_506 = vector.broadcast %add3A_505 : i32 to vector<16xi32>
      %add3A_507 = arith.addi %add3A_503, %add3A_506 : vector<16xi32>
      %gather3A_508 = tpu.vector_load_idx %arg14[%add3A_507] : memref<16384xf32, #tpu.memory_space<vmem>>[vector<16xi32>], vector<16xf32>,
      %sub3A_509 = arith.subf %get3A_491, %gather3A_504 : vector<16xf32>
      %sub3A_510 = arith.subf %gather3A_508, %get3A_491 : vector<16xf32>
      %mul3A_511 = arith.mulf %sub3A_509, %sub3A_509 : vector<16xf32>
      %mul3A_512 = arith.mulf %sub3A_510, %sub3A_510 : vector<16xf32>
      %min3A_513 = arith.minimumf %mul3A_511, %mul3A_512 : vector<16xf32>
      %ge3A_514 = arith.constant 1.000000e-03 : f32
      %ge3A_515 = vector.broadcast %ge3A_514 : f32 to vector<16xf32>
      %ge3A_516 = arith.cmpf oge, %get3A_491, %ge3A_515 : vector<16xf32>
      %jit3A_517 = arith.constant 0.000000e+00 : f32
      %broadcast_in_dim3A_518 = vector.broadcast %jit3A_517 : f32 to vector<16xf32>
      %select_n3A_519 = arith.select %ge3A_516, %min3A_513, %broadcast_in_dim3A_518 : vector<16xi1>, vector<16xf32>
      %add3A_520 = arith.addf %scan3A_486, %select_n3A_519 : vector<16xf32>
      %jit3A_521 = arith.constant 1.000000e+00 : f32
      %jit3A_522 = arith.constant 0.000000e+00 : f32
      %broadcast_in_dim3A_523 = vector.broadcast %jit3A_521 : f32 to vector<16xf32>
      %broadcast_in_dim3A_524 = vector.broadcast %jit3A_522 : f32 to vector<16xf32>
      %select_n3A_525 = arith.select %ge3A_516, %broadcast_in_dim3A_523, %broadcast_in_dim3A_524 : vector<16xi1>, vector<16xf32>
      %add3A_526 = arith.addf %scan3A_487, %select_n3A_525 : vector<16xf32>
      %scan3A_527 = arith.constant 1 : i32
      %scan3A_528 = arith.addi %scan3A_485, %scan3A_527 : i32
      %mul3A_529 = arith.constant 16 : i32
      %mul3A_530 = arith.muli %scan3A_528, %mul3A_529 : i32
      %get3A_531 = arith.index_cast %mul3A_530 : i32 to index
      %get3A_532 = tpu.vector_load %arg6[%get3A_531] {strides = array<i32>} : memref<6272xf32, #tpu.memory_space<vmem>>, vector<16xf32>,
      %mul3A_533 = arith.constant 1.024000e+03 : f32
      %mul3A_534 = vector.broadcast %mul3A_533 : f32 to vector<16xf32>
      %mul3A_535 = arith.mulf %get3A_532, %mul3A_534 : vector<16xf32>
      %convert_element_type3A_536 = arith.fptosi %mul3A_535 : vector<16xf32> to vector<16xi32>
      %jit3A_537 = arith.constant 0 : i32
      %jit3A_538 = arith.constant 1023 : i32
      %max3A_539 = vector.broadcast %jit3A_537 : i32 to vector<16xi32>
      %max3A_540 = arith.maxsi %max3A_539, %convert_element_type3A_536 : vector<16xi32>
      %min3A_541 = vector.broadcast %jit3A_538 : i32 to vector<16xi32>
      %min3A_542 = arith.minsi %min3A_541, %max3A_540 : vector<16xi32>
      %add3A_543 = vector.broadcast %mul3A_221 : i32 to vector<16xi32>
      %add3A_544 = arith.addi %min3A_542, %add3A_543 : vector<16xi32>
      %gather3A_545 = tpu.vector_load_idx %arg14[%add3A_544] : memref<16384xf32, #tpu.memory_space<vmem>>[vector<16xi32>], vector<16xf32>,
      %add3A_546 = arith.constant 1024 : i32
      %add3A_547 = vector.broadcast %add3A_546 : i32 to vector<16xi32>
      %add3A_548 = arith.addi %add3A_544, %add3A_547 : vector<16xi32>
      %gather3A_549 = tpu.vector_load_idx %arg14[%add3A_548] : memref<16384xf32, #tpu.memory_space<vmem>>[vector<16xi32>], vector<16xf32>,
      %sub3A_550 = arith.subf %get3A_532, %gather3A_545 : vector<16xf32>
      %sub3A_551 = arith.subf %gather3A_549, %get3A_532 : vector<16xf32>
      %mul3A_552 = arith.mulf %sub3A_550, %sub3A_550 : vector<16xf32>
      %mul3A_553 = arith.mulf %sub3A_551, %sub3A_551 : vector<16xf32>
      %min3A_554 = arith.minimumf %mul3A_552, %mul3A_553 : vector<16xf32>
      %ge3A_555 = arith.constant 1.000000e-03 : f32
      %ge3A_556 = vector.broadcast %ge3A_555 : f32 to vector<16xf32>
      %ge3A_557 = arith.cmpf oge, %get3A_532, %ge3A_556 : vector<16xf32>
      %jit3A_558 = arith.constant 0.000000e+00 : f32
      %broadcast_in_dim3A_559 = vector.broadcast %jit3A_558 : f32 to vector<16xf32>
      %select_n3A_560 = arith.select %ge3A_557, %min3A_554, %broadcast_in_dim3A_559 : vector<16xi1>, vector<16xf32>
      %add3A_561 = arith.addf %add3A_520, %select_n3A_560 : vector<16xf32>
      %jit3A_562 = arith.constant 1.000000e+00 : f32
      %jit3A_563 = arith.constant 0.000000e+00 : f32
      %broadcast_in_dim3A_564 = vector.broadcast %jit3A_562 : f32 to vector<16xf32>
      %broadcast_in_dim3A_565 = vector.broadcast %jit3A_563 : f32 to vector<16xf32>
      %select_n3A_566 = arith.select %ge3A_557, %broadcast_in_dim3A_564, %broadcast_in_dim3A_565 : vector<16xi1>, vector<16xf32>
      %add3A_567 = arith.addf %add3A_526, %select_n3A_566 : vector<16xf32>
      %scan3A_568 = arith.constant 2 : i32
      %scan3A_569 = arith.addi %scan3A_485, %scan3A_568 : i32
      %mul3A_570 = arith.constant 16 : i32
      %mul3A_571 = arith.muli %scan3A_569, %mul3A_570 : i32
      %get3A_572 = arith.index_cast %mul3A_571 : i32 to index
      %get3A_573 = tpu.vector_load %arg6[%get3A_572] {strides = array<i32>} : memref<6272xf32, #tpu.memory_space<vmem>>, vector<16xf32>,
      %mul3A_574 = arith.constant 1.024000e+03 : f32
      %mul3A_575 = vector.broadcast %mul3A_574 : f32 to vector<16xf32>
      %mul3A_576 = arith.mulf %get3A_573, %mul3A_575 : vector<16xf32>
      %convert_element_type3A_577 = arith.fptosi %mul3A_576 : vector<16xf32> to vector<16xi32>
      %jit3A_578 = arith.constant 0 : i32
      %jit3A_579 = arith.constant 1023 : i32
      %max3A_580 = vector.broadcast %jit3A_578 : i32 to vector<16xi32>
      %max3A_581 = arith.maxsi %max3A_580, %convert_element_type3A_577 : vector<16xi32>
      %min3A_582 = vector.broadcast %jit3A_579 : i32 to vector<16xi32>
      %min3A_583 = arith.minsi %min3A_582, %max3A_581 : vector<16xi32>
      %add3A_584 = vector.broadcast %mul3A_221 : i32 to vector<16xi32>
      %add3A_585 = arith.addi %min3A_583, %add3A_584 : vector<16xi32>
      %gather3A_586 = tpu.vector_load_idx %arg14[%add3A_585] : memref<16384xf32, #tpu.memory_space<vmem>>[vector<16xi32>], vector<16xf32>,
      %add3A_587 = arith.constant 1024 : i32
      %add3A_588 = vector.broadcast %add3A_587 : i32 to vector<16xi32>
      %add3A_589 = arith.addi %add3A_585, %add3A_588 : vector<16xi32>
      %gather3A_590 = tpu.vector_load_idx %arg14[%add3A_589] : memref<16384xf32, #tpu.memory_space<vmem>>[vector<16xi32>], vector<16xf32>,
      %sub3A_591 = arith.subf %get3A_573, %gather3A_586 : vector<16xf32>
      %sub3A_592 = arith.subf %gather3A_590, %get3A_573 : vector<16xf32>
      %mul3A_593 = arith.mulf %sub3A_591, %sub3A_591 : vector<16xf32>
      %mul3A_594 = arith.mulf %sub3A_592, %sub3A_592 : vector<16xf32>
      %min3A_595 = arith.minimumf %mul3A_593, %mul3A_594 : vector<16xf32>
      %ge3A_596 = arith.constant 1.000000e-03 : f32
      %ge3A_597 = vector.broadcast %ge3A_596 : f32 to vector<16xf32>
      %ge3A_598 = arith.cmpf oge, %get3A_573, %ge3A_597 : vector<16xf32>
      %jit3A_599 = arith.constant 0.000000e+00 : f32
      %broadcast_in_dim3A_600 = vector.broadcast %jit3A_599 : f32 to vector<16xf32>
      %select_n3A_601 = arith.select %ge3A_598, %min3A_595, %broadcast_in_dim3A_600 : vector<16xi1>, vector<16xf32>
      %add3A_602 = arith.addf %add3A_561, %select_n3A_601 : vector<16xf32>
      %jit3A_603 = arith.constant 1.000000e+00 : f32
      %jit3A_604 = arith.constant 0.000000e+00 : f32
      %broadcast_in_dim3A_605 = vector.broadcast %jit3A_603 : f32 to vector<16xf32>
      %broadcast_in_dim3A_606 = vector.broadcast %jit3A_604 : f32 to vector<16xf32>
      %select_n3A_607 = arith.select %ge3A_598, %broadcast_in_dim3A_605, %broadcast_in_dim3A_606 : vector<16xi1>, vector<16xf32>
      %add3A_608 = arith.addf %add3A_567, %select_n3A_607 : vector<16xf32>
      %scan3A_609 = arith.constant 3 : i32
      %scan3A_610 = arith.addi %scan3A_485, %scan3A_609 : i32
      %mul3A_611 = arith.constant 16 : i32
      %mul3A_612 = arith.muli %scan3A_610, %mul3A_611 : i32
      %get3A_613 = arith.index_cast %mul3A_612 : i32 to index
      %get3A_614 = tpu.vector_load %arg6[%get3A_613] {strides = array<i32>} : memref<6272xf32, #tpu.memory_space<vmem>>, vector<16xf32>,
      %mul3A_615 = arith.constant 1.024000e+03 : f32
      %mul3A_616 = vector.broadcast %mul3A_615 : f32 to vector<16xf32>
      %mul3A_617 = arith.mulf %get3A_614, %mul3A_616 : vector<16xf32>
      %convert_element_type3A_618 = arith.fptosi %mul3A_617 : vector<16xf32> to vector<16xi32>
      %jit3A_619 = arith.constant 0 : i32
      %jit3A_620 = arith.constant 1023 : i32
      %max3A_621 = vector.broadcast %jit3A_619 : i32 to vector<16xi32>
      %max3A_622 = arith.maxsi %max3A_621, %convert_element_type3A_618 : vector<16xi32>
      %min3A_623 = vector.broadcast %jit3A_620 : i32 to vector<16xi32>
      %min3A_624 = arith.minsi %min3A_623, %max3A_622 : vector<16xi32>
      %add3A_625 = vector.broadcast %mul3A_221 : i32 to vector<16xi32>
      %add3A_626 = arith.addi %min3A_624, %add3A_625 : vector<16xi32>
      %gather3A_627 = tpu.vector_load_idx %arg14[%add3A_626] : memref<16384xf32, #tpu.memory_space<vmem>>[vector<16xi32>], vector<16xf32>,
      %add3A_628 = arith.constant 1024 : i32
      %add3A_629 = vector.broadcast %add3A_628 : i32 to vector<16xi32>
      %add3A_630 = arith.addi %add3A_626, %add3A_629 : vector<16xi32>
      %gather3A_631 = tpu.vector_load_idx %arg14[%add3A_630] : memref<16384xf32, #tpu.memory_space<vmem>>[vector<16xi32>], vector<16xf32>,
      %sub3A_632 = arith.subf %get3A_614, %gather3A_627 : vector<16xf32>
      %sub3A_633 = arith.subf %gather3A_631, %get3A_614 : vector<16xf32>
      %mul3A_634 = arith.mulf %sub3A_632, %sub3A_632 : vector<16xf32>
      %mul3A_635 = arith.mulf %sub3A_633, %sub3A_633 : vector<16xf32>
      %min3A_636 = arith.minimumf %mul3A_634, %mul3A_635 : vector<16xf32>
      %ge3A_637 = arith.constant 1.000000e-03 : f32
      %ge3A_638 = vector.broadcast %ge3A_637 : f32 to vector<16xf32>
      %ge3A_639 = arith.cmpf oge, %get3A_614, %ge3A_638 : vector<16xf32>
      %jit3A_640 = arith.constant 0.000000e+00 : f32
      %broadcast_in_dim3A_641 = vector.broadcast %jit3A_640 : f32 to vector<16xf32>
      %select_n3A_642 = arith.select %ge3A_639, %min3A_636, %broadcast_in_dim3A_641 : vector<16xi1>, vector<16xf32>
      %add3A_643 = arith.addf %add3A_602, %select_n3A_642 : vector<16xf32>
      %jit3A_644 = arith.constant 1.000000e+00 : f32
      %jit3A_645 = arith.constant 0.000000e+00 : f32
      %broadcast_in_dim3A_646 = vector.broadcast %jit3A_644 : f32 to vector<16xf32>
      %broadcast_in_dim3A_647 = vector.broadcast %jit3A_645 : f32 to vector<16xf32>
      %select_n3A_648 = arith.select %ge3A_639, %broadcast_in_dim3A_646, %broadcast_in_dim3A_647 : vector<16xi1>, vector<16xf32>
      %add3A_649 = arith.addf %add3A_608, %select_n3A_648 : vector<16xf32>
      %scan3A_650 = arith.constant 4 : i32
      %scan3A_651 = arith.addi %scan3A_485, %scan3A_650 : i32
      %mul3A_652 = arith.constant 16 : i32
      %mul3A_653 = arith.muli %scan3A_651, %mul3A_652 : i32
      %get3A_654 = arith.index_cast %mul3A_653 : i32 to index
      %get3A_655 = tpu.vector_load %arg6[%get3A_654] {strides = array<i32>} : memref<6272xf32, #tpu.memory_space<vmem>>, vector<16xf32>,
      %mul3A_656 = arith.constant 1.024000e+03 : f32
      %mul3A_657 = vector.broadcast %mul3A_656 : f32 to vector<16xf32>
      %mul3A_658 = arith.mulf %get3A_655, %mul3A_657 : vector<16xf32>
      %convert_element_type3A_659 = arith.fptosi %mul3A_658 : vector<16xf32> to vector<16xi32>
      %jit3A_660 = arith.constant 0 : i32
      %jit3A_661 = arith.constant 1023 : i32
      %max3A_662 = vector.broadcast %jit3A_660 : i32 to vector<16xi32>
      %max3A_663 = arith.maxsi %max3A_662, %convert_element_type3A_659 : vector<16xi32>
      %min3A_664 = vector.broadcast %jit3A_661 : i32 to vector<16xi32>
      %min3A_665 = arith.minsi %min3A_664, %max3A_663 : vector<16xi32>
      %add3A_666 = vector.broadcast %mul3A_221 : i32 to vector<16xi32>
      %add3A_667 = arith.addi %min3A_665, %add3A_666 : vector<16xi32>
      %gather3A_668 = tpu.vector_load_idx %arg14[%add3A_667] : memref<16384xf32, #tpu.memory_space<vmem>>[vector<16xi32>], vector<16xf32>,
      %add3A_669 = arith.constant 1024 : i32
      %add3A_670 = vector.broadcast %add3A_669 : i32 to vector<16xi32>
      %add3A_671 = arith.addi %add3A_667, %add3A_670 : vector<16xi32>
      %gather3A_672 = tpu.vector_load_idx %arg14[%add3A_671] : memref<16384xf32, #tpu.memory_space<vmem>>[vector<16xi32>], vector<16xf32>,
      %sub3A_673 = arith.subf %get3A_655, %gather3A_668 : vector<16xf32>
      %sub3A_674 = arith.subf %gather3A_672, %get3A_655 : vector<16xf32>
      %mul3A_675 = arith.mulf %sub3A_673, %sub3A_673 : vector<16xf32>
      %mul3A_676 = arith.mulf %sub3A_674, %sub3A_674 : vector<16xf32>
      %min3A_677 = arith.minimumf %mul3A_675, %mul3A_676 : vector<16xf32>
      %ge3A_678 = arith.constant 1.000000e-03 : f32
      %ge3A_679 = vector.broadcast %ge3A_678 : f32 to vector<16xf32>
      %ge3A_680 = arith.cmpf oge, %get3A_655, %ge3A_679 : vector<16xf32>
      %jit3A_681 = arith.constant 0.000000e+00 : f32
      %broadcast_in_dim3A_682 = vector.broadcast %jit3A_681 : f32 to vector<16xf32>
      %select_n3A_683 = arith.select %ge3A_680, %min3A_677, %broadcast_in_dim3A_682 : vector<16xi1>, vector<16xf32>
      %add3A_684 = arith.addf %add3A_643, %select_n3A_683 : vector<16xf32>
      %jit3A_685 = arith.constant 1.000000e+00 : f32
      %jit3A_686 = arith.constant 0.000000e+00 : f32
      %broadcast_in_dim3A_687 = vector.broadcast %jit3A_685 : f32 to vector<16xf32>
      %broadcast_in_dim3A_688 = vector.broadcast %jit3A_686 : f32 to vector<16xf32>
      %select_n3A_689 = arith.select %ge3A_680, %broadcast_in_dim3A_687, %broadcast_in_dim3A_688 : vector<16xi1>, vector<16xf32>
      %add3A_690 = arith.addf %add3A_649, %select_n3A_689 : vector<16xf32>
      %scan3A_691 = arith.constant 5 : i32
      %scan3A_692 = arith.addi %scan3A_485, %scan3A_691 : i32
      %mul3A_693 = arith.constant 16 : i32
      %mul3A_694 = arith.muli %scan3A_692, %mul3A_693 : i32
      %get3A_695 = arith.index_cast %mul3A_694 : i32 to index
      %get3A_696 = tpu.vector_load %arg6[%get3A_695] {strides = array<i32>} : memref<6272xf32, #tpu.memory_space<vmem>>, vector<16xf32>,
      %mul3A_697 = arith.constant 1.024000e+03 : f32
      %mul3A_698 = vector.broadcast %mul3A_697 : f32 to vector<16xf32>
      %mul3A_699 = arith.mulf %get3A_696, %mul3A_698 : vector<16xf32>
      %convert_element_type3A_700 = arith.fptosi %mul3A_699 : vector<16xf32> to vector<16xi32>
      %jit3A_701 = arith.constant 0 : i32
      %jit3A_702 = arith.constant 1023 : i32
      %max3A_703 = vector.broadcast %jit3A_701 : i32 to vector<16xi32>
      %max3A_704 = arith.maxsi %max3A_703, %convert_element_type3A_700 : vector<16xi32>
      %min3A_705 = vector.broadcast %jit3A_702 : i32 to vector<16xi32>
      %min3A_706 = arith.minsi %min3A_705, %max3A_704 : vector<16xi32>
      %add3A_707 = vector.broadcast %mul3A_221 : i32 to vector<16xi32>
      %add3A_708 = arith.addi %min3A_706, %add3A_707 : vector<16xi32>
      %gather3A_709 = tpu.vector_load_idx %arg14[%add3A_708] : memref<16384xf32, #tpu.memory_space<vmem>>[vector<16xi32>], vector<16xf32>,
      %add3A_710 = arith.constant 1024 : i32
      %add3A_711 = vector.broadcast %add3A_710 : i32 to vector<16xi32>
      %add3A_712 = arith.addi %add3A_708, %add3A_711 : vector<16xi32>
      %gather3A_713 = tpu.vector_load_idx %arg14[%add3A_712] : memref<16384xf32, #tpu.memory_space<vmem>>[vector<16xi32>], vector<16xf32>,
      %sub3A_714 = arith.subf %get3A_696, %gather3A_709 : vector<16xf32>
      %sub3A_715 = arith.subf %gather3A_713, %get3A_696 : vector<16xf32>
      %mul3A_716 = arith.mulf %sub3A_714, %sub3A_714 : vector<16xf32>
      %mul3A_717 = arith.mulf %sub3A_715, %sub3A_715 : vector<16xf32>
      %min3A_718 = arith.minimumf %mul3A_716, %mul3A_717 : vector<16xf32>
      %ge3A_719 = arith.constant 1.000000e-03 : f32
      %ge3A_720 = vector.broadcast %ge3A_719 : f32 to vector<16xf32>
      %ge3A_721 = arith.cmpf oge, %get3A_696, %ge3A_720 : vector<16xf32>
      %jit3A_722 = arith.constant 0.000000e+00 : f32
      %broadcast_in_dim3A_723 = vector.broadcast %jit3A_722 : f32 to vector<16xf32>
      %select_n3A_724 = arith.select %ge3A_721, %min3A_718, %broadcast_in_dim3A_723 : vector<16xi1>, vector<16xf32>
      %add3A_725 = arith.addf %add3A_684, %select_n3A_724 : vector<16xf32>
      %jit3A_726 = arith.constant 1.000000e+00 : f32
      %jit3A_727 = arith.constant 0.000000e+00 : f32
      %broadcast_in_dim3A_728 = vector.broadcast %jit3A_726 : f32 to vector<16xf32>
      %broadcast_in_dim3A_729 = vector.broadcast %jit3A_727 : f32 to vector<16xf32>
      %select_n3A_730 = arith.select %ge3A_721, %broadcast_in_dim3A_728, %broadcast_in_dim3A_729 : vector<16xi1>, vector<16xf32>
      %add3A_731 = arith.addf %add3A_690, %select_n3A_730 : vector<16xf32>
      %scan3A_732 = arith.constant 6 : i32
      %scan3A_733 = arith.addi %scan3A_485, %scan3A_732 : i32
      %mul3A_734 = arith.constant 16 : i32
      %mul3A_735 = arith.muli %scan3A_733, %mul3A_734 : i32
      %get3A_736 = arith.index_cast %mul3A_735 : i32 to index
      %get3A_737 = tpu.vector_load %arg6[%get3A_736] {strides = array<i32>} : memref<6272xf32, #tpu.memory_space<vmem>>, vector<16xf32>,
      %mul3A_738 = arith.constant 1.024000e+03 : f32
      %mul3A_739 = vector.broadcast %mul3A_738 : f32 to vector<16xf32>
      %mul3A_740 = arith.mulf %get3A_737, %mul3A_739 : vector<16xf32>
      %convert_element_type3A_741 = arith.fptosi %mul3A_740 : vector<16xf32> to vector<16xi32>
      %jit3A_742 = arith.constant 0 : i32
      %jit3A_743 = arith.constant 1023 : i32
      %max3A_744 = vector.broadcast %jit3A_742 : i32 to vector<16xi32>
      %max3A_745 = arith.maxsi %max3A_744, %convert_element_type3A_741 : vector<16xi32>
      %min3A_746 = vector.broadcast %jit3A_743 : i32 to vector<16xi32>
      %min3A_747 = arith.minsi %min3A_746, %max3A_745 : vector<16xi32>
      %add3A_748 = vector.broadcast %mul3A_221 : i32 to vector<16xi32>
      %add3A_749 = arith.addi %min3A_747, %add3A_748 : vector<16xi32>
      %gather3A_750 = tpu.vector_load_idx %arg14[%add3A_749] : memref<16384xf32, #tpu.memory_space<vmem>>[vector<16xi32>], vector<16xf32>,
      %add3A_751 = arith.constant 1024 : i32
      %add3A_752 = vector.broadcast %add3A_751 : i32 to vector<16xi32>
      %add3A_753 = arith.addi %add3A_749, %add3A_752 : vector<16xi32>
      %gather3A_754 = tpu.vector_load_idx %arg14[%add3A_753] : memref<16384xf32, #tpu.memory_space<vmem>>[vector<16xi32>], vector<16xf32>,
      %sub3A_755 = arith.subf %get3A_737, %gather3A_750 : vector<16xf32>
      %sub3A_756 = arith.subf %gather3A_754, %get3A_737 : vector<16xf32>
      %mul3A_757 = arith.mulf %sub3A_755, %sub3A_755 : vector<16xf32>
      %mul3A_758 = arith.mulf %sub3A_756, %sub3A_756 : vector<16xf32>
      %min3A_759 = arith.minimumf %mul3A_757, %mul3A_758 : vector<16xf32>
      %ge3A_760 = arith.constant 1.000000e-03 : f32
      %ge3A_761 = vector.broadcast %ge3A_760 : f32 to vector<16xf32>
      %ge3A_762 = arith.cmpf oge, %get3A_737, %ge3A_761 : vector<16xf32>
      %jit3A_763 = arith.constant 0.000000e+00 : f32
      %broadcast_in_dim3A_764 = vector.broadcast %jit3A_763 : f32 to vector<16xf32>
      %select_n3A_765 = arith.select %ge3A_762, %min3A_759, %broadcast_in_dim3A_764 : vector<16xi1>, vector<16xf32>
      %add3A_766 = arith.addf %add3A_725, %select_n3A_765 : vector<16xf32>
      %jit3A_767 = arith.constant 1.000000e+00 : f32
      %jit3A_768 = arith.constant 0.000000e+00 : f32
      %broadcast_in_dim3A_769 = vector.broadcast %jit3A_767 : f32 to vector<16xf32>
      %broadcast_in_dim3A_770 = vector.broadcast %jit3A_768 : f32 to vector<16xf32>
      %select_n3A_771 = arith.select %ge3A_762, %broadcast_in_dim3A_769, %broadcast_in_dim3A_770 : vector<16xi1>, vector<16xf32>
      %add3A_772 = arith.addf %add3A_731, %select_n3A_771 : vector<16xf32>
      scf.yield %add3A_766, %add3A_772 : vector<16xf32>, vector<16xf32>
    }
    %scan3A_227 = arith.constant 392 : i32
    %eq3A_228 = arith.constant 0 : i32
    %eq3A_229 = arith.cmpi eq, %select_n3A, %eq3A_228 : i32
    %convert_element_type3A_230 = arith.extui %eq3A_229 : i1 to i32
    %convert_element_type3A_231 = arith.sitofp %convert_element_type3A_230 : i32 to f32
    %mul3A_232 = vector.broadcast %convert_element_type3A_231 : f32 to vector<16xf32>
    %mul3A_233 = arith.mulf %scan3A_226#0, %mul3A_232 : vector<16xf32>
    %swap3A = arith.constant 0 : i32
    %swap3A_234 = arith.index_cast %swap3A : i32 to index
    %swap3A_235 = arith.constant 0 : index
    %swap3A_236 = tpu.vector_load %arg15[%swap3A_234, %swap3A_235] {strides = array<i32>} : memref<12x16xf32, #tpu.memory_space<vmem>>, vector<16xf32>,
    tpu.vector_store %arg15[%swap3A_234, %swap3A_235], %mul3A_233 {strides = array<i32>} : memref<12x16xf32, #tpu.memory_space<vmem>>, vector<16xf32>,
    %mul3A_237 = vector.broadcast %convert_element_type3A_231 : f32 to vector<16xf32>
    %mul3A_238 = arith.mulf %scan3A_226#1, %mul3A_237 : vector<16xf32>
    %swap3A_239 = arith.constant 4 : i32
    %swap3A_240 = arith.index_cast %swap3A_239 : i32 to index
    %swap3A_241 = arith.constant 0 : index
    %swap3A_242 = tpu.vector_load %arg15[%swap3A_240, %swap3A_241] {strides = array<i32>} : memref<12x16xf32, #tpu.memory_space<vmem>>, vector<16xf32>,
    tpu.vector_store %arg15[%swap3A_240, %swap3A_241], %mul3A_238 {strides = array<i32>} : memref<12x16xf32, #tpu.memory_space<vmem>>, vector<16xf32>,
    %eq3A_243 = arith.constant 1 : i32
    %eq3A_244 = arith.cmpi eq, %select_n3A, %eq3A_243 : i32
    %convert_element_type3A_245 = arith.extui %eq3A_244 : i1 to i32
    %convert_element_type3A_246 = arith.sitofp %convert_element_type3A_245 : i32 to f32
    %mul3A_247 = vector.broadcast %convert_element_type3A_246 : f32 to vector<16xf32>
    %mul3A_248 = arith.mulf %scan3A_226#0, %mul3A_247 : vector<16xf32>
    %swap3A_249 = arith.constant 1 : i32
    %swap3A_250 = arith.index_cast %swap3A_249 : i32 to index
    %swap3A_251 = arith.constant 0 : index
    %swap3A_252 = tpu.vector_load %arg15[%swap3A_250, %swap3A_251] {strides = array<i32>} : memref<12x16xf32, #tpu.memory_space<vmem>>, vector<16xf32>,
    tpu.vector_store %arg15[%swap3A_250, %swap3A_251], %mul3A_248 {strides = array<i32>} : memref<12x16xf32, #tpu.memory_space<vmem>>, vector<16xf32>,
    %mul3A_253 = vector.broadcast %convert_element_type3A_246 : f32 to vector<16xf32>
    %mul3A_254 = arith.mulf %scan3A_226#1, %mul3A_253 : vector<16xf32>
    %swap3A_255 = arith.constant 5 : i32
    %swap3A_256 = arith.index_cast %swap3A_255 : i32 to index
    %swap3A_257 = arith.constant 0 : index
    %swap3A_258 = tpu.vector_load %arg15[%swap3A_256, %swap3A_257] {strides = array<i32>} : memref<12x16xf32, #tpu.memory_space<vmem>>, vector<16xf32>,
    tpu.vector_store %arg15[%swap3A_256, %swap3A_257], %mul3A_254 {strides = array<i32>} : memref<12x16xf32, #tpu.memory_space<vmem>>, vector<16xf32>,
    %eq3A_259 = arith.constant 2 : i32
    %eq3A_260 = arith.cmpi eq, %select_n3A, %eq3A_259 : i32
    %convert_element_type3A_261 = arith.extui %eq3A_260 : i1 to i32
    %convert_element_type3A_262 = arith.sitofp %convert_element_type3A_261 : i32 to f32
    %mul3A_263 = vector.broadcast %convert_element_type3A_262 : f32 to vector<16xf32>
    %mul3A_264 = arith.mulf %scan3A_226#0, %mul3A_263 : vector<16xf32>
    %swap3A_265 = arith.constant 2 : i32
    %swap3A_266 = arith.index_cast %swap3A_265 : i32 to index
    %swap3A_267 = arith.constant 0 : index
    %swap3A_268 = tpu.vector_load %arg15[%swap3A_266, %swap3A_267] {strides = array<i32>} : memref<12x16xf32, #tpu.memory_space<vmem>>, vector<16xf32>,
    tpu.vector_store %arg15[%swap3A_266, %swap3A_267], %mul3A_264 {strides = array<i32>} : memref<12x16xf32, #tpu.memory_space<vmem>>, vector<16xf32>,
    %mul3A_269 = vector.broadcast %convert_element_type3A_262 : f32 to vector<16xf32>
    %mul3A_270 = arith.mulf %scan3A_226#1, %mul3A_269 : vector<16xf32>
    %swap3A_271 = arith.constant 6 : i32
    %swap3A_272 = arith.index_cast %swap3A_271 : i32 to index
    %swap3A_273 = arith.constant 0 : index
    %swap3A_274 = tpu.vector_load %arg15[%swap3A_272, %swap3A_273] {strides = array<i32>} : memref<12x16xf32, #tpu.memory_space<vmem>>, vector<16xf32>,
    tpu.vector_store %arg15[%swap3A_272, %swap3A_273], %mul3A_270 {strides = array<i32>} : memref<12x16xf32, #tpu.memory_space<vmem>>, vector<16xf32>,
    %eq3A_275 = arith.constant 3 : i32
    %eq3A_276 = arith.cmpi eq, %select_n3A, %eq3A_275 : i32
    %convert_element_type3A_277 = arith.extui %eq3A_276 : i1 to i32
    %convert_element_type3A_278 = arith.sitofp %convert_element_type3A_277 : i32 to f32
    %mul3A_279 = vector.broadcast %convert_element_type3A_278 : f32 to vector<16xf32>
    %mul3A_280 = arith.mulf %scan3A_226#0, %mul3A_279 : vector<16xf32>
    %swap3A_281 = arith.constant 3 : i32
    %swap3A_282 = arith.index_cast %swap3A_281 : i32 to index
    %swap3A_283 = arith.constant 0 : index
    %swap3A_284 = tpu.vector_load %arg15[%swap3A_282, %swap3A_283] {strides = array<i32>} : memref<12x16xf32, #tpu.memory_space<vmem>>, vector<16xf32>,
    tpu.vector_store %arg15[%swap3A_282, %swap3A_283], %mul3A_280 {strides = array<i32>} : memref<12x16xf32, #tpu.memory_space<vmem>>, vector<16xf32>,
    %mul3A_285 = vector.broadcast %convert_element_type3A_278 : f32 to vector<16xf32>
    %mul3A_286 = arith.mulf %scan3A_226#1, %mul3A_285 : vector<16xf32>
    %swap3A_287 = arith.constant 7 : i32
    %swap3A_288 = arith.index_cast %swap3A_287 : i32 to index
    %swap3A_289 = arith.constant 0 : index
    %swap3A_290 = tpu.vector_load %arg15[%swap3A_288, %swap3A_289] {strides = array<i32>} : memref<12x16xf32, #tpu.memory_space<vmem>>, vector<16xf32>,
    tpu.vector_store %arg15[%swap3A_288, %swap3A_289], %mul3A_286 {strides = array<i32>} : memref<12x16xf32, #tpu.memory_space<vmem>>, vector<16xf32>,
    %jit3A_291 = arith.constant 4 : i32
    %div3A_292 = arith.divsi %arg1, %jit3A_291 : i32
    %sign3A_293 = arith.constant 0 : i32
    %sign3A_294 = arith.cmpi sgt, %arg1, %sign3A_293 : i32
    %sign3A_295 = arith.extui %sign3A_294 : i1 to i32
    %sign3A_296 = arith.constant 0 : i32
    %sign3A_297 = arith.cmpi slt, %arg1, %sign3A_296 : i32
    %sign3A_298 = arith.extui %sign3A_297 : i1 to i32
    %sign3A_299 = arith.subi %sign3A_295, %sign3A_298 : i32
    %sign3A_300 = arith.constant 0 : i32
    %sign3A_301 = arith.cmpi sgt, %jit3A_291, %sign3A_300 : i32
    %sign3A_302 = arith.extui %sign3A_301 : i1 to i32
    %sign3A_303 = arith.constant 0 : i32
    %sign3A_304 = arith.cmpi slt, %jit3A_291, %sign3A_303 : i32
    %sign3A_305 = arith.extui %sign3A_304 : i1 to i32
    %sign3A_306 = arith.subi %sign3A_302, %sign3A_305 : i32
    %ne3A_307 = arith.cmpi ne, %sign3A_299, %sign3A_306 : i32
    %rem3A_308 = arith.remsi %arg1, %jit3A_291 : i32
    %ne3A_309 = arith.constant 0 : i32
    %ne3A_310 = arith.cmpi ne, %rem3A_308, %ne3A_309 : i32
    %and3A_311 = arith.andi %ne3A_307, %ne3A_310 : i1
    %sub3A_312 = arith.constant 1 : i32
    %sub3A_313 = arith.subi %div3A_292, %sub3A_312 : i32
    %select_n3A_314 = arith.select %and3A_311, %sub3A_313, %div3A_292 : i32
    %jit3A_315 = arith.constant 4 : i32
    %eq3A_316 = arith.constant 0 : i32
    %eq3A_317 = arith.cmpi eq, %jit3A_315, %eq3A_316 : i32
    %jit3A_318 = arith.constant 1 : i32
    %select_n3A_319 = arith.select %eq3A_317, %jit3A_318, %jit3A_315 : i32
    %rem3A_320 = arith.remsi %arg1, %select_n3A_319 : i32
    %ne3A_321 = arith.constant 0 : i32
    %ne3A_322 = arith.cmpi ne, %rem3A_320, %ne3A_321 : i32
    %lt3A_323 = arith.constant 0 : i32
    %lt3A_324 = arith.cmpi slt, %rem3A_320, %lt3A_323 : i32
    %lt3A_325 = arith.constant 0 : i32
    %lt3A_326 = arith.cmpi slt, %select_n3A_319, %lt3A_325 : i32
    %ne3A_327 = arith.xori %lt3A_324, %lt3A_326 : i1
    %and3A_328 = arith.andi %ne3A_327, %ne3A_322 : i1
    %add3A_329 = arith.addi %rem3A_320, %select_n3A_319 : i32
    %select_n3A_330 = arith.select %and3A_328, %add3A_329, %rem3A_320 : i32
    %mul3A_331 = arith.constant 64 : i32
    %mul3A_332 = arith.muli %select_n3A_330, %mul3A_331 : i32
    %mul3A_333 = arith.constant 256 : i32
    %mul3A_334 = arith.muli %select_n3A_314, %mul3A_333 : i32
    %add3A_335 = arith.addi %mul3A_334, %mul3A_332 : i32
    %add3A_336 = arith.constant 0 : i32
    %add3A_337 = arith.addi %add3A_335, %add3A_336 : i32
    %get3A = arith.index_cast %add3A_337 : i32 to index
    %get3A_338 = tpu.vector_load %arg9[%get3A] {strides = array<i32>} : memref<1024xf32, #tpu.memory_space<vmem>>, vector<16xf32>,
    %mul3A_339 = arith.constant 1.024000e+03 : f32
    %mul3A_340 = vector.broadcast %mul3A_339 : f32 to vector<16xf32>
    %mul3A_341 = arith.mulf %get3A_338, %mul3A_340 : vector<16xf32>
    %convert_element_type3A_342 = arith.fptosi %mul3A_341 : vector<16xf32> to vector<16xi32>
    %jit3A_343 = arith.constant 0 : i32
    %jit3A_344 = arith.constant 1023 : i32
    %max3A = vector.broadcast %jit3A_343 : i32 to vector<16xi32>
    %max3A_345 = arith.maxsi %max3A, %convert_element_type3A_342 : vector<16xi32>
    %min3A = vector.broadcast %jit3A_344 : i32 to vector<16xi32>
    %min3A_346 = arith.minsi %min3A, %max3A_345 : vector<16xi32>
    %mul3A_347 = arith.constant 2 : i32
    %mul3A_348 = arith.muli %mul3A_347, %select_n3A_314 : i32
    %add3A_349 = arith.constant 8 : i32
    %add3A_350 = arith.addi %add3A_349, %mul3A_348 : i32
    %mul3A_351 = arith.constant 1024 : i32
    %mul3A_352 = arith.muli %add3A_350, %mul3A_351 : i32
    %add3A_353 = vector.broadcast %mul3A_352 : i32 to vector<16xi32>
    %add3A_354 = arith.addi %min3A_346, %add3A_353 : vector<16xi32>
    %gather3A = tpu.vector_load_idx %arg14[%add3A_354] : memref<16384xf32, #tpu.memory_space<vmem>>[vector<16xi32>], vector<16xf32>,
    %add3A_355 = arith.constant 1024 : i32
    %add3A_356 = vector.broadcast %add3A_355 : i32 to vector<16xi32>
    %add3A_357 = arith.addi %add3A_354, %add3A_356 : vector<16xi32>
    %gather3A_358 = tpu.vector_load_idx %arg14[%add3A_357] : memref<16384xf32, #tpu.memory_space<vmem>>[vector<16xi32>], vector<16xf32>,
    %sub3A_359 = arith.subf %get3A_338, %gather3A : vector<16xf32>
    %sub3A_360 = arith.subf %gather3A_358, %get3A_338 : vector<16xf32>
    %mul3A_361 = arith.mulf %sub3A_359, %sub3A_359 : vector<16xf32>
    %mul3A_362 = arith.mulf %sub3A_360, %sub3A_360 : vector<16xf32>
    %min3A_363 = arith.minimumf %mul3A_361, %mul3A_362 : vector<16xf32>
    %swap3A_364 = arith.constant 8 : i32
    %swap3A_365 = arith.index_cast %swap3A_364 : i32 to index
    %swap3A_366 = arith.constant 0 : index
    %swap3A_367 = tpu.vector_load %arg15[%swap3A_365, %swap3A_366] {strides = array<i32>} : memref<12x16xf32, #tpu.memory_space<vmem>>, vector<16xf32>,
    tpu.vector_store %arg15[%swap3A_365, %swap3A_366], %min3A_363 {strides = array<i32>} : memref<12x16xf32, #tpu.memory_space<vmem>>, vector<16xf32>,
    %mul3A_368 = arith.constant 256 : i32
    %mul3A_369 = arith.muli %select_n3A_314, %mul3A_368 : i32
    %add3A_370 = arith.addi %mul3A_369, %mul3A_332 : i32
    %add3A_371 = arith.constant 16 : i32
    %add3A_372 = arith.addi %add3A_370, %add3A_371 : i32
    %get3A_373 = arith.index_cast %add3A_372 : i32 to index
    %get3A_374 = tpu.vector_load %arg9[%get3A_373] {strides = array<i32>} : memref<1024xf32, #tpu.memory_space<vmem>>, vector<16xf32>,
    %mul3A_375 = arith.constant 1.024000e+03 : f32
    %mul3A_376 = vector.broadcast %mul3A_375 : f32 to vector<16xf32>
    %mul3A_377 = arith.mulf %get3A_374, %mul3A_376 : vector<16xf32>
    %convert_element_type3A_378 = arith.fptosi %mul3A_377 : vector<16xf32> to vector<16xi32>
    %jit3A_379 = arith.constant 0 : i32
    %jit3A_380 = arith.constant 1023 : i32
    %max3A_381 = vector.broadcast %jit3A_379 : i32 to vector<16xi32>
    %max3A_382 = arith.maxsi %max3A_381, %convert_element_type3A_378 : vector<16xi32>
    %min3A_383 = vector.broadcast %jit3A_380 : i32 to vector<16xi32>
    %min3A_384 = arith.minsi %min3A_383, %max3A_382 : vector<16xi32>
    %mul3A_385 = arith.constant 2 : i32
    %mul3A_386 = arith.muli %mul3A_385, %select_n3A_314 : i32
    %add3A_387 = arith.constant 8 : i32
    %add3A_388 = arith.addi %add3A_387, %mul3A_386 : i32
    %mul3A_389 = arith.constant 1024 : i32
    %mul3A_390 = arith.muli %add3A_388, %mul3A_389 : i32
    %add3A_391 = vector.broadcast %mul3A_390 : i32 to vector<16xi32>
    %add3A_392 = arith.addi %min3A_384, %add3A_391 : vector<16xi32>
    %gather3A_393 = tpu.vector_load_idx %arg14[%add3A_392] : memref<16384xf32, #tpu.memory_space<vmem>>[vector<16xi32>], vector<16xf32>,
    %add3A_394 = arith.constant 1024 : i32
    %add3A_395 = vector.broadcast %add3A_394 : i32 to vector<16xi32>
    %add3A_396 = arith.addi %add3A_392, %add3A_395 : vector<16xi32>
    %gather3A_397 = tpu.vector_load_idx %arg14[%add3A_396] : memref<16384xf32, #tpu.memory_space<vmem>>[vector<16xi32>], vector<16xf32>,
    %sub3A_398 = arith.subf %get3A_374, %gather3A_393 : vector<16xf32>
    %sub3A_399 = arith.subf %gather3A_397, %get3A_374 : vector<16xf32>
    %mul3A_400 = arith.mulf %sub3A_398, %sub3A_398 : vector<16xf32>
    %mul3A_401 = arith.mulf %sub3A_399, %sub3A_399 : vector<16xf32>
    %min3A_402 = arith.minimumf %mul3A_400, %mul3A_401 : vector<16xf32>
    %swap3A_403 = arith.constant 9 : i32
    %swap3A_404 = arith.index_cast %swap3A_403 : i32 to index
    %swap3A_405 = arith.constant 0 : index
    %swap3A_406 = tpu.vector_load %arg15[%swap3A_404, %swap3A_405] {strides = array<i32>} : memref<12x16xf32, #tpu.memory_space<vmem>>, vector<16xf32>,
    tpu.vector_store %arg15[%swap3A_404, %swap3A_405], %min3A_402 {strides = array<i32>} : memref<12x16xf32, #tpu.memory_space<vmem>>, vector<16xf32>,
    %mul3A_407 = arith.constant 256 : i32
    %mul3A_408 = arith.muli %select_n3A_314, %mul3A_407 : i32
    %add3A_409 = arith.addi %mul3A_408, %mul3A_332 : i32
    %add3A_410 = arith.constant 32 : i32
    %add3A_411 = arith.addi %add3A_409, %add3A_410 : i32
    %get3A_412 = arith.index_cast %add3A_411 : i32 to index
    %get3A_413 = tpu.vector_load %arg9[%get3A_412] {strides = array<i32>} : memref<1024xf32, #tpu.memory_space<vmem>>, vector<16xf32>,
    %mul3A_414 = arith.constant 1.024000e+03 : f32
    %mul3A_415 = vector.broadcast %mul3A_414 : f32 to vector<16xf32>
    %mul3A_416 = arith.mulf %get3A_413, %mul3A_415 : vector<16xf32>
    %convert_element_type3A_417 = arith.fptosi %mul3A_416 : vector<16xf32> to vector<16xi32>
    %jit3A_418 = arith.constant 0 : i32
    %jit3A_419 = arith.constant 1023 : i32
    %max3A_420 = vector.broadcast %jit3A_418 : i32 to vector<16xi32>
    %max3A_421 = arith.maxsi %max3A_420, %convert_element_type3A_417 : vector<16xi32>
    %min3A_422 = vector.broadcast %jit3A_419 : i32 to vector<16xi32>
    %min3A_423 = arith.minsi %min3A_422, %max3A_421 : vector<16xi32>
    %mul3A_424 = arith.constant 2 : i32
    %mul3A_425 = arith.muli %mul3A_424, %select_n3A_314 : i32
    %add3A_426 = arith.constant 8 : i32
    %add3A_427 = arith.addi %add3A_426, %mul3A_425 : i32
    %mul3A_428 = arith.constant 1024 : i32
    %mul3A_429 = arith.muli %add3A_427, %mul3A_428 : i32
    %add3A_430 = vector.broadcast %mul3A_429 : i32 to vector<16xi32>
    %add3A_431 = arith.addi %min3A_423, %add3A_430 : vector<16xi32>
    %gather3A_432 = tpu.vector_load_idx %arg14[%add3A_431] : memref<16384xf32, #tpu.memory_space<vmem>>[vector<16xi32>], vector<16xf32>,
    %add3A_433 = arith.constant 1024 : i32
    %add3A_434 = vector.broadcast %add3A_433 : i32 to vector<16xi32>
    %add3A_435 = arith.addi %add3A_431, %add3A_434 : vector<16xi32>
    %gather3A_436 = tpu.vector_load_idx %arg14[%add3A_435] : memref<16384xf32, #tpu.memory_space<vmem>>[vector<16xi32>], vector<16xf32>,
    %sub3A_437 = arith.subf %get3A_413, %gather3A_432 : vector<16xf32>
    %sub3A_438 = arith.subf %gather3A_436, %get3A_413 : vector<16xf32>
    %mul3A_439 = arith.mulf %sub3A_437, %sub3A_437 : vector<16xf32>
    %mul3A_440 = arith.mulf %sub3A_438, %sub3A_438 : vector<16xf32>
    %min3A_441 = arith.minimumf %mul3A_439, %mul3A_440 : vector<16xf32>
    %swap3A_442 = arith.constant 10 : i32
    %swap3A_443 = arith.index_cast %swap3A_442 : i32 to index
    %swap3A_444 = arith.constant 0 : index
    %swap3A_445 = tpu.vector_load %arg15[%swap3A_443, %swap3A_444] {strides = array<i32>} : memref<12x16xf32, #tpu.memory_space<vmem>>, vector<16xf32>,
    tpu.vector_store %arg15[%swap3A_443, %swap3A_444], %min3A_441 {strides = array<i32>} : memref<12x16xf32, #tpu.memory_space<vmem>>, vector<16xf32>,
    %mul3A_446 = arith.constant 256 : i32
    %mul3A_447 = arith.muli %select_n3A_314, %mul3A_446 : i32
    %add3A_448 = arith.addi %mul3A_447, %mul3A_332 : i32
    %add3A_449 = arith.constant 48 : i32
    %add3A_450 = arith.addi %add3A_448, %add3A_449 : i32
    %get3A_451 = arith.index_cast %add3A_450 : i32 to index
    %get3A_452 = tpu.vector_load %arg9[%get3A_451] {strides = array<i32>} : memref<1024xf32, #tpu.memory_space<vmem>>, vector<16xf32>,
    %mul3A_453 = arith.constant 1.024000e+03 : f32
    %mul3A_454 = vector.broadcast %mul3A_453 : f32 to vector<16xf32>
    %mul3A_455 = arith.mulf %get3A_452, %mul3A_454 : vector<16xf32>
    %convert_element_type3A_456 = arith.fptosi %mul3A_455 : vector<16xf32> to vector<16xi32>
    %jit3A_457 = arith.constant 0 : i32
    %jit3A_458 = arith.constant 1023 : i32
    %max3A_459 = vector.broadcast %jit3A_457 : i32 to vector<16xi32>
    %max3A_460 = arith.maxsi %max3A_459, %convert_element_type3A_456 : vector<16xi32>
    %min3A_461 = vector.broadcast %jit3A_458 : i32 to vector<16xi32>
    %min3A_462 = arith.minsi %min3A_461, %max3A_460 : vector<16xi32>
    %mul3A_463 = arith.constant 2 : i32
    %mul3A_464 = arith.muli %mul3A_463, %select_n3A_314 : i32
    %add3A_465 = arith.constant 8 : i32
    %add3A_466 = arith.addi %add3A_465, %mul3A_464 : i32
    %mul3A_467 = arith.constant 1024 : i32
    %mul3A_468 = arith.muli %add3A_466, %mul3A_467 : i32
    %add3A_469 = vector.broadcast %mul3A_468 : i32 to vector<16xi32>
    %add3A_470 = arith.addi %min3A_462, %add3A_469 : vector<16xi32>
    %gather3A_471 = tpu.vector_load_idx %arg14[%add3A_470] : memref<16384xf32, #tpu.memory_space<vmem>>[vector<16xi32>], vector<16xf32>,
    %add3A_472 = arith.constant 1024 : i32
    %add3A_473 = vector.broadcast %add3A_472 : i32 to vector<16xi32>
    %add3A_474 = arith.addi %add3A_470, %add3A_473 : vector<16xi32>
    %gather3A_475 = tpu.vector_load_idx %arg14[%add3A_474] : memref<16384xf32, #tpu.memory_space<vmem>>[vector<16xi32>], vector<16xf32>,
    %sub3A_476 = arith.subf %get3A_452, %gather3A_471 : vector<16xf32>
    %sub3A_477 = arith.subf %gather3A_475, %get3A_452 : vector<16xf32>
    %mul3A_478 = arith.mulf %sub3A_476, %sub3A_476 : vector<16xf32>
    %mul3A_479 = arith.mulf %sub3A_477, %sub3A_477 : vector<16xf32>
    %min3A_480 = arith.minimumf %mul3A_478, %mul3A_479 : vector<16xf32>
    %swap3A_481 = arith.constant 11 : i32
    %swap3A_482 = arith.index_cast %swap3A_481 : i32 to index
    %swap3A_483 = arith.constant 0 : index
    %swap3A_484 = tpu.vector_load %arg15[%swap3A_482, %swap3A_483] {strides = array<i32>} : memref<12x16xf32, #tpu.memory_space<vmem>>, vector<16xf32>,
    tpu.vector_store %arg15[%swap3A_482, %swap3A_483], %min3A_480 {strides = array<i32>} : memref<12x16xf32, #tpu.memory_space<vmem>>, vector<16xf32>,
    "tpu.region"() ({
      %run_scoped3A = tpu.sem_alloc : memref<!tpu.dma_semaphore, #tpu.memory_space<semaphore_mem>>
      %dma_start3A = arith.constant 0 : i32
      %dma_start3A_485 = arith.constant 0 : i32
      %dma_start3A_486 = tpu.memref_slice %arg5[%add3A, %dma_start3A, %dma_start3A_485] : memref<32x12x16xf32, #tpu.memory_space<hbm>> -> memref<1x12x16xf32, #tpu.memory_space<hbm>>
      %dma_start3A_487 = tpu.memref_squeeze %dma_start3A_486 : memref<1x12x16xf32, #tpu.memory_space<hbm>> -> memref<12x16xf32, #tpu.memory_space<hbm>>
      %dma_start3A_488 = arith.constant 0 : i32
      %dma_start3A_489 = arith.constant 0 : i32
      %dma_start3A_490 = tpu.memref_slice %arg5[%add3A, %dma_start3A_488, %dma_start3A_489] : memref<32x12x16xf32, #tpu.memory_space<hbm>> -> memref<1x12x16xf32, #tpu.memory_space<hbm>>
      %dma_start3A_491 = tpu.memref_squeeze %dma_start3A_490 : memref<1x12x16xf32, #tpu.memory_space<hbm>> -> memref<12x16xf32, #tpu.memory_space<hbm>>
      tpu.enqueue_dma source(%arg15 : memref<12x16xf32, #tpu.memory_space<vmem>>) target(%dma_start3A_491 : memref<12x16xf32, #tpu.memory_space<hbm>>) target_semaphore(%run_scoped3A : memref<!tpu.dma_semaphore, #tpu.memory_space<semaphore_mem>>)
      %dma_wait3A = arith.constant 0 : i32
      %dma_wait3A_492 = arith.constant 0 : i32
      %dma_wait3A_493 = tpu.memref_slice %arg5[%add3A, %dma_wait3A, %dma_wait3A_492] : memref<32x12x16xf32, #tpu.memory_space<hbm>> -> memref<1x12x16xf32, #tpu.memory_space<hbm>>
      %dma_wait3A_494 = tpu.memref_squeeze %dma_wait3A_493 : memref<1x12x16xf32, #tpu.memory_space<hbm>> -> memref<12x16xf32, #tpu.memory_space<hbm>>
      %dma_wait3A_495 = arith.constant 0 : i32
      %dma_wait3A_496 = arith.constant 0 : i32
      %dma_wait3A_497 = tpu.memref_slice %arg5[%add3A, %dma_wait3A_495, %dma_wait3A_496] : memref<32x12x16xf32, #tpu.memory_space<hbm>> -> memref<1x12x16xf32, #tpu.memory_space<hbm>>
      %dma_wait3A_498 = tpu.memref_squeeze %dma_wait3A_497 : memref<1x12x16xf32, #tpu.memory_space<hbm>> -> memref<12x16xf32, #tpu.memory_space<hbm>>
      tpu.wait_dma2 semaphore(%run_scoped3A : memref<!tpu.dma_semaphore, #tpu.memory_space<semaphore_mem>>) src(%arg15 : memref<12x16xf32, #tpu.memory_space<vmem>>) dst(%dma_wait3A_498 : memref<12x16xf32, #tpu.memory_space<hbm>>)
      tpu.yield
    }) : () -> ()
    return
  }
}

module attributes {stable_mosaic.version = 14 : i64} {
  func.func @_tc_combine(%arg0: memref<1x1xf32, #tpu.memory_space<smem>>, %arg1: memref<32x12x16xf32, #tpu.memory_space<vmem>>, %arg2: memref<1x1xf32, #tpu.memory_space<smem>>) attributes {dimension_semantics = [], scalar_prefetch = 0 : i64, scratch_operands = 0 : i64, tpu.core_type = #tpu.core_type<tc>} {
    %get3A = arith.constant 0 : index
    %get3A_0 = arith.constant 8 : index
    %get3A_1 = arith.constant 0 : index
    %get3A_2 = vector.load %arg1[%get3A, %get3A_0, %get3A_1] : memref<32x12x16xf32, #tpu.memory_space<vmem>>, vector<16x4x16xf32>
    %get3A_3 = arith.constant 16 : index
    %get3A_4 = arith.constant 8 : index
    %get3A_5 = arith.constant 0 : index
    %get3A_6 = vector.load %arg1[%get3A_3, %get3A_4, %get3A_5] : memref<32x12x16xf32, #tpu.memory_space<vmem>>, vector<16x4x16xf32>
    %min3A = arith.minimumf %get3A_2, %get3A_6 : vector<16x4x16xf32>
    %min3A_7 = arith.constant 1.000000e+10 : f32
    %min3A_8 = vector.broadcast %min3A_7 : f32 to vector<16x4x16xf32>
    %min3A_9 = arith.minimumf %min3A, %min3A_8 : vector<16x4x16xf32>
    %get3A_10 = arith.constant 0 : index
    %get3A_11 = arith.constant 0 : index
    %get3A_12 = arith.constant 0 : index
    %get3A_13 = vector.load %arg1[%get3A_10, %get3A_11, %get3A_12] : memref<32x12x16xf32, #tpu.memory_space<vmem>>, vector<32x1x16xf32>
    %get3A_14 = vector.shape_cast %get3A_13 : vector<32x1x16xf32> to vector<32x16xf32>
    %reduce_sum3A = vector.shape_cast %get3A_14 : vector<32x16xf32> to vector<1x32x16xf32>
    %reduce_sum3A_15 = arith.constant dense<0.000000e+00> : vector<1xf32>
    %reduce_sum3A_16 = vector.multi_reduction <add>, %reduce_sum3A, %reduce_sum3A_15 [1, 2] : vector<1x32x16xf32> to vector<1xf32>
    %reduce_sum3A_17 = vector.shape_cast %reduce_sum3A_16 : vector<1xf32> to vector<1x1x1xf32>
    %reduce_sum3A_18 = vector.extract %reduce_sum3A_17[0, 0, 0] : f32 from vector<1x1x1xf32>
    %get3A_19 = arith.constant 0 : index
    %get3A_20 = arith.constant 4 : index
    %get3A_21 = arith.constant 0 : index
    %get3A_22 = vector.load %arg1[%get3A_19, %get3A_20, %get3A_21] : memref<32x12x16xf32, #tpu.memory_space<vmem>>, vector<32x1x16xf32>
    %get3A_23 = vector.shape_cast %get3A_22 : vector<32x1x16xf32> to vector<32x16xf32>
    %reduce_sum3A_24 = vector.shape_cast %get3A_23 : vector<32x16xf32> to vector<1x32x16xf32>
    %reduce_sum3A_25 = arith.constant dense<0.000000e+00> : vector<1xf32>
    %reduce_sum3A_26 = vector.multi_reduction <add>, %reduce_sum3A_24, %reduce_sum3A_25 [1, 2] : vector<1x32x16xf32> to vector<1xf32>
    %reduce_sum3A_27 = vector.shape_cast %reduce_sum3A_26 : vector<1xf32> to vector<1x1x1xf32>
    %reduce_sum3A_28 = vector.extract %reduce_sum3A_27[0, 0, 0] : f32 from vector<1x1x1xf32>
    %slice3A = vector.extract_strided_slice %min3A_9 {offsets = [0, 0, 0], sizes = [4, 4, 16], strides = [1, 1, 1]} : vector<16x4x16xf32> to vector<4x4x16xf32>
    %reduce_sum3A_29 = vector.shape_cast %slice3A : vector<4x4x16xf32> to vector<1x4x4x16xf32>
    %reduce_sum3A_30 = arith.constant dense<0.000000e+00> : vector<1xf32>
    %reduce_sum3A_31 = vector.multi_reduction <add>, %reduce_sum3A_29, %reduce_sum3A_30 [1, 2, 3] : vector<1x4x4x16xf32> to vector<1xf32>
    %reduce_sum3A_32 = vector.shape_cast %reduce_sum3A_31 : vector<1xf32> to vector<1x1x1x1xf32>
    %reduce_sum3A_33 = vector.extract %reduce_sum3A_32[0, 0, 0, 0] : f32 from vector<1x1x1x1xf32>
    %div3A = arith.constant 2.560000e+02 : f32
    %div3A_34 = arith.divf %reduce_sum3A_33, %div3A : f32
    %add3A = arith.constant 0.000000e+00 : f32
    %add3A_35 = arith.addf %add3A, %div3A_34 : f32
    %div3A_36 = arith.divf %reduce_sum3A_18, %reduce_sum3A_28 : f32
    %add3A_37 = arith.addf %add3A_35, %div3A_36 : f32
    %get3A_38 = arith.constant 0 : index
    %get3A_39 = arith.constant 1 : index
    %get3A_40 = arith.constant 0 : index
    %get3A_41 = vector.load %arg1[%get3A_38, %get3A_39, %get3A_40] : memref<32x12x16xf32, #tpu.memory_space<vmem>>, vector<32x1x16xf32>
    %get3A_42 = vector.shape_cast %get3A_41 : vector<32x1x16xf32> to vector<32x16xf32>
    %reduce_sum3A_43 = vector.shape_cast %get3A_42 : vector<32x16xf32> to vector<1x32x16xf32>
    %reduce_sum3A_44 = arith.constant dense<0.000000e+00> : vector<1xf32>
    %reduce_sum3A_45 = vector.multi_reduction <add>, %reduce_sum3A_43, %reduce_sum3A_44 [1, 2] : vector<1x32x16xf32> to vector<1xf32>
    %reduce_sum3A_46 = vector.shape_cast %reduce_sum3A_45 : vector<1xf32> to vector<1x1x1xf32>
    %reduce_sum3A_47 = vector.extract %reduce_sum3A_46[0, 0, 0] : f32 from vector<1x1x1xf32>
    %get3A_48 = arith.constant 0 : index
    %get3A_49 = arith.constant 5 : index
    %get3A_50 = arith.constant 0 : index
    %get3A_51 = vector.load %arg1[%get3A_48, %get3A_49, %get3A_50] : memref<32x12x16xf32, #tpu.memory_space<vmem>>, vector<32x1x16xf32>
    %get3A_52 = vector.shape_cast %get3A_51 : vector<32x1x16xf32> to vector<32x16xf32>
    %reduce_sum3A_53 = vector.shape_cast %get3A_52 : vector<32x16xf32> to vector<1x32x16xf32>
    %reduce_sum3A_54 = arith.constant dense<0.000000e+00> : vector<1xf32>
    %reduce_sum3A_55 = vector.multi_reduction <add>, %reduce_sum3A_53, %reduce_sum3A_54 [1, 2] : vector<1x32x16xf32> to vector<1xf32>
    %reduce_sum3A_56 = vector.shape_cast %reduce_sum3A_55 : vector<1xf32> to vector<1x1x1xf32>
    %reduce_sum3A_57 = vector.extract %reduce_sum3A_56[0, 0, 0] : f32 from vector<1x1x1xf32>
    %slice3A_58 = vector.extract_strided_slice %min3A_9 {offsets = [4, 0, 0], sizes = [4, 4, 16], strides = [1, 1, 1]} : vector<16x4x16xf32> to vector<4x4x16xf32>
    %reduce_sum3A_59 = vector.shape_cast %slice3A_58 : vector<4x4x16xf32> to vector<1x4x4x16xf32>
    %reduce_sum3A_60 = arith.constant dense<0.000000e+00> : vector<1xf32>
    %reduce_sum3A_61 = vector.multi_reduction <add>, %reduce_sum3A_59, %reduce_sum3A_60 [1, 2, 3] : vector<1x4x4x16xf32> to vector<1xf32>
    %reduce_sum3A_62 = vector.shape_cast %reduce_sum3A_61 : vector<1xf32> to vector<1x1x1x1xf32>
    %reduce_sum3A_63 = vector.extract %reduce_sum3A_62[0, 0, 0, 0] : f32 from vector<1x1x1x1xf32>
    %div3A_64 = arith.constant 2.560000e+02 : f32
    %div3A_65 = arith.divf %reduce_sum3A_63, %div3A_64 : f32
    %add3A_66 = arith.addf %add3A_37, %div3A_65 : f32
    %div3A_67 = arith.divf %reduce_sum3A_47, %reduce_sum3A_57 : f32
    %add3A_68 = arith.addf %add3A_66, %div3A_67 : f32
    %get3A_69 = arith.constant 0 : index
    %get3A_70 = arith.constant 2 : index
    %get3A_71 = arith.constant 0 : index
    %get3A_72 = vector.load %arg1[%get3A_69, %get3A_70, %get3A_71] : memref<32x12x16xf32, #tpu.memory_space<vmem>>, vector<32x1x16xf32>
    %get3A_73 = vector.shape_cast %get3A_72 : vector<32x1x16xf32> to vector<32x16xf32>
    %reduce_sum3A_74 = vector.shape_cast %get3A_73 : vector<32x16xf32> to vector<1x32x16xf32>
    %reduce_sum3A_75 = arith.constant dense<0.000000e+00> : vector<1xf32>
    %reduce_sum3A_76 = vector.multi_reduction <add>, %reduce_sum3A_74, %reduce_sum3A_75 [1, 2] : vector<1x32x16xf32> to vector<1xf32>
    %reduce_sum3A_77 = vector.shape_cast %reduce_sum3A_76 : vector<1xf32> to vector<1x1x1xf32>
    %reduce_sum3A_78 = vector.extract %reduce_sum3A_77[0, 0, 0] : f32 from vector<1x1x1xf32>
    %get3A_79 = arith.constant 0 : index
    %get3A_80 = arith.constant 6 : index
    %get3A_81 = arith.constant 0 : index
    %get3A_82 = vector.load %arg1[%get3A_79, %get3A_80, %get3A_81] : memref<32x12x16xf32, #tpu.memory_space<vmem>>, vector<32x1x16xf32>
    %get3A_83 = vector.shape_cast %get3A_82 : vector<32x1x16xf32> to vector<32x16xf32>
    %reduce_sum3A_84 = vector.shape_cast %get3A_83 : vector<32x16xf32> to vector<1x32x16xf32>
    %reduce_sum3A_85 = arith.constant dense<0.000000e+00> : vector<1xf32>
    %reduce_sum3A_86 = vector.multi_reduction <add>, %reduce_sum3A_84, %reduce_sum3A_85 [1, 2] : vector<1x32x16xf32> to vector<1xf32>
    %reduce_sum3A_87 = vector.shape_cast %reduce_sum3A_86 : vector<1xf32> to vector<1x1x1xf32>
    %reduce_sum3A_88 = vector.extract %reduce_sum3A_87[0, 0, 0] : f32 from vector<1x1x1xf32>
    %slice3A_89 = vector.extract_strided_slice %min3A_9 {offsets = [8, 0, 0], sizes = [4, 4, 16], strides = [1, 1, 1]} : vector<16x4x16xf32> to vector<4x4x16xf32>
    %reduce_sum3A_90 = vector.shape_cast %slice3A_89 : vector<4x4x16xf32> to vector<1x4x4x16xf32>
    %reduce_sum3A_91 = arith.constant dense<0.000000e+00> : vector<1xf32>
    %reduce_sum3A_92 = vector.multi_reduction <add>, %reduce_sum3A_90, %reduce_sum3A_91 [1, 2, 3] : vector<1x4x4x16xf32> to vector<1xf32>
    %reduce_sum3A_93 = vector.shape_cast %reduce_sum3A_92 : vector<1xf32> to vector<1x1x1x1xf32>
    %reduce_sum3A_94 = vector.extract %reduce_sum3A_93[0, 0, 0, 0] : f32 from vector<1x1x1x1xf32>
    %div3A_95 = arith.constant 2.560000e+02 : f32
    %div3A_96 = arith.divf %reduce_sum3A_94, %div3A_95 : f32
    %add3A_97 = arith.addf %add3A_68, %div3A_96 : f32
    %div3A_98 = arith.divf %reduce_sum3A_78, %reduce_sum3A_88 : f32
    %add3A_99 = arith.addf %add3A_97, %div3A_98 : f32
    %get3A_100 = arith.constant 0 : index
    %get3A_101 = arith.constant 3 : index
    %get3A_102 = arith.constant 0 : index
    %get3A_103 = vector.load %arg1[%get3A_100, %get3A_101, %get3A_102] : memref<32x12x16xf32, #tpu.memory_space<vmem>>, vector<32x1x16xf32>
    %get3A_104 = vector.shape_cast %get3A_103 : vector<32x1x16xf32> to vector<32x16xf32>
    %reduce_sum3A_105 = vector.shape_cast %get3A_104 : vector<32x16xf32> to vector<1x32x16xf32>
    %reduce_sum3A_106 = arith.constant dense<0.000000e+00> : vector<1xf32>
    %reduce_sum3A_107 = vector.multi_reduction <add>, %reduce_sum3A_105, %reduce_sum3A_106 [1, 2] : vector<1x32x16xf32> to vector<1xf32>
    %reduce_sum3A_108 = vector.shape_cast %reduce_sum3A_107 : vector<1xf32> to vector<1x1x1xf32>
    %reduce_sum3A_109 = vector.extract %reduce_sum3A_108[0, 0, 0] : f32 from vector<1x1x1xf32>
    %get3A_110 = arith.constant 0 : index
    %get3A_111 = arith.constant 7 : index
    %get3A_112 = arith.constant 0 : index
    %get3A_113 = vector.load %arg1[%get3A_110, %get3A_111, %get3A_112] : memref<32x12x16xf32, #tpu.memory_space<vmem>>, vector<32x1x16xf32>
    %get3A_114 = vector.shape_cast %get3A_113 : vector<32x1x16xf32> to vector<32x16xf32>
    %reduce_sum3A_115 = vector.shape_cast %get3A_114 : vector<32x16xf32> to vector<1x32x16xf32>
    %reduce_sum3A_116 = arith.constant dense<0.000000e+00> : vector<1xf32>
    %reduce_sum3A_117 = vector.multi_reduction <add>, %reduce_sum3A_115, %reduce_sum3A_116 [1, 2] : vector<1x32x16xf32> to vector<1xf32>
    %reduce_sum3A_118 = vector.shape_cast %reduce_sum3A_117 : vector<1xf32> to vector<1x1x1xf32>
    %reduce_sum3A_119 = vector.extract %reduce_sum3A_118[0, 0, 0] : f32 from vector<1x1x1xf32>
    %slice3A_120 = vector.extract_strided_slice %min3A_9 {offsets = [12, 0, 0], sizes = [4, 4, 16], strides = [1, 1, 1]} : vector<16x4x16xf32> to vector<4x4x16xf32>
    %reduce_sum3A_121 = vector.shape_cast %slice3A_120 : vector<4x4x16xf32> to vector<1x4x4x16xf32>
    %reduce_sum3A_122 = arith.constant dense<0.000000e+00> : vector<1xf32>
    %reduce_sum3A_123 = vector.multi_reduction <add>, %reduce_sum3A_121, %reduce_sum3A_122 [1, 2, 3] : vector<1x4x4x16xf32> to vector<1xf32>
    %reduce_sum3A_124 = vector.shape_cast %reduce_sum3A_123 : vector<1xf32> to vector<1x1x1x1xf32>
    %reduce_sum3A_125 = vector.extract %reduce_sum3A_124[0, 0, 0, 0] : f32 from vector<1x1x1x1xf32>
    %div3A_126 = arith.constant 2.560000e+02 : f32
    %div3A_127 = arith.divf %reduce_sum3A_125, %div3A_126 : f32
    %add3A_128 = arith.addf %add3A_99, %div3A_127 : f32
    %div3A_129 = arith.divf %reduce_sum3A_109, %reduce_sum3A_119 : f32
    %add3A_130 = arith.addf %add3A_128, %div3A_129 : f32
    %get3A_131 = arith.constant 0 : index
    %get3A_132 = arith.constant 0 : index
    %get3A_133 = memref.load %arg0[%get3A_131, %get3A_132] : memref<1x1xf32, #tpu.memory_space<smem>>
    %div3A_134 = arith.constant 4.000000e+00 : f32
    %div3A_135 = arith.divf %add3A_130, %div3A_134 : f32
    %mul3A = arith.constant 1.000000e-01 : f32
    %mul3A_136 = arith.mulf %mul3A, %div3A_135 : f32
    %add3A_137 = arith.addf %get3A_133, %mul3A_136 : f32
    %swap3A = arith.constant 0 : index
    %swap3A_138 = arith.constant 0 : index
    %swap3A_139 = memref.load %arg2[%swap3A, %swap3A_138] : memref<1x1xf32, #tpu.memory_space<smem>>
    memref.store %add3A_137, %arg2[%swap3A, %swap3A_138] : memref<1x1xf32, #tpu.memory_space<smem>>
    return
  }
}

module attributes {stable_mosaic.version = 14 : i64} {
  func.func @_tc_silog(%arg0: memref<4x112x112xf32, #tpu.memory_space<vmem>>, %arg1: memref<4x224x224xf32, #tpu.memory_space<vmem>>, %arg2: memref<4x224x224xf32, #tpu.memory_space<vmem>>, %arg3: memref<224x112xf32, #tpu.memory_space<vmem>>, %arg4: memref<112x224xf32, #tpu.memory_space<vmem>>, %arg5: memref<1x1xf32, #tpu.memory_space<smem>>, %arg6: memref<4x224x224xf32, #tpu.memory_space<vmem>>) attributes {dimension_semantics = [], scalar_prefetch = 0 : i64, scratch_operands = 1 : i64, tpu.core_type = #tpu.core_type<tc>} {
    %get3A = arith.constant 0 : index
    %get3A_0 = arith.constant 0 : index
    %get3A_1 = vector.load %arg3[%get3A, %get3A_0] : memref<224x112xf32, #tpu.memory_space<vmem>>, vector<224x112xf32>
    %get3A_2 = arith.constant 0 : index
    %get3A_3 = arith.constant 0 : index
    %get3A_4 = arith.constant 0 : index
    %get3A_5 = vector.load %arg0[%get3A_2, %get3A_3, %get3A_4] : memref<4x112x112xf32, #tpu.memory_space<vmem>>, vector<1x112x112xf32>
    %get3A_6 = vector.shape_cast %get3A_5 : vector<1x112x112xf32> to vector<112x112xf32>
    %dot_general3A = arith.constant dense<0.000000e+00> : vector<224x112xf32>
    %dot_general3A_7 = tpu.matmul %get3A_1, %get3A_6, %dot_general3A {dimension_numbers = #tpu.dot_dimension_numbers<[1], [0], [0], [1], [0, 0, 1, 1], [], []>, transpose_lhs_hint = false} : vector<224x112xf32>, vector<112x112xf32>, vector<224x112xf32> -> vector<224x112xf32>
    %get3A_8 = arith.constant 0 : index
    %get3A_9 = arith.constant 0 : index
    %get3A_10 = vector.load %arg4[%get3A_8, %get3A_9] : memref<112x224xf32, #tpu.memory_space<vmem>>, vector<112x224xf32>
    %dot_general3A_11 = arith.constant dense<0.000000e+00> : vector<224x224xf32>
    %dot_general3A_12 = tpu.matmul %dot_general3A_7, %get3A_10, %dot_general3A_11 {dimension_numbers = #tpu.dot_dimension_numbers<[1], [0], [0], [1], [0, 0, 1, 1], [], []>, transpose_lhs_hint = false} : vector<224x112xf32>, vector<112x224xf32>, vector<224x224xf32> -> vector<224x224xf32>
    %log3A = math.log %dot_general3A_12 : vector<224x224xf32>
    %get3A_13 = arith.constant 0 : index
    %get3A_14 = arith.constant 0 : index
    %get3A_15 = arith.constant 0 : index
    %get3A_16 = vector.load %arg1[%get3A_13, %get3A_14, %get3A_15] : memref<4x224x224xf32, #tpu.memory_space<vmem>>, vector<1x224x224xf32>
    %get3A_17 = vector.shape_cast %get3A_16 : vector<1x224x224xf32> to vector<224x224xf32>
    %log3A_18 = math.log %get3A_17 : vector<224x224xf32>
    %sub3A = arith.subf %log3A, %log3A_18 : vector<224x224xf32>
    %swap3A = arith.constant 0 : index
    %swap3A_19 = arith.constant 0 : index
    %swap3A_20 = arith.constant 0 : index
    %swap3A_21 = vector.load %arg6[%swap3A, %swap3A_19, %swap3A_20] : memref<4x224x224xf32, #tpu.memory_space<vmem>>, vector<1x224x224xf32>
    %swap3A_22 = vector.shape_cast %swap3A_21 : vector<1x224x224xf32> to vector<224x224xf32>
    %swap3A_23 = vector.shape_cast %sub3A : vector<224x224xf32> to vector<1x224x224xf32>
    tpu.vector_store %arg6[%swap3A, %swap3A_19, %swap3A_20], %swap3A_23 {strides = array<i32>} : memref<4x224x224xf32, #tpu.memory_space<vmem>>, vector<1x224x224xf32>,
    %get3A_24 = arith.constant 0 : index
    %get3A_25 = arith.constant 0 : index
    %get3A_26 = arith.constant 0 : index
    %get3A_27 = vector.load %arg2[%get3A_24, %get3A_25, %get3A_26] : memref<4x224x224xf32, #tpu.memory_space<vmem>>, vector<1x224x224xf32>
    %get3A_28 = vector.shape_cast %get3A_27 : vector<1x224x224xf32> to vector<224x224xf32>
    %gt3A = arith.constant 0.000000e+00 : f32
    %gt3A_29 = vector.broadcast %gt3A : f32 to vector<224x224xf32>
    %gt3A_30 = arith.cmpf ogt, %get3A_28, %gt3A_29 : vector<224x224xf32>
    %get3A_31 = arith.constant 0 : index
    %get3A_32 = arith.constant 0 : index
    %get3A_33 = arith.constant 0 : index
    %get3A_34 = vector.load %arg2[%get3A_31, %get3A_32, %get3A_33] : memref<4x224x224xf32, #tpu.memory_space<vmem>>, vector<1x224x224xf32>
    %get3A_35 = vector.shape_cast %get3A_34 : vector<1x224x224xf32> to vector<224x224xf32>
    %reduce_sum3A = vector.shape_cast %get3A_35 : vector<224x224xf32> to vector<1x224x224xf32>
    %reduce_sum3A_36 = arith.constant dense<0.000000e+00> : vector<1xf32>
    %reduce_sum3A_37 = vector.multi_reduction <add>, %reduce_sum3A, %reduce_sum3A_36 [1, 2] : vector<1x224x224xf32> to vector<1xf32>
    %reduce_sum3A_38 = vector.shape_cast %reduce_sum3A_37 : vector<1xf32> to vector<1x1x1xf32>
    %reduce_sum3A_39 = vector.extract %reduce_sum3A_38[0, 0, 0] : f32 from vector<1x1x1xf32>
    %add3A = arith.constant 0.000000e+00 : f32
    %add3A_40 = arith.addf %add3A, %reduce_sum3A_39 : f32
    %jit3A = arith.constant 0.000000e+00 : f32
    %broadcast_in_dim3A = vector.broadcast %jit3A : f32 to vector<224x224xf32>
    %select_n3A = arith.select %gt3A_30, %sub3A, %broadcast_in_dim3A : vector<224x224xi1>, vector<224x224xf32>
    %reduce_sum3A_41 = vector.shape_cast %select_n3A : vector<224x224xf32> to vector<1x224x224xf32>
    %reduce_sum3A_42 = arith.constant dense<0.000000e+00> : vector<1xf32>
    %reduce_sum3A_43 = vector.multi_reduction <add>, %reduce_sum3A_41, %reduce_sum3A_42 [1, 2] : vector<1x224x224xf32> to vector<1xf32>
    %reduce_sum3A_44 = vector.shape_cast %reduce_sum3A_43 : vector<1xf32> to vector<1x1x1xf32>
    %reduce_sum3A_45 = vector.extract %reduce_sum3A_44[0, 0, 0] : f32 from vector<1x1x1xf32>
    %add3A_46 = arith.constant 0.000000e+00 : f32
    %add3A_47 = arith.addf %add3A_46, %reduce_sum3A_45 : f32
    %get3A_48 = arith.constant 0 : index
    %get3A_49 = arith.constant 0 : index
    %get3A_50 = vector.load %arg3[%get3A_48, %get3A_49] : memref<224x112xf32, #tpu.memory_space<vmem>>, vector<224x112xf32>
    %get3A_51 = arith.constant 1 : index
    %get3A_52 = arith.constant 0 : index
    %get3A_53 = arith.constant 0 : index
    %get3A_54 = vector.load %arg0[%get3A_51, %get3A_52, %get3A_53] : memref<4x112x112xf32, #tpu.memory_space<vmem>>, vector<1x112x112xf32>
    %get3A_55 = vector.shape_cast %get3A_54 : vector<1x112x112xf32> to vector<112x112xf32>
    %dot_general3A_56 = arith.constant dense<0.000000e+00> : vector<224x112xf32>
    %dot_general3A_57 = tpu.matmul %get3A_50, %get3A_55, %dot_general3A_56 {dimension_numbers = #tpu.dot_dimension_numbers<[1], [0], [0], [1], [0, 0, 1, 1], [], []>, transpose_lhs_hint = false} : vector<224x112xf32>, vector<112x112xf32>, vector<224x112xf32> -> vector<224x112xf32>
    %get3A_58 = arith.constant 0 : index
    %get3A_59 = arith.constant 0 : index
    %get3A_60 = vector.load %arg4[%get3A_58, %get3A_59] : memref<112x224xf32, #tpu.memory_space<vmem>>, vector<112x224xf32>
    %dot_general3A_61 = arith.constant dense<0.000000e+00> : vector<224x224xf32>
    %dot_general3A_62 = tpu.matmul %dot_general3A_57, %get3A_60, %dot_general3A_61 {dimension_numbers = #tpu.dot_dimension_numbers<[1], [0], [0], [1], [0, 0, 1, 1], [], []>, transpose_lhs_hint = false} : vector<224x112xf32>, vector<112x224xf32>, vector<224x224xf32> -> vector<224x224xf32>
    %log3A_63 = math.log %dot_general3A_62 : vector<224x224xf32>
    %get3A_64 = arith.constant 1 : index
    %get3A_65 = arith.constant 0 : index
    %get3A_66 = arith.constant 0 : index
    %get3A_67 = vector.load %arg1[%get3A_64, %get3A_65, %get3A_66] : memref<4x224x224xf32, #tpu.memory_space<vmem>>, vector<1x224x224xf32>
    %get3A_68 = vector.shape_cast %get3A_67 : vector<1x224x224xf32> to vector<224x224xf32>
    %log3A_69 = math.log %get3A_68 : vector<224x224xf32>
    %sub3A_70 = arith.subf %log3A_63, %log3A_69 : vector<224x224xf32>
    %swap3A_71 = arith.constant 1 : index
    %swap3A_72 = arith.constant 0 : index
    %swap3A_73 = arith.constant 0 : index
    %swap3A_74 = vector.load %arg6[%swap3A_71, %swap3A_72, %swap3A_73] : memref<4x224x224xf32, #tpu.memory_space<vmem>>, vector<1x224x224xf32>
    %swap3A_75 = vector.shape_cast %swap3A_74 : vector<1x224x224xf32> to vector<224x224xf32>
    %swap3A_76 = vector.shape_cast %sub3A_70 : vector<224x224xf32> to vector<1x224x224xf32>
    tpu.vector_store %arg6[%swap3A_71, %swap3A_72, %swap3A_73], %swap3A_76 {strides = array<i32>} : memref<4x224x224xf32, #tpu.memory_space<vmem>>, vector<1x224x224xf32>,
    %get3A_77 = arith.constant 1 : index
    %get3A_78 = arith.constant 0 : index
    %get3A_79 = arith.constant 0 : index
    %get3A_80 = vector.load %arg2[%get3A_77, %get3A_78, %get3A_79] : memref<4x224x224xf32, #tpu.memory_space<vmem>>, vector<1x224x224xf32>
    %get3A_81 = vector.shape_cast %get3A_80 : vector<1x224x224xf32> to vector<224x224xf32>
    %gt3A_82 = arith.constant 0.000000e+00 : f32
    %gt3A_83 = vector.broadcast %gt3A_82 : f32 to vector<224x224xf32>
    %gt3A_84 = arith.cmpf ogt, %get3A_81, %gt3A_83 : vector<224x224xf32>
    %get3A_85 = arith.constant 1 : index
    %get3A_86 = arith.constant 0 : index
    %get3A_87 = arith.constant 0 : index
    %get3A_88 = vector.load %arg2[%get3A_85, %get3A_86, %get3A_87] : memref<4x224x224xf32, #tpu.memory_space<vmem>>, vector<1x224x224xf32>
    %get3A_89 = vector.shape_cast %get3A_88 : vector<1x224x224xf32> to vector<224x224xf32>
    %reduce_sum3A_90 = vector.shape_cast %get3A_89 : vector<224x224xf32> to vector<1x224x224xf32>
    %reduce_sum3A_91 = arith.constant dense<0.000000e+00> : vector<1xf32>
    %reduce_sum3A_92 = vector.multi_reduction <add>, %reduce_sum3A_90, %reduce_sum3A_91 [1, 2] : vector<1x224x224xf32> to vector<1xf32>
    %reduce_sum3A_93 = vector.shape_cast %reduce_sum3A_92 : vector<1xf32> to vector<1x1x1xf32>
    %reduce_sum3A_94 = vector.extract %reduce_sum3A_93[0, 0, 0] : f32 from vector<1x1x1xf32>
    %add3A_95 = arith.addf %add3A_40, %reduce_sum3A_94 : f32
    %jit3A_96 = arith.constant 0.000000e+00 : f32
    %broadcast_in_dim3A_97 = vector.broadcast %jit3A_96 : f32 to vector<224x224xf32>
    %select_n3A_98 = arith.select %gt3A_84, %sub3A_70, %broadcast_in_dim3A_97 : vector<224x224xi1>, vector<224x224xf32>
    %reduce_sum3A_99 = vector.shape_cast %select_n3A_98 : vector<224x224xf32> to vector<1x224x224xf32>
    %reduce_sum3A_100 = arith.constant dense<0.000000e+00> : vector<1xf32>
    %reduce_sum3A_101 = vector.multi_reduction <add>, %reduce_sum3A_99, %reduce_sum3A_100 [1, 2] : vector<1x224x224xf32> to vector<1xf32>
    %reduce_sum3A_102 = vector.shape_cast %reduce_sum3A_101 : vector<1xf32> to vector<1x1x1xf32>
    %reduce_sum3A_103 = vector.extract %reduce_sum3A_102[0, 0, 0] : f32 from vector<1x1x1xf32>
    %add3A_104 = arith.addf %add3A_47, %reduce_sum3A_103 : f32
    %get3A_105 = arith.constant 0 : index
    %get3A_106 = arith.constant 0 : index
    %get3A_107 = vector.load %arg3[%get3A_105, %get3A_106] : memref<224x112xf32, #tpu.memory_space<vmem>>, vector<224x112xf32>
    %get3A_108 = arith.constant 2 : index
    %get3A_109 = arith.constant 0 : index
    %get3A_110 = arith.constant 0 : index
    %get3A_111 = vector.load %arg0[%get3A_108, %get3A_109, %get3A_110] : memref<4x112x112xf32, #tpu.memory_space<vmem>>, vector<1x112x112xf32>
    %get3A_112 = vector.shape_cast %get3A_111 : vector<1x112x112xf32> to vector<112x112xf32>
    %dot_general3A_113 = arith.constant dense<0.000000e+00> : vector<224x112xf32>
    %dot_general3A_114 = tpu.matmul %get3A_107, %get3A_112, %dot_general3A_113 {dimension_numbers = #tpu.dot_dimension_numbers<[1], [0], [0], [1], [0, 0, 1, 1], [], []>, transpose_lhs_hint = false} : vector<224x112xf32>, vector<112x112xf32>, vector<224x112xf32> -> vector<224x112xf32>
    %get3A_115 = arith.constant 0 : index
    %get3A_116 = arith.constant 0 : index
    %get3A_117 = vector.load %arg4[%get3A_115, %get3A_116] : memref<112x224xf32, #tpu.memory_space<vmem>>, vector<112x224xf32>
    %dot_general3A_118 = arith.constant dense<0.000000e+00> : vector<224x224xf32>
    %dot_general3A_119 = tpu.matmul %dot_general3A_114, %get3A_117, %dot_general3A_118 {dimension_numbers = #tpu.dot_dimension_numbers<[1], [0], [0], [1], [0, 0, 1, 1], [], []>, transpose_lhs_hint = false} : vector<224x112xf32>, vector<112x224xf32>, vector<224x224xf32> -> vector<224x224xf32>
    %log3A_120 = math.log %dot_general3A_119 : vector<224x224xf32>
    %get3A_121 = arith.constant 2 : index
    %get3A_122 = arith.constant 0 : index
    %get3A_123 = arith.constant 0 : index
    %get3A_124 = vector.load %arg1[%get3A_121, %get3A_122, %get3A_123] : memref<4x224x224xf32, #tpu.memory_space<vmem>>, vector<1x224x224xf32>
    %get3A_125 = vector.shape_cast %get3A_124 : vector<1x224x224xf32> to vector<224x224xf32>
    %log3A_126 = math.log %get3A_125 : vector<224x224xf32>
    %sub3A_127 = arith.subf %log3A_120, %log3A_126 : vector<224x224xf32>
    %swap3A_128 = arith.constant 2 : index
    %swap3A_129 = arith.constant 0 : index
    %swap3A_130 = arith.constant 0 : index
    %swap3A_131 = vector.load %arg6[%swap3A_128, %swap3A_129, %swap3A_130] : memref<4x224x224xf32, #tpu.memory_space<vmem>>, vector<1x224x224xf32>
    %swap3A_132 = vector.shape_cast %swap3A_131 : vector<1x224x224xf32> to vector<224x224xf32>
    %swap3A_133 = vector.shape_cast %sub3A_127 : vector<224x224xf32> to vector<1x224x224xf32>
    tpu.vector_store %arg6[%swap3A_128, %swap3A_129, %swap3A_130], %swap3A_133 {strides = array<i32>} : memref<4x224x224xf32, #tpu.memory_space<vmem>>, vector<1x224x224xf32>,
    %get3A_134 = arith.constant 2 : index
    %get3A_135 = arith.constant 0 : index
    %get3A_136 = arith.constant 0 : index
    %get3A_137 = vector.load %arg2[%get3A_134, %get3A_135, %get3A_136] : memref<4x224x224xf32, #tpu.memory_space<vmem>>, vector<1x224x224xf32>
    %get3A_138 = vector.shape_cast %get3A_137 : vector<1x224x224xf32> to vector<224x224xf32>
    %gt3A_139 = arith.constant 0.000000e+00 : f32
    %gt3A_140 = vector.broadcast %gt3A_139 : f32 to vector<224x224xf32>
    %gt3A_141 = arith.cmpf ogt, %get3A_138, %gt3A_140 : vector<224x224xf32>
    %get3A_142 = arith.constant 2 : index
    %get3A_143 = arith.constant 0 : index
    %get3A_144 = arith.constant 0 : index
    %get3A_145 = vector.load %arg2[%get3A_142, %get3A_143, %get3A_144] : memref<4x224x224xf32, #tpu.memory_space<vmem>>, vector<1x224x224xf32>
    %get3A_146 = vector.shape_cast %get3A_145 : vector<1x224x224xf32> to vector<224x224xf32>
    %reduce_sum3A_147 = vector.shape_cast %get3A_146 : vector<224x224xf32> to vector<1x224x224xf32>
    %reduce_sum3A_148 = arith.constant dense<0.000000e+00> : vector<1xf32>
    %reduce_sum3A_149 = vector.multi_reduction <add>, %reduce_sum3A_147, %reduce_sum3A_148 [1, 2] : vector<1x224x224xf32> to vector<1xf32>
    %reduce_sum3A_150 = vector.shape_cast %reduce_sum3A_149 : vector<1xf32> to vector<1x1x1xf32>
    %reduce_sum3A_151 = vector.extract %reduce_sum3A_150[0, 0, 0] : f32 from vector<1x1x1xf32>
    %add3A_152 = arith.addf %add3A_95, %reduce_sum3A_151 : f32
    %jit3A_153 = arith.constant 0.000000e+00 : f32
    %broadcast_in_dim3A_154 = vector.broadcast %jit3A_153 : f32 to vector<224x224xf32>
    %select_n3A_155 = arith.select %gt3A_141, %sub3A_127, %broadcast_in_dim3A_154 : vector<224x224xi1>, vector<224x224xf32>
    %reduce_sum3A_156 = vector.shape_cast %select_n3A_155 : vector<224x224xf32> to vector<1x224x224xf32>
    %reduce_sum3A_157 = arith.constant dense<0.000000e+00> : vector<1xf32>
    %reduce_sum3A_158 = vector.multi_reduction <add>, %reduce_sum3A_156, %reduce_sum3A_157 [1, 2] : vector<1x224x224xf32> to vector<1xf32>
    %reduce_sum3A_159 = vector.shape_cast %reduce_sum3A_158 : vector<1xf32> to vector<1x1x1xf32>
    %reduce_sum3A_160 = vector.extract %reduce_sum3A_159[0, 0, 0] : f32 from vector<1x1x1xf32>
    %add3A_161 = arith.addf %add3A_104, %reduce_sum3A_160 : f32
    %get3A_162 = arith.constant 0 : index
    %get3A_163 = arith.constant 0 : index
    %get3A_164 = vector.load %arg3[%get3A_162, %get3A_163] : memref<224x112xf32, #tpu.memory_space<vmem>>, vector<224x112xf32>
    %get3A_165 = arith.constant 3 : index
    %get3A_166 = arith.constant 0 : index
    %get3A_167 = arith.constant 0 : index
    %get3A_168 = vector.load %arg0[%get3A_165, %get3A_166, %get3A_167] : memref<4x112x112xf32, #tpu.memory_space<vmem>>, vector<1x112x112xf32>
    %get3A_169 = vector.shape_cast %get3A_168 : vector<1x112x112xf32> to vector<112x112xf32>
    %dot_general3A_170 = arith.constant dense<0.000000e+00> : vector<224x112xf32>
    %dot_general3A_171 = tpu.matmul %get3A_164, %get3A_169, %dot_general3A_170 {dimension_numbers = #tpu.dot_dimension_numbers<[1], [0], [0], [1], [0, 0, 1, 1], [], []>, transpose_lhs_hint = false} : vector<224x112xf32>, vector<112x112xf32>, vector<224x112xf32> -> vector<224x112xf32>
    %get3A_172 = arith.constant 0 : index
    %get3A_173 = arith.constant 0 : index
    %get3A_174 = vector.load %arg4[%get3A_172, %get3A_173] : memref<112x224xf32, #tpu.memory_space<vmem>>, vector<112x224xf32>
    %dot_general3A_175 = arith.constant dense<0.000000e+00> : vector<224x224xf32>
    %dot_general3A_176 = tpu.matmul %dot_general3A_171, %get3A_174, %dot_general3A_175 {dimension_numbers = #tpu.dot_dimension_numbers<[1], [0], [0], [1], [0, 0, 1, 1], [], []>, transpose_lhs_hint = false} : vector<224x112xf32>, vector<112x224xf32>, vector<224x224xf32> -> vector<224x224xf32>
    %log3A_177 = math.log %dot_general3A_176 : vector<224x224xf32>
    %get3A_178 = arith.constant 3 : index
    %get3A_179 = arith.constant 0 : index
    %get3A_180 = arith.constant 0 : index
    %get3A_181 = vector.load %arg1[%get3A_178, %get3A_179, %get3A_180] : memref<4x224x224xf32, #tpu.memory_space<vmem>>, vector<1x224x224xf32>
    %get3A_182 = vector.shape_cast %get3A_181 : vector<1x224x224xf32> to vector<224x224xf32>
    %log3A_183 = math.log %get3A_182 : vector<224x224xf32>
    %sub3A_184 = arith.subf %log3A_177, %log3A_183 : vector<224x224xf32>
    %swap3A_185 = arith.constant 3 : index
    %swap3A_186 = arith.constant 0 : index
    %swap3A_187 = arith.constant 0 : index
    %swap3A_188 = vector.load %arg6[%swap3A_185, %swap3A_186, %swap3A_187] : memref<4x224x224xf32, #tpu.memory_space<vmem>>, vector<1x224x224xf32>
    %swap3A_189 = vector.shape_cast %swap3A_188 : vector<1x224x224xf32> to vector<224x224xf32>
    %swap3A_190 = vector.shape_cast %sub3A_184 : vector<224x224xf32> to vector<1x224x224xf32>
    tpu.vector_store %arg6[%swap3A_185, %swap3A_186, %swap3A_187], %swap3A_190 {strides = array<i32>} : memref<4x224x224xf32, #tpu.memory_space<vmem>>, vector<1x224x224xf32>,
    %get3A_191 = arith.constant 3 : index
    %get3A_192 = arith.constant 0 : index
    %get3A_193 = arith.constant 0 : index
    %get3A_194 = vector.load %arg2[%get3A_191, %get3A_192, %get3A_193] : memref<4x224x224xf32, #tpu.memory_space<vmem>>, vector<1x224x224xf32>
    %get3A_195 = vector.shape_cast %get3A_194 : vector<1x224x224xf32> to vector<224x224xf32>
    %gt3A_196 = arith.constant 0.000000e+00 : f32
    %gt3A_197 = vector.broadcast %gt3A_196 : f32 to vector<224x224xf32>
    %gt3A_198 = arith.cmpf ogt, %get3A_195, %gt3A_197 : vector<224x224xf32>
    %get3A_199 = arith.constant 3 : index
    %get3A_200 = arith.constant 0 : index
    %get3A_201 = arith.constant 0 : index
    %get3A_202 = vector.load %arg2[%get3A_199, %get3A_200, %get3A_201] : memref<4x224x224xf32, #tpu.memory_space<vmem>>, vector<1x224x224xf32>
    %get3A_203 = vector.shape_cast %get3A_202 : vector<1x224x224xf32> to vector<224x224xf32>
    %reduce_sum3A_204 = vector.shape_cast %get3A_203 : vector<224x224xf32> to vector<1x224x224xf32>
    %reduce_sum3A_205 = arith.constant dense<0.000000e+00> : vector<1xf32>
    %reduce_sum3A_206 = vector.multi_reduction <add>, %reduce_sum3A_204, %reduce_sum3A_205 [1, 2] : vector<1x224x224xf32> to vector<1xf32>
    %reduce_sum3A_207 = vector.shape_cast %reduce_sum3A_206 : vector<1xf32> to vector<1x1x1xf32>
    %reduce_sum3A_208 = vector.extract %reduce_sum3A_207[0, 0, 0] : f32 from vector<1x1x1xf32>
    %add3A_209 = arith.addf %add3A_152, %reduce_sum3A_208 : f32
    %jit3A_210 = arith.constant 0.000000e+00 : f32
    %broadcast_in_dim3A_211 = vector.broadcast %jit3A_210 : f32 to vector<224x224xf32>
    %select_n3A_212 = arith.select %gt3A_198, %sub3A_184, %broadcast_in_dim3A_211 : vector<224x224xi1>, vector<224x224xf32>
    %reduce_sum3A_213 = vector.shape_cast %select_n3A_212 : vector<224x224xf32> to vector<1x224x224xf32>
    %reduce_sum3A_214 = arith.constant dense<0.000000e+00> : vector<1xf32>
    %reduce_sum3A_215 = vector.multi_reduction <add>, %reduce_sum3A_213, %reduce_sum3A_214 [1, 2] : vector<1x224x224xf32> to vector<1xf32>
    %reduce_sum3A_216 = vector.shape_cast %reduce_sum3A_215 : vector<1xf32> to vector<1x1x1xf32>
    %reduce_sum3A_217 = vector.extract %reduce_sum3A_216[0, 0, 0] : f32 from vector<1x1x1xf32>
    %add3A_218 = arith.addf %add3A_161, %reduce_sum3A_217 : f32
    %div3A = arith.divf %add3A_218, %add3A_209 : f32
    %get3A_219 = arith.constant 0 : index
    %get3A_220 = arith.constant 0 : index
    %get3A_221 = arith.constant 0 : index
    %get3A_222 = vector.load %arg6[%get3A_219, %get3A_220, %get3A_221] : memref<4x224x224xf32, #tpu.memory_space<vmem>>, vector<1x224x224xf32>
    %get3A_223 = vector.shape_cast %get3A_222 : vector<1x224x224xf32> to vector<224x224xf32>
    %sub3A_224 = vector.broadcast %div3A : f32 to vector<224x224xf32>
    %sub3A_225 = arith.subf %get3A_223, %sub3A_224 : vector<224x224xf32>
    %get3A_226 = arith.constant 0 : index
    %get3A_227 = arith.constant 0 : index
    %get3A_228 = arith.constant 0 : index
    %get3A_229 = vector.load %arg2[%get3A_226, %get3A_227, %get3A_228] : memref<4x224x224xf32, #tpu.memory_space<vmem>>, vector<1x224x224xf32>
    %get3A_230 = vector.shape_cast %get3A_229 : vector<1x224x224xf32> to vector<224x224xf32>
    %gt3A_231 = arith.constant 0.000000e+00 : f32
    %gt3A_232 = vector.broadcast %gt3A_231 : f32 to vector<224x224xf32>
    %gt3A_233 = arith.cmpf ogt, %get3A_230, %gt3A_232 : vector<224x224xf32>
    %mul3A = arith.mulf %sub3A_225, %sub3A_225 : vector<224x224xf32>
    %jit3A_234 = arith.constant 0.000000e+00 : f32
    %broadcast_in_dim3A_235 = vector.broadcast %jit3A_234 : f32 to vector<224x224xf32>
    %select_n3A_236 = arith.select %gt3A_233, %mul3A, %broadcast_in_dim3A_235 : vector<224x224xi1>, vector<224x224xf32>
    %reduce_sum3A_237 = vector.shape_cast %select_n3A_236 : vector<224x224xf32> to vector<1x224x224xf32>
    %reduce_sum3A_238 = arith.constant dense<0.000000e+00> : vector<1xf32>
    %reduce_sum3A_239 = vector.multi_reduction <add>, %reduce_sum3A_237, %reduce_sum3A_238 [1, 2] : vector<1x224x224xf32> to vector<1xf32>
    %reduce_sum3A_240 = vector.shape_cast %reduce_sum3A_239 : vector<1xf32> to vector<1x1x1xf32>
    %reduce_sum3A_241 = vector.extract %reduce_sum3A_240[0, 0, 0] : f32 from vector<1x1x1xf32>
    %add3A_242 = arith.constant 0.000000e+00 : f32
    %add3A_243 = arith.addf %add3A_242, %reduce_sum3A_241 : f32
    %get3A_244 = arith.constant 1 : index
    %get3A_245 = arith.constant 0 : index
    %get3A_246 = arith.constant 0 : index
    %get3A_247 = vector.load %arg6[%get3A_244, %get3A_245, %get3A_246] : memref<4x224x224xf32, #tpu.memory_space<vmem>>, vector<1x224x224xf32>
    %get3A_248 = vector.shape_cast %get3A_247 : vector<1x224x224xf32> to vector<224x224xf32>
    %sub3A_249 = vector.broadcast %div3A : f32 to vector<224x224xf32>
    %sub3A_250 = arith.subf %get3A_248, %sub3A_249 : vector<224x224xf32>
    %get3A_251 = arith.constant 1 : index
    %get3A_252 = arith.constant 0 : index
    %get3A_253 = arith.constant 0 : index
    %get3A_254 = vector.load %arg2[%get3A_251, %get3A_252, %get3A_253] : memref<4x224x224xf32, #tpu.memory_space<vmem>>, vector<1x224x224xf32>
    %get3A_255 = vector.shape_cast %get3A_254 : vector<1x224x224xf32> to vector<224x224xf32>
    %gt3A_256 = arith.constant 0.000000e+00 : f32
    %gt3A_257 = vector.broadcast %gt3A_256 : f32 to vector<224x224xf32>
    %gt3A_258 = arith.cmpf ogt, %get3A_255, %gt3A_257 : vector<224x224xf32>
    %mul3A_259 = arith.mulf %sub3A_250, %sub3A_250 : vector<224x224xf32>
    %jit3A_260 = arith.constant 0.000000e+00 : f32
    %broadcast_in_dim3A_261 = vector.broadcast %jit3A_260 : f32 to vector<224x224xf32>
    %select_n3A_262 = arith.select %gt3A_258, %mul3A_259, %broadcast_in_dim3A_261 : vector<224x224xi1>, vector<224x224xf32>
    %reduce_sum3A_263 = vector.shape_cast %select_n3A_262 : vector<224x224xf32> to vector<1x224x224xf32>
    %reduce_sum3A_264 = arith.constant dense<0.000000e+00> : vector<1xf32>
    %reduce_sum3A_265 = vector.multi_reduction <add>, %reduce_sum3A_263, %reduce_sum3A_264 [1, 2] : vector<1x224x224xf32> to vector<1xf32>
    %reduce_sum3A_266 = vector.shape_cast %reduce_sum3A_265 : vector<1xf32> to vector<1x1x1xf32>
    %reduce_sum3A_267 = vector.extract %reduce_sum3A_266[0, 0, 0] : f32 from vector<1x1x1xf32>
    %add3A_268 = arith.addf %add3A_243, %reduce_sum3A_267 : f32
    %get3A_269 = arith.constant 2 : index
    %get3A_270 = arith.constant 0 : index
    %get3A_271 = arith.constant 0 : index
    %get3A_272 = vector.load %arg6[%get3A_269, %get3A_270, %get3A_271] : memref<4x224x224xf32, #tpu.memory_space<vmem>>, vector<1x224x224xf32>
    %get3A_273 = vector.shape_cast %get3A_272 : vector<1x224x224xf32> to vector<224x224xf32>
    %sub3A_274 = vector.broadcast %div3A : f32 to vector<224x224xf32>
    %sub3A_275 = arith.subf %get3A_273, %sub3A_274 : vector<224x224xf32>
    %get3A_276 = arith.constant 2 : index
    %get3A_277 = arith.constant 0 : index
    %get3A_278 = arith.constant 0 : index
    %get3A_279 = vector.load %arg2[%get3A_276, %get3A_277, %get3A_278] : memref<4x224x224xf32, #tpu.memory_space<vmem>>, vector<1x224x224xf32>
    %get3A_280 = vector.shape_cast %get3A_279 : vector<1x224x224xf32> to vector<224x224xf32>
    %gt3A_281 = arith.constant 0.000000e+00 : f32
    %gt3A_282 = vector.broadcast %gt3A_281 : f32 to vector<224x224xf32>
    %gt3A_283 = arith.cmpf ogt, %get3A_280, %gt3A_282 : vector<224x224xf32>
    %mul3A_284 = arith.mulf %sub3A_275, %sub3A_275 : vector<224x224xf32>
    %jit3A_285 = arith.constant 0.000000e+00 : f32
    %broadcast_in_dim3A_286 = vector.broadcast %jit3A_285 : f32 to vector<224x224xf32>
    %select_n3A_287 = arith.select %gt3A_283, %mul3A_284, %broadcast_in_dim3A_286 : vector<224x224xi1>, vector<224x224xf32>
    %reduce_sum3A_288 = vector.shape_cast %select_n3A_287 : vector<224x224xf32> to vector<1x224x224xf32>
    %reduce_sum3A_289 = arith.constant dense<0.000000e+00> : vector<1xf32>
    %reduce_sum3A_290 = vector.multi_reduction <add>, %reduce_sum3A_288, %reduce_sum3A_289 [1, 2] : vector<1x224x224xf32> to vector<1xf32>
    %reduce_sum3A_291 = vector.shape_cast %reduce_sum3A_290 : vector<1xf32> to vector<1x1x1xf32>
    %reduce_sum3A_292 = vector.extract %reduce_sum3A_291[0, 0, 0] : f32 from vector<1x1x1xf32>
    %add3A_293 = arith.addf %add3A_268, %reduce_sum3A_292 : f32
    %get3A_294 = arith.constant 3 : index
    %get3A_295 = arith.constant 0 : index
    %get3A_296 = arith.constant 0 : index
    %get3A_297 = vector.load %arg6[%get3A_294, %get3A_295, %get3A_296] : memref<4x224x224xf32, #tpu.memory_space<vmem>>, vector<1x224x224xf32>
    %get3A_298 = vector.shape_cast %get3A_297 : vector<1x224x224xf32> to vector<224x224xf32>
    %sub3A_299 = vector.broadcast %div3A : f32 to vector<224x224xf32>
    %sub3A_300 = arith.subf %get3A_298, %sub3A_299 : vector<224x224xf32>
    %get3A_301 = arith.constant 3 : index
    %get3A_302 = arith.constant 0 : index
    %get3A_303 = arith.constant 0 : index
    %get3A_304 = vector.load %arg2[%get3A_301, %get3A_302, %get3A_303] : memref<4x224x224xf32, #tpu.memory_space<vmem>>, vector<1x224x224xf32>
    %get3A_305 = vector.shape_cast %get3A_304 : vector<1x224x224xf32> to vector<224x224xf32>
    %gt3A_306 = arith.constant 0.000000e+00 : f32
    %gt3A_307 = vector.broadcast %gt3A_306 : f32 to vector<224x224xf32>
    %gt3A_308 = arith.cmpf ogt, %get3A_305, %gt3A_307 : vector<224x224xf32>
    %mul3A_309 = arith.mulf %sub3A_300, %sub3A_300 : vector<224x224xf32>
    %jit3A_310 = arith.constant 0.000000e+00 : f32
    %broadcast_in_dim3A_311 = vector.broadcast %jit3A_310 : f32 to vector<224x224xf32>
    %select_n3A_312 = arith.select %gt3A_308, %mul3A_309, %broadcast_in_dim3A_311 : vector<224x224xi1>, vector<224x224xf32>
    %reduce_sum3A_313 = vector.shape_cast %select_n3A_312 : vector<224x224xf32> to vector<1x224x224xf32>
    %reduce_sum3A_314 = arith.constant dense<0.000000e+00> : vector<1xf32>
    %reduce_sum3A_315 = vector.multi_reduction <add>, %reduce_sum3A_313, %reduce_sum3A_314 [1, 2] : vector<1x224x224xf32> to vector<1xf32>
    %reduce_sum3A_316 = vector.shape_cast %reduce_sum3A_315 : vector<1xf32> to vector<1x1x1xf32>
    %reduce_sum3A_317 = vector.extract %reduce_sum3A_316[0, 0, 0] : f32 from vector<1x1x1xf32>
    %add3A_318 = arith.addf %add3A_293, %reduce_sum3A_317 : f32
    %sub3A_319 = arith.constant 1.000000e+00 : f32
    %sub3A_320 = arith.subf %add3A_209, %sub3A_319 : f32
    %div3A_321 = arith.divf %add3A_318, %sub3A_320 : f32
    %mul3A_322 = arith.constant 5.000000e-01 : f32
    %mul3A_323 = arith.mulf %mul3A_322, %div3A : f32
    %mul3A_324 = arith.mulf %mul3A_323, %div3A : f32
    %add3A_325 = arith.addf %div3A_321, %mul3A_324 : f32
    %sqrt3A = math.sqrt %add3A_325 : f32
    %mul3A_326 = arith.constant 1.000000e+01 : f32
    %mul3A_327 = arith.mulf %mul3A_326, %sqrt3A : f32
    %swap3A_328 = arith.constant 0 : index
    %swap3A_329 = arith.constant 0 : index
    %swap3A_330 = memref.load %arg5[%swap3A_328, %swap3A_329] : memref<1x1xf32, #tpu.memory_space<smem>>
    memref.store %mul3A_327, %arg5[%swap3A_328, %swap3A_329] : memref<1x1xf32, #tpu.memory_space<smem>>
    return
  }
}

</mosaic_0001>

<sc_bundles>
// kernel: kernel.5.cloned.1.call-start
scs
__scs_entry_jumppad:
0x0: {  	(pc) =	sbr.rel $0x88, $3  }
0x1: {  	(tag) =	ssettag $0x0;
	lr =	simm.s32 $0x1  }
0x2: {  	[smem:$0x3F9D] =	sst lr;
	_ =	strace $0xD0000000  }
0x3: {  	_ = 	snop  }
0x4: {  	_ = 	snop  }
0x5: {  	_ = 	snop  }
0x6: {  	_ = 	snop  }
0x7: {  	_ = 	snop  }
__scs_overlays_trampoline_lowered:
0x8: {  	[smem:$0x3FAC] =	sst s0  }
0x9: {  	[smem:$0x3FAD] =	sst s1  }
0xa: {  	[smem:$0x3FAE] =	sst s2  }
0xb: {  	[smem:$0x3FAF] =	sst s3  }
0xc: {  	[smem:$0x3FB0] =	sst s4  }
0xd: {  	[smem:$0x3FB1] =	sst s5  }
0xe: {  	[smem:$0x3FB2] =	sst s6  }
0xf: {  	[smem:$0x3FB3] =	sst s7  }
0x10: {  	[smem:$0x3FB4] =	sst s8  }
0x11: {  	[smem:$0x3FB5] =	sst s9;
	s0 =	simm.s32 @!p0 $0x0  }
0x12: {  	s1 =	sld [smem:$0x3F9B];
	s0 =	simm.s32 @p0 $0x1  }
0x13: {  	[smem:$0x3FB6] =	sst s0;
	s0 =	simm.s32 @!p1 $0x0  }
0x14: {  	s2 =	sld [smem:$0x3F9A];
	s0 =	simm.s32 @p1 $0x1  }
0x15: {  	[smem:$0x3FB7] =	sst s0;
	s0 =	simm.s32 @!p2 $0x0  }
0x16: {  	s3 =	sld [smem:$0x3FDB];
	s0 =	simm.s32 @p2 $0x1  }
0x17: {  	s4 =	simm.s32 $0x1BF5;
	[smem:$0x3FB9] =	sst s0  }
0x18: {  	s0 =	sld [smem:$0x3F9C];
	_ =	swait.ge [sflag:s4], $0x0  }
0x19: {  	s7 =	sld [smem:$0x3F9D]  }
0x1a: {  	s8 =	sadd.s32 $0xFFFFE003, lr  }
0x1b: {  	s9 =	sadd.s32 $0xFFFFFEF7, lr;
	s5 =	simm.s32 $0xFFFFFFFF;
	p2 =	slt.u32 s8, $0xFFFFF086  }
0x1c: {  	p1 =	slt.u32 s9, $0xF7A;
	s5 =	simm.s32 @!p2 $0x0  }
0x1d: {  	s5 =	simm.s32 @p1 $0x1;
	p0 =	seq.s32 s7, s2  }
0x1e: {  	s7 =	smul.u32 @!p0 $0xF7A, s2;
	p2 =	seq.s32 @!p0 s5, $0x0  }
0x1f: {  	s9 =	smul.u32 $0xF7A, s1;
	s8 =	simm.s32 @!p0 $0x1BF5;
	p2 =	por !p2, p0  }
0x20: {  	[sflag:s8] =	ssyncset.s32 @!p0 $0xFFFFF086;
	s6 =	sadd.s32 @!p0 s3, s7;
	s7 =	simm.s32 @!p0 $0x108  }
0x21: {  	s3 =	sadd.s32 s3, s9;
	s6 =	sadd.s32 @!p0 $0x88, s6;
	s7 =	simm.s32 @p2 $0x1082  }
0x22: {  	[simem:s7], [sflag:s8] =	dma.local @!p0 [hbm:s6], $0xF7A  }
0x23: {  	s9 =	sor.u32 $0xD0000000, s2;
	s6 =	simm.s32 $0x108;
	_ =	swait.ge @!p0 [sflag:s8], $0x0  }
0x24: {  	s3 =	sadd.s32 $0x88, s3;
	s6 =	simm.s32 @!p1 $0x1082;
	[sflag:s4] =	ssyncset.s32 $0xFFFFF086  }
0x25: {  	[simem:s6], [sflag:s4] =	dma.local [hbm:s3], $0xF7A  }
0x26: {  	[smem:$0x3F9D] =	sst s1;
	(tag) =	ssettag s2;
	_ =	strace s9  }
0x27: {  	s1 =	sld [smem:$0x3FAD]  }
0x28: {  	s2 =	sld [smem:$0x3FAE]  }
0x29: {  	s4 =	sld [smem:$0x3FB0]  }
0x2a: {  	p0 =	seq.s32 s5, $0x0;
	s5 =	sld [smem:$0x3FB1]  }
0x2b: {  	s6 =	sld [smem:$0x3FB2]  }
0x2c: {  	s7 =	sld [smem:$0x3FB3]  }
0x2d: {  	s3 =	simm.s32 $0x108;
	s8 =	sld [smem:$0x3FB4]  }
0x2e: {  	s3 =	simm.s32 @!p0 $0x1082;
	s9 =	sld [smem:$0x3FB5]  }
0x2f: {  	lr =	sadd.s32 s0, s3;
	s0 =	sld [smem:$0x3FAC]  }
0x30: {  	s3 =	sld [smem:$0x3FAF]  }
0x31: {  	[smem:$0x3FB8] =	sst s10  }
0x32: {  	s10 =	sld [smem:$0x3FB6];
	_ =	sdelay $0x3  }
0x33: {  	p0 =	seq.s32 s10, $0x1;
	s10 =	sld [smem:$0x3FB8];
	_ =	sdelay $0x3  }
0x34: {  	[smem:$0x3FB8] =	sst s10  }
0x35: {  	s10 =	sld [smem:$0x3FB7];
	_ =	sdelay $0x3  }
0x36: {  	p1 =	seq.s32 s10, $0x1;
	s10 =	sld [smem:$0x3FB8];
	_ =	sdelay $0x3  }
0x37: {  	[smem:$0x3FB8] =	sst s10  }
0x38: {  	s10 =	sld [smem:$0x3FB9]  }
0x39: {  	_ = 	snop;
	(pc) =	sbr.ind lr, $3  }
0x3a: {  	_ = 	snop  }
0x3b: {  	_ = 	snop  }
0x3c: {  	p2 =	seq.s32 s10, $0x1;
	s10 =	sld [smem:$0x3FB8]  }
0x3d: {  	_ =	shalt  }
0x3e: {  	_ =	shalt  }
0x3f: {  	_ =	shalt  }
0x40: {  	_ =	shalt  }
0x41: {  	_ =	shalt  }
0x42: {  	_ =	shalt  }
0x43: {  	_ =	shalt  }
0x44: {  	_ =	shalt  }
0x45: {  	_ =	shalt  }
0x46: {  	_ =	shalt  }
0x47: {  	_ =	shalt  }
0x48: {  	_ =	shalt  }
0x49: {  	_ =	shalt  }
0x4a: {  	_ =	shalt  }
0x4b: {  	_ =	shalt  }
0x4c: {  	_ =	shalt  }
0x4d: {  	_ =	shalt  }
0x4e: {  	_ =	shalt  }
0x4f: {  	_ =	shalt  }
0x50: {  	_ =	shalt  }
0x51: {  	_ =	shalt  }
0x52: {  	_ =	shalt  }
0x53: {  	_ =	shalt  }
0x54: {  	_ =	shalt  }
0x55: {  	_ =	shalt  }
0x56: {  	_ =	shalt  }
0x57: {  	_ =	shalt  }
0x58: {  	_ =	shalt  }
0x59: {  	_ =	shalt  }
0x5a: {  	_ =	shalt  }
0x5b: {  	_ =	shalt  }
0x5c: {  	_ =	shalt  }
0x5d: {  	_ =	shalt  }
0x5e: {  	_ =	shalt  }
0x5f: {  	_ =	shalt  }
0x60: {  	_ =	shalt  }
0x61: {  	_ =	shalt  }
0x62: {  	_ =	shalt  }
0x63: {  	_ =	shalt  }
0x64: {  	_ =	shalt  }
0x65: {  	_ =	shalt  }
0x66: {  	_ =	shalt  }
0x67: {  	_ =	shalt  }
0x68: {  	_ =	shalt  }
0x69: {  	_ =	shalt  }
0x6a: {  	_ =	shalt  }
0x6b: {  	_ =	shalt  }
0x6c: {  	_ =	shalt  }
0x6d: {  	_ =	shalt  }
0x6e: {  	_ =	shalt  }
0x6f: {  	_ =	shalt  }
0x70: {  	_ =	shalt  }
0x71: {  	_ =	shalt  }
0x72: {  	_ =	shalt  }
0x73: {  	_ =	shalt  }
0x74: {  	_ =	shalt  }
0x75: {  	_ =	shalt  }
0x76: {  	_ =	shalt  }
0x77: {  	_ =	shalt  }
0x78: {  	_ =	shalt  }
0x79: {  	_ =	shalt  }
0x7a: {  	_ =	shalt  }
0x7b: {  	_ =	shalt  }
0x7c: {  	_ =	shalt  }
0x7d: {  	_ =	shalt  }
0x7e: {  	_ =	shalt  }
0x7f: {  	_ =	shalt  }
0x80: {  	_ =	shalt  }
0x81: {  	_ =	shalt  }
0x82: {  	_ =	shalt  }
0x83: {  	_ =	shalt  }
0x84: {  	_ =	shalt  }
0x85: {  	_ =	shalt  }
0x86: {  	_ =	shalt  }
0x87: {  	_ =	shalt  }
.Lfunc_end0:
.L_simem_size_0:
called_computation_lowered:
.L_overlay_start_0:
0x88: {  	s2 =	sld [smem:$0x3FD9]  }
0x89: {  	s3 =	sld [smem:$0x3FFE];
	_ =	sdelay $0x1  }
0x8a: {  	s1 =	srdreg.scid  }
0x8b: {  	s0 =	sand.u32 $0x1, s1  }
0x8c: {  	s16 =	sshll.u32 s0, $0xA;
	s2 =	sadd.s32 s3, s2  }
0x8d: {  	s2 =	sadd.s32 s2, s16  }
0x8e: {  	[smem:$0x3FC4] =	sst s2  }
0x8f: {  	_ = 	snop  }
0x90: {  	(tm) =	ssettm $0x1  }
0x91: {  	s17 =	sld [smem:$0x3FFB];
	_ =	sdelay $0x3  }
0x92: {  	_ =	strace s17  }
0x93: {  	s2 =	sld [smem:$0x3FFC];
	_ =	sdelay $0x3  }
0x94: {  	_ =	strace s2  }
0x95: {  	s2 =	sld [smem:$0x3FFD];
	_ =	sdelay $0x3  }
0x96: {  	_ =	strace s2  }
0x97: {  	_ =	strace $0x8FFFFFFF  }
0x98: {  	s18 =	sld [smem:$0x3FDB];
	_ =	sdelay $0x1  }
0x99: {  	s19 =	simm.s32 $_scs_section_size  }
0x9a: {  	s4 =	simm.s32 $_size__tile_overlayer_lowered;
	s5 =	simm.s32 $_tile_overlayer_lowered  }
0x9b: {  	s22 =	simm.s32 $0x1BFF;
	s21 =	sshll.u32 s5, $0x1;
	s2 =	sadd.s32 s19, s18  }
0x9c: {  	s6 =	simm.s32 $0x0;
	s20 =	sshll.u32 s4, $0x1;
	s4 =	sadd.s32 s21, s2  }
0x9d: {  	[timem:s6], [sflag:s22] =	dma.local [hbm:s4], s20  }
0x9e: {  	_ =	swait.ge [sflag:s22], s20  }
0x9f: {  	s3 =	ssub.s32 $0x0, s20;
	[sflag:s22] =	ssyncset.done $0x0  }
0xa0: {  	[sflag:s22] =	ssyncadd.s32 s3;
	_ =	sdelay $0x1  }
0xa1: {  	s23 =	simm.s32 $0x1B8B  }
0xa2: {  	_ =	swait.ge [sflag:s23], $0x1  }
0xa3: {  	[sflag:s23] =	ssyncset.done $0x0  }
0xa4: {  	s25 =	simm.s32 $0x1B8E;
	s24 =	sld [smem:$0x3FFE];
	[sflag:s23] =	ssyncadd.s32 $0xFFFFFFFF  }
0xa5: {  	s26 =	simm.s32 $execute0_lowered;
	[smem:$0x3FD2] =	sst s25  }
0xa6: {  	s4 =	sshll.u32 s26, $0x1;
	_ =	strace $0x80000046;
	[dreg:$0x1] =	wrdreg $0xFFFFFFFF  }
0xa7: {  	s28 =	simm.s32 $_size_execute0_lowered;
	s2 =	sadd.s32 s2, s4;
	[dreg:$0x0] =	wrdreg $0x0  }
0xa8: {  	s4 =	sshll.u32 s28, $0x1;
	[dreg:$0x2] =	wrdreg s2  }
0xa9: {  	[dreg:$0x3] =	wrdreg s4  }
0xaa: {  	[dreg:$0x4] =	wrdreg $0xC0  }
0xab: {  	_ =	task [dreg:s6], $0x5FFFF  }
0xac: {  	[dreg:$0x1] =	wrdreg $0xFFFFFFFF  }
0xad: {  	[dreg:$0x0] =	wrdreg $0x60  }
0xae: {  	[dreg:$0x2] =	wrdreg s24  }
0xaf: {  	[dreg:$0x3] =	wrdreg $0xA1800  }
0xb0: {  	[dreg:$0x4] =	wrdreg $0xB1800  }
0xb1: {  	[dreg:$0x5] =	wrdreg $0xB2800  }
0xb2: {  	[dreg:$0x6] =	wrdreg $0x9  }
0xb3: {  	_ =	task.clear_ibuf [dreg:s6], $0x7FFFF;
	_ =	strace $0x90000046  }
0xb4: {  	s29 =	simm.s32 $0x9;
	_ =	strace $0x80000048  }
0xb5: {  	_ =	swait.ge [sflag:s29], $0x1  }
0xb6: {  	[sflag:s29] =	ssyncadd.s32 $0xFFFFFFFF  }
0xb7: {  	_ =	strace $0x90000048  }
0xb8: {  	_ =	sfence  }
0xb9: {  	s30 =	sld [smem:$0x0];
	_ =	sdelay $0x2  }
0xba: {  	s31 =	sshll.u32 s1, $0xD;
	s1 =	sshrl.u32 s1, $0x2  }
0xbb: {  	s3 =	sand.u32 $0x4000, s31;
	s1 =	sadd.s32 s1, s30  }
0xbc: {  	s0 =	sor.u32 s3, s0;
	s1 =	sshll.u32 s1, $0x11  }
0xbd: {  	s0 =	sor.u32 s1, s0  }
0xbe: {  	s0 =	sadd.s32 $0x8F2B, s0  }
0xbf: {  	[sflag:s0] =	ssyncadd.remote.s32 $0x1  }
0xc0: {  	_ =	sfence.sel $0xFFFF  }
0xc1: {  	[dreg:$0x0] =	wrdreg $0xFFFFFFFF;
	(pc) =	sbr.abs _section_cstart, $3  }
0xc2: {  	[dreg:$0x1] =	wrdreg $0xFFFFFFFF  }
0xc3: {  	_ =	task.clear_ibuf [dreg:s6], $0x2FFFF;
	_ =	strace $0x9FFFFFFF  }
0xc4: {  	(tm) =	ssettm $0x7FFFFFFF  }
0xc5: {  	_ =	shalt  }
tec
execute0_lowered:
.L_overlay_start_1:
0x0: {  	(tag) =	ssettag $0x1  }
0x1: {  	s0 =	rddreg [dreg:$0x0]  }
0x2: {  	s1 =	rddreg [dreg:$0x1]  }
0x3: {  	s10 =	rddreg [dreg:$0x2]  }
0x4: {  	s2 =	srdreg.scid;
	s11 =	rddreg [dreg:$0x3];
	s12 =	simm.s32 $0x0  }
0x5: {  	s9 =	stileid.u32;
	s2 =	sand.u32 $0x1, s2;
	[smem:$0x7FF] =	sst s12  }
0x6: {  	s5 =	sadd.s32 $0x7600, s0;
	s29 =	sadd.s32 $0x7800, s0;
	s6 =	sand.u32 $0x7, s9  }
0x7: {  	s31 =	sshll.u32 s9, $0xC;
	s16 =	sshll.u32 s9, $0x7;
	s17 =	sshll.u32 s9, $0xB  }
0x8: {  	s18 =	sshll.u32 s9, $0x8;
	s19 =	sshll.u32 s9, $0x9;
	s20 =	sand.u32 $0x1, s9  }
0x9: {  	s22 =	sand.u32 $0x9, s9;
	p2 =	sgt.u32 s9, $0x7;
	s24 =	sshrl.u32 s9, $0x2  }
0xa: {  	s25 =	sshll.u32 s9, $0x6;
	_ =	strace $0x80000047;
	[dreg:$0xf] =	wrdreg s5  }
0xb: {  	s3 =	sshll.u32 s2, $0x4;
	[dreg:$0x10] =	wrdreg s29;
	s2 =	ssub.s32 $0x2, s2  }
0xc: {  	p1 =	sne.s32 s6, $0x0;
	s15 =	sand.u32 $0x8000, s31;
	s6 =	sand.u32 $0x380, s16  }
0xd: {  	s21 =	sand.u32 $0xC00, s19;
	p5 =	seq.s32 s20, $0x1;
	s13 =	sadd.s32 $0x2480, s19  }
0xe: {  	s23 =	sshrl.u32 s31, $0x2;
	s5 =	simm.f32 $1.000000000e+00;
	s26 =	sshll.u32 s24, $0x8  }
0xf: {  	s29 =	sadd.s32 $0xFFFFFFFC, s22;
	s3 =	sor.u32 s9, s3;
	s7 =	sshrl.u32 s2, $0x1  }
0x10: {  	p6 =	por !p5, !p5;
	s14 =	sadd.s32 $0x2480, s21;
	[dreg:$0x1c] =	wrdreg s29  }
0x11: {  	s9 =	sand.u32 $0x80, s25;
	[dreg:$0x15] =	wrdreg s13;
	s4 =	smul.u32 $0x310, s3  }
0x12: {  	s30 =	sshll.u32 s3, $0x8;
	p0 =	seq.s32 s3, $0x0;
	s2 =	ssub.s32 s2, s7  }
0x13: {  	s3 =	sshrl.u32 s3, $0x3;
	s7 =	sand.u32 $0x40, s25;
	s9 =	sor.u32 s9, s26  }
0x14: {  	[dreg:$0x16] =	wrdreg s14;
	p0 =	por !p1, !p0;
	s28 =	smax.u32 s2, $0x1  }
0x15: {  	p1 =	por !p2, !p5;
	s9 =	sor.u32 s7, s9;
	[dreg:$0x1b] =	wrdreg s28  }
0x16: {  	s4 =	sadd.s32 s4, s0;
	[dreg:$0x19] =	wrdreg s9;
	s31 =	sadd.s32 $0x2080, s9  }
0x17: {  	s0 =	sadd.s32 s30, s0;
	s30 =	sshll.u32 s22, $0x4;
	[dreg:$0x1e] =	wrdreg s31  }
0x18: {  	s7 =	simm.f32 $1.000000000e+00;
	s4 =	sadd.s32 $0x1400, s4;
	[dreg:$0x1d] =	wrdreg s30  }
0x19: {  	p0 =	por !p0, !p0;
	s0 =	sadd.s32 $0x7A00, s0;
	[dreg:$0x11] =	wrdreg s4  }
0x1a: {  	p1 =	por !p1, !p1;
	s4 =	simm.s32 $0x1;
	[dreg:$0x1a] =	wrdreg s0  }
0x1b: {  	s0 =	sadd.s32 $0x9DA0, s30;
	s4 =	simm.s32 @!p0 $0x0;
	p0 =	por !p2, !p6  }
0x1c: {  	[dreg:$0x1f] =	wrdreg s0;
	s3 =	ssub.s32 s3, s4;
	s4 =	sadd.s32 s15, s1  }
0x1d: {  	s1 =	sadd.s32 s17, s1;
	p0 =	por !p0, !p0;
	s15 =	sadd.s32 $0x3480, s21  }
0x1e: {  	s8 =	sshll.u32 s3, $0xA;
	s4 =	sadd.s32 s6, s4;
	[dreg:$0x13] =	wrdreg s1  }
0x1f: {  	s1 =	sadd.s32 s18, s10;
	p2 =	seq.s32 s3, $0x0;
	[dreg:$0x17] =	wrdreg s15  }
0x20: {  	p3 =	seq.s32 s3, $0x1;
	s10 =	simm.f32 $1.000000000e+00;
	[dreg:$0x12] =	wrdreg s4  }
0x21: {  	v4 =	vlaneseq.u32;
	s6 =	simm.s32 $0x0;
	[dreg:$0x14] =	wrdreg s1;
	s4 =	simm.f32 $1.000000000e+00  }
0x22: {  	v8 =	vmul.u32 $0xFFFFFFFF, v4;
	s1 =	sadd.s32 s23, s11;
	s5 =	simm.s32 @!p3 $0x0;
	p3 =	seq.s32 s3, $0x3  }
0x23: {  	v7 =	vimm.f32 $-1.000000000e+09;
	s11 =	simm.s32 $0x1;
	[dreg:$0x18] =	wrdreg s1;
	s4 =	simm.s32 @!p2 $0x0  }
0x24: {  	v9 =	vimm.f32 $0.0e+00;
	v8 =	vadd.s32 $0xF, v8;
	v0 =	vmov s8;
	p2 =	seq.s32 s3, $0x2;
	s3 =	sshll.u32 s3, $0xB;
	s1 =	sshll.u32 s24, $0xB  }
0x25: {  	s10 =	simm.s32 @!p3 $0x0;
	v3 =	vmov s5;
	s7 =	simm.s32 @!p2 $0x0;
	s1 =	sor.u32 $0x2000, s1;
	v1 =	vmov s3;
	v2 =	vmov s4  }
0x26: {  	s8 =	simm.s32 $0x3480;
	p3 =	sne.s32 s22, $0x0;
	p2 =	seq.s32 s22, $0x1;
	v5 =	vmov s10;
	v4 =	vmov s7;
	v6 =	vmov s1  }
.LBB2_1:
0x27: {  	[smem:$0x7FD] =	sst s6  }
0x28: {  	s0 =	rddreg [dreg:$0x11]  }
0x29: {  	[tilespmem:s12], [sflag:$0x1] =	stream.linear.gather [hbm4b:s0+s12], $0x1880, $0x38;
	[tilespmem:$0xB680] =	vst v63  }
0x2a: {  	_ =	swait.ge [sflag:s11], $0x1880  }
0x2b: {  	[sflag:s11] =	ssyncset.done $0x0  }
0x2c: {  	s1 =	simm.s32 $0x1880;
	s28 =	rddreg [dreg:$0xf];
	[sflag:s11] =	ssyncadd.s32 $0xFFFFE780  }
0x2d: {  	[tilespmem:s1], [sflag:$0x1] =	stream.linear.gather [hbm4b:s28+s12], $0x400, $0x38;
	[tilespmem:$0xB680] =	vst v63  }
0x2e: {  	_ =	swait.ge [sflag:s11], $0x400  }
0x2f: {  	[sflag:s11] =	ssyncset.done $0x0  }
0x30: {  	s30 =	simm.s32 $0x1C80;
	s29 =	rddreg [dreg:$0x10];
	[sflag:s11] =	ssyncadd.s32 $0xFFFFFC00  }
0x31: {  	[tilespmem:s30], [sflag:$0x1] =	stream.linear.gather [hbm4b:s29+s12], $0x400, $0x38;
	[tilespmem:$0xB680] =	vst v63  }
0x32: {  	_ =	swait.ge [sflag:s11], $0x400  }
0x33: {  	[sflag:s11] =	ssyncset.done $0x0  }
0x34: {  	s31 =	simm.s32 $0x18A0;
	[sflag:s11] =	ssyncadd.s32 $0xFFFFFC00  }
0x35: {  	s1 =	simm.s32 $0x1CA0;
	v10 =	vld [tilespmem:s31+$0xFFFFFFE0]  }
0x36: {  	v11 =	vld [tilespmem:s1+$0xFFFFFFE0];
	_ =	sdelay $0x4  }
0x37: {  	v10 =	vadd.f32 v11, v10;
	_ =	sdelay $0x1  }
0x38: {  	v10 =	vmul.f32 $5.000000000e-01, v10  }
0x39: {  	s3 =	simm.s32 $0x20A0  }
0x3a: {  	[tilespmem:s3+$0xFFFFFFE0] =	vst v10  }
0x3b: {  	v10 =	vld [tilespmem:s31+$0xFFFFFFF0]  }
0x3c: {  	v11 =	vld [tilespmem:s1+$0xFFFFFFF0];
	_ =	sdelay $0x4  }
0x3d: {  	v10 =	vadd.f32 v11, v10;
	_ =	sdelay $0x1  }
0x3e: {  	v10 =	vmul.f32 $5.000000000e-01, v10;
	_ =	sdelay $0x1  }
0x3f: {  	[tilespmem:s3+$0xFFFFFFF0] =	vst v10  }
0x40: {  	v10 =	vld [tilespmem:s31+$0x0]  }
0x41: {  	v11 =	vld [tilespmem:s1+$0x0];
	_ =	sdelay $0x4  }
0x42: {  	v10 =	vadd.f32 v11, v10;
	_ =	sdelay $0x1  }
0x43: {  	v10 =	vmul.f32 $5.000000000e-01, v10;
	_ =	sdelay $0x1  }
0x44: {  	[tilespmem:s3+$0x0] =	vst v10  }
0x45: {  	v10 =	vld [tilespmem:s31+$0x10]  }
0x46: {  	v11 =	vld [tilespmem:s1+$0x10];
	_ =	sdelay $0x3  }
0x47: {  	s2 =	simm.s32 $0x0;
	s5 =	simm.s32 $0x18E0  }
0x48: {  	s4 =	simm.s32 $0x24C0;
	s6 =	simm.s32 $0x20A0;
	s0 =	simm.s32 $0x34C0;
	v10 =	vadd.f32 v11, v10  }
.LBB2_2:
0x49: {  	s2 =	sadd.s32 $0x4, s2;
	s3 =	sadd.s32 $0x40, s3;
	s1 =	sadd.s32 $0x40, s1  }
0x4a: {  	p4 =	slt.u32 s2, $0x3C;
	v10 =	vmul.f32 $5.000000000e-01, v10;
	_ =	sdelay $0x1  }
0x4b: {  	[tilespmem:s6+$0x10] =	vst v10;
	s6 =	smov.u32 s3  }
0x4c: {  	v10 =	vld [tilespmem:s5+$0xFFFFFFE0]  }
0x4d: {  	v11 =	vld [tilespmem:s1+$0xFFFFFFE0];
	_ =	sdelay $0x4  }
0x4e: {  	v10 =	vadd.f32 v11, v10;
	_ =	sdelay $0x1  }
0x4f: {  	v10 =	vmul.f32 $5.000000000e-01, v10;
	_ =	sdelay $0x1  }
0x50: {  	[tilespmem:s3+$0xFFFFFFE0] =	vst v10  }
0x51: {  	v10 =	vld [tilespmem:s5+$0xFFFFFFF0]  }
0x52: {  	v11 =	vld [tilespmem:s1+$0xFFFFFFF0];
	_ =	sdelay $0x4  }
0x53: {  	v10 =	vadd.f32 v11, v10;
	_ =	sdelay $0x1  }
0x54: {  	v10 =	vmul.f32 $5.000000000e-01, v10;
	_ =	sdelay $0x1  }
0x55: {  	[tilespmem:s3+$0xFFFFFFF0] =	vst v10  }
0x56: {  	v10 =	vld [tilespmem:s5+$0x0]  }
0x57: {  	v11 =	vld [tilespmem:s1+$0x0];
	_ =	sdelay $0x4  }
0x58: {  	v10 =	vadd.f32 v11, v10;
	_ =	sdelay $0x1  }
0x59: {  	v10 =	vmul.f32 $5.000000000e-01, v10;
	_ =	sdelay $0x1  }
0x5a: {  	[tilespmem:s3+$0x0] =	vst v10  }
0x5b: {  	v10 =	vld [tilespmem:s5+$0x10]  }
0x5c: {  	v11 =	vld [tilespmem:s1+$0x10]  }
.Ltmp0:
0x5d: {  	(pc) =	sbr.rel @p4 .LBB2_2-.Ltmp0, $2  }
0x5e: {  	_ =	sdelay $0x2  }
0x5f: {  	s5 =	sadd.s32 $0x40, s5;
	v10 =	vadd.f32 v11, v10  }
0x60: {  	_ = 	snop  }
0x61: {  	v10 =	vmul.f32 $5.000000000e-01, v10;
	_ =	sdelay $0x1  }
0x62: {  	[tilespmem:s6+$0x10] =	vst v10  }
0x63: {  	[tilespmem:s4+$0xFFFFFFC0] =	vst v7  }
0x64: {  	[tilespmem:s0+$0xFFFFFFC0] =	vst v7  }
0x65: {  	[tilespmem:s4+$0xFFFFFFD0] =	vst v7  }
0x66: {  	[tilespmem:s0+$0xFFFFFFD0] =	vst v7  }
0x67: {  	[tilespmem:s4+$0xFFFFFFE0] =	vst v7  }
0x68: {  	[tilespmem:s0+$0xFFFFFFE0] =	vst v7  }
0x69: {  	[tilespmem:s4+$0xFFFFFFF0] =	vst v7  }
0x6a: {  	[tilespmem:s0+$0xFFFFFFF0] =	vst v7  }
0x6b: {  	[tilespmem:s4+$0x0] =	vst v7  }
0x6c: {  	[tilespmem:s0+$0x0] =	vst v7  }
0x6d: {  	[tilespmem:s4+$0x10] =	vst v7  }
0x6e: {  	[tilespmem:s0+$0x10] =	vst v7  }
0x6f: {  	[tilespmem:s4+$0x20] =	vst v7  }
0x70: {  	[tilespmem:s0+$0x20] =	vst v7  }
0x71: {  	[tilespmem:s4+$0x30] =	vst v7  }
0x72: {  	s1 =	simm.s32 $0x0;
	s2 =	simm.s32 $0x2540;
	[tilespmem:s0+$0x30] =	vst v7  }
.LBB2_4:
0x73: {  	[tilespmem:s2+$0xFFFFFFC0] =	vst v7;
	s0 =	sadd.s32 $0x80, s0  }
0x74: {  	[tilespmem:s0+$0xFFFFFFC0] =	vst v7  }
0x75: {  	[tilespmem:s2+$0xFFFFFFD0] =	vst v7  }
0x76: {  	[tilespmem:s0+$0xFFFFFFD0] =	vst v7  }
0x77: {  	[tilespmem:s2+$0xFFFFFFE0] =	vst v7  }
0x78: {  	[tilespmem:s0+$0xFFFFFFE0] =	vst v7  }
0x79: {  	[tilespmem:s2+$0xFFFFFFF0] =	vst v7  }
0x7a: {  	[tilespmem:s0+$0xFFFFFFF0] =	vst v7  }
0x7b: {  	[tilespmem:s2+$0x0] =	vst v7  }
0x7c: {  	s1 =	sadd.s32 $0x8, s1;
	[tilespmem:s0+$0x0] =	vst v7  }
0x7d: {  	p4 =	slt.u32 s1, $0xF8;
	[tilespmem:s2+$0x10] =	vst v7  }
.Ltmp1:
0x7e: {  	[tilespmem:s0+$0x10] =	vst v7;
	(pc) =	sbr.rel @p4 .LBB2_4-.Ltmp1, $4  }
0x7f: {  	[tilespmem:s2+$0x20] =	vst v7  }
0x80: {  	[tilespmem:s0+$0x20] =	vst v7  }
0x81: {  	[tilespmem:s2+$0x30] =	vst v7  }
0x82: {  	s2 =	sadd.s32 $0x80, s2;
	[tilespmem:s0+$0x30] =	vst v7  }
0x83: {  	v10 =	vld [tilespmem:$0x2080];
	_ =	sdelay $0x4  }
0x84: {  	v11 =	vmul.f32 $1.024000000e+03, v10;
	_ =	sdelay $0x1  }
0x85: {  	v11 =	vtrunc.f32 v11  }
0x86: {  	v11 =	vcvt.f32.s32 v11;
	_ =	sdelay $0x1  }
0x87: {  	vm0 =	vgt.s32 v11, $0x0  }
0x88: {  	v11 =	vnsel vm0, $0x0, v11  }
0x89: {  	v11 =	vmin.u32 v11, $0x3FF;
	_ =	sdelay $0x3  }
0x8a: {  	s0 =	simm.s32 $0x2480  }
0x8b: {  	[tilespmem:v11+s0+$0x0] =	vst.idx.msk $0xffff, v10  }
0x8c: {  	v10 =	vld [tilespmem:$0x2090];
	_ =	sdelay $0x4  }
0x8d: {  	v11 =	vmul.f32 $1.024000000e+03, v10;
	_ =	sdelay $0x1  }
0x8e: {  	v11 =	vtrunc.f32 v11  }
0x8f: {  	v11 =	vcvt.f32.s32 v11;
	_ =	sdelay $0x1  }
0x90: {  	vm13 =	vgt.s32 v11, $0x0  }
0x91: {  	v11 =	vnsel vm13, $0x0, v11  }
0x92: {  	v11 =	vmin.u32 v11, $0x3FF;
	_ =	sdelay $0x4  }
0x93: {  	[tilespmem:v11+s0+$0x0] =	vst.idx.msk $0xffff, v10  }
0x94: {  	v10 =	vld [tilespmem:$0x20A0];
	_ =	sdelay $0x4  }
0x95: {  	v11 =	vmul.f32 $1.024000000e+03, v10;
	_ =	sdelay $0x1  }
0x96: {  	v11 =	vtrunc.f32 v11  }
0x97: {  	v11 =	vcvt.f32.s32 v11;
	_ =	sdelay $0x1  }
0x98: {  	vm14 =	vgt.s32 v11, $0x0  }
0x99: {  	v11 =	vnsel vm14, $0x0, v11  }
0x9a: {  	v11 =	vmin.u32 v11, $0x3FF;
	_ =	sdelay $0x4  }
0x9b: {  	[tilespmem:v11+s0+$0x0] =	vst.idx.msk $0xffff, v10  }
0x9c: {  	v10 =	vld [tilespmem:$0x20B0];
	_ =	sdelay $0x4  }
0x9d: {  	v11 =	vmul.f32 $1.024000000e+03, v10;
	_ =	sdelay $0x1  }
0x9e: {  	v11 =	vtrunc.f32 v11  }
0x9f: {  	v11 =	vcvt.f32.s32 v11;
	_ =	sdelay $0x1  }
0xa0: {  	vm15 =	vgt.s32 v11, $0x0  }
0xa1: {  	v11 =	vnsel vm15, $0x0, v11  }
0xa2: {  	v11 =	vmin.u32 v11, $0x3FF;
	_ =	sdelay $0x4  }
0xa3: {  	[tilespmem:v11+s0+$0x0] =	vst.idx.msk $0xffff, v10  }
0xa4: {  	v10 =	vld [tilespmem:$0x20C0];
	_ =	sdelay $0x4  }
0xa5: {  	v11 =	vmul.f32 $1.024000000e+03, v10;
	_ =	sdelay $0x1  }
0xa6: {  	v11 =	vtrunc.f32 v11  }
0xa7: {  	v11 =	vcvt.f32.s32 v11;
	_ =	sdelay $0x1  }
0xa8: {  	vm4 =	vgt.s32 v11, $0x0  }
0xa9: {  	v11 =	vnsel vm4, $0x0, v11  }
0xaa: {  	v11 =	vmin.u32 v11, $0x3FF;
	_ =	sdelay $0x4  }
0xab: {  	[tilespmem:v11+s0+$0x0] =	vst.idx.msk $0xffff, v10  }
0xac: {  	v10 =	vld [tilespmem:$0x20D0];
	_ =	sdelay $0x4  }
0xad: {  	v11 =	vmul.f32 $1.024000000e+03, v10;
	_ =	sdelay $0x1  }
0xae: {  	v11 =	vtrunc.f32 v11  }
0xaf: {  	v11 =	vcvt.f32.s32 v11;
	_ =	sdelay $0x1  }
0xb0: {  	vm5 =	vgt.s32 v11, $0x0  }
0xb1: {  	v11 =	vnsel vm5, $0x0, v11  }
0xb2: {  	v11 =	vmin.u32 v11, $0x3FF;
	_ =	sdelay $0x4  }
0xb3: {  	[tilespmem:v11+s0+$0x0] =	vst.idx.msk $0xffff, v10  }
0xb4: {  	v10 =	vld [tilespmem:$0x20E0];
	_ =	sdelay $0x4  }
0xb5: {  	v11 =	vmul.f32 $1.024000000e+03, v10;
	_ =	sdelay $0x1  }
0xb6: {  	v11 =	vtrunc.f32 v11  }
0xb7: {  	v11 =	vcvt.f32.s32 v11;
	_ =	sdelay $0x1  }
0xb8: {  	vm6 =	vgt.s32 v11, $0x0  }
0xb9: {  	v11 =	vnsel vm6, $0x0, v11  }
0xba: {  	v11 =	vmin.u32 v11, $0x3FF;
	_ =	sdelay $0x4  }
0xbb: {  	[tilespmem:v11+s0+$0x0] =	vst.idx.msk $0xffff, v10  }
0xbc: {  	v10 =	vld [tilespmem:$0x20F0];
	_ =	sdelay $0x4  }
0xbd: {  	v11 =	vmul.f32 $1.024000000e+03, v10;
	_ =	sdelay $0x1  }
0xbe: {  	v11 =	vtrunc.f32 v11  }
0xbf: {  	v11 =	vcvt.f32.s32 v11;
	_ =	sdelay $0x1  }
0xc0: {  	vm7 =	vgt.s32 v11, $0x0  }
0xc1: {  	v11 =	vnsel vm7, $0x0, v11  }
0xc2: {  	v11 =	vmin.u32 v11, $0x3FF;
	_ =	sdelay $0x4  }
0xc3: {  	[tilespmem:v11+s0+$0x0] =	vst.idx.msk $0xffff, v10  }
0xc4: {  	v10 =	vld [tilespmem:$0x2100];
	_ =	sdelay $0x4  }
0xc5: {  	v11 =	vmul.f32 $1.024000000e+03, v10;
	_ =	sdelay $0x1  }
0xc6: {  	v11 =	vtrunc.f32 v11  }
0xc7: {  	v11 =	vcvt.f32.s32 v11;
	_ =	sdelay $0x1  }
0xc8: {  	vm8 =	vgt.s32 v11, $0x0  }
0xc9: {  	v11 =	vnsel vm8, $0x0, v11  }
0xca: {  	v11 =	vmin.u32 v11, $0x3FF;
	_ =	sdelay $0x4  }
0xcb: {  	[tilespmem:v11+s0+$0x0] =	vst.idx.msk $0xffff, v10  }
0xcc: {  	v10 =	vld [tilespmem:$0x2110];
	_ =	sdelay $0x4  }
0xcd: {  	v11 =	vmul.f32 $1.024000000e+03, v10;
	_ =	sdelay $0x1  }
0xce: {  	v11 =	vtrunc.f32 v11  }
0xcf: {  	v11 =	vcvt.f32.s32 v11;
	_ =	sdelay $0x1  }
0xd0: {  	vm9 =	vgt.s32 v11, $0x0  }
0xd1: {  	v11 =	vnsel vm9, $0x0, v11  }
0xd2: {  	v11 =	vmin.u32 v11, $0x3FF;
	_ =	sdelay $0x4  }
0xd3: {  	[tilespmem:v11+s0+$0x0] =	vst.idx.msk $0xffff, v10  }
0xd4: {  	v10 =	vld [tilespmem:$0x2120];
	_ =	sdelay $0x4  }
0xd5: {  	v11 =	vmul.f32 $1.024000000e+03, v10;
	_ =	sdelay $0x1  }
0xd6: {  	v11 =	vtrunc.f32 v11  }
0xd7: {  	v11 =	vcvt.f32.s32 v11;
	_ =	sdelay $0x1  }
0xd8: {  	vm10 =	vgt.s32 v11, $0x0  }
0xd9: {  	v11 =	vnsel vm10, $0x0, v11  }
0xda: {  	v11 =	vmin.u32 v11, $0x3FF;
	_ =	sdelay $0x4  }
0xdb: {  	[tilespmem:v11+s0+$0x0] =	vst.idx.msk $0xffff, v10  }
0xdc: {  	v10 =	vld [tilespmem:$0x2130];
	_ =	sdelay $0x4  }
0xdd: {  	v11 =	vmul.f32 $1.024000000e+03, v10;
	_ =	sdelay $0x1  }
0xde: {  	v11 =	vtrunc.f32 v11  }
0xdf: {  	v11 =	vcvt.f32.s32 v11;
	_ =	sdelay $0x1  }
0xe0: {  	vm11 =	vgt.s32 v11, $0x0  }
0xe1: {  	v11 =	vnsel vm11, $0x0, v11  }
0xe2: {  	v11 =	vmin.u32 v11, $0x3FF;
	_ =	sdelay $0x4  }
0xe3: {  	[tilespmem:v11+s0+$0x0] =	vst.idx.msk $0xffff, v10  }
0xe4: {  	v10 =	vld [tilespmem:$0x2140];
	_ =	sdelay $0x4  }
0xe5: {  	v11 =	vmul.f32 $1.024000000e+03, v10;
	_ =	sdelay $0x1  }
0xe6: {  	v11 =	vtrunc.f32 v11  }
0xe7: {  	v11 =	vcvt.f32.s32 v11;
	_ =	sdelay $0x1  }
0xe8: {  	vm12 =	vgt.s32 v11, $0x0  }
0xe9: {  	v11 =	vnsel vm12, $0x0, v11  }
0xea: {  	v11 =	vmin.u32 v11, $0x3FF;
	_ =	sdelay $0x4  }
0xeb: {  	[tilespmem:v11+s0+$0x0] =	vst.idx.msk $0xffff, v10  }
0xec: {  	v10 =	vld [tilespmem:$0x2150];
	_ =	sdelay $0x4  }
0xed: {  	v11 =	vmul.f32 $1.024000000e+03, v10;
	_ =	sdelay $0x1  }
0xee: {  	v11 =	vtrunc.f32 v11  }
0xef: {  	v11 =	vcvt.f32.s32 v11;
	_ =	sdelay $0x1  }
0xf0: {  	vm13 =	vgt.s32 v11, $0x0  }
0xf1: {  	v11 =	vnsel vm13, $0x0, v11  }
0xf2: {  	v11 =	vmin.u32 v11, $0x3FF;
	_ =	sdelay $0x4  }
0xf3: {  	[tilespmem:v11+s0+$0x0] =	vst.idx.msk $0xffff, v10  }
0xf4: {  	v10 =	vld [tilespmem:$0x2160];
	_ =	sdelay $0x4  }
0xf5: {  	v11 =	vmul.f32 $1.024000000e+03, v10;
	_ =	sdelay $0x1  }
0xf6: {  	v11 =	vtrunc.f32 v11  }
0xf7: {  	v11 =	vcvt.f32.s32 v11;
	_ =	sdelay $0x1  }
0xf8: {  	vm14 =	vgt.s32 v11, $0x0  }
0xf9: {  	v11 =	vnsel vm14, $0x0, v11  }
0xfa: {  	v11 =	vmin.u32 v11, $0x3FF;
	_ =	sdelay $0x4  }
0xfb: {  	[tilespmem:v11+s0+$0x0] =	vst.idx.msk $0xffff, v10  }
0xfc: {  	v10 =	vld [tilespmem:$0x2170];
	_ =	sdelay $0x4  }
0xfd: {  	v11 =	vmul.f32 $1.024000000e+03, v10;
	_ =	sdelay $0x1  }
0xfe: {  	v11 =	vtrunc.f32 v11  }
0xff: {  	v11 =	vcvt.f32.s32 v11;
	_ =	sdelay $0x1  }
0x100: {  	vm15 =	vgt.s32 v11, $0x0  }
0x101: {  	v11 =	vnsel vm15, $0x0, v11  }
0x102: {  	v11 =	vmin.u32 v11, $0x3FF;
	_ =	sdelay $0x4  }
0x103: {  	[tilespmem:v11+s0+$0x0] =	vst.idx.msk $0xffff, v10  }
0x104: {  	v10 =	vld [tilespmem:$0x2180];
	_ =	sdelay $0x4  }
0x105: {  	v11 =	vmul.f32 $1.024000000e+03, v10;
	_ =	sdelay $0x1  }
0x106: {  	v11 =	vtrunc.f32 v11  }
0x107: {  	v11 =	vcvt.f32.s32 v11;
	_ =	sdelay $0x1  }
0x108: {  	vm4 =	vgt.s32 v11, $0x0  }
0x109: {  	v11 =	vnsel vm4, $0x0, v11  }
0x10a: {  	v11 =	vmin.u32 v11, $0x3FF  }
0x10b: {  	v11 =	vor.u32 $0x400, v11;
	_ =	sdelay $0x4  }
0x10c: {  	[tilespmem:v11+s0+$0x0] =	vst.idx.msk $0xffff, v10  }
0x10d: {  	v10 =	vld [tilespmem:$0x2190];
	_ =	sdelay $0x4  }
0x10e: {  	v11 =	vmul.f32 $1.024000000e+03, v10;
	_ =	sdelay $0x1  }
0x10f: {  	v11 =	vtrunc.f32 v11  }
0x110: {  	v11 =	vcvt.f32.s32 v11;
	_ =	sdelay $0x1  }
0x111: {  	vm5 =	vgt.s32 v11, $0x0  }
0x112: {  	v11 =	vnsel vm5, $0x0, v11  }
0x113: {  	v11 =	vmin.u32 v11, $0x3FF  }
0x114: {  	v11 =	vor.u32 $0x400, v11;
	_ =	sdelay $0x4  }
0x115: {  	[tilespmem:v11+s0+$0x0] =	vst.idx.msk $0xffff, v10  }
0x116: {  	v10 =	vld [tilespmem:$0x21A0];
	_ =	sdelay $0x4  }
0x117: {  	v11 =	vmul.f32 $1.024000000e+03, v10;
	_ =	sdelay $0x1  }
0x118: {  	v11 =	vtrunc.f32 v11  }
0x119: {  	v11 =	vcvt.f32.s32 v11;
	_ =	sdelay $0x1  }
0x11a: {  	vm6 =	vgt.s32 v11, $0x0  }
0x11b: {  	v11 =	vnsel vm6, $0x0, v11  }
0x11c: {  	v11 =	vmin.u32 v11, $0x3FF  }
0x11d: {  	v11 =	vor.u32 $0x400, v11;
	_ =	sdelay $0x4  }
0x11e: {  	[tilespmem:v11+s0+$0x0] =	vst.idx.msk $0xffff, v10  }
0x11f: {  	v10 =	vld [tilespmem:$0x21B0];
	_ =	sdelay $0x4  }
0x120: {  	v11 =	vmul.f32 $1.024000000e+03, v10;
	_ =	sdelay $0x1  }
0x121: {  	v11 =	vtrunc.f32 v11  }
0x122: {  	v11 =	vcvt.f32.s32 v11;
	_ =	sdelay $0x1  }
0x123: {  	vm7 =	vgt.s32 v11, $0x0  }
0x124: {  	v11 =	vnsel vm7, $0x0, v11  }
0x125: {  	v11 =	vmin.u32 v11, $0x3FF  }
0x126: {  	v11 =	vor.u32 $0x400, v11;
	_ =	sdelay $0x4  }
0x127: {  	[tilespmem:v11+s0+$0x0] =	vst.idx.msk $0xffff, v10  }
0x128: {  	v10 =	vld [tilespmem:$0x21C0];
	_ =	sdelay $0x4  }
0x129: {  	v11 =	vmul.f32 $1.024000000e+03, v10;
	_ =	sdelay $0x1  }
0x12a: {  	v11 =	vtrunc.f32 v11  }
0x12b: {  	v11 =	vcvt.f32.s32 v11;
	_ =	sdelay $0x1  }
0x12c: {  	vm8 =	vgt.s32 v11, $0x0  }
0x12d: {  	v11 =	vnsel vm8, $0x0, v11  }
0x12e: {  	v11 =	vmin.u32 v11, $0x3FF  }
0x12f: {  	v11 =	vor.u32 $0x400, v11;
	_ =	sdelay $0x4  }
0x130: {  	[tilespmem:v11+s0+$0x0] =	vst.idx.msk $0xffff, v10  }
0x131: {  	v10 =	vld [tilespmem:$0x21D0];
	_ =	sdelay $0x4  }
0x132: {  	v11 =	vmul.f32 $1.024000000e+03, v10;
	_ =	sdelay $0x1  }
0x133: {  	v11 =	vtrunc.f32 v11  }
0x134: {  	v11 =	vcvt.f32.s32 v11;
	_ =	sdelay $0x1  }
0x135: {  	vm9 =	vgt.s32 v11, $0x0  }
0x136: {  	v11 =	vnsel vm9, $0x0, v11  }
0x137: {  	v11 =	vmin.u32 v11, $0x3FF  }
0x138: {  	v11 =	vor.u32 $0x400, v11;
	_ =	sdelay $0x4  }
0x139: {  	[tilespmem:v11+s0+$0x0] =	vst.idx.msk $0xffff, v10  }
0x13a: {  	v10 =	vld [tilespmem:$0x21E0];
	_ =	sdelay $0x4  }
0x13b: {  	v11 =	vmul.f32 $1.024000000e+03, v10;
	_ =	sdelay $0x1  }
0x13c: {  	v11 =	vtrunc.f32 v11  }
0x13d: {  	v11 =	vcvt.f32.s32 v11;
	_ =	sdelay $0x1  }
0x13e: {  	vm10 =	vgt.s32 v11, $0x0  }
0x13f: {  	v11 =	vnsel vm10, $0x0, v11  }
0x140: {  	v11 =	vmin.u32 v11, $0x3FF  }
0x141: {  	v11 =	vor.u32 $0x400, v11;
	_ =	sdelay $0x4  }
0x142: {  	[tilespmem:v11+s0+$0x0] =	vst.idx.msk $0xffff, v10  }
0x143: {  	v10 =	vld [tilespmem:$0x21F0];
	_ =	sdelay $0x4  }
0x144: {  	v11 =	vmul.f32 $1.024000000e+03, v10;
	_ =	sdelay $0x1  }
0x145: {  	v11 =	vtrunc.f32 v11  }
0x146: {  	v11 =	vcvt.f32.s32 v11;
	_ =	sdelay $0x1  }
0x147: {  	vm11 =	vgt.s32 v11, $0x0  }
0x148: {  	v11 =	vnsel vm11, $0x0, v11  }
0x149: {  	v11 =	vmin.u32 v11, $0x3FF  }
0x14a: {  	v11 =	vor.u32 $0x400, v11;
	_ =	sdelay $0x4  }
0x14b: {  	[tilespmem:v11+s0+$0x0] =	vst.idx.msk $0xffff, v10  }
0x14c: {  	v10 =	vld [tilespmem:$0x2200];
	_ =	sdelay $0x4  }
0x14d: {  	v11 =	vmul.f32 $1.024000000e+03, v10;
	_ =	sdelay $0x1  }
0x14e: {  	v11 =	vtrunc.f32 v11  }
0x14f: {  	v11 =	vcvt.f32.s32 v11;
	_ =	sdelay $0x1  }
0x150: {  	vm12 =	vgt.s32 v11, $0x0  }
0x151: {  	v11 =	vnsel vm12, $0x0, v11  }
0x152: {  	v11 =	vmin.u32 v11, $0x3FF  }
0x153: {  	v11 =	vor.u32 $0x400, v11;
	_ =	sdelay $0x4  }
0x154: {  	[tilespmem:v11+s0+$0x0] =	vst.idx.msk $0xffff, v10  }
0x155: {  	v10 =	vld [tilespmem:$0x2210];
	_ =	sdelay $0x4  }
0x156: {  	v11 =	vmul.f32 $1.024000000e+03, v10;
	_ =	sdelay $0x1  }
0x157: {  	v11 =	vtrunc.f32 v11  }
0x158: {  	v11 =	vcvt.f32.s32 v11;
	_ =	sdelay $0x1  }
0x159: {  	vm13 =	vgt.s32 v11, $0x0  }
0x15a: {  	v11 =	vnsel vm13, $0x0, v11  }
0x15b: {  	v11 =	vmin.u32 v11, $0x3FF  }
0x15c: {  	v11 =	vor.u32 $0x400, v11;
	_ =	sdelay $0x4  }
0x15d: {  	[tilespmem:v11+s0+$0x0] =	vst.idx.msk $0xffff, v10  }
0x15e: {  	v10 =	vld [tilespmem:$0x2220];
	_ =	sdelay $0x4  }
0x15f: {  	v11 =	vmul.f32 $1.024000000e+03, v10;
	_ =	sdelay $0x1  }
0x160: {  	v11 =	vtrunc.f32 v11  }
0x161: {  	v11 =	vcvt.f32.s32 v11;
	_ =	sdelay $0x1  }
0x162: {  	vm14 =	vgt.s32 v11, $0x0  }
0x163: {  	v11 =	vnsel vm14, $0x0, v11  }
0x164: {  	v11 =	vmin.u32 v11, $0x3FF  }
0x165: {  	v11 =	vor.u32 $0x400, v11;
	_ =	sdelay $0x4  }
0x166: {  	[tilespmem:v11+s0+$0x0] =	vst.idx.msk $0xffff, v10  }
0x167: {  	v10 =	vld [tilespmem:$0x2230];
	_ =	sdelay $0x4  }
0x168: {  	v11 =	vmul.f32 $1.024000000e+03, v10;
	_ =	sdelay $0x1  }
0x169: {  	v11 =	vtrunc.f32 v11  }
0x16a: {  	v11 =	vcvt.f32.s32 v11;
	_ =	sdelay $0x1  }
0x16b: {  	vm15 =	vgt.s32 v11, $0x0  }
0x16c: {  	v11 =	vnsel vm15, $0x0, v11  }
0x16d: {  	v11 =	vmin.u32 v11, $0x3FF  }
0x16e: {  	v11 =	vor.u32 $0x400, v11;
	_ =	sdelay $0x4  }
0x16f: {  	[tilespmem:v11+s0+$0x0] =	vst.idx.msk $0xffff, v10  }
0x170: {  	v10 =	vld [tilespmem:$0x2240];
	_ =	sdelay $0x4  }
0x171: {  	v11 =	vmul.f32 $1.024000000e+03, v10;
	_ =	sdelay $0x1  }
0x172: {  	v11 =	vtrunc.f32 v11  }
0x173: {  	v11 =	vcvt.f32.s32 v11;
	_ =	sdelay $0x1  }
0x174: {  	vm4 =	vgt.s32 v11, $0x0  }
0x175: {  	v11 =	vnsel vm4, $0x0, v11  }
0x176: {  	v11 =	vmin.u32 v11, $0x3FF  }
0x177: {  	v11 =	vor.u32 $0x400, v11;
	_ =	sdelay $0x4  }
0x178: {  	[tilespmem:v11+s0+$0x0] =	vst.idx.msk $0xffff, v10  }
0x179: {  	v10 =	vld [tilespmem:$0x2250];
	_ =	sdelay $0x4  }
0x17a: {  	v11 =	vmul.f32 $1.024000000e+03, v10;
	_ =	sdelay $0x1  }
0x17b: {  	v11 =	vtrunc.f32 v11  }
0x17c: {  	v11 =	vcvt.f32.s32 v11;
	_ =	sdelay $0x1  }
0x17d: {  	vm5 =	vgt.s32 v11, $0x0  }
0x17e: {  	v11 =	vnsel vm5, $0x0, v11  }
0x17f: {  	v11 =	vmin.u32 v11, $0x3FF  }
0x180: {  	v11 =	vor.u32 $0x400, v11;
	_ =	sdelay $0x4  }
0x181: {  	[tilespmem:v11+s0+$0x0] =	vst.idx.msk $0xffff, v10  }
0x182: {  	v10 =	vld [tilespmem:$0x2260];
	_ =	sdelay $0x4  }
0x183: {  	v11 =	vmul.f32 $1.024000000e+03, v10;
	_ =	sdelay $0x1  }
0x184: {  	v11 =	vtrunc.f32 v11  }
0x185: {  	v11 =	vcvt.f32.s32 v11;
	_ =	sdelay $0x1  }
0x186: {  	vm6 =	vgt.s32 v11, $0x0  }
0x187: {  	v11 =	vnsel vm6, $0x0, v11  }
0x188: {  	v11 =	vmin.u32 v11, $0x3FF  }
0x189: {  	v11 =	vor.u32 $0x400, v11;
	_ =	sdelay $0x4  }
0x18a: {  	[tilespmem:v11+s0+$0x0] =	vst.idx.msk $0xffff, v10  }
0x18b: {  	v10 =	vld [tilespmem:$0x2270];
	_ =	sdelay $0x4  }
0x18c: {  	v11 =	vmul.f32 $1.024000000e+03, v10;
	_ =	sdelay $0x1  }
0x18d: {  	v11 =	vtrunc.f32 v11  }
0x18e: {  	v11 =	vcvt.f32.s32 v11;
	_ =	sdelay $0x1  }
0x18f: {  	vm7 =	vgt.s32 v11, $0x0  }
0x190: {  	v11 =	vnsel vm7, $0x0, v11  }
0x191: {  	v11 =	vmin.u32 v11, $0x3FF  }
0x192: {  	v11 =	vor.u32 $0x400, v11;
	_ =	sdelay $0x4  }
0x193: {  	[tilespmem:v11+s0+$0x0] =	vst.idx.msk $0xffff, v10  }
0x194: {  	v10 =	vld [tilespmem:$0x2280];
	_ =	sdelay $0x4  }
0x195: {  	v11 =	vmul.f32 $1.024000000e+03, v10;
	_ =	sdelay $0x1  }
0x196: {  	v11 =	vtrunc.f32 v11  }
0x197: {  	v11 =	vcvt.f32.s32 v11;
	_ =	sdelay $0x1  }
0x198: {  	vm8 =	vgt.s32 v11, $0x0  }
0x199: {  	v11 =	vnsel vm8, $0x0, v11  }
0x19a: {  	v11 =	vmin.u32 v11, $0x3FF  }
0x19b: {  	v11 =	vor.u32 $0x800, v11;
	_ =	sdelay $0x4  }
0x19c: {  	[tilespmem:v11+s0+$0x0] =	vst.idx.msk $0xffff, v10  }
0x19d: {  	v10 =	vld [tilespmem:$0x2290];
	_ =	sdelay $0x4  }
0x19e: {  	v11 =	vmul.f32 $1.024000000e+03, v10;
	_ =	sdelay $0x1  }
0x19f: {  	v11 =	vtrunc.f32 v11  }
0x1a0: {  	v11 =	vcvt.f32.s32 v11;
	_ =	sdelay $0x1  }
0x1a1: {  	vm9 =	vgt.s32 v11, $0x0  }
0x1a2: {  	v11 =	vnsel vm9, $0x0, v11  }
0x1a3: {  	v11 =	vmin.u32 v11, $0x3FF  }
0x1a4: {  	v11 =	vor.u32 $0x800, v11;
	_ =	sdelay $0x4  }
0x1a5: {  	[tilespmem:v11+s0+$0x0] =	vst.idx.msk $0xffff, v10  }
0x1a6: {  	v10 =	vld [tilespmem:$0x22A0];
	_ =	sdelay $0x4  }
0x1a7: {  	v11 =	vmul.f32 $1.024000000e+03, v10;
	_ =	sdelay $0x1  }
0x1a8: {  	v11 =	vtrunc.f32 v11  }
0x1a9: {  	v11 =	vcvt.f32.s32 v11;
	_ =	sdelay $0x1  }
0x1aa: {  	vm10 =	vgt.s32 v11, $0x0  }
0x1ab: {  	v11 =	vnsel vm10, $0x0, v11  }
0x1ac: {  	v11 =	vmin.u32 v11, $0x3FF  }
0x1ad: {  	v11 =	vor.u32 $0x800, v11;
	_ =	sdelay $0x4  }
0x1ae: {  	[tilespmem:v11+s0+$0x0] =	vst.idx.msk $0xffff, v10  }
0x1af: {  	v10 =	vld [tilespmem:$0x22B0];
	_ =	sdelay $0x4  }
0x1b0: {  	v11 =	vmul.f32 $1.024000000e+03, v10;
	_ =	sdelay $0x1  }
0x1b1: {  	v11 =	vtrunc.f32 v11  }
0x1b2: {  	v11 =	vcvt.f32.s32 v11;
	_ =	sdelay $0x1  }
0x1b3: {  	vm11 =	vgt.s32 v11, $0x0  }
0x1b4: {  	v11 =	vnsel vm11, $0x0, v11  }
0x1b5: {  	v11 =	vmin.u32 v11, $0x3FF  }
0x1b6: {  	v11 =	vor.u32 $0x800, v11;
	_ =	sdelay $0x4  }
0x1b7: {  	[tilespmem:v11+s0+$0x0] =	vst.idx.msk $0xffff, v10  }
0x1b8: {  	v10 =	vld [tilespmem:$0x22C0];
	_ =	sdelay $0x4  }
0x1b9: {  	v11 =	vmul.f32 $1.024000000e+03, v10;
	_ =	sdelay $0x1  }
0x1ba: {  	v11 =	vtrunc.f32 v11  }
0x1bb: {  	v11 =	vcvt.f32.s32 v11;
	_ =	sdelay $0x1  }
0x1bc: {  	vm12 =	vgt.s32 v11, $0x0  }
0x1bd: {  	v11 =	vnsel vm12, $0x0, v11  }
0x1be: {  	v11 =	vmin.u32 v11, $0x3FF  }
0x1bf: {  	v11 =	vor.u32 $0x800, v11;
	_ =	sdelay $0x4  }
0x1c0: {  	[tilespmem:v11+s0+$0x0] =	vst.idx.msk $0xffff, v10  }
0x1c1: {  	v10 =	vld [tilespmem:$0x22D0];
	_ =	sdelay $0x4  }
0x1c2: {  	v11 =	vmul.f32 $1.024000000e+03, v10;
	_ =	sdelay $0x1  }
0x1c3: {  	v11 =	vtrunc.f32 v11  }
0x1c4: {  	v11 =	vcvt.f32.s32 v11;
	_ =	sdelay $0x1  }
0x1c5: {  	vm13 =	vgt.s32 v11, $0x0  }
0x1c6: {  	v11 =	vnsel vm13, $0x0, v11  }
0x1c7: {  	v11 =	vmin.u32 v11, $0x3FF  }
0x1c8: {  	v11 =	vor.u32 $0x800, v11;
	_ =	sdelay $0x4  }
0x1c9: {  	[tilespmem:v11+s0+$0x0] =	vst.idx.msk $0xffff, v10  }
0x1ca: {  	v10 =	vld [tilespmem:$0x22E0];
	_ =	sdelay $0x4  }
0x1cb: {  	v11 =	vmul.f32 $1.024000000e+03, v10;
	_ =	sdelay $0x1  }
0x1cc: {  	v11 =	vtrunc.f32 v11  }
0x1cd: {  	v11 =	vcvt.f32.s32 v11;
	_ =	sdelay $0x1  }
0x1ce: {  	vm14 =	vgt.s32 v11, $0x0  }
0x1cf: {  	v11 =	vnsel vm14, $0x0, v11  }
0x1d0: {  	v11 =	vmin.u32 v11, $0x3FF  }
0x1d1: {  	v11 =	vor.u32 $0x800, v11;
	_ =	sdelay $0x4  }
0x1d2: {  	[tilespmem:v11+s0+$0x0] =	vst.idx.msk $0xffff, v10  }
0x1d3: {  	v10 =	vld [tilespmem:$0x22F0];
	_ =	sdelay $0x4  }
0x1d4: {  	v11 =	vmul.f32 $1.024000000e+03, v10;
	_ =	sdelay $0x1  }
0x1d5: {  	v11 =	vtrunc.f32 v11  }
0x1d6: {  	v11 =	vcvt.f32.s32 v11;
	_ =	sdelay $0x1  }
0x1d7: {  	vm15 =	vgt.s32 v11, $0x0  }
0x1d8: {  	v11 =	vnsel vm15, $0x0, v11  }
0x1d9: {  	v11 =	vmin.u32 v11, $0x3FF  }
0x1da: {  	v11 =	vor.u32 $0x800, v11;
	_ =	sdelay $0x4  }
0x1db: {  	[tilespmem:v11+s0+$0x0] =	vst.idx.msk $0xffff, v10  }
0x1dc: {  	v10 =	vld [tilespmem:$0x2300];
	_ =	sdelay $0x4  }
0x1dd: {  	v11 =	vmul.f32 $1.024000000e+03, v10;
	_ =	sdelay $0x1  }
0x1de: {  	v11 =	vtrunc.f32 v11  }
0x1df: {  	v11 =	vcvt.f32.s32 v11;
	_ =	sdelay $0x1  }
0x1e0: {  	vm4 =	vgt.s32 v11, $0x0  }
0x1e1: {  	v11 =	vnsel vm4, $0x0, v11  }
0x1e2: {  	v11 =	vmin.u32 v11, $0x3FF  }
0x1e3: {  	v11 =	vor.u32 $0x800, v11;
	_ =	sdelay $0x4  }
0x1e4: {  	[tilespmem:v11+s0+$0x0] =	vst.idx.msk $0xffff, v10  }
0x1e5: {  	v10 =	vld [tilespmem:$0x2310];
	_ =	sdelay $0x4  }
0x1e6: {  	v11 =	vmul.f32 $1.024000000e+03, v10;
	_ =	sdelay $0x1  }
0x1e7: {  	v11 =	vtrunc.f32 v11  }
0x1e8: {  	v11 =	vcvt.f32.s32 v11;
	_ =	sdelay $0x1  }
0x1e9: {  	vm5 =	vgt.s32 v11, $0x0  }
0x1ea: {  	v11 =	vnsel vm5, $0x0, v11  }
0x1eb: {  	v11 =	vmin.u32 v11, $0x3FF  }
0x1ec: {  	v11 =	vor.u32 $0x800, v11;
	_ =	sdelay $0x4  }
0x1ed: {  	[tilespmem:v11+s0+$0x0] =	vst.idx.msk $0xffff, v10  }
0x1ee: {  	v10 =	vld [tilespmem:$0x2320];
	_ =	sdelay $0x4  }
0x1ef: {  	v11 =	vmul.f32 $1.024000000e+03, v10;
	_ =	sdelay $0x1  }
0x1f0: {  	v11 =	vtrunc.f32 v11  }
0x1f1: {  	v11 =	vcvt.f32.s32 v11;
	_ =	sdelay $0x1  }
0x1f2: {  	vm6 =	vgt.s32 v11, $0x0  }
0x1f3: {  	v11 =	vnsel vm6, $0x0, v11  }
0x1f4: {  	v11 =	vmin.u32 v11, $0x3FF  }
0x1f5: {  	v11 =	vor.u32 $0x800, v11;
	_ =	sdelay $0x4  }
0x1f6: {  	[tilespmem:v11+s0+$0x0] =	vst.idx.msk $0xffff, v10  }
0x1f7: {  	v10 =	vld [tilespmem:$0x2330];
	_ =	sdelay $0x4  }
0x1f8: {  	v11 =	vmul.f32 $1.024000000e+03, v10;
	_ =	sdelay $0x1  }
0x1f9: {  	v11 =	vtrunc.f32 v11  }
0x1fa: {  	v11 =	vcvt.f32.s32 v11;
	_ =	sdelay $0x1  }
0x1fb: {  	vm7 =	vgt.s32 v11, $0x0  }
0x1fc: {  	v11 =	vnsel vm7, $0x0, v11  }
0x1fd: {  	v11 =	vmin.u32 v11, $0x3FF  }
0x1fe: {  	v11 =	vor.u32 $0x800, v11;
	_ =	sdelay $0x4  }
0x1ff: {  	[tilespmem:v11+s0+$0x0] =	vst.idx.msk $0xffff, v10  }
0x200: {  	v10 =	vld [tilespmem:$0x2340];
	_ =	sdelay $0x4  }
0x201: {  	v11 =	vmul.f32 $1.024000000e+03, v10;
	_ =	sdelay $0x1  }
0x202: {  	v11 =	vtrunc.f32 v11  }
0x203: {  	v11 =	vcvt.f32.s32 v11;
	_ =	sdelay $0x1  }
0x204: {  	vm8 =	vgt.s32 v11, $0x0  }
0x205: {  	v11 =	vnsel vm8, $0x0, v11  }
0x206: {  	v11 =	vmin.u32 v11, $0x3FF  }
0x207: {  	v11 =	vor.u32 $0x800, v11;
	_ =	sdelay $0x4  }
0x208: {  	[tilespmem:v11+s0+$0x0] =	vst.idx.msk $0xffff, v10  }
0x209: {  	v10 =	vld [tilespmem:$0x2350];
	_ =	sdelay $0x4  }
0x20a: {  	v11 =	vmul.f32 $1.024000000e+03, v10;
	_ =	sdelay $0x1  }
0x20b: {  	v11 =	vtrunc.f32 v11  }
0x20c: {  	v11 =	vcvt.f32.s32 v11;
	_ =	sdelay $0x1  }
0x20d: {  	vm9 =	vgt.s32 v11, $0x0  }
0x20e: {  	v11 =	vnsel vm9, $0x0, v11  }
0x20f: {  	v11 =	vmin.u32 v11, $0x3FF  }
0x210: {  	v11 =	vor.u32 $0x800, v11;
	_ =	sdelay $0x4  }
0x211: {  	[tilespmem:v11+s0+$0x0] =	vst.idx.msk $0xffff, v10  }
0x212: {  	v10 =	vld [tilespmem:$0x2360];
	_ =	sdelay $0x4  }
0x213: {  	v11 =	vmul.f32 $1.024000000e+03, v10;
	_ =	sdelay $0x1  }
0x214: {  	v11 =	vtrunc.f32 v11  }
0x215: {  	v11 =	vcvt.f32.s32 v11;
	_ =	sdelay $0x1  }
0x216: {  	vm10 =	vgt.s32 v11, $0x0  }
0x217: {  	v11 =	vnsel vm10, $0x0, v11  }
0x218: {  	v11 =	vmin.u32 v11, $0x3FF  }
0x219: {  	v11 =	vor.u32 $0x800, v11;
	_ =	sdelay $0x4  }
0x21a: {  	[tilespmem:v11+s0+$0x0] =	vst.idx.msk $0xffff, v10  }
0x21b: {  	v10 =	vld [tilespmem:$0x2370];
	_ =	sdelay $0x4  }
0x21c: {  	v11 =	vmul.f32 $1.024000000e+03, v10;
	_ =	sdelay $0x1  }
0x21d: {  	v11 =	vtrunc.f32 v11  }
0x21e: {  	v11 =	vcvt.f32.s32 v11;
	_ =	sdelay $0x1  }
0x21f: {  	vm11 =	vgt.s32 v11, $0x0  }
0x220: {  	v11 =	vnsel vm11, $0x0, v11  }
0x221: {  	v11 =	vmin.u32 v11, $0x3FF  }
0x222: {  	v11 =	vor.u32 $0x800, v11;
	_ =	sdelay $0x4  }
0x223: {  	[tilespmem:v11+s0+$0x0] =	vst.idx.msk $0xffff, v10  }
0x224: {  	v10 =	vld [tilespmem:$0x2380];
	_ =	sdelay $0x4  }
0x225: {  	v11 =	vmul.f32 $1.024000000e+03, v10;
	_ =	sdelay $0x1  }
0x226: {  	v11 =	vtrunc.f32 v11  }
0x227: {  	v11 =	vcvt.f32.s32 v11;
	_ =	sdelay $0x1  }
0x228: {  	vm12 =	vgt.s32 v11, $0x0  }
0x229: {  	v11 =	vnsel vm12, $0x0, v11  }
0x22a: {  	v11 =	vmin.u32 v11, $0x3FF  }
0x22b: {  	v11 =	vor.u32 $0xC00, v11;
	_ =	sdelay $0x4  }
0x22c: {  	[tilespmem:v11+s0+$0x0] =	vst.idx.msk $0xffff, v10  }
0x22d: {  	v10 =	vld [tilespmem:$0x2390];
	_ =	sdelay $0x4  }
0x22e: {  	v11 =	vmul.f32 $1.024000000e+03, v10;
	_ =	sdelay $0x1  }
0x22f: {  	v11 =	vtrunc.f32 v11  }
0x230: {  	v11 =	vcvt.f32.s32 v11;
	_ =	sdelay $0x1  }
0x231: {  	vm13 =	vgt.s32 v11, $0x0  }
0x232: {  	v11 =	vnsel vm13, $0x0, v11  }
0x233: {  	v11 =	vmin.u32 v11, $0x3FF  }
0x234: {  	v11 =	vor.u32 $0xC00, v11;
	_ =	sdelay $0x4  }
0x235: {  	[tilespmem:v11+s0+$0x0] =	vst.idx.msk $0xffff, v10  }
0x236: {  	v10 =	vld [tilespmem:$0x23A0];
	_ =	sdelay $0x4  }
0x237: {  	v11 =	vmul.f32 $1.024000000e+03, v10;
	_ =	sdelay $0x1  }
0x238: {  	v11 =	vtrunc.f32 v11  }
0x239: {  	v11 =	vcvt.f32.s32 v11;
	_ =	sdelay $0x1  }
0x23a: {  	vm14 =	vgt.s32 v11, $0x0  }
0x23b: {  	v11 =	vnsel vm14, $0x0, v11  }
0x23c: {  	v11 =	vmin.u32 v11, $0x3FF  }
0x23d: {  	v11 =	vor.u32 $0xC00, v11;
	_ =	sdelay $0x4  }
0x23e: {  	[tilespmem:v11+s0+$0x0] =	vst.idx.msk $0xffff, v10  }
0x23f: {  	v10 =	vld [tilespmem:$0x23B0];
	_ =	sdelay $0x4  }
0x240: {  	v11 =	vmul.f32 $1.024000000e+03, v10;
	_ =	sdelay $0x1  }
0x241: {  	v11 =	vtrunc.f32 v11  }
0x242: {  	v11 =	vcvt.f32.s32 v11;
	_ =	sdelay $0x1  }
0x243: {  	vm15 =	vgt.s32 v11, $0x0  }
0x244: {  	v11 =	vnsel vm15, $0x0, v11  }
0x245: {  	v11 =	vmin.u32 v11, $0x3FF  }
0x246: {  	v11 =	vor.u32 $0xC00, v11;
	_ =	sdelay $0x4  }
0x247: {  	[tilespmem:v11+s0+$0x0] =	vst.idx.msk $0xffff, v10  }
0x248: {  	v10 =	vld [tilespmem:$0x23C0];
	_ =	sdelay $0x4  }
0x249: {  	v11 =	vmul.f32 $1.024000000e+03, v10;
	_ =	sdelay $0x1  }
0x24a: {  	v11 =	vtrunc.f32 v11  }
0x24b: {  	v11 =	vcvt.f32.s32 v11;
	_ =	sdelay $0x1  }
0x24c: {  	vm4 =	vgt.s32 v11, $0x0  }
0x24d: {  	v11 =	vnsel vm4, $0x0, v11  }
0x24e: {  	v11 =	vmin.u32 v11, $0x3FF  }
0x24f: {  	v11 =	vor.u32 $0xC00, v11;
	_ =	sdelay $0x4  }
0x250: {  	[tilespmem:v11+s0+$0x0] =	vst.idx.msk $0xffff, v10  }
0x251: {  	v10 =	vld [tilespmem:$0x23D0];
	_ =	sdelay $0x4  }
0x252: {  	v11 =	vmul.f32 $1.024000000e+03, v10;
	_ =	sdelay $0x1  }
0x253: {  	v11 =	vtrunc.f32 v11  }
0x254: {  	v11 =	vcvt.f32.s32 v11;
	_ =	sdelay $0x1  }
0x255: {  	vm5 =	vgt.s32 v11, $0x0  }
0x256: {  	v11 =	vnsel vm5, $0x0, v11  }
0x257: {  	v11 =	vmin.u32 v11, $0x3FF  }
0x258: {  	v11 =	vor.u32 $0xC00, v11;
	_ =	sdelay $0x4  }
0x259: {  	[tilespmem:v11+s0+$0x0] =	vst.idx.msk $0xffff, v10  }
0x25a: {  	v10 =	vld [tilespmem:$0x23E0];
	_ =	sdelay $0x4  }
0x25b: {  	v11 =	vmul.f32 $1.024000000e+03, v10;
	_ =	sdelay $0x1  }
0x25c: {  	v11 =	vtrunc.f32 v11  }
0x25d: {  	v11 =	vcvt.f32.s32 v11;
	_ =	sdelay $0x1  }
0x25e: {  	vm6 =	vgt.s32 v11, $0x0  }
0x25f: {  	v11 =	vnsel vm6, $0x0, v11  }
0x260: {  	v11 =	vmin.u32 v11, $0x3FF  }
0x261: {  	v11 =	vor.u32 $0xC00, v11;
	_ =	sdelay $0x4  }
0x262: {  	[tilespmem:v11+s0+$0x0] =	vst.idx.msk $0xffff, v10  }
0x263: {  	v10 =	vld [tilespmem:$0x23F0];
	_ =	sdelay $0x4  }
0x264: {  	v11 =	vmul.f32 $1.024000000e+03, v10;
	_ =	sdelay $0x1  }
0x265: {  	v11 =	vtrunc.f32 v11  }
0x266: {  	v11 =	vcvt.f32.s32 v11;
	_ =	sdelay $0x1  }
0x267: {  	vm7 =	vgt.s32 v11, $0x0  }
0x268: {  	v11 =	vnsel vm7, $0x0, v11  }
0x269: {  	v11 =	vmin.u32 v11, $0x3FF  }
0x26a: {  	v11 =	vor.u32 $0xC00, v11;
	_ =	sdelay $0x4  }
0x26b: {  	[tilespmem:v11+s0+$0x0] =	vst.idx.msk $0xffff, v10  }
0x26c: {  	v10 =	vld [tilespmem:$0x2400];
	_ =	sdelay $0x4  }
0x26d: {  	v11 =	vmul.f32 $1.024000000e+03, v10;
	_ =	sdelay $0x1  }
0x26e: {  	v11 =	vtrunc.f32 v11  }
0x26f: {  	v11 =	vcvt.f32.s32 v11;
	_ =	sdelay $0x1  }
0x270: {  	vm8 =	vgt.s32 v11, $0x0  }
0x271: {  	v11 =	vnsel vm8, $0x0, v11  }
0x272: {  	v11 =	vmin.u32 v11, $0x3FF  }
0x273: {  	v11 =	vor.u32 $0xC00, v11;
	_ =	sdelay $0x4  }
0x274: {  	[tilespmem:v11+s0+$0x0] =	vst.idx.msk $0xffff, v10  }
0x275: {  	v10 =	vld [tilespmem:$0x2410];
	_ =	sdelay $0x4  }
0x276: {  	v11 =	vmul.f32 $1.024000000e+03, v10;
	_ =	sdelay $0x1  }
0x277: {  	v11 =	vtrunc.f32 v11  }
0x278: {  	v11 =	vcvt.f32.s32 v11;
	_ =	sdelay $0x1  }
0x279: {  	vm9 =	vgt.s32 v11, $0x0  }
0x27a: {  	v11 =	vnsel vm9, $0x0, v11  }
0x27b: {  	v11 =	vmin.u32 v11, $0x3FF  }
0x27c: {  	v11 =	vor.u32 $0xC00, v11;
	_ =	sdelay $0x4  }
0x27d: {  	[tilespmem:v11+s0+$0x0] =	vst.idx.msk $0xffff, v10  }
0x27e: {  	v10 =	vld [tilespmem:$0x2420];
	_ =	sdelay $0x4  }
0x27f: {  	v11 =	vmul.f32 $1.024000000e+03, v10;
	_ =	sdelay $0x1  }
0x280: {  	v11 =	vtrunc.f32 v11  }
0x281: {  	v11 =	vcvt.f32.s32 v11;
	_ =	sdelay $0x1  }
0x282: {  	vm10 =	vgt.s32 v11, $0x0  }
0x283: {  	v11 =	vnsel vm10, $0x0, v11  }
0x284: {  	v11 =	vmin.u32 v11, $0x3FF  }
0x285: {  	v11 =	vor.u32 $0xC00, v11;
	_ =	sdelay $0x4  }
0x286: {  	[tilespmem:v11+s0+$0x0] =	vst.idx.msk $0xffff, v10  }
0x287: {  	v10 =	vld [tilespmem:$0x2430];
	_ =	sdelay $0x4  }
0x288: {  	v11 =	vmul.f32 $1.024000000e+03, v10;
	_ =	sdelay $0x1  }
0x289: {  	v11 =	vtrunc.f32 v11  }
0x28a: {  	v11 =	vcvt.f32.s32 v11;
	_ =	sdelay $0x1  }
0x28b: {  	vm11 =	vgt.s32 v11, $0x0  }
0x28c: {  	v11 =	vnsel vm11, $0x0, v11  }
0x28d: {  	v11 =	vmin.u32 v11, $0x3FF  }
0x28e: {  	v11 =	vor.u32 $0xC00, v11;
	_ =	sdelay $0x4  }
0x28f: {  	[tilespmem:v11+s0+$0x0] =	vst.idx.msk $0xffff, v10  }
0x290: {  	v10 =	vld [tilespmem:$0x2440];
	_ =	sdelay $0x4  }
0x291: {  	v11 =	vmul.f32 $1.024000000e+03, v10;
	_ =	sdelay $0x1  }
0x292: {  	v11 =	vtrunc.f32 v11  }
0x293: {  	v11 =	vcvt.f32.s32 v11;
	_ =	sdelay $0x1  }
0x294: {  	vm12 =	vgt.s32 v11, $0x0  }
0x295: {  	v11 =	vnsel vm12, $0x0, v11  }
0x296: {  	v11 =	vmin.u32 v11, $0x3FF  }
0x297: {  	v11 =	vor.u32 $0xC00, v11;
	_ =	sdelay $0x4  }
0x298: {  	[tilespmem:v11+s0+$0x0] =	vst.idx.msk $0xffff, v10  }
0x299: {  	v10 =	vld [tilespmem:$0x2450];
	_ =	sdelay $0x4  }
0x29a: {  	v11 =	vmul.f32 $1.024000000e+03, v10;
	_ =	sdelay $0x1  }
0x29b: {  	v11 =	vtrunc.f32 v11  }
0x29c: {  	v11 =	vcvt.f32.s32 v11;
	_ =	sdelay $0x1  }
0x29d: {  	vm13 =	vgt.s32 v11, $0x0  }
0x29e: {  	v11 =	vnsel vm13, $0x0, v11  }
0x29f: {  	v11 =	vmin.u32 v11, $0x3FF  }
0x2a0: {  	v11 =	vor.u32 $0xC00, v11;
	_ =	sdelay $0x4  }
0x2a1: {  	[tilespmem:v11+s0+$0x0] =	vst.idx.msk $0xffff, v10  }
0x2a2: {  	v10 =	vld [tilespmem:$0x2460];
	_ =	sdelay $0x4  }
0x2a3: {  	v11 =	vmul.f32 $1.024000000e+03, v10;
	_ =	sdelay $0x1  }
0x2a4: {  	v11 =	vtrunc.f32 v11  }
0x2a5: {  	v11 =	vcvt.f32.s32 v11;
	_ =	sdelay $0x1  }
0x2a6: {  	vm14 =	vgt.s32 v11, $0x0  }
0x2a7: {  	v11 =	vnsel vm14, $0x0, v11  }
0x2a8: {  	v11 =	vmin.u32 v11, $0x3FF  }
0x2a9: {  	v11 =	vor.u32 $0xC00, v11;
	_ =	sdelay $0x4  }
0x2aa: {  	[tilespmem:v11+s0+$0x0] =	vst.idx.msk $0xffff, v10  }
0x2ab: {  	v10 =	vld [tilespmem:$0x2470];
	_ =	sdelay $0x4  }
0x2ac: {  	v11 =	vmul.f32 $1.024000000e+03, v10;
	_ =	sdelay $0x1  }
0x2ad: {  	v11 =	vtrunc.f32 v11  }
0x2ae: {  	v11 =	vcvt.f32.s32 v11;
	_ =	sdelay $0x1  }
0x2af: {  	vm15 =	vgt.s32 v11, $0x0  }
0x2b0: {  	v11 =	vnsel vm15, $0x0, v11  }
0x2b1: {  	v11 =	vmin.u32 v11, $0x3FF  }
0x2b2: {  	v11 =	vor.u32 $0xC00, v11;
	_ =	sdelay $0x4  }
0x2b3: {  	s1 =	simm.s32 $0x30;
	[tilespmem:v11+s0+$0x0] =	vst.idx.msk $0xffff, v10;
	s0 =	simm.s32 $0xFFFFFFF9  }
.LBB2_6:
0x2b4: {  	v10 =	vld [tilespmem:s1+$0xFFFFFFD0];
	_ =	sdelay $0x4  }
0x2b5: {  	v11 =	vmul.f32 $1.024000000e+03, v10;
	_ =	sdelay $0x1  }
0x2b6: {  	v11 =	vtrunc.f32 v11  }
0x2b7: {  	v11 =	vcvt.f32.s32 v11;
	_ =	sdelay $0x1  }
0x2b8: {  	vm0 =	vgt.s32 v11, $0x0  }
0x2b9: {  	v11 =	vnsel vm0, $0x0, v11  }
0x2ba: {  	vm15 =	vge.f32 v10, $1.000000050e-03;
	v11 =	vmin.u32 v11, $0x3FF  }
0x2bb: {  	v11 =	vor.u32 v0, v11;
	_ =	sdelay $0x4  }
0x2bc: {  	[tilespmem:v11+s8+$0x0] =	vst.idx.msk vm15, v10  }
0x2bd: {  	v10 =	vld [tilespmem:s1+$0xFFFFFFE0];
	_ =	sdelay $0x4  }
0x2be: {  	v11 =	vmul.f32 $1.024000000e+03, v10;
	_ =	sdelay $0x1  }
0x2bf: {  	v11 =	vtrunc.f32 v11  }
0x2c0: {  	v11 =	vcvt.f32.s32 v11;
	_ =	sdelay $0x1  }
0x2c1: {  	vm4 =	vgt.s32 v11, $0x0  }
0x2c2: {  	v11 =	vnsel vm4, $0x0, v11  }
0x2c3: {  	vm5 =	vge.f32 v10, $1.000000050e-03;
	v11 =	vmin.u32 v11, $0x3FF  }
0x2c4: {  	v11 =	vor.u32 v0, v11;
	_ =	sdelay $0x4  }
0x2c5: {  	[tilespmem:v11+s8+$0x0] =	vst.idx.msk vm5, v10  }
0x2c6: {  	v10 =	vld [tilespmem:s1+$0xFFFFFFF0];
	_ =	sdelay $0x4  }
0x2c7: {  	v11 =	vmul.f32 $1.024000000e+03, v10;
	_ =	sdelay $0x1  }
0x2c8: {  	v11 =	vtrunc.f32 v11  }
0x2c9: {  	v11 =	vcvt.f32.s32 v11;
	_ =	sdelay $0x1  }
0x2ca: {  	vm6 =	vgt.s32 v11, $0x0  }
0x2cb: {  	v11 =	vnsel vm6, $0x0, v11  }
0x2cc: {  	vm7 =	vge.f32 v10, $1.000000050e-03;
	v11 =	vmin.u32 v11, $0x3FF  }
0x2cd: {  	v11 =	vor.u32 v0, v11;
	_ =	sdelay $0x4  }
0x2ce: {  	[tilespmem:v11+s8+$0x0] =	vst.idx.msk vm7, v10  }
0x2cf: {  	v10 =	vld [tilespmem:s1+$0x0];
	_ =	sdelay $0x4  }
0x2d0: {  	v11 =	vmul.f32 $1.024000000e+03, v10;
	_ =	sdelay $0x1  }
0x2d1: {  	v11 =	vtrunc.f32 v11  }
0x2d2: {  	v11 =	vcvt.f32.s32 v11;
	_ =	sdelay $0x1  }
0x2d3: {  	vm8 =	vgt.s32 v11, $0x0  }
0x2d4: {  	v11 =	vnsel vm8, $0x0, v11  }
0x2d5: {  	vm9 =	vge.f32 v10, $1.000000050e-03;
	v11 =	vmin.u32 v11, $0x3FF  }
0x2d6: {  	v11 =	vor.u32 v0, v11;
	_ =	sdelay $0x4  }
0x2d7: {  	[tilespmem:v11+s8+$0x0] =	vst.idx.msk vm9, v10  }
0x2d8: {  	v10 =	vld [tilespmem:s1+$0x10];
	_ =	sdelay $0x4  }
0x2d9: {  	v11 =	vmul.f32 $1.024000000e+03, v10;
	_ =	sdelay $0x1  }
0x2da: {  	v11 =	vtrunc.f32 v11  }
0x2db: {  	v11 =	vcvt.f32.s32 v11;
	_ =	sdelay $0x1  }
0x2dc: {  	vm10 =	vgt.s32 v11, $0x0  }
0x2dd: {  	v11 =	vnsel vm10, $0x0, v11  }
0x2de: {  	vm11 =	vge.f32 v10, $1.000000050e-03;
	v11 =	vmin.u32 v11, $0x3FF  }
0x2df: {  	v11 =	vor.u32 v0, v11;
	_ =	sdelay $0x4  }
0x2e0: {  	[tilespmem:v11+s8+$0x0] =	vst.idx.msk vm11, v10  }
0x2e1: {  	v10 =	vld [tilespmem:s1+$0x20];
	_ =	sdelay $0x4  }
0x2e2: {  	v11 =	vmul.f32 $1.024000000e+03, v10;
	_ =	sdelay $0x1  }
0x2e3: {  	v11 =	vtrunc.f32 v11  }
0x2e4: {  	v11 =	vcvt.f32.s32 v11;
	_ =	sdelay $0x1  }
0x2e5: {  	vm12 =	vgt.s32 v11, $0x0  }
0x2e6: {  	v11 =	vnsel vm12, $0x0, v11  }
0x2e7: {  	vm13 =	vge.f32 v10, $1.000000050e-03;
	v11 =	vmin.u32 v11, $0x3FF  }
0x2e8: {  	v11 =	vor.u32 v0, v11;
	_ =	sdelay $0x4  }
0x2e9: {  	[tilespmem:v11+s8+$0x0] =	vst.idx.msk vm13, v10  }
0x2ea: {  	v10 =	vld [tilespmem:s1+$0x30];
	_ =	sdelay $0x4  }
0x2eb: {  	v11 =	vmul.f32 $1.024000000e+03, v10;
	_ =	sdelay $0x1  }
0x2ec: {  	v11 =	vtrunc.f32 v11  }
0x2ed: {  	v11 =	vcvt.f32.s32 v11;
	_ =	sdelay $0x1  }
0x2ee: {  	vm14 =	vgt.s32 v11, $0x0  }
0x2ef: {  	v11 =	vnsel vm14, $0x0, v11  }
0x2f0: {  	s0 =	sadd.s32 $0x7, s0;
	vm15 =	vge.f32 v10, $1.000000050e-03;
	v11 =	vmin.u32 v11, $0x3FF  }
0x2f1: {  	p4 =	slt.u32 s0, $0x181;
	v11 =	vor.u32 v0, v11  }
.Ltmp2:
0x2f2: {  	_ = 	snop;
	(pc) =	sbr.rel @p4 .LBB2_6-.Ltmp2, $2  }
0x2f3: {  	_ =	sdelay $0x2  }
0x2f4: {  	s1 =	sadd.s32 $0x70, s1;
	[tilespmem:v11+s8+$0x0] =	vst.idx.msk vm15, v10  }
0x2f5: {  	s0 =	rddreg [dreg:$0x12];
	s1 =	simm.s32 $0x80;
	s2 =	simm.s32 $0x400  }
0x2f6: {  	[spmem:s0] =	stream.strided.scatter [tilespmem:s8], [sflag:$0x1], $0x1000, s2, s1, $0x38;
	[tilespmem:$0xB680] =	vst v63  }
0x2f7: {  	_ =	swait.ge [sflag:s11], $0x1000  }
0x2f8: {  	[sflag:s11] =	ssyncset.done $0x0  }
0x2f9: {  	[sflag:s11] =	ssyncadd.s32 $0xFFFFF000  }
0x2fa: {  	s21 =	simm.s32 $0x800;
	s22 =	simm.s32 $0x8000;
	[bflag:$0x0] =	sbarrier.arrive $0xFFFF  }
0x2fb: {  	s3 =	simm.s32 $0x4480;
	s13 =	simm.s32 $0x0;
	s20 =	rddreg [dreg:$0x13]  }
0x2fc: {  	[tilespmem:s3], [sflag:$0x1] =	stream.strided.gather [spmem:s20], $0x1000, s22, s21, $0x38;
	[tilespmem:$0xB680] =	vst v63  }
0x2fd: {  	s23 =	sand.u32 $0x400, s13;
	_ =	swait.ge [sflag:s11], $0x1000  }
0x2fe: {  	s5 =	sand.u32 $0x40, s13;
	s1 =	sadd.s32 $0x4480, s23;
	[sflag:s11] =	ssyncset.done $0x0  }
0x2ff: {  	s4 =	sor.u32 s5, s1;
	[sflag:s11] =	ssyncadd.s32 $0xFFFFF000  }
0x300: {  	v10 =	vld [tilespmem:s4+$0x0]  }
0x301: {  	v11 =	vld [tilespmem:s4+$0x80]  }
0x302: {  	v12 =	vld [tilespmem:s4+$0x100]  }
0x303: {  	v13 =	vld [tilespmem:s4+$0x180]  }
0x304: {  	v14 =	vld [tilespmem:s4+$0x200]  }
0x305: {  	v15 =	vld [tilespmem:s4+$0x280]  }
0x306: {  	s0 =	sadd.s32 $0x4C80, s23;
	v10 =	vmax.f32 v10, v11;
	v11 =	vld [tilespmem:s4+$0x300]  }
0x307: {  	s7 =	sor.u32 s5, s0;
	s3 =	sadd.s32 $0x4D00, s23;
	v10 =	vmax.f32 v10, v12;
	v12 =	vld [tilespmem:s4+$0x380]  }
0x308: {  	s6 =	sadd.s32 $0x4D80, s23;
	s24 =	sor.u32 s5, s3;
	v10 =	vmax.f32 v10, v13;
	v13 =	vld [tilespmem:s7+$0x0]  }
0x309: {  	s9 =	sor.u32 s5, s6;
	s7 =	sadd.s32 $0x4E00, s23;
	v10 =	vmax.f32 v10, v14;
	v14 =	vld [tilespmem:s24+$0x0]  }
0x30a: {  	s8 =	sadd.s32 $0x4E80, s23;
	s25 =	sor.u32 s5, s7;
	v10 =	vmax.f32 v10, v15;
	v15 =	vld [tilespmem:s9+$0x0]  }
0x30b: {  	s10 =	sadd.s32 $0x4F00, s23;
	s26 =	sor.u32 s5, s8;
	v10 =	vmax.f32 v10, v11;
	v11 =	vld [tilespmem:s25+$0x0]  }
0x30c: {  	s28 =	sor.u32 s5, s10;
	s9 =	sadd.s32 $0x4F80, s23;
	v10 =	vmax.f32 v10, v12;
	v12 =	vld [tilespmem:s26+$0x0]  }
0x30d: {  	s2 =	sor.u32 $0x5000, s23;
	s12 =	sor.u32 s5, s9;
	v10 =	vmax.f32 v10, v13;
	v13 =	vld [tilespmem:s28+$0x0]  }
0x30e: {  	s14 =	sor.u32 s5, s2;
	v10 =	vmax.f32 v10, v14;
	v14 =	vld [tilespmem:s12+$0x0]  }
0x30f: {  	v10 =	vmax.f32 v10, v15;
	v15 =	vld [tilespmem:s14+$0x0]  }
0x310: {  	v10 =	vmax.f32 v10, v11  }
0x311: {  	v10 =	vmax.f32 v10, v12  }
0x312: {  	v10 =	vmax.f32 v10, v13  }
0x313: {  	v10 =	vmax.f32 v10, v14  }
0x314: {  	s15 =	simm.s32 $0x5480;
	s16 =	sor.u32 $0x10, s5;
	v10 =	vmax.f32 v10, v15  }
0x315: {  	s17 =	sor.u32 s16, s1;
	[tilespmem:s15+$0x0] =	vst v10  }
0x316: {  	v10 =	vld [tilespmem:s17+$0x0]  }
0x317: {  	v11 =	vld [tilespmem:s17+$0x80]  }
0x318: {  	v12 =	vld [tilespmem:s17+$0x100]  }
0x319: {  	v13 =	vld [tilespmem:s17+$0x180]  }
0x31a: {  	v14 =	vld [tilespmem:s17+$0x200]  }
0x31b: {  	v15 =	vld [tilespmem:s17+$0x280]  }
0x31c: {  	v10 =	vmax.f32 v10, v11;
	v11 =	vld [tilespmem:s17+$0x300]  }
0x31d: {  	s12 =	sor.u32 s16, s0;
	v10 =	vmax.f32 v10, v12;
	v12 =	vld [tilespmem:s17+$0x380]  }
0x31e: {  	s18 =	sor.u32 s16, s3;
	v10 =	vmax.f32 v10, v13;
	v13 =	vld [tilespmem:s12+$0x0]  }
0x31f: {  	s19 =	sor.u32 s16, s6;
	v10 =	vmax.f32 v10, v14;
	v14 =	vld [tilespmem:s18+$0x0]  }
0x320: {  	s20 =	sor.u32 s16, s7;
	v10 =	vmax.f32 v10, v15;
	v15 =	vld [tilespmem:s19+$0x0]  }
0x321: {  	s21 =	sor.u32 s16, s8;
	v10 =	vmax.f32 v10, v11;
	v11 =	vld [tilespmem:s20+$0x0]  }
0x322: {  	s22 =	sor.u32 s16, s10;
	v10 =	vmax.f32 v10, v12;
	v12 =	vld [tilespmem:s21+$0x0]  }
0x323: {  	s23 =	sor.u32 s16, s9;
	v10 =	vmax.f32 v10, v13;
	v13 =	vld [tilespmem:s22+$0x0]  }
0x324: {  	s24 =	sor.u32 s16, s2;
	v10 =	vmax.f32 v10, v14;
	v14 =	vld [tilespmem:s23+$0x0]  }
0x325: {  	v10 =	vmax.f32 v10, v15;
	v15 =	vld [tilespmem:s24+$0x0]  }
0x326: {  	v10 =	vmax.f32 v10, v11  }
0x327: {  	v10 =	vmax.f32 v10, v12  }
0x328: {  	s25 =	sand.u32 $0x80, s13;
	v10 =	vmax.f32 v10, v13  }
0x329: {  	s31 =	sadd.s32 $0x5480, s25;
	v10 =	vmax.f32 v10, v14  }
0x32a: {  	s26 =	sor.u32 $0x20, s5;
	s11 =	sor.u32 s16, s31;
	v10 =	vmax.f32 v10, v15  }
0x32b: {  	s28 =	sor.u32 s26, s1;
	[tilespmem:s11+$0x0] =	vst v10  }
0x32c: {  	v10 =	vld [tilespmem:s28+$0x0]  }
0x32d: {  	v11 =	vld [tilespmem:s28+$0x80]  }
0x32e: {  	v12 =	vld [tilespmem:s28+$0x100]  }
0x32f: {  	v13 =	vld [tilespmem:s28+$0x180]  }
0x330: {  	v14 =	vld [tilespmem:s28+$0x200]  }
0x331: {  	v15 =	vld [tilespmem:s28+$0x280]  }
0x332: {  	v10 =	vmax.f32 v10, v11;
	v11 =	vld [tilespmem:s28+$0x300]  }
0x333: {  	s12 =	sor.u32 s26, s0;
	v16 =	vld [tilespmem:s28+$0x380];
	v10 =	vmax.f32 v10, v12  }
0x334: {  	s14 =	sor.u32 s26, s3;
	v12 =	vld [tilespmem:s12+$0x0];
	v10 =	vmax.f32 v10, v13  }
0x335: {  	s15 =	sor.u32 s26, s6;
	v13 =	vld [tilespmem:s14+$0x0];
	v10 =	vmax.f32 v10, v14  }
0x336: {  	s16 =	sor.u32 s26, s7;
	v14 =	vld [tilespmem:s15+$0x0];
	v10 =	vmax.f32 v10, v15  }
0x337: {  	s17 =	sor.u32 s26, s8;
	v15 =	vld [tilespmem:s16+$0x0];
	v10 =	vmax.f32 v10, v11  }
0x338: {  	s18 =	sor.u32 s26, s10;
	v11 =	vld [tilespmem:s17+$0x0];
	v10 =	vmax.f32 v10, v16  }
0x339: {  	s19 =	sor.u32 s26, s9;
	v16 =	vld [tilespmem:s18+$0x0];
	v10 =	vmax.f32 v10, v12  }
0x33a: {  	s20 =	sor.u32 s26, s2;
	v12 =	vld [tilespmem:s19+$0x0];
	v10 =	vmax.f32 v10, v13  }
0x33b: {  	v13 =	vld [tilespmem:s20+$0x0];
	v10 =	vmax.f32 v10, v14  }
0x33c: {  	v10 =	vmax.f32 v10, v15  }
0x33d: {  	v10 =	vmax.f32 v10, v11  }
0x33e: {  	v10 =	vmax.f32 v10, v16  }
0x33f: {  	v10 =	vmax.f32 v10, v12  }
0x340: {  	s4 =	sor.u32 $0x30, s5;
	s21 =	sor.u32 s26, s31;
	v10 =	vmax.f32 v10, v13  }
0x341: {  	s1 =	sor.u32 s4, s1;
	[tilespmem:s21+$0x0] =	vst v10  }
0x342: {  	v10 =	vld [tilespmem:s1+$0x0]  }
0x343: {  	v11 =	vld [tilespmem:s1+$0x80]  }
0x344: {  	v12 =	vld [tilespmem:s1+$0x100]  }
0x345: {  	v13 =	vld [tilespmem:s1+$0x180]  }
0x346: {  	v14 =	vld [tilespmem:s1+$0x200]  }
0x347: {  	v15 =	vld [tilespmem:s1+$0x280]  }
0x348: {  	v16 =	vld [tilespmem:s1+$0x300];
	v10 =	vmax.f32 v10, v11  }
0x349: {  	s0 =	sor.u32 s4, s0;
	v17 =	vld [tilespmem:s1+$0x380];
	v10 =	vmax.f32 v10, v12  }
0x34a: {  	s22 =	sor.u32 s4, s3;
	v18 =	vld [tilespmem:s0+$0x0];
	v10 =	vmax.f32 v10, v13  }
0x34b: {  	s23 =	sor.u32 s4, s6;
	v19 =	vld [tilespmem:s22+$0x0];
	v11 =	vmax.f32 v10, v14  }
0x34c: {  	s24 =	sor.u32 s4, s7;
	v10 =	vld [tilespmem:s23+$0x0];
	v12 =	vmax.f32 v11, v15  }
0x34d: {  	s25 =	sor.u32 s4, s8;
	v11 =	vld [tilespmem:s24+$0x0];
	v12 =	vmax.f32 v12, v16  }
0x34e: {  	s26 =	sor.u32 s4, s10;
	v13 =	vmax.f32 v12, v17;
	v12 =	vld [tilespmem:s25+$0x0]  }
0x34f: {  	s29 =	simm.s32 $0x54C0;
	s28 =	sor.u32 s4, s9;
	v14 =	vmax.f32 v13, v18;
	v13 =	vld [tilespmem:s26+$0x0]  }
0x350: {  	s30 =	simm.s32 $0x0;
	s0 =	sor.u32 s4, s2;
	s25 =	simm.s32 $0x0;
	v15 =	vmax.f32 v14, v19;
	v14 =	vld [tilespmem:s28+$0x0]  }
.LBB2_8:
0x351: {  	v16 =	vld [tilespmem:s0+$0x0];
	v10 =	vmax.f32 v15, v10  }
0x352: {  	v10 =	vmax.f32 v10, v11  }
0x353: {  	v10 =	vmax.f32 v10, v12  }
0x354: {  	s13 =	sadd.s32 $0x200, s13;
	v10 =	vmax.f32 v10, v13  }
0x355: {  	s30 =	sadd.s32 $0x40, s30;
	s2 =	sand.u32 $0x400, s13;
	v10 =	vmax.f32 v10, v14  }
0x356: {  	s4 =	sor.u32 s4, s31;
	s18 =	sand.u32 $0x40, s30;
	s11 =	sadd.s32 $0x4480, s2;
	v10 =	vmax.f32 v10, v16  }
0x357: {  	s16 =	sor.u32 s18, s11;
	[tilespmem:s4+$0x0] =	vst v10  }
0x358: {  	v10 =	vld [tilespmem:s16+$0x0]  }
0x359: {  	v11 =	vld [tilespmem:s16+$0x80]  }
0x35a: {  	v12 =	vld [tilespmem:s16+$0x100]  }
0x35b: {  	v13 =	vld [tilespmem:s16+$0x180]  }
0x35c: {  	v14 =	vld [tilespmem:s16+$0x200]  }
0x35d: {  	v15 =	vld [tilespmem:s16+$0x280]  }
0x35e: {  	s1 =	sadd.s32 $0x4C80, s2;
	v10 =	vmax.f32 v10, v11;
	v11 =	vld [tilespmem:s16+$0x300]  }
0x35f: {  	s3 =	sadd.s32 $0x4D00, s2;
	s14 =	sor.u32 s18, s1;
	v10 =	vmax.f32 v10, v12;
	v12 =	vld [tilespmem:s16+$0x380]  }
0x360: {  	s5 =	sadd.s32 $0x4D80, s2;
	s17 =	sor.u32 s18, s3;
	v10 =	vmax.f32 v10, v13;
	v13 =	vld [tilespmem:s14+$0x0]  }
0x361: {  	s6 =	sadd.s32 $0x4E00, s2;
	s15 =	sor.u32 s18, s5;
	v10 =	vmax.f32 v10, v14;
	v14 =	vld [tilespmem:s17+$0x0]  }
0x362: {  	s7 =	sadd.s32 $0x4E80, s2;
	s22 =	sor.u32 s18, s6;
	v10 =	vmax.f32 v10, v15;
	v15 =	vld [tilespmem:s15+$0x0]  }
0x363: {  	s8 =	sadd.s32 $0x4F00, s2;
	s19 =	sor.u32 s18, s7;
	v10 =	vmax.f32 v10, v11;
	v11 =	vld [tilespmem:s22+$0x0]  }
0x364: {  	s9 =	sadd.s32 $0x4F80, s2;
	s21 =	sor.u32 s18, s8;
	v10 =	vmax.f32 v10, v12;
	v12 =	vld [tilespmem:s19+$0x0]  }
0x365: {  	s10 =	sor.u32 $0x5000, s2;
	s0 =	sor.u32 s18, s9;
	v10 =	vmax.f32 v10, v13;
	v13 =	vld [tilespmem:s21+$0x0]  }
0x366: {  	s28 =	sor.u32 s18, s10;
	v10 =	vmax.f32 v10, v14;
	v14 =	vld [tilespmem:s0+$0x0]  }
0x367: {  	v10 =	vmax.f32 v10, v15;
	v15 =	vld [tilespmem:s28+$0x0]  }
0x368: {  	v10 =	vmax.f32 v10, v11  }
0x369: {  	v10 =	vmax.f32 v10, v12  }
0x36a: {  	v10 =	vmax.f32 v10, v13  }
0x36b: {  	v10 =	vmax.f32 v10, v14  }
0x36c: {  	s20 =	sor.u32 $0x10, s18;
	v10 =	vmax.f32 v10, v15  }
0x36d: {  	s28 =	sor.u32 s20, s11;
	[tilespmem:s29+$0x0] =	vst v10  }
0x36e: {  	v10 =	vld [tilespmem:s28+$0x0]  }
0x36f: {  	v11 =	vld [tilespmem:s28+$0x80]  }
0x370: {  	v12 =	vld [tilespmem:s28+$0x100]  }
0x371: {  	v13 =	vld [tilespmem:s28+$0x180]  }
0x372: {  	v14 =	vld [tilespmem:s28+$0x200]  }
0x373: {  	v15 =	vld [tilespmem:s28+$0x280]  }
0x374: {  	v10 =	vmax.f32 v10, v11;
	v11 =	vld [tilespmem:s28+$0x300]  }
0x375: {  	s24 =	sor.u32 s20, s1;
	v10 =	vmax.f32 v10, v12;
	v12 =	vld [tilespmem:s28+$0x380]  }
0x376: {  	s2 =	sor.u32 s20, s3;
	s31 =	sor.u32 s20, s8;
	v10 =	vmax.f32 v10, v13;
	v13 =	vld [tilespmem:s24+$0x0]  }
0x377: {  	s12 =	sor.u32 s20, s5;
	[dreg:$0xd] =	wrdreg s31;
	s31 =	sor.u32 s20, s9;
	v10 =	vmax.f32 v10, v14;
	v14 =	vld [tilespmem:s2+$0x0]  }
0x378: {  	[dreg:$0xe] =	wrdreg s31;
	s31 =	sor.u32 s20, s10;
	s4 =	sor.u32 s20, s6;
	v10 =	vmax.f32 v10, v15;
	v15 =	vld [tilespmem:s12+$0x0]  }
0x379: {  	s26 =	sor.u32 s20, s7;
	[dreg:$0xc] =	wrdreg s31;
	v10 =	vmax.f32 v10, v11;
	v11 =	vld [tilespmem:s4+$0x0]  }
0x37a: {  	s2 =	rddreg [dreg:$0xd];
	v10 =	vmax.f32 v10, v12;
	v12 =	vld [tilespmem:s26+$0x0]  }
0x37b: {  	s4 =	rddreg [dreg:$0xe];
	v10 =	vmax.f32 v10, v13;
	v13 =	vld [tilespmem:s2+$0x0]  }
0x37c: {  	s23 =	sor.u32 $0x20, s18;
	s12 =	rddreg [dreg:$0xc];
	v10 =	vmax.f32 v10, v14;
	v14 =	vld [tilespmem:s4+$0x0]  }
0x37d: {  	s31 =	sor.u32 s23, s1;
	v10 =	vmax.f32 v10, v15;
	v15 =	vld [tilespmem:s12+$0x0]  }
0x37e: {  	[dreg:$0xa] =	wrdreg s31;
	s31 =	sor.u32 s23, s3;
	v10 =	vmax.f32 v10, v11  }
0x37f: {  	[dreg:$0xb] =	wrdreg s31;
	s31 =	sor.u32 s23, s5;
	v10 =	vmax.f32 v10, v12  }
0x380: {  	[dreg:$0x9] =	wrdreg s31;
	s31 =	sor.u32 s23, s6;
	s15 =	sand.u32 $0x80, s30;
	v10 =	vmax.f32 v10, v13  }
0x381: {  	[dreg:$0x7] =	wrdreg s31;
	s31 =	sadd.s32 $0x5480, s15;
	v10 =	vmax.f32 v10, v14  }
0x382: {  	s0 =	sor.u32 s20, s31;
	v10 =	vmax.f32 v10, v15  }
0x383: {  	s17 =	sor.u32 s23, s11;
	[tilespmem:s0+$0x0] =	vst v10  }
0x384: {  	v10 =	vld [tilespmem:s17+$0x0]  }
0x385: {  	v11 =	vld [tilespmem:s17+$0x80]  }
0x386: {  	v12 =	vld [tilespmem:s17+$0x100]  }
0x387: {  	s16 =	sor.u32 s23, s7;
	v13 =	vld [tilespmem:s17+$0x180]  }
0x388: {  	[dreg:$0x8] =	wrdreg s16;
	s16 =	sor.u32 s23, s8;
	v14 =	vld [tilespmem:s17+$0x200]  }
0x389: {  	[dreg:$0x6] =	wrdreg s16;
	s16 =	sor.u32 s23, s9;
	v15 =	vld [tilespmem:s17+$0x280]  }
0x38a: {  	[dreg:$0x5] =	wrdreg s16;
	v10 =	vmax.f32 v10, v11;
	v11 =	vld [tilespmem:s17+$0x300]  }
0x38b: {  	s19 =	rddreg [dreg:$0xa];
	v10 =	vmax.f32 v10, v12;
	v12 =	vld [tilespmem:s17+$0x380]  }
0x38c: {  	s20 =	rddreg [dreg:$0xb];
	v10 =	vmax.f32 v10, v13;
	v13 =	vld [tilespmem:s19+$0x0]  }
0x38d: {  	s21 =	rddreg [dreg:$0x9];
	v10 =	vmax.f32 v10, v14;
	v14 =	vld [tilespmem:s20+$0x0]  }
0x38e: {  	s22 =	rddreg [dreg:$0x7];
	v10 =	vmax.f32 v10, v15;
	v15 =	vld [tilespmem:s21+$0x0]  }
0x38f: {  	s14 =	sor.u32 s23, s10;
	s16 =	sor.u32 s23, s31;
	s23 =	rddreg [dreg:$0x8];
	v10 =	vmax.f32 v10, v11;
	v11 =	vld [tilespmem:s22+$0x0]  }
0x390: {  	s24 =	rddreg [dreg:$0x6];
	v10 =	vmax.f32 v10, v12;
	v12 =	vld [tilespmem:s23+$0x0]  }
0x391: {  	s26 =	rddreg [dreg:$0x5];
	v10 =	vmax.f32 v10, v13;
	v13 =	vld [tilespmem:s24+$0x0]  }
0x392: {  	v10 =	vmax.f32 v10, v14;
	v14 =	vld [tilespmem:s26+$0x0]  }
0x393: {  	v10 =	vmax.f32 v10, v15;
	v15 =	vld [tilespmem:s14+$0x0]  }
0x394: {  	v10 =	vmax.f32 v10, v11  }
0x395: {  	v10 =	vmax.f32 v10, v12  }
0x396: {  	v10 =	vmax.f32 v10, v13  }
0x397: {  	v10 =	vmax.f32 v10, v14  }
0x398: {  	s4 =	sor.u32 $0x30, s18;
	v10 =	vmax.f32 v10, v15  }
0x399: {  	s28 =	sor.u32 s4, s11;
	[tilespmem:s16+$0x0] =	vst v10  }
0x39a: {  	v10 =	vld [tilespmem:s28+$0x0]  }
0x39b: {  	v11 =	vld [tilespmem:s28+$0x80]  }
0x39c: {  	v12 =	vld [tilespmem:s28+$0x100]  }
0x39d: {  	v13 =	vld [tilespmem:s28+$0x180]  }
0x39e: {  	v14 =	vld [tilespmem:s28+$0x200]  }
0x39f: {  	v15 =	vld [tilespmem:s28+$0x280]  }
0x3a0: {  	v10 =	vmax.f32 v10, v11;
	v11 =	vld [tilespmem:s28+$0x300]  }
0x3a1: {  	s1 =	sor.u32 s4, s1;
	v10 =	vmax.f32 v10, v12;
	v12 =	vld [tilespmem:s28+$0x380]  }
0x3a2: {  	s25 =	sadd.s32 $0x4, s25;
	s3 =	sor.u32 s4, s3;
	v10 =	vmax.f32 v10, v13;
	v13 =	vld [tilespmem:s1+$0x0]  }
0x3a3: {  	p4 =	slt.u32 s25, $0xC;
	s5 =	sor.u32 s4, s5;
	v10 =	vmax.f32 v10, v14;
	v14 =	vld [tilespmem:s3+$0x0]  }
.Ltmp3:
0x3a4: {  	s6 =	sor.u32 s4, s6;
	v15 =	vmax.f32 v10, v15;
	v10 =	vld [tilespmem:s5+$0x0];
	(pc) =	sbr.rel @p4 .LBB2_8-.Ltmp3, $4  }
0x3a5: {  	s7 =	sor.u32 s4, s7;
	v15 =	vmax.f32 v15, v11;
	v11 =	vld [tilespmem:s6+$0x0]  }
0x3a6: {  	s8 =	sor.u32 s4, s8;
	v15 =	vmax.f32 v15, v12;
	v12 =	vld [tilespmem:s7+$0x0]  }
0x3a7: {  	s9 =	sor.u32 s4, s9;
	v15 =	vmax.f32 v15, v13;
	v13 =	vld [tilespmem:s8+$0x0]  }
0x3a8: {  	s29 =	sadd.s32 $0x40, s29;
	s0 =	sor.u32 s4, s10;
	v15 =	vmax.f32 v15, v14;
	v14 =	vld [tilespmem:s9+$0x0]  }
0x3a9: {  	v16 =	vld [tilespmem:s0+$0x0];
	v10 =	vmax.f32 v15, v10  }
0x3aa: {  	v10 =	vmax.f32 v10, v11  }
0x3ab: {  	v10 =	vmax.f32 v10, v12  }
0x3ac: {  	v10 =	vmax.f32 v10, v13  }
0x3ad: {  	v10 =	vmax.f32 v10, v14  }
0x3ae: {  	s29 =	sor.u32 s4, s31;
	v10 =	vmax.f32 v10, v16  }
0x3af: {  	s30 =	rddreg [dreg:$0x14];
	s1 =	simm.s32 $0x5480;
	s11 =	simm.s32 $0x1;
	[tilespmem:s29+$0x0] =	vst v10  }
0x3b0: {  	[spmem:s30] =	stream.linear.scatter [tilespmem:s1], [sflag:$0x1], $0x100, $0x38;
	[tilespmem:$0xB680] =	vst v63  }
0x3b1: {  	_ =	swait.ge [sflag:s11], $0x100  }
0x3b2: {  	[sflag:s11] =	ssyncset.done $0x0  }
0x3b3: {  	[sflag:s11] =	ssyncadd.s32 $0xFFFFFF00  }
0x3b4: {  	[bflag:$0x0] =	sbarrier.arrive $0xFFFF  }
.Ltmp4:
0x3b5: {  	s8 =	simm.s32 $0x3480;
	s31 =	rddreg [dreg:$0x2];
	(pc) =	sbr.rel @p2 .LBB2_10-.Ltmp4, $4  }
0x3b6: {  	[tilespmem:s8], [sflag:$0x1] =	stream.linear.gather [spmem:s31], $0x1000, $0x38;
	[tilespmem:$0xB680] =	vst v63  }
0x3b7: {  	_ =	swait.ge [sflag:s11], $0x1000  }
0x3b8: {  	[sflag:s11] =	ssyncset.done $0x0  }
0x3b9: {  	[sflag:s11] =	ssyncadd.s32 $0xFFFFF000  }
.Ltmp5:
0x3ba: {  	(pc) =	sbr.rel @p3 .LBB2_17-.Ltmp5, $4  }
0x3bb: {  	_ = 	snop  }
0x3bc: {  	s13 =	rddreg [dreg:$0x15]  }
0x3bd: {  	s15 =	rddreg [dreg:$0x17]  }
0x3be: {  	v10 =	vimm.f32 $-1.000000000e+09;
	s12 =	simm.s32 $0x0;
	s5 =	simm.s32 $0x5580;
	s6 =	sld [smem:$0x7FD]  }
0x3bf: {  	s2 =	rddreg [dreg:$0x1d]  }
0x3c0: {  	s0 =	sand.u32 $0x380, s2  }
0x3c1: {  	s1 =	sand.u32 $0x40, s2;
	s0 =	sadd.s32 s0, s13  }
0x3c2: {  	s1 =	sadd.s32 s1, s0  }
0x3c3: {  	v11 =	vld [tilespmem:s1+$0x0];
	_ =	sdelay $0x4  }
0x3c4: {  	(xrf0) =	vmax.scan.msk.f32 $0xffff, v11;
	_ =	sdelay $0x5  }
0x3c5: {  	s28 =	sadd.s32 $0x10, s2;
	v11, _, _ =	vpop (xrf0)  }
0x3c6: {  	s4 =	rddreg [dreg:$0x1f];
	s1 =	sand.u32 $0x50, s28;
	v10 =	vmax.f32 v11, v10  }
0x3c7: {  	s1 =	sadd.s32 s1, s0;
	[tilespmem:s4+$0xFFFFFFE0] =	vst v10  }
0x3c8: {  	v11 =	vld [tilespmem:s1+$0x0];
	_ =	sdelay $0x4  }
0x3c9: {  	(xrf0) =	vmax.scan.msk.f32 $0xffff, v11;
	_ =	sdelay $0x4  }
0x3ca: {  	v10 =	vbroadcast v10, $0xF  }
0x3cb: {  	s29 =	sadd.s32 $0x20, s2;
	v11, _, _ =	vpop (xrf0)  }
0x3cc: {  	s1 =	sand.u32 $0x60, s29;
	v10 =	vmax.f32 v11, v10  }
0x3cd: {  	s1 =	sadd.s32 s1, s0;
	[tilespmem:s4+$0xFFFFFFF0] =	vst v10  }
0x3ce: {  	v11 =	vld [tilespmem:s1+$0x0];
	_ =	sdelay $0x4  }
0x3cf: {  	(xrf0) =	vmax.scan.msk.f32 $0xffff, v11;
	_ =	sdelay $0x4  }
0x3d0: {  	v10 =	vbroadcast v10, $0xF  }
0x3d1: {  	s30 =	sadd.s32 $0x30, s2;
	v11, _, _ =	vpop (xrf0)  }
0x3d2: {  	s1 =	sand.u32 $0x70, s30;
	v10 =	vmax.f32 v11, v10  }
0x3d3: {  	s0 =	sadd.s32 s1, s0;
	[tilespmem:s4+$0x0] =	vst v10  }
0x3d4: {  	v11 =	vld [tilespmem:s0+$0x0];
	_ =	sdelay $0x2  }
0x3d5: {  	s31 =	rddreg [dreg:$0x1c]  }
0x3d6: {  	s0 =	sadd.s32 $0x4, s31  }
0x3d7: {  	p4 =	slt.u32 s0, $0x3C;
	(xrf0) =	vmax.scan.msk.f32 $0xffff, v11  }
.Ltmp6:
0x3d8: {  	_ = 	snop;
	(pc) =	sbr.rel @!p4 .LBB2_16-.Ltmp6, $2  }
0x3d9: {  	_ =	sdelay $0x2  }
0x3da: {  	s3 =	sadd.s32 $0x40, s2;
	s1 =	smov.u32 s4;
	v10 =	vbroadcast v10, $0xF  }
.LBB2_15:
0x3db: {  	s2 =	sand.u32 $0x380, s3;
	s0 =	sadd.s32 $0x4, s0;
	v11, _, _ =	vpop (xrf0)  }
0x3dc: {  	s4 =	sand.u32 $0x40, s3;
	s2 =	sadd.s32 s2, s13;
	p4 =	slt.u32 s0, $0x3C;
	v10 =	vmax.f32 v11, v10  }
0x3dd: {  	s4 =	sadd.s32 s4, s2;
	[tilespmem:s1+$0x10] =	vst v10;
	v10 =	vbroadcast v10, $0xF  }
0x3de: {  	v11 =	vld [tilespmem:s4+$0x0];
	_ =	sdelay $0x4  }
0x3df: {  	(xrf0) =	vmax.scan.msk.f32 $0xffff, v11;
	_ =	sdelay $0x5  }
0x3e0: {  	s4 =	sadd.s32 $0x10, s3;
	v11, _, _ =	vpop (xrf0)  }
0x3e1: {  	s1 =	sadd.s32 $0x40, s1;
	s4 =	sand.u32 $0x50, s4;
	v10 =	vmax.f32 v11, v10  }
0x3e2: {  	s4 =	sadd.s32 s4, s2;
	[tilespmem:s1+$0xFFFFFFE0] =	vst v10;
	v10 =	vbroadcast v10, $0xF  }
0x3e3: {  	v11 =	vld [tilespmem:s4+$0x0];
	_ =	sdelay $0x4  }
0x3e4: {  	(xrf0) =	vmax.scan.msk.f32 $0xffff, v11;
	_ =	sdelay $0x5  }
0x3e5: {  	s4 =	sadd.s32 $0x20, s3;
	v11, _, _ =	vpop (xrf0)  }
0x3e6: {  	s4 =	sand.u32 $0x60, s4;
	v10 =	vmax.f32 v11, v10  }
0x3e7: {  	s4 =	sadd.s32 s4, s2;
	[tilespmem:s1+$0xFFFFFFF0] =	vst v10;
	v10 =	vbroadcast v10, $0xF  }
0x3e8: {  	v11 =	vld [tilespmem:s4+$0x0];
	_ =	sdelay $0x4  }
0x3e9: {  	(xrf0) =	vmax.scan.msk.f32 $0xffff, v11;
	_ =	sdelay $0x5  }
0x3ea: {  	s4 =	sadd.s32 $0x30, s3;
	v11, _, _ =	vpop (xrf0)  }
0x3eb: {  	s4 =	sand.u32 $0x70, s4;
	v10 =	vmax.f32 v11, v10  }
0x3ec: {  	s2 =	sadd.s32 s4, s2;
	[tilespmem:s1+$0x0] =	vst v10;
	v10 =	vbroadcast v10, $0xF  }
0x3ed: {  	v11 =	vld [tilespmem:s2+$0x0];
	_ =	sdelay $0x4  }
0x3ee: {  	(xrf0) =	vmax.scan.msk.f32 $0xffff, v11  }
.Ltmp7:
0x3ef: {  	(pc) =	sbr.rel @p4 .LBB2_15-.Ltmp7, $2  }
0x3f0: {  	_ =	sdelay $0x2  }
0x3f1: {  	s3 =	sadd.s32 $0x40, s3  }
.LBB2_16:
.Ltmp8:
0x3f2: {  	(pc) =	sbr.rel .LBB2_17-.Ltmp8, $4  }
0x3f3: {  	_ = 	snop  }
0x3f4: {  	v11, _, _ =	vpop (xrf0)  }
0x3f5: {  	v10 =	vmax.f32 v11, v10  }
0x3f6: {  	[tilespmem:s1+$0x10] =	vst v10  }
.LBB2_10:
0x3f7: {  	s1 =	simm.s32 $0x3F0  }
0x3f8: {  	s14 =	rddreg [dreg:$0x16];
	s2 =	sand.u32 $0x380, s1  }
0x3f9: {  	s1 =	sand.u32 $0x70, s1;
	s2 =	sadd.s32 s2, s14  }
0x3fa: {  	s1 =	sadd.s32 s1, s2  }
0x3fb: {  	v11 =	vld [tilespmem:s1+$0x0];
	_ =	sdelay $0x4  }
0x3fc: {  	v12 =	vsub.f32 $0.0e+00, v11  }
0x3fd: {  	vm0 =	vlt.f32 v11, $-1.000000000e+08  }
0x3fe: {  	v11 =	vsel vm0, $0xCE6E6B28, v12  }
0x3ff: {  	v11 =	vperm.xlane v11, v8;
	_ =	sdelay $0x1  }
0x400: {  	(xrf0) =	vmax.scan.msk.f32 $0xffff, v11;
	_ =	sdelay $0x5  }
0x401: {  	v11, _, _ =	vpop (xrf0)  }
0x402: {  	v11 =	vperm.xlane v11, v8;
	_ =	sdelay $0x1  }
0x403: {  	s26 =	simm.s32 $0x3E0;
	v11 =	vsub.f32 $0.0e+00, v11  }
0x404: {  	v10 =	vimm.f32 $1.000000000e+09;
	s28 =	sand.u32 $0x380, s26  }
0x405: {  	s24 =	simm.s32 $0xA170;
	s2 =	sadd.s32 s28, s14;
	s1 =	sand.u32 $0x60, s26;
	v10 =	vmin.f32 v11, v10  }
0x406: {  	s1 =	sadd.s32 s1, s2;
	[tilespmem:s24+$0x0] =	vst v10  }
0x407: {  	v11 =	vld [tilespmem:s1+$0x0];
	_ =	sdelay $0x4  }
0x408: {  	v61 =	vsub.f32 $0.0e+00, v11  }
0x409: {  	vm13 =	vlt.f32 v11, $-1.000000000e+08  }
0x40a: {  	v11 =	vsel vm13, $0xCE6E6B28, v61  }
0x40b: {  	v11 =	vperm.xlane v11, v8;
	_ =	sdelay $0x1  }
0x40c: {  	(xrf0) =	vmax.scan.msk.f32 $0xffff, v11;
	_ =	sdelay $0x5  }
0x40d: {  	v11, _, _ =	vpop (xrf0)  }
0x40e: {  	v11 =	vperm.xlane v11, v8;
	_ =	sdelay $0x1  }
0x40f: {  	s29 =	simm.s32 $0x3D0;
	v10 =	vbroadcast v10, $0x0;
	v11 =	vsub.f32 $0.0e+00, v11  }
0x410: {  	s30 =	sand.u32 $0x380, s29  }
0x411: {  	s2 =	sadd.s32 s30, s14;
	s1 =	sand.u32 $0x50, s29;
	v10 =	vmin.f32 v11, v10  }
0x412: {  	s1 =	sadd.s32 s1, s2;
	[tilespmem:s24+$0xFFFFFFF0] =	vst v10  }
0x413: {  	v11 =	vld [tilespmem:s1+$0x0];
	_ =	sdelay $0x4  }
0x414: {  	v62 =	vsub.f32 $0.0e+00, v11  }
0x415: {  	vm14 =	vlt.f32 v11, $-1.000000000e+08  }
0x416: {  	v11 =	vsel vm14, $0xCE6E6B28, v62  }
0x417: {  	v11 =	vperm.xlane v11, v8;
	_ =	sdelay $0x1  }
0x418: {  	(xrf0) =	vmax.scan.msk.f32 $0xffff, v11;
	_ =	sdelay $0x5  }
0x419: {  	v11, _, _ =	vpop (xrf0)  }
0x41a: {  	v11 =	vperm.xlane v11, v8;
	_ =	sdelay $0x1  }
0x41b: {  	s0 =	simm.s32 $0x3C0;
	v10 =	vbroadcast v10, $0x0;
	v11 =	vsub.f32 $0.0e+00, v11  }
0x41c: {  	s31 =	sand.u32 $0x380, s0  }
0x41d: {  	s0 =	sand.u32 $0x40, s0;
	s1 =	sadd.s32 s31, s14;
	v10 =	vmin.f32 v11, v10  }
0x41e: {  	s0 =	sadd.s32 s0, s1;
	[tilespmem:s24+$0xFFFFFFE0] =	vst v10  }
0x41f: {  	v11 =	vld [tilespmem:s0+$0x0];
	_ =	sdelay $0x4  }
0x420: {  	v63 =	vsub.f32 $0.0e+00, v11  }
0x421: {  	vm15 =	vlt.f32 v11, $-1.000000000e+08  }
0x422: {  	v11 =	vsel vm15, $0xCE6E6B28, v63  }
0x423: {  	v11 =	vperm.xlane v11, v8;
	_ =	sdelay $0x1  }
0x424: {  	(xrf0) =	vmax.scan.msk.f32 $0xffff, v11;
	_ =	sdelay $0x5  }
0x425: {  	s15 =	rddreg [dreg:$0x17];
	v11, _, _ =	vpop (xrf0)  }
0x426: {  	s5 =	simm.s32 $0x5580;
	s6 =	sld [smem:$0x7FD];
	v11 =	vperm.xlane v11, v8  }
0x427: {  	s12 =	simm.s32 $0x0;
	s1 =	simm.s32 $0x380;
	v10 =	vbroadcast v10, $0x0;
	s0 =	simm.s32 $0x0  }
.LBB2_11:
0x428: {  	s2 =	sadd.s32 $0x30, s1;
	s0 =	sadd.s32 $0x4, s0;
	v11 =	vsub.f32 $0.0e+00, v11  }
0x429: {  	s3 =	sand.u32 $0x380, s2;
	p4 =	slt.u32 s0, $0x3C  }
0x42a: {  	s2 =	sand.u32 $0x70, s2;
	s3 =	sadd.s32 s3, s14;
	v10 =	vmin.f32 v11, v10  }
0x42b: {  	s2 =	sadd.s32 s2, s3;
	[tilespmem:s24+$0xFFFFFFD0] =	vst v10;
	v10 =	vbroadcast v10, $0x0  }
0x42c: {  	v11 =	vld [tilespmem:s2+$0x0];
	_ =	sdelay $0x4  }
0x42d: {  	v12 =	vsub.f32 $0.0e+00, v11  }
0x42e: {  	vm0 =	vlt.f32 v11, $-1.000000000e+08  }
0x42f: {  	v11 =	vsel vm0, $0xCE6E6B28, v12  }
0x430: {  	v11 =	vperm.xlane v11, v8;
	_ =	sdelay $0x1  }
0x431: {  	(xrf0) =	vmax.scan.msk.f32 $0xffff, v11;
	_ =	sdelay $0x5  }
0x432: {  	v11, _, _ =	vpop (xrf0)  }
0x433: {  	v11 =	vperm.xlane v11, v8;
	_ =	sdelay $0x1  }
0x434: {  	s2 =	sadd.s32 $0x20, s1;
	v11 =	vsub.f32 $0.0e+00, v11  }
0x435: {  	s3 =	sand.u32 $0x380, s2  }
0x436: {  	s24 =	sadd.s32 $0xFFFFFFC0, s24;
	s2 =	sand.u32 $0x60, s2;
	s3 =	sadd.s32 s3, s14;
	v10 =	vmin.f32 v11, v10  }
0x437: {  	s2 =	sadd.s32 s2, s3;
	[tilespmem:s24+$0x0] =	vst v10;
	v10 =	vbroadcast v10, $0x0  }
0x438: {  	v11 =	vld [tilespmem:s2+$0x0];
	_ =	sdelay $0x4  }
0x439: {  	v12 =	vsub.f32 $0.0e+00, v11  }
0x43a: {  	vm0 =	vlt.f32 v11, $-1.000000000e+08  }
0x43b: {  	v11 =	vsel vm0, $0xCE6E6B28, v12  }
0x43c: {  	v11 =	vperm.xlane v11, v8;
	_ =	sdelay $0x1  }
0x43d: {  	(xrf0) =	vmax.scan.msk.f32 $0xffff, v11;
	_ =	sdelay $0x5  }
0x43e: {  	v11, _, _ =	vpop (xrf0)  }
0x43f: {  	v11 =	vperm.xlane v11, v8;
	_ =	sdelay $0x1  }
0x440: {  	s2 =	sadd.s32 $0x10, s1;
	v11 =	vsub.f32 $0.0e+00, v11  }
0x441: {  	s3 =	sand.u32 $0x380, s2  }
0x442: {  	s2 =	sand.u32 $0x50, s2;
	s3 =	sadd.s32 s3, s14;
	v10 =	vmin.f32 v11, v10  }
0x443: {  	s2 =	sadd.s32 s2, s3;
	[tilespmem:s24+$0xFFFFFFF0] =	vst v10;
	v10 =	vbroadcast v10, $0x0  }
0x444: {  	v11 =	vld [tilespmem:s2+$0x0];
	_ =	sdelay $0x4  }
0x445: {  	v12 =	vsub.f32 $0.0e+00, v11  }
0x446: {  	vm0 =	vlt.f32 v11, $-1.000000000e+08  }
0x447: {  	v11 =	vsel vm0, $0xCE6E6B28, v12  }
0x448: {  	v11 =	vperm.xlane v11, v8;
	_ =	sdelay $0x1  }
0x449: {  	(xrf0) =	vmax.scan.msk.f32 $0xffff, v11;
	_ =	sdelay $0x5  }
0x44a: {  	v11, _, _ =	vpop (xrf0)  }
0x44b: {  	v11 =	vperm.xlane v11, v8;
	_ =	sdelay $0x1  }
0x44c: {  	v11 =	vsub.f32 $0.0e+00, v11  }
0x44d: {  	s2 =	sand.u32 $0x380, s1  }
0x44e: {  	s3 =	sand.u32 $0x40, s1;
	s2 =	sadd.s32 s2, s14;
	v10 =	vmin.f32 v11, v10  }
0x44f: {  	s2 =	sadd.s32 s3, s2;
	[tilespmem:s24+$0xFFFFFFE0] =	vst v10;
	v10 =	vbroadcast v10, $0x0  }
0x450: {  	v11 =	vld [tilespmem:s2+$0x0];
	_ =	sdelay $0x4  }
0x451: {  	v12 =	vsub.f32 $0.0e+00, v11  }
0x452: {  	vm0 =	vlt.f32 v11, $-1.000000000e+08  }
0x453: {  	v11 =	vsel vm0, $0xCE6E6B28, v12  }
0x454: {  	v11 =	vperm.xlane v11, v8;
	_ =	sdelay $0x1  }
0x455: {  	(xrf0) =	vmax.scan.msk.f32 $0xffff, v11;
	_ =	sdelay $0x3  }
.Ltmp9:
0x456: {  	(pc) =	sbr.rel @p4 .LBB2_11-.Ltmp9, $4  }
0x457: {  	_ = 	snop  }
0x458: {  	v11, _, _ =	vpop (xrf0)  }
0x459: {  	v11 =	vperm.xlane v11, v8  }
0x45a: {  	s1 =	sadd.s32 $0xFFFFFFC0, s1  }
0x45b: {  	v11 =	vsub.f32 $0.0e+00, v11;
	_ =	sdelay $0x1  }
0x45c: {  	v10 =	vmin.f32 v11, v10  }
0x45d: {  	[tilespmem:s24+$0xFFFFFFD0] =	vst v10  }
.LBB2_17:
.Ltmp10:
0x45e: {  	(pc) =	sbr.rel @!p0 .LBB2_21-.Ltmp10, $1  }
0x45f: {  	_ =	sdelay $0x3  }
0x460: {  	s0 =	simm.s32 $0x0  }
0x461: {  	s1 =	sand.u32 $0x380, s0  }
0x462: {  	s0 =	sand.u32 $0x40, s0;
	s1 =	sadd.s32 s1, s15  }
0x463: {  	s0 =	sadd.s32 s0, s1  }
0x464: {  	v10 =	vld [tilespmem:s0+$0x0];
	_ =	sdelay $0x4  }
0x465: {  	(xrf0) =	vmax.scan.msk.f32 $0xffff, v10;
	_ =	sdelay $0x5  }
0x466: {  	s2 =	simm.s32 $0x10;
	v10 =	vimm.f32 $-1.000000000e+09;
	v11, _, _ =	vpop (xrf0)  }
0x467: {  	s2 =	sand.u32 $0x50, s2;
	s0 =	simm.s32 $0x9DA0;
	v10 =	vmax.f32 v11, v10  }
0x468: {  	s2 =	sadd.s32 s2, s1;
	[tilespmem:s0+$0xFFFFFFE0] =	vst v10  }
0x469: {  	v11 =	vld [tilespmem:s2+$0x0];
	_ =	sdelay $0x4  }
0x46a: {  	(xrf0) =	vmax.scan.msk.f32 $0xffff, v11;
	_ =	sdelay $0x4  }
0x46b: {  	v10 =	vbroadcast v10, $0xF  }
0x46c: {  	s30 =	simm.s32 $0x20;
	v11, _, _ =	vpop (xrf0)  }
0x46d: {  	s2 =	sand.u32 $0x60, s30;
	v10 =	vmax.f32 v11, v10  }
0x46e: {  	s2 =	sadd.s32 s2, s1;
	[tilespmem:s0+$0xFFFFFFF0] =	vst v10  }
0x46f: {  	v11 =	vld [tilespmem:s2+$0x0];
	_ =	sdelay $0x4  }
0x470: {  	(xrf0) =	vmax.scan.msk.f32 $0xffff, v11;
	_ =	sdelay $0x4  }
0x471: {  	v10 =	vbroadcast v10, $0xF  }
0x472: {  	s31 =	simm.s32 $0x30;
	v11, _, _ =	vpop (xrf0)  }
0x473: {  	s2 =	sand.u32 $0x70, s31;
	v10 =	vmax.f32 v11, v10  }
0x474: {  	s1 =	sadd.s32 s2, s1;
	[tilespmem:s0+$0x0] =	vst v10  }
0x475: {  	v11 =	vld [tilespmem:s1+$0x0];
	_ =	sdelay $0x4  }
0x476: {  	(xrf0) =	vmax.scan.msk.f32 $0xffff, v11;
	_ =	sdelay $0x4  }
0x477: {  	s3 =	simm.s32 $0x40;
	v10 =	vbroadcast v10, $0xF;
	s1 =	simm.s32 $0x0  }
.LBB2_19:
0x478: {  	s2 =	sand.u32 $0x380, s3;
	s1 =	sadd.s32 $0x4, s1;
	v11, _, _ =	vpop (xrf0)  }
0x479: {  	s4 =	sand.u32 $0x40, s3;
	s2 =	sadd.s32 s2, s15;
	p4 =	slt.u32 s1, $0x3C;
	v10 =	vmax.f32 v11, v10  }
0x47a: {  	s4 =	sadd.s32 s4, s2;
	[tilespmem:s0+$0x10] =	vst v10;
	v10 =	vbroadcast v10, $0xF  }
0x47b: {  	v11 =	vld [tilespmem:s4+$0x0];
	_ =	sdelay $0x4  }
0x47c: {  	(xrf0) =	vmax.scan.msk.f32 $0xffff, v11;
	_ =	sdelay $0x5  }
0x47d: {  	s4 =	sadd.s32 $0x10, s3;
	v11, _, _ =	vpop (xrf0)  }
0x47e: {  	s0 =	sadd.s32 $0x40, s0;
	s4 =	sand.u32 $0x50, s4;
	v10 =	vmax.f32 v11, v10  }
0x47f: {  	s4 =	sadd.s32 s4, s2;
	[tilespmem:s0+$0xFFFFFFE0] =	vst v10;
	v10 =	vbroadcast v10, $0xF  }
0x480: {  	v11 =	vld [tilespmem:s4+$0x0];
	_ =	sdelay $0x4  }
0x481: {  	(xrf0) =	vmax.scan.msk.f32 $0xffff, v11;
	_ =	sdelay $0x5  }
0x482: {  	s4 =	sadd.s32 $0x20, s3;
	v11, _, _ =	vpop (xrf0)  }
0x483: {  	s4 =	sand.u32 $0x60, s4;
	v10 =	vmax.f32 v11, v10  }
0x484: {  	s4 =	sadd.s32 s4, s2;
	[tilespmem:s0+$0xFFFFFFF0] =	vst v10;
	v10 =	vbroadcast v10, $0xF  }
0x485: {  	v11 =	vld [tilespmem:s4+$0x0];
	_ =	sdelay $0x4  }
0x486: {  	(xrf0) =	vmax.scan.msk.f32 $0xffff, v11;
	_ =	sdelay $0x5  }
0x487: {  	s4 =	sadd.s32 $0x30, s3;
	v11, _, _ =	vpop (xrf0)  }
0x488: {  	s4 =	sand.u32 $0x70, s4;
	v10 =	vmax.f32 v11, v10  }
0x489: {  	s2 =	sadd.s32 s4, s2;
	[tilespmem:s0+$0x0] =	vst v10;
	v10 =	vbroadcast v10, $0xF  }
0x48a: {  	v11 =	vld [tilespmem:s2+$0x0];
	_ =	sdelay $0x4  }
0x48b: {  	(xrf0) =	vmax.scan.msk.f32 $0xffff, v11  }
.Ltmp11:
0x48c: {  	(pc) =	sbr.rel @p4 .LBB2_19-.Ltmp11, $2  }
0x48d: {  	_ =	sdelay $0x2  }
0x48e: {  	s3 =	sadd.s32 $0x40, s3  }
0x48f: {  	v11, _, _ =	vpop (xrf0)  }
0x490: {  	v10 =	vmax.f32 v11, v10  }
0x491: {  	[tilespmem:s0+$0x10] =	vst v10  }
.LBB2_21:
.Ltmp12:
0x492: {  	(pc) =	sbr.rel @!p1 .LBB2_25-.Ltmp12, $1  }
0x493: {  	_ =	sdelay $0x3  }
0x494: {  	s0 =	simm.s32 $0x3F0  }
0x495: {  	s1 =	sand.u32 $0x380, s0  }
0x496: {  	s0 =	sand.u32 $0x70, s0;
	s1 =	sadd.s32 s1, s15  }
0x497: {  	s0 =	sadd.s32 s0, s1  }
0x498: {  	v10 =	vld [tilespmem:s0+$0x0];
	_ =	sdelay $0x4  }
0x499: {  	v11 =	vsub.f32 $0.0e+00, v10  }
0x49a: {  	vm0 =	vlt.f32 v10, $-1.000000000e+08  }
0x49b: {  	v10 =	vsel vm0, $0xCE6E6B28, v11  }
0x49c: {  	v10 =	vperm.xlane v10, v8;
	_ =	sdelay $0x1  }
0x49d: {  	(xrf0) =	vmax.scan.msk.f32 $0xffff, v10;
	_ =	sdelay $0x5  }
0x49e: {  	v10, _, _ =	vpop (xrf0)  }
0x49f: {  	v10 =	vperm.xlane v10, v8;
	_ =	sdelay $0x1  }
0x4a0: {  	s25 =	simm.s32 $0x3E0;
	v10 =	vsub.f32 $0.0e+00, v10  }
0x4a1: {  	s26 =	sand.u32 $0x380, s25;
	v11 =	vimm.f32 $1.000000000e+09  }
0x4a2: {  	s24 =	simm.s32 $0xA170;
	s1 =	sadd.s32 s26, s15;
	s0 =	sand.u32 $0x60, s25;
	v10 =	vmin.f32 v10, v11  }
0x4a3: {  	s0 =	sadd.s32 s0, s1;
	[tilespmem:s24+$0x0] =	vst v10  }
0x4a4: {  	v11 =	vld [tilespmem:s0+$0x0];
	_ =	sdelay $0x4  }
0x4a5: {  	v12 =	vsub.f32 $0.0e+00, v11  }
0x4a6: {  	vm13 =	vlt.f32 v11, $-1.000000000e+08  }
0x4a7: {  	v11 =	vsel vm13, $0xCE6E6B28, v12  }
0x4a8: {  	v11 =	vperm.xlane v11, v8;
	_ =	sdelay $0x1  }
0x4a9: {  	(xrf0) =	vmax.scan.msk.f32 $0xffff, v11;
	_ =	sdelay $0x5  }
0x4aa: {  	v11, _, _ =	vpop (xrf0)  }
0x4ab: {  	v11 =	vperm.xlane v11, v8;
	_ =	sdelay $0x1  }
0x4ac: {  	s28 =	simm.s32 $0x3D0;
	v10 =	vbroadcast v10, $0x0;
	v11 =	vsub.f32 $0.0e+00, v11  }
0x4ad: {  	s29 =	sand.u32 $0x380, s28  }
0x4ae: {  	s1 =	sadd.s32 s29, s15;
	s0 =	sand.u32 $0x50, s28;
	v10 =	vmin.f32 v11, v10  }
0x4af: {  	s0 =	sadd.s32 s0, s1;
	[tilespmem:s24+$0xFFFFFFF0] =	vst v10  }
0x4b0: {  	v11 =	vld [tilespmem:s0+$0x0];
	_ =	sdelay $0x4  }
0x4b1: {  	v62 =	vsub.f32 $0.0e+00, v11  }
0x4b2: {  	vm14 =	vlt.f32 v11, $-1.000000000e+08  }
0x4b3: {  	v11 =	vsel vm14, $0xCE6E6B28, v62  }
0x4b4: {  	v11 =	vperm.xlane v11, v8;
	_ =	sdelay $0x1  }
0x4b5: {  	(xrf0) =	vmax.scan.msk.f32 $0xffff, v11;
	_ =	sdelay $0x5  }
0x4b6: {  	v11, _, _ =	vpop (xrf0)  }
0x4b7: {  	v11 =	vperm.xlane v11, v8;
	_ =	sdelay $0x1  }
0x4b8: {  	s30 =	simm.s32 $0x3C0;
	v10 =	vbroadcast v10, $0x0;
	v11 =	vsub.f32 $0.0e+00, v11  }
0x4b9: {  	s31 =	sand.u32 $0x380, s30  }
0x4ba: {  	s1 =	sadd.s32 s31, s15;
	s0 =	sand.u32 $0x40, s30;
	v10 =	vmin.f32 v11, v10  }
0x4bb: {  	s0 =	sadd.s32 s0, s1;
	[tilespmem:s24+$0xFFFFFFE0] =	vst v10  }
0x4bc: {  	v11 =	vld [tilespmem:s0+$0x0];
	_ =	sdelay $0x4  }
0x4bd: {  	v63 =	vsub.f32 $0.0e+00, v11  }
0x4be: {  	vm15 =	vlt.f32 v11, $-1.000000000e+08  }
0x4bf: {  	v11 =	vsel vm15, $0xCE6E6B28, v63  }
0x4c0: {  	v11 =	vperm.xlane v11, v8;
	_ =	sdelay $0x1  }
0x4c1: {  	(xrf0) =	vmax.scan.msk.f32 $0xffff, v11;
	_ =	sdelay $0x5  }
0x4c2: {  	v11, _, _ =	vpop (xrf0)  }
0x4c3: {  	v11 =	vperm.xlane v11, v8  }
0x4c4: {  	s1 =	simm.s32 $0x380;
	v10 =	vbroadcast v10, $0x0;
	s0 =	simm.s32 $0x0  }
.LBB2_23:
0x4c5: {  	s2 =	sadd.s32 $0x30, s1;
	s0 =	sadd.s32 $0x4, s0;
	v11 =	vsub.f32 $0.0e+00, v11  }
0x4c6: {  	s3 =	sand.u32 $0x380, s2;
	p4 =	slt.u32 s0, $0x3C  }
0x4c7: {  	s2 =	sand.u32 $0x70, s2;
	s3 =	sadd.s32 s3, s15;
	v10 =	vmin.f32 v11, v10  }
0x4c8: {  	s2 =	sadd.s32 s2, s3;
	[tilespmem:s24+$0xFFFFFFD0] =	vst v10;
	v10 =	vbroadcast v10, $0x0  }
0x4c9: {  	v11 =	vld [tilespmem:s2+$0x0];
	_ =	sdelay $0x4  }
0x4ca: {  	v12 =	vsub.f32 $0.0e+00, v11  }
0x4cb: {  	vm0 =	vlt.f32 v11, $-1.000000000e+08  }
0x4cc: {  	v11 =	vsel vm0, $0xCE6E6B28, v12  }
0x4cd: {  	v11 =	vperm.xlane v11, v8;
	_ =	sdelay $0x1  }
0x4ce: {  	(xrf0) =	vmax.scan.msk.f32 $0xffff, v11;
	_ =	sdelay $0x5  }
0x4cf: {  	v11, _, _ =	vpop (xrf0)  }
0x4d0: {  	v11 =	vperm.xlane v11, v8;
	_ =	sdelay $0x1  }
0x4d1: {  	s2 =	sadd.s32 $0x20, s1;
	v11 =	vsub.f32 $0.0e+00, v11  }
0x4d2: {  	s3 =	sand.u32 $0x380, s2  }
0x4d3: {  	s24 =	sadd.s32 $0xFFFFFFC0, s24;
	s2 =	sand.u32 $0x60, s2;
	s3 =	sadd.s32 s3, s15;
	v10 =	vmin.f32 v11, v10  }
0x4d4: {  	s2 =	sadd.s32 s2, s3;
	[tilespmem:s24+$0x0] =	vst v10;
	v10 =	vbroadcast v10, $0x0  }
0x4d5: {  	v11 =	vld [tilespmem:s2+$0x0];
	_ =	sdelay $0x4  }
0x4d6: {  	v12 =	vsub.f32 $0.0e+00, v11  }
0x4d7: {  	vm0 =	vlt.f32 v11, $-1.000000000e+08  }
0x4d8: {  	v11 =	vsel vm0, $0xCE6E6B28, v12  }
0x4d9: {  	v11 =	vperm.xlane v11, v8;
	_ =	sdelay $0x1  }
0x4da: {  	(xrf0) =	vmax.scan.msk.f32 $0xffff, v11;
	_ =	sdelay $0x5  }
0x4db: {  	v11, _, _ =	vpop (xrf0)  }
0x4dc: {  	v11 =	vperm.xlane v11, v8;
	_ =	sdelay $0x1  }
0x4dd: {  	s2 =	sadd.s32 $0x10, s1;
	v11 =	vsub.f32 $0.0e+00, v11  }
0x4de: {  	s3 =	sand.u32 $0x380, s2  }
0x4df: {  	s2 =	sand.u32 $0x50, s2;
	s3 =	sadd.s32 s3, s15;
	v10 =	vmin.f32 v11, v10  }
0x4e0: {  	s2 =	sadd.s32 s2, s3;
	[tilespmem:s24+$0xFFFFFFF0] =	vst v10;
	v10 =	vbroadcast v10, $0x0  }
0x4e1: {  	v11 =	vld [tilespmem:s2+$0x0];
	_ =	sdelay $0x4  }
0x4e2: {  	v12 =	vsub.f32 $0.0e+00, v11  }
0x4e3: {  	vm0 =	vlt.f32 v11, $-1.000000000e+08  }
0x4e4: {  	v11 =	vsel vm0, $0xCE6E6B28, v12  }
0x4e5: {  	v11 =	vperm.xlane v11, v8;
	_ =	sdelay $0x1  }
0x4e6: {  	(xrf0) =	vmax.scan.msk.f32 $0xffff, v11;
	_ =	sdelay $0x5  }
0x4e7: {  	v11, _, _ =	vpop (xrf0)  }
0x4e8: {  	v11 =	vperm.xlane v11, v8;
	_ =	sdelay $0x1  }
0x4e9: {  	v11 =	vsub.f32 $0.0e+00, v11  }
0x4ea: {  	s2 =	sand.u32 $0x380, s1  }
0x4eb: {  	s3 =	sand.u32 $0x40, s1;
	s2 =	sadd.s32 s2, s15;
	v10 =	vmin.f32 v11, v10  }
0x4ec: {  	s2 =	sadd.s32 s3, s2;
	[tilespmem:s24+$0xFFFFFFE0] =	vst v10;
	v10 =	vbroadcast v10, $0x0  }
0x4ed: {  	v11 =	vld [tilespmem:s2+$0x0];
	_ =	sdelay $0x4  }
0x4ee: {  	v12 =	vsub.f32 $0.0e+00, v11  }
0x4ef: {  	vm0 =	vlt.f32 v11, $-1.000000000e+08  }
0x4f0: {  	v11 =	vsel vm0, $0xCE6E6B28, v12  }
0x4f1: {  	v11 =	vperm.xlane v11, v8;
	_ =	sdelay $0x1  }
0x4f2: {  	(xrf0) =	vmax.scan.msk.f32 $0xffff, v11;
	_ =	sdelay $0x3  }
.Ltmp13:
0x4f3: {  	(pc) =	sbr.rel @p4 .LBB2_23-.Ltmp13, $4  }
0x4f4: {  	_ = 	snop  }
0x4f5: {  	v11, _, _ =	vpop (xrf0)  }
0x4f6: {  	v11 =	vperm.xlane v11, v8  }
0x4f7: {  	s1 =	sadd.s32 $0xFFFFFFC0, s1  }
0x4f8: {  	v11 =	vsub.f32 $0.0e+00, v11;
	_ =	sdelay $0x1  }
0x4f9: {  	v10 =	vmin.f32 v11, v10  }
0x4fa: {  	[tilespmem:s24+$0xFFFFFFD0] =	vst v10  }
.LBB2_25:
0x4fb: {  	s0 =	rddreg [dreg:$0x18];
	s1 =	simm.s32 $0x9D80  }
0x4fc: {  	[spmem:s0] =	stream.linear.scatter [tilespmem:s1], [sflag:$0x1], $0x400, $0x38;
	[tilespmem:$0xB680] =	vst v63  }
0x4fd: {  	_ =	swait.ge [sflag:s11], $0x400  }
0x4fe: {  	[sflag:s11] =	ssyncset.done $0x0  }
0x4ff: {  	[sflag:s11] =	ssyncadd.s32 $0xFFFFFC00  }
0x500: {  	[bflag:$0x0] =	sbarrier.arrive $0xFFFF  }
0x501: {  	s30 =	rddreg [dreg:$0x3]  }
0x502: {  	[tilespmem:s5], [sflag:$0x1] =	stream.linear.gather [spmem:s30], $0x4000, $0x38;
	[tilespmem:$0xB680] =	vst v63  }
0x503: {  	_ =	swait.ge [sflag:s11], $0x4000  }
0x504: {  	[sflag:s11] =	ssyncset.done $0x0  }
0x505: {  	s31 =	simm.s32 $0x30;
	[sflag:s11] =	ssyncadd.s32 $0xFFFFC000  }
0x506: {  	v10 =	vld [tilespmem:s31+$0x30]  }
0x507: {  	v12 =	vld [tilespmem:s31+$0x20]  }
0x508: {  	v15 =	vld [tilespmem:s31+$0x10]  }
0x509: {  	v11 =	vld [tilespmem:s31+$0x0]  }
0x50a: {  	v13 =	vld [tilespmem:s31+$0xFFFFFFF0]  }
0x50b: {  	v16 =	vld [tilespmem:s31+$0xFFFFFFD0]  }
0x50c: {  	v14 =	vld [tilespmem:s31+$0xFFFFFFE0];
	_ =	sdelay $0x1  }
0x50d: {  	v17 =	vmul.f32 $1.024000000e+03, v10;
	v18 =	vmul.f32 $1.024000000e+03, v15  }
0x50e: {  	v19 =	vmul.f32 $1.024000000e+03, v12;
	v20 =	vmul.f32 $1.024000000e+03, v13  }
0x50f: {  	v21 =	vmul.f32 $1.024000000e+03, v11;
	v22 =	vmul.f32 $1.024000000e+03, v16  }
0x510: {  	v23 =	vmul.f32 $1.024000000e+03, v14;
	v17 =	vtrunc.f32 v17  }
0x511: {  	v19 =	vtrunc.f32 v19;
	v18 =	vtrunc.f32 v18  }
0x512: {  	v21 =	vtrunc.f32 v21;
	v20 =	vtrunc.f32 v20  }
0x513: {  	v27 =	vtrunc.f32 v22;
	v28 =	vtrunc.f32 v23  }
0x514: {  	v24 =	vcvt.f32.s32 v19;
	v26 =	vcvt.f32.s32 v17  }
0x515: {  	v25 =	vcvt.f32.s32 v18;
	v23 =	vcvt.f32.s32 v21  }
0x516: {  	v17 =	vimm.f32 $0.0e+00;
	v22 =	vcvt.f32.s32 v20;
	v20 =	vcvt.f32.s32 v27  }
0x517: {  	v21 =	vcvt.f32.s32 v28;
	v18 =	vimm.f32 $0.0e+00;
	vm2 =	vgt.s32 v26, $0x0  }
0x518: {  	s24 =	simm.s32 $0x0;
	s28 =	simm.s32 $0xA0;
	vm0 =	vgt.s32 v23, $0x0;
	vm1 =	vgt.s32 v25, $0x0;
	vm3 =	vgt.s32 v24, $0x0  }
.LBB2_26:
0x519: {  	v27 =	vld [tilespmem:s28+$0x30];
	vm4 =	vgt.s32 v21, $0x0;
	vm5 =	vgt.s32 v22, $0x0;
	v19 =	vnsel vm2, $0x0, v26  }
0x51a: {  	vm2 =	vgt.s32 v20, $0x0;
	v24 =	vnsel vm3, $0x0, v24;
	v26 =	vld [tilespmem:s28+$0x20];
	v28 =	vmin.u32 v19, $0x3FF  }
0x51b: {  	v19 =	vnsel vm1, $0x0, v25;
	v24 =	vmin.u32 v24, $0x3FF;
	v29 =	vld [tilespmem:s28+$0x10];
	v25 =	vor.u32 v1, v28  }
0x51c: {  	v23 =	vnsel vm0, $0x0, v23;
	v31 =	vmin.u32 v19, $0x3FF;
	v32 =	vor.u32 v1, v24;
	v30 =	vld [tilespmem:s28+$0x0]  }
0x51d: {  	v19 =	vnsel vm5, $0x0, v22;
	v22 =	vmin.u32 v23, $0x3FF;
	v23 =	vor.u32 v1, v31;
	v33 =	vld [tilespmem:s28+$0xFFFFFFF0]  }
0x51e: {  	v21 =	vnsel vm4, $0x0, v21;
	v35 =	vmin.u32 v19, $0x3FF;
	v36 =	vor.u32 v1, v22;
	v34 =	vld [tilespmem:s28+$0xFFFFFFE0]  }
0x51f: {  	v19 =	vnsel vm2, $0x0, v20;
	v20 =	vmin.u32 v21, $0x3FF;
	v21 =	vor.u32 v1, v35;
	v37 =	vld [tilespmem:s28+$0xFFFFFFD0]  }
0x520: {  	v38 =	vmin.u32 v19, $0x3FF;
	v19 =	vand.u32 $0xFFFFFB80, v1;
	v39 =	vor.u32 v1, v20;
	v25 =	vld.idx.msk [tilespmem:v25+s5+$0x0], $0xffff  }
0x521: {  	vm0 =	vge.f32 v10, $1.000000050e-03;
	v40 =	vor.u32 v1, v38;
	v28 =	vor.u32 v19, v28;
	v32 =	vld.idx.msk [tilespmem:v32+s5+$0x0], $0xffff  }
0x522: {  	vm1 =	vge.f32 v12, $1.000000050e-03;
	v24 =	vor.u32 v19, v24;
	v28 =	vor.u32 $0x400, v28;
	v23 =	vld.idx.msk [tilespmem:v23+s5+$0x0], $0xffff  }
0x523: {  	vm2 =	vge.f32 v15, $1.000000050e-03;
	v31 =	vor.u32 v19, v31;
	v24 =	vor.u32 $0x400, v24;
	v36 =	vld.idx.msk [tilespmem:v36+s5+$0x0], $0xffff  }
0x524: {  	vm3 =	vge.f32 v11, $1.000000050e-03;
	v38 =	vor.u32 v19, v38;
	v31 =	vor.u32 $0x400, v31;
	v21 =	vld.idx.msk [tilespmem:v21+s5+$0x0], $0xffff  }
0x525: {  	vm4 =	vge.f32 v13, $1.000000050e-03;
	v22 =	vor.u32 v19, v22;
	v38 =	vor.u32 $0x400, v38;
	v39 =	vld.idx.msk [tilespmem:v39+s5+$0x0], $0xffff  }
0x526: {  	vm5 =	vge.f32 v14, $1.000000050e-03;
	v20 =	vor.u32 v19, v20;
	v22 =	vor.u32 $0x400, v22;
	v40 =	vld.idx.msk [tilespmem:v40+s5+$0x0], $0xffff  }
0x527: {  	v41 =	vmul.f32 $1.024000000e+03, v27;
	v35 =	vor.u32 v19, v35;
	v20 =	vor.u32 $0x400, v20;
	v28 =	vld.idx.msk [tilespmem:v28+s5+$0x0], $0xffff  }
0x528: {  	v43 =	vmul.f32 $1.024000000e+03, v26;
	v35 =	vor.u32 $0x400, v35;
	v42 =	vmul.f32 $1.024000000e+03, v29;
	v24 =	vld.idx.msk [tilespmem:v24+s5+$0x0], $0xffff  }
0x529: {  	vm6 =	vge.f32 v16, $1.000000050e-03;
	v45 =	vmul.f32 $1.024000000e+03, v30;
	v44 =	vmul.f32 $1.024000000e+03, v33;
	v31 =	vld.idx.msk [tilespmem:v31+s5+$0x0], $0xffff  }
0x52a: {  	v48 =	vsel vm0, $0x3F800000, v9;
	v47 =	vmul.f32 $1.024000000e+03, v34;
	v46 =	vmul.f32 $1.024000000e+03, v37;
	v38 =	vld.idx.msk [tilespmem:v38+s5+$0x0], $0xffff  }
0x52b: {  	v49 =	vsel vm3, $0x3F800000, v9;
	v51 =	vsel vm1, $0x3F800000, v9;
	v50 =	vsel vm2, $0x3F800000, v9;
	v22 =	vld.idx.msk [tilespmem:v22+s5+$0x0], $0xffff  }
0x52c: {  	v53 =	vsel vm4, $0x3F800000, v9;
	v52 =	vsel vm5, $0x3F800000, v9;
	v25 =	vsub.f32 v10, v25;
	v20 =	vld.idx.msk [tilespmem:v20+s5+$0x0], $0xffff  }
0x52d: {  	v54 =	vsel vm6, $0x3F800000, v9;
	v32 =	vsub.f32 v12, v32;
	v23 =	vsub.f32 v15, v23;
	v35 =	vld.idx.msk [tilespmem:v35+s5+$0x0], $0xffff  }
0x52e: {  	v41 =	vtrunc.f32 v41;
	v36 =	vsub.f32 v11, v36;
	v21 =	vsub.f32 v13, v21  }
0x52f: {  	v43 =	vtrunc.f32 v43;
	v39 =	vsub.f32 v14, v39;
	v40 =	vsub.f32 v16, v40  }
0x530: {  	v42 =	vtrunc.f32 v42;
	v28 =	vsub.f32 v28, v10;
	v10 =	vmovc v27;
	v38 =	vsub.f32 v38, v16;
	v16 =	vmovc v37  }
0x531: {  	v27 =	vtrunc.f32 v45;
	v24 =	vsub.f32 v24, v12;
	v12 =	vmovc v26;
	v31 =	vsub.f32 v31, v15;
	v15 =	vmovc v29  }
0x532: {  	v26 =	vmul.f32 v40, v40;
	v29 =	vmul.f32 v38, v38;
	v20 =	vsub.f32 v20, v14;
	v14 =	vmovc v34  }
0x533: {  	v22 =	vsub.f32 v22, v11;
	v11 =	vmovc v30;
	v34 =	vtrunc.f32 v44;
	v35 =	vsub.f32 v35, v13;
	v13 =	vmovc v33  }
0x534: {  	v26 =	vmin.f32 v26, v29;
	v29 =	vmul.f32 v39, v39;
	v20 =	vmul.f32 v20, v20  }
0x535: {  	v21 =	vmul.f32 v21, v21;
	v26 =	vnsel vm6, $0x0, v26;
	v30 =	vmul.f32 v35, v35  }
0x536: {  	v18 =	vadd.f32 v54, v18;
	v17 =	vadd.f32 v26, v17;
	v20 =	vmin.f32 v29, v20  }
0x537: {  	v22 =	vmul.f32 v22, v22;
	v26 =	vmul.f32 v36, v36;
	v20 =	vnsel vm5, $0x0, v20  }
0x538: {  	v18 =	vadd.f32 v52, v18;
	v17 =	vadd.f32 v20, v17;
	v20 =	vmin.f32 v21, v30  }
0x539: {  	v21 =	vmul.f32 v23, v23;
	v23 =	vmul.f32 v31, v31;
	v20 =	vnsel vm4, $0x0, v20  }
0x53a: {  	v18 =	vadd.f32 v53, v18;
	v17 =	vadd.f32 v20, v17;
	v20 =	vmin.f32 v26, v22  }
0x53b: {  	v24 =	vmul.f32 v24, v24;
	v22 =	vmul.f32 v32, v32;
	v20 =	vnsel vm3, $0x0, v20  }
0x53c: {  	v18 =	vadd.f32 v49, v18;
	v17 =	vadd.f32 v20, v17;
	v20 =	vmin.f32 v21, v23  }
0x53d: {  	v21 =	vmul.f32 v25, v25;
	v23 =	vmul.f32 v28, v28;
	v20 =	vnsel vm2, $0x0, v20  }
0x53e: {  	v18 =	vadd.f32 v50, v18;
	v17 =	vadd.f32 v20, v17;
	v20 =	vmin.f32 v22, v24  }
0x53f: {  	s24 =	sadd.s32 $0x7, s24;
	v29 =	vtrunc.f32 v47;
	v28 =	vtrunc.f32 v46;
	v20 =	vnsel vm1, $0x0, v20  }
0x540: {  	p4 =	slt.u32 s24, $0x181;
	v18 =	vadd.f32 v51, v18;
	v17 =	vadd.f32 v20, v17;
	v20 =	vmin.f32 v21, v23  }
.Ltmp14:
0x541: {  	v26 =	vcvt.f32.s32 v41;
	v24 =	vcvt.f32.s32 v43;
	v20 =	vnsel vm0, $0x0, v20;
	(pc) =	sbr.rel @p4 .LBB2_26-.Ltmp14, $4  }
0x542: {  	v18 =	vadd.f32 v48, v18;
	v25 =	vcvt.f32.s32 v42;
	v17 =	vadd.f32 v20, v17  }
0x543: {  	v22 =	vcvt.f32.s32 v34;
	v23 =	vcvt.f32.s32 v27  }
0x544: {  	vm2 =	vgt.s32 v26, $0x0;
	v21 =	vcvt.f32.s32 v29;
	v20 =	vcvt.f32.s32 v28  }
0x545: {  	s28 =	sadd.s32 $0x70, s28;
	vm1 =	vgt.s32 v25, $0x0;
	vm3 =	vgt.s32 v24, $0x0;
	vm0 =	vgt.s32 v23, $0x0  }
0x546: {  	vm4 =	vgt.s32 v21, $0x0  }
0x547: {  	vm5 =	vgt.s32 v22, $0x0;
	v26 =	vnsel vm2, $0x0, v26;
	vm12 =	vgt.s32 v20, $0x0  }
0x548: {  	v24 =	vnsel vm3, $0x0, v24;
	v25 =	vnsel vm1, $0x0, v25;
	v23 =	vnsel vm0, $0x0, v23  }
0x549: {  	vm13 =	vge.f32 v12, $1.000000050e-03;
	vm14 =	vge.f32 v15, $1.000000050e-03;
	vm15 =	vge.f32 v11, $1.000000050e-03  }
0x54a: {  	vm8 =	vge.f32 v13, $1.000000050e-03;
	v26 =	vmin.u32 v26, $0x3FF;
	v22 =	vnsel vm5, $0x0, v22  }
0x54b: {  	v20 =	vnsel vm12, $0x0, v20;
	v27 =	vor.u32 v1, v26;
	v22 =	vmin.u32 v22, $0x3FF  }
0x54c: {  	vm9 =	vge.f32 v14, $1.000000050e-03;
	v20 =	vmin.u32 v20, $0x3FF;
	v31 =	vor.u32 v1, v22  }
0x54d: {  	v21 =	vnsel vm4, $0x0, v21;
	v33 =	vor.u32 v1, v20;
	v20 =	vor.u32 v19, v20  }
0x54e: {  	vm10 =	vge.f32 v16, $1.000000050e-03;
	v21 =	vmin.u32 v21, $0x3FF;
	v20 =	vor.u32 $0x400, v20  }
0x54f: {  	vm11 =	vge.f32 v10, $1.000000050e-03;
	v32 =	vor.u32 v1, v21;
	v21 =	vor.u32 v19, v21  }
0x550: {  	v24 =	vmin.u32 v24, $0x3FF;
	v22 =	vor.u32 v19, v22;
	v21 =	vor.u32 $0x400, v21;
	v27 =	vld.idx.msk [tilespmem:v27+s5+$0x0], $0xffff  }
0x551: {  	v25 =	vmin.u32 v25, $0x3FF;
	v23 =	vmin.u32 v23, $0x3FF;
	v22 =	vor.u32 $0x400, v22;
	v31 =	vld.idx.msk [tilespmem:v31+s5+$0x0], $0xffff  }
0x552: {  	v60 =	vsel vm15, $0x3F800000, v9;
	v34 =	vsel vm14, $0x3F800000, v9;
	v37 =	vsel vm10, $0x3F800000, v9;
	v33 =	vld.idx.msk [tilespmem:v33+s5+$0x0], $0xffff  }
0x553: {  	v35 =	vsel vm9, $0x3F800000, v9;
	v29 =	vor.u32 v1, v25;
	v42 =	vadd.f32 v37, v18;
	v20 =	vld.idx.msk [tilespmem:v20+s5+$0x0], $0xffff  }
0x554: {  	v62 =	vsel vm8, $0x3F800000, v9;
	v28 =	vor.u32 v1, v24;
	v30 =	vor.u32 v1, v23;
	v32 =	vld.idx.msk [tilespmem:v32+s5+$0x0], $0xffff  }
0x555: {  	v26 =	vor.u32 v19, v26;
	v55 =	vor.u32 v19, v23;
	v44 =	vadd.f32 v35, v42;
	v21 =	vld.idx.msk [tilespmem:v21+s5+$0x0], $0xffff  }
0x556: {  	v24 =	vor.u32 v19, v24;
	v25 =	vor.u32 v19, v25;
	v19 =	vor.u32 $0x400, v55;
	v22 =	vld.idx.msk [tilespmem:v22+s5+$0x0], $0xffff  }
0x557: {  	v51 =	vsel vm13, $0x3F800000, v9;
	v25 =	vor.u32 $0x400, v25;
	v46 =	vadd.f32 v62, v44  }
0x558: {  	v26 =	vor.u32 $0x400, v26;
	v29 =	vld.idx.msk [tilespmem:v29+s5+$0x0], $0xffff;
	v33 =	vsub.f32 v16, v33;
	v61 =	vsub.f32 v20, v16  }
0x559: {  	v24 =	vor.u32 $0x400, v24;
	v28 =	vld.idx.msk [tilespmem:v28+s5+$0x0], $0xffff;
	v58 =	vsub.f32 v10, v27;
	v32 =	vsub.f32 v14, v32  }
0x55a: {  	v30 =	vld.idx.msk [tilespmem:v30+s5+$0x0], $0xffff;
	v36 =	vsub.f32 v21, v14;
	v33 =	vmul.f32 v33, v33;
	v16 =	vmul.f32 v61, v61  }
0x55b: {  	v53 =	vsel vm11, $0x3F800000, v9;
	v19 =	vld.idx.msk [tilespmem:v19+s5+$0x0], $0xffff;
	v31 =	vsub.f32 v13, v31;
	v39 =	vsub.f32 v22, v13  }
0x55c: {  	v57 =	vld.idx.msk [tilespmem:v25+s5+$0x0], $0xffff;
	v40 =	vmul.f32 v32, v32;
	v14 =	vmul.f32 v36, v36;
	v16 =	vmin.f32 v33, v16  }
0x55d: {  	v26 =	vld.idx.msk [tilespmem:v26+s5+$0x0], $0xffff;
	v59 =	vsub.f32 v15, v29;
	v41 =	vmul.f32 v31, v31;
	v16 =	vnsel vm10, $0x0, v16  }
0x55e: {  	v56 =	vld.idx.msk [tilespmem:v24+s5+$0x0], $0xffff;
	v13 =	vmul.f32 v39, v39;
	v14 =	vmin.f32 v40, v14;
	v16 =	vadd.f32 v16, v17  }
0x55f: {  	v28 =	vsub.f32 v12, v28;
	v30 =	vsub.f32 v11, v30;
	v14 =	vnsel vm9, $0x0, v14  }
0x560: {  	v11 =	vsub.f32 v19, v11;
	v13 =	vmin.f32 v41, v13;
	v14 =	vadd.f32 v14, v16  }
0x561: {  	v63 =	vsub.f32 v57, v15;
	v43 =	vmul.f32 v30, v30;
	v13 =	vnsel vm8, $0x0, v13  }
0x562: {  	v11 =	vmul.f32 v11, v11;
	v13 =	vadd.f32 v13, v14;
	v14 =	vadd.f32 v60, v46  }
0x563: {  	v26 =	vsub.f32 v26, v10;
	v38 =	vsub.f32 v56, v12;
	v45 =	vmul.f32 v59, v59  }
0x564: {  	v15 =	vmul.f32 v63, v63;
	v11 =	vmin.f32 v43, v11;
	v10 =	vadd.f32 v34, v14  }
0x565: {  	v47 =	vmul.f32 v28, v28;
	v12 =	vmul.f32 v38, v38;
	v11 =	vnsel vm15, $0x0, v11  }
0x566: {  	v48 =	vmin.f32 v45, v15;
	v11 =	vadd.f32 v11, v13;
	v10 =	vadd.f32 v51, v10  }
0x567: {  	v49 =	vmul.f32 v58, v58;
	v50 =	vmul.f32 v26, v26;
	v13 =	vnsel vm14, $0x0, v48  }
0x568: {  	v12 =	vmin.f32 v47, v12;
	v11 =	vadd.f32 v13, v11;
	v10 =	vadd.f32 v53, v10  }
0x569: {  	v12 =	vnsel vm13, $0x0, v12  }
0x56a: {  	v52 =	vmin.f32 v49, v50;
	v11 =	vadd.f32 v12, v11;
	v13 =	vmul.f32 v10, v2  }
0x56b: {  	v12 =	vnsel vm11, $0x0, v52;
	v55 =	vmul.f32 v10, v3  }
0x56c: {  	v11 =	vadd.f32 v12, v11;
	v57 =	vmul.f32 v10, v4;
	[tilespmem:$0x9780] =	vst v13  }
0x56d: {  	v10 =	vmul.f32 v10, v5;
	[tilespmem:$0x9800] =	vst v55  }
0x56e: {  	v12 =	vmul.f32 v11, v2;
	[tilespmem:$0x9880] =	vst v57  }
0x56f: {  	v54 =	vmul.f32 v11, v3;
	[tilespmem:$0x9900] =	vst v10  }
0x570: {  	v56 =	vmul.f32 v11, v4;
	[tilespmem:$0x9580] =	vst v12  }
0x571: {  	v11 =	vmul.f32 v11, v5;
	[tilespmem:$0x9600] =	vst v54  }
0x572: {  	[tilespmem:$0x9680] =	vst v56  }
0x573: {  	s0 =	rddreg [dreg:$0x19];
	[tilespmem:$0x9700] =	vst v11  }
0x574: {  	v10 =	vld [tilespmem:s0+$0x2080];
	_ =	sdelay $0x4  }
0x575: {  	v11 =	vmul.f32 $1.024000000e+03, v10;
	_ =	sdelay $0x1  }
0x576: {  	v11 =	vtrunc.f32 v11  }
0x577: {  	v11 =	vcvt.f32.s32 v11;
	_ =	sdelay $0x1  }
0x578: {  	vm12 =	vgt.s32 v11, $0x0  }
0x579: {  	v11 =	vnsel vm12, $0x0, v11  }
0x57a: {  	v58 =	vand.u32 $0x7FFFFB80, v6;
	v11 =	vmin.u32 v11, $0x3FF  }
0x57b: {  	v59 =	vor.u32 v6, v11;
	v11 =	vor.u32 v58, v11  }
0x57c: {  	v11 =	vor.u32 $0x400, v11;
	_ =	sdelay $0x3  }
0x57d: {  	v13 =	vld.idx.msk [tilespmem:v59+s5+$0x0], $0xffff  }
0x57e: {  	v11 =	vld.idx.msk [tilespmem:v11+s5+$0x0], $0xffff;
	_ =	sdelay $0x4  }
0x57f: {  	v13 =	vsub.f32 v10, v13;
	v10 =	vsub.f32 v11, v10;
	_ =	sdelay $0x1  }
0x580: {  	v11 =	vmul.f32 v13, v13;
	v10 =	vmul.f32 v10, v10;
	_ =	sdelay $0x1  }
0x581: {  	v10 =	vmin.f32 v11, v10  }
0x582: {  	s29 =	rddreg [dreg:$0x1e];
	[tilespmem:$0x9980] =	vst v10  }
0x583: {  	v10 =	vld [tilespmem:s29+$0x10];
	_ =	sdelay $0x4  }
0x584: {  	v11 =	vmul.f32 $1.024000000e+03, v10;
	_ =	sdelay $0x1  }
0x585: {  	v11 =	vtrunc.f32 v11  }
0x586: {  	v11 =	vcvt.f32.s32 v11;
	_ =	sdelay $0x1  }
0x587: {  	vm13 =	vgt.s32 v11, $0x0  }
0x588: {  	v11 =	vnsel vm13, $0x0, v11  }
0x589: {  	v11 =	vmin.u32 v11, $0x3FF  }
0x58a: {  	v60 =	vor.u32 v6, v11;
	v11 =	vor.u32 v58, v11  }
0x58b: {  	v11 =	vor.u32 $0x400, v11;
	_ =	sdelay $0x3  }
0x58c: {  	v13 =	vld.idx.msk [tilespmem:v60+s5+$0x0], $0xffff  }
0x58d: {  	v11 =	vld.idx.msk [tilespmem:v11+s5+$0x0], $0xffff;
	_ =	sdelay $0x4  }
0x58e: {  	v13 =	vsub.f32 v10, v13;
	v10 =	vsub.f32 v11, v10;
	_ =	sdelay $0x1  }
0x58f: {  	v11 =	vmul.f32 v13, v13;
	v10 =	vmul.f32 v10, v10;
	_ =	sdelay $0x1  }
0x590: {  	v10 =	vmin.f32 v11, v10  }
0x591: {  	[tilespmem:$0x9A00] =	vst v10  }
0x592: {  	v10 =	vld [tilespmem:s29+$0x20];
	_ =	sdelay $0x4  }
0x593: {  	v11 =	vmul.f32 $1.024000000e+03, v10;
	_ =	sdelay $0x1  }
0x594: {  	v11 =	vtrunc.f32 v11  }
0x595: {  	v11 =	vcvt.f32.s32 v11;
	_ =	sdelay $0x1  }
0x596: {  	vm14 =	vgt.s32 v11, $0x0  }
0x597: {  	v11 =	vnsel vm14, $0x0, v11  }
0x598: {  	v11 =	vmin.u32 v11, $0x3FF  }
0x599: {  	v61 =	vor.u32 v6, v11;
	v11 =	vor.u32 v58, v11  }
0x59a: {  	v11 =	vor.u32 $0x400, v11;
	_ =	sdelay $0x3  }
0x59b: {  	v13 =	vld.idx.msk [tilespmem:v61+s5+$0x0], $0xffff  }
0x59c: {  	v11 =	vld.idx.msk [tilespmem:v11+s5+$0x0], $0xffff;
	_ =	sdelay $0x4  }
0x59d: {  	v13 =	vsub.f32 v10, v13;
	v10 =	vsub.f32 v11, v10;
	_ =	sdelay $0x1  }
0x59e: {  	v11 =	vmul.f32 v13, v13;
	v10 =	vmul.f32 v10, v10;
	_ =	sdelay $0x1  }
0x59f: {  	v10 =	vmin.f32 v11, v10  }
0x5a0: {  	[tilespmem:$0x9A80] =	vst v10  }
0x5a1: {  	v10 =	vld [tilespmem:s29+$0x30];
	_ =	sdelay $0x4  }
0x5a2: {  	v11 =	vmul.f32 $1.024000000e+03, v10;
	_ =	sdelay $0x1  }
0x5a3: {  	v11 =	vtrunc.f32 v11  }
0x5a4: {  	v11 =	vcvt.f32.s32 v11;
	_ =	sdelay $0x1  }
0x5a5: {  	vm15 =	vgt.s32 v11, $0x0  }
0x5a6: {  	v11 =	vnsel vm15, $0x0, v11  }
0x5a7: {  	v11 =	vmin.u32 v11, $0x3FF  }
0x5a8: {  	v62 =	vor.u32 v6, v11;
	v11 =	vor.u32 v58, v11  }
0x5a9: {  	v11 =	vor.u32 $0x400, v11;
	_ =	sdelay $0x3  }
0x5aa: {  	v63 =	vld.idx.msk [tilespmem:v62+s5+$0x0], $0xffff  }
0x5ab: {  	v11 =	vld.idx.msk [tilespmem:v11+s5+$0x0], $0xffff;
	_ =	sdelay $0x4  }
0x5ac: {  	v12 =	vsub.f32 v10, v63;
	v10 =	vsub.f32 v11, v10;
	_ =	sdelay $0x1  }
0x5ad: {  	v11 =	vmul.f32 v12, v12;
	v10 =	vmul.f32 v10, v10;
	_ =	sdelay $0x1  }
0x5ae: {  	v10 =	vmin.f32 v11, v10  }
0x5af: {  	s30 =	rddreg [dreg:$0x1a];
	s1 =	simm.s32 $0x9580;
	[tilespmem:$0x9B00] =	vst v10  }
0x5b0: {  	[hbm4b:s30+s12] =	stream.linear.scatter [tilespmem:s1], [sflag:$0x1], $0x600, $0x38;
	[tilespmem:$0xB680] =	vst v63  }
0x5b1: {  	_ =	swait.ge [sflag:s11], $0x600  }
0x5b2: {  	s6 =	sadd.s32 $0x1, s6;
	s31 =	rddreg [dreg:$0x1b]  }
0x5b3: {  	p4 =	sne.s32 s6, s31  }
.Ltmp15:
0x5b4: {  	_ = 	snop;
	(pc) =	sbr.rel @p4 .LBB2_1-.Ltmp15, $3  }
0x5b5: {  	_ =	sdelay $0x1  }
0x5b6: {  	[sflag:s11] =	ssyncset.done $0x0  }
0x5b7: {  	[sflag:s11] =	ssyncadd.s32 $0xFFFFFA00  }
0x5b8: {  	_ =	sfence.sel $0x180000  }
0x5b9: {  	[bflag:$0x0] =	sbarrier.arrive $0xFFFF  }
0x5ba: {  	_ =	strace $0x90000047  }
0x5bb: {  	s0 =	stileid.u32;
	[bflag:$0x2] =	sbarrier.arrive $0xFFFF  }
0x5bc: {  	p0 =	sne.s32 s0, $0x0;
	s0 =	rddreg [dreg:$0x4]  }
0x5bd: {  	s0 =	sadd.s32 @!p0 $0x100000, s0  }
0x5be: {  	[sflag:s0] =	ssyncadd.tile.s32 @!p0 $0x1;
	_ =	shalt  }
.Lfunc_end2:
_tile_overlayer_lowered:
.L_overlay_start_2:
0x5bf: {  	(tag) =	ssettag $0x2  }
0x5c0: {  	s0 =	rddreg [dreg:$0x0];
	s2 =	stileid.u32  }
0x5c1: {  	s1 =	rddreg [dreg:$0x1];
	p0 =	sne.s32 s2, $0x0  }
0x5c2: {  	s3 =	rddreg [dreg:$0x2];
	[bflag:$0x3] =	sbarrier.arrive $0xFFFF;
	s2 =	simm.s32 @!p0 $0x1C01  }
0x5c3: {  	[timem:s3], [sflag:s2] =	dma.local @!p0 [hbm:s0], s1  }
0x5c4: {  	s0 =	simm.s32 @!p0 $0x1  }
0x5c5: {  	_ =	swait.ge @!p0 [sflag:s0], s1  }
0x5c6: {  	s1 =	ssub.s32 @!p0 $0x0, s1;
	[sflag:s0] =	ssyncset.done @!p0 $0x0  }
0x5c7: {  	[sflag:s0] =	ssyncadd.s32 @!p0 s1  }
0x5c8: {  	[bflag:$0x3] =	sbarrier.arrive $0xFFFF  }
0x5c9: {  	_ =	shalt  }

</sc_bundles>
